<compile_context>
chip_gen: v7x
topology: tpu7x:2x2x1
jax: 0.10.2.dev20260603
libtpu: 0.0.44.dev20260713+nightly
codegen_flags: <defaults>
</compile_context>

<pallas_src>
import jax
import jax.numpy as jnp
from jax import lax
from jax.experimental import pallas as pl
from jax.experimental.pallas import tpu as pltpu
from jax.experimental.pallas import tpu_sc as plsc

_B, _G, _M, _C, _N = 8, 1024, 32, 256, 4096
_BG = _B * _G
_NQ = 2
_BGH = _BG // _NQ
_NC, _NS = 2, 16
_NW = _NC * _NS
_RPW = _BGH // _NW
_HPW = _RPW // 2


def _wbuild_body(idx_hbm, w_hbm, ib, acc0, acc1, sem0, sem1):
    c = lax.axis_index("c")
    s = lax.axis_index("s")
    base = (c * _NS + s) * _RPW
    lane = lax.iota(jnp.int32, 16)
    zero16 = jnp.zeros((16,), jnp.float32)
    low = jnp.int32(15)
    high = jnp.int32(~15)

    pltpu.sync_copy(idx_hbm.at[pl.ds(base, _RPW)], ib)

    def zrow(r, carry):
        acc0[pl.ds(16 * r, 16)] = zero16
        acc1[pl.ds(16 * r, 16)] = zero16
        return carry

    lax.fori_loop(0, _N // 16, zrow, 0)

    def step(jj, carry):
        @pl.when(jj >= 1)
        def _():
            jm = 2 * (jj - 1)
            for acc, sem, jr in ((acc0, sem0, jm), (acc1, sem1, jm + 1)):
                pltpu.make_async_copy(acc, w_hbm.at[0], sem).wait()
                v0 = ib[jr, pl.ds(0, 16)]
                v1 = ib[jr, pl.ds(16, 16)]
                for i in range(_M):
                    off = ((v0 if i < 16 else v1)[i % 16]) & high
                    acc[pl.ds(off, 16)] = zero16

        @pl.when(jj < _HPW)
        def _():
            for acc, sem, jr in ((acc0, sem0, 2 * jj), (acc1, sem1, 2 * jj + 1)):
                v0 = ib[jr, pl.ds(0, 16)]
                v1 = ib[jr, pl.ds(16, 16)]
                for i in range(_M):
                    sj = (v0 if i < 16 else v1)[i % 16]
                    off = sj & high
                    lv = sj & low
                    oh = jnp.where(lane == lv, 1.0, 0.0)
                    acc[pl.ds(off, 16)] = acc[pl.ds(off, 16)] + oh
                pltpu.async_copy(acc, w_hbm.at[base + jr], sem)
        return carry

    lax.fori_loop(0, _HPW + 1, step, 0)


def _run_wbuild(idx2):
    mesh = plsc.VectorSubcoreMesh(core_axis_name="c", subcore_axis_name="s")
    f = pl.kernel(
        _wbuild_body,
        mesh=mesh,
        out_type=jax.ShapeDtypeStruct((_BGH, _N), jnp.float32),
        scratch_types=[
            pltpu.VMEM((_RPW, _M), jnp.int32),
            pltpu.VMEM((_N,), jnp.float32),
            pltpu.VMEM((_N,), jnp.float32),
            pltpu.SemaphoreType.DMA,
            pltpu.SemaphoreType.DMA,
        ],
    )
    return f(idx2)


_BK = 512
_BN = 512
_NKH = _BGH // _BK


def _mm_partial_body(w_ref, x_ref, s_ref, c_ref, acc_ref, cnt_ref):
    k = pl.program_id(1)

    @pl.when(k == 0)
    def _():
        acc_ref[...] = jnp.zeros_like(acc_ref)
        cnt_ref[...] = jnp.zeros_like(cnt_ref)

    wb = w_ref[...]
    xb = x_ref[pl.ds(k * _BK, _BK), :]
    acc_ref[...] += jax.lax.dot_general(
        wb.astype(jnp.bfloat16), xb, (((0,), (0,)), ((), ())),
        preferred_element_type=jnp.float32)
    cnt_ref[...] += jnp.sum(wb, axis=0)[:, None]

    @pl.when(k == _NKH - 1)
    def _():
        s_ref[...] = acc_ref[...]
        c_ref[...] = jnp.broadcast_to(cnt_ref[...], c_ref.shape)


def _run_mm_partial(w2, x):
    return pl.pallas_call(
        _mm_partial_body,
        grid=(_N // _BN, _NKH),
        in_specs=[
            pl.BlockSpec((_BK, _BN), lambda n, k: (k, n)),
            pl.BlockSpec((_BGH, _C), lambda n, k: (0, 0)),
        ],
        out_specs=[
            pl.BlockSpec((_BN, _C), lambda n, k: (n, 0)),
            pl.BlockSpec((_BN, 8), lambda n, k: (n, 0)),
        ],
        out_shape=[
            jax.ShapeDtypeStruct((_N, _C), jnp.float32),
            jax.ShapeDtypeStruct((_N, 8), jnp.float32),
        ],
        scratch_shapes=[
            pltpu.VMEM((_BN, _C), jnp.float32),
            pltpu.VMEM((_BN, 1), jnp.float32),
        ],
        compiler_params=pltpu.CompilerParams(
            dimension_semantics=("parallel", "arbitrary")),
    )(w2, x)


def _mm_mid_body(w_ref, x_ref, ps_ref, pc_ref, s_ref, c_ref, acc_ref, cnt_ref):
    k = pl.program_id(1)

    @pl.when(k == 0)
    def _():
        acc_ref[...] = ps_ref[...]
        cnt_ref[...] = pc_ref[:, 0:1]

    wb = w_ref[...]
    xb = x_ref[pl.ds(k * _BK, _BK), :]
    acc_ref[...] += jax.lax.dot_general(
        wb.astype(jnp.bfloat16), xb, (((0,), (0,)), ((), ())),
        preferred_element_type=jnp.float32)
    cnt_ref[...] += jnp.sum(wb, axis=0)[:, None]

    @pl.when(k == _NKH - 1)
    def _():
        s_ref[...] = acc_ref[...]
        c_ref[...] = jnp.broadcast_to(cnt_ref[...], c_ref.shape)


def _run_mm_mid(w2, x, psum, pcnt):
    return pl.pallas_call(
        _mm_mid_body,
        grid=(_N // _BN, _NKH),
        in_specs=[
            pl.BlockSpec((_BK, _BN), lambda n, k: (k, n)),
            pl.BlockSpec((_BGH, _C), lambda n, k: (0, 0)),
            pl.BlockSpec((_BN, _C), lambda n, k: (n, 0)),
            pl.BlockSpec((_BN, 8), lambda n, k: (n, 0)),
        ],
        out_specs=[
            pl.BlockSpec((_BN, _C), lambda n, k: (n, 0)),
            pl.BlockSpec((_BN, 8), lambda n, k: (n, 0)),
        ],
        out_shape=[
            jax.ShapeDtypeStruct((_N, _C), jnp.float32),
            jax.ShapeDtypeStruct((_N, 8), jnp.float32),
        ],
        scratch_shapes=[
            pltpu.VMEM((_BN, _C), jnp.float32),
            pltpu.VMEM((_BN, 1), jnp.float32),
        ],
        compiler_params=pltpu.CompilerParams(
            dimension_semantics=("parallel", "arbitrary")),
    )(w2, x, psum, pcnt)


def _mm_finish_body(w_ref, x_ref, ps_ref, pc_ref, o_ref, acc_ref, cnt_ref):
    k = pl.program_id(1)

    @pl.when(k == 0)
    def _():
        acc_ref[...] = ps_ref[...]
        cnt_ref[...] = pc_ref[:, 0:1]

    wb = w_ref[...]
    xb = x_ref[pl.ds(k * _BK, _BK), :]
    acc_ref[...] += jax.lax.dot_general(
        wb.astype(jnp.bfloat16), xb, (((0,), (0,)), ((), ())),
        preferred_element_type=jnp.float32)
    cnt_ref[...] += jnp.sum(wb, axis=0)[:, None]

    @pl.when(k == _NKH - 1)
    def _():
        o_ref[...] = acc_ref[...] / jnp.maximum(cnt_ref[:, 0:1], 1.0)


def _run_mm_finish(w2, x, psum, pcnt):
    return pl.pallas_call(
        _mm_finish_body,
        grid=(_N // _BN, _NKH),
        in_specs=[
            pl.BlockSpec((_BK, _BN), lambda n, k: (k, n)),
            pl.BlockSpec((_BGH, _C), lambda n, k: (0, 0)),
            pl.BlockSpec((_BN, _C), lambda n, k: (n, 0)),
            pl.BlockSpec((_BN, 8), lambda n, k: (n, 0)),
        ],
        out_specs=pl.BlockSpec((_BN, _C), lambda n, k: (n, 0)),
        out_shape=jax.ShapeDtypeStruct((_N, _C), jnp.float32),
        scratch_shapes=[
            pltpu.VMEM((_BN, _C), jnp.float32),
            pltpu.VMEM((_BN, 1), jnp.float32),
        ],
        compiler_params=pltpu.CompilerParams(
            dimension_semantics=("parallel", "arbitrary")),
    )(w2, x, psum, pcnt)


def kernel(center_features, ori_idx, original_num_points):
    x = center_features.reshape(_BG, _C).astype(jnp.bfloat16)
    idx2 = ori_idx.reshape(_BG, _M).astype(jnp.int32)
    ws = [_run_wbuild(idx2[q * _BGH:(q + 1) * _BGH]) for q in range(_NQ)]
    xs = [x[q * _BGH:(q + 1) * _BGH] for q in range(_NQ)]
    psum, pcnt = _run_mm_partial(ws[0], xs[0])
    for q in range(1, _NQ - 1):
        psum, pcnt = _run_mm_mid(ws[q], xs[q], psum, pcnt)
    out0 = _run_mm_finish(ws[_NQ - 1], xs[_NQ - 1], psum, pcnt)
    return jnp.concatenate(
        [out0[None], jnp.zeros((_B - 1, _N, _C), jnp.float32)], axis=0)

# --- scband reference (transcript-rebuilt; emitter-appended) ---
"""Pipeline reference for scband-upsample-84559316124287 (READ-ONLY COPY).

The authoritative reference and input builder live on the scoring server;
editing this copy changes nothing except your own understanding.
"""

import jax, jax.numpy as jnp
import numpy as np

B, G, M, C, N = 8, 1024, 32, 256, 4096

def setup_inputs(seed: int = 0) -> dict:
    key = jax.random.key(seed)
    k1, k2 = jax.random.split(key)
    center_features = jax.random.normal(k1, (B, G, C), dtype=jnp.float32)
    ori_idx = jax.random.randint(k2, (B, G, M), 0, N, dtype=jnp.int64)
    return {"center_features": center_features, "ori_idx": ori_idx, "original_num_points": N}

def reference(center_features, ori_idx, original_num_points):
    Bv, Gv, Mv = ori_idx.shape
    Cv = center_features.shape[2]
    expanded_features = jnp.broadcast_to(center_features[:, :, None, :], (Bv, Gv, Mv, Cv)).reshape(Bv * Gv * Mv, Cv)
    indices = ori_idx.reshape(Bv * Gv * Mv) % (Bv * original_num_points)
    total = Bv * N
    # scatter_mean with zero-initialized out: sum / count, zeros where count == 0
    sums = jnp.zeros((total, Cv), dtype=center_features.dtype).at[indices].add(expanded_features)
    counts = jnp.zeros((total,), dtype=center_features.dtype).at[indices].add(1.0)
    output = sums / jnp.maximum(counts, 1.0)[:, None]
    upsampled_features = output.reshape(Bv, N, Cv)
    return upsampled_features

if __name__ == "__main__":
    import jax
    _d = setup_inputs()
    print(jax.jit(kernel)(*tuple(_d.values())))

</pallas_src>

<mosaic_0001>
#map = affine_map<(d0, d1) -> (0, 0)>
module attributes {stable_mosaic.version = 14 : i64} {
  func.func @_wbuild_body(%arg0: i32, %arg1: i32, %arg2: memref<4096x32xi32, #tpu.memory_space<hbm>>, %arg3: memref<4096x4096xf32, #tpu.memory_space<hbm>>, %arg4: memref<128x32xi32, #tpu.memory_space<vmem>>, %arg5: memref<4096xf32, #tpu.memory_space<vmem>>, %arg6: memref<4096xf32, #tpu.memory_space<vmem>>, %arg7: memref<!tpu.dma_semaphore, #tpu.memory_space<semaphore_mem>>, %arg8: memref<!tpu.dma_semaphore, #tpu.memory_space<semaphore_mem>>) attributes {dimension_semantics = [#tpu.dimension_semantics<core_parallel>, #tpu.dimension_semantics<subcore_parallel>], iteration_bounds = array<i64: 2, 16>, scalar_prefetch = 0 : i64, scratch_operands = 5 : i64, tpu.core_type = #tpu.core_type<sc_vector_subcore>, window_params = [{transform_indices = #map}, {transform_indices = #map}]} {
    %mul3A = arith.constant 16 : i32
    %mul3A_0 = arith.muli %arg0, %mul3A : i32
    %add3A = arith.addi %mul3A_0, %arg1 : i32
    %mul3A_1 = arith.constant 128 : i32
    %mul3A_2 = arith.muli %add3A, %mul3A_1 : i32
    %iota3A = tpu.iota {dimensions = array<i32: 0>} : vector<16xi32>
    %broadcast_in_dim3A = arith.constant 0.000000e+00 : f32
    %broadcast_in_dim3A_3 = vector.broadcast %broadcast_in_dim3A : f32 to vector<16xf32>
    "tpu.region"() ({
      %run_scoped3A = tpu.sem_alloc : memref<!tpu.dma_semaphore, #tpu.memory_space<semaphore_mem>>
      %dma_start3A = arith.constant 0 : i32
      %dma_start3A_17 = tpu.memref_slice %arg2[%mul3A_2, %dma_start3A] : memref<4096x32xi32, #tpu.memory_space<hbm>> -> memref<128x32xi32, #tpu.memory_space<hbm>>
      %dma_start3A_18 = arith.constant 0 : i32
      %dma_start3A_19 = tpu.memref_slice %arg2[%mul3A_2, %dma_start3A_18] : memref<4096x32xi32, #tpu.memory_space<hbm>> -> memref<128x32xi32, #tpu.memory_space<hbm>>
      tpu.enqueue_dma source(%dma_start3A_19 : memref<128x32xi32, #tpu.memory_space<hbm>>) target(%arg4 : memref<128x32xi32, #tpu.memory_space<vmem>>) target_semaphore(%run_scoped3A : memref<!tpu.dma_semaphore, #tpu.memory_space<semaphore_mem>>)
      %dma_wait3A = arith.constant 0 : i32
      %dma_wait3A_20 = tpu.memref_slice %arg2[%mul3A_2, %dma_wait3A] : memref<4096x32xi32, #tpu.memory_space<hbm>> -> memref<128x32xi32, #tpu.memory_space<hbm>>
      %dma_wait3A_21 = arith.constant 0 : i32
      %dma_wait3A_22 = tpu.memref_slice %arg2[%mul3A_2, %dma_wait3A_21] : memref<4096x32xi32, #tpu.memory_space<hbm>> -> memref<128x32xi32, #tpu.memory_space<hbm>>
      tpu.wait_dma2 semaphore(%run_scoped3A : memref<!tpu.dma_semaphore, #tpu.memory_space<semaphore_mem>>) src(%dma_wait3A_22 : memref<128x32xi32, #tpu.memory_space<hbm>>) dst(%arg4 : memref<128x32xi32, #tpu.memory_space<vmem>>)
      tpu.yield
    }) : () -> ()
    %scan3A = arith.constant 0 : i32
    %scan3A_4 = arith.constant 0 : i32
    %scan3A_5 = arith.constant 256 : i32
    %scan3A_6 = arith.addi %scan3A_4, %scan3A_5 : i32
    %scan3A_7 = arith.constant 1 : i32
    scf.for %scan3A_17 = %scan3A_4 to %scan3A_6 step %scan3A_7  : i32 {
      %mul3A_18 = arith.constant 16 : i32
      %mul3A_19 = arith.muli %mul3A_18, %scan3A_17 : i32
      %swap3A = arith.index_cast %mul3A_19 : i32 to index
      %swap3A_20 = tpu.vector_load %arg5[%swap3A] {strides = array<i32>} : memref<4096xf32, #tpu.memory_space<vmem>>, vector<16xf32>,
      %swap3A_21 = vector.shape_cast %swap3A_20 : vector<16xf32> to vector<16xf32>
      %swap3A_22 = vector.shape_cast %broadcast_in_dim3A_3 : vector<16xf32> to vector<16xf32>
      tpu.vector_store %arg5[%swap3A], %swap3A_22 {strides = array<i32>} : memref<4096xf32, #tpu.memory_space<vmem>>, vector<16xf32>,
      %mul3A_23 = arith.constant 16 : i32
      %mul3A_24 = arith.muli %mul3A_23, %scan3A_17 : i32
      %swap3A_25 = arith.index_cast %mul3A_24 : i32 to index
      %swap3A_26 = tpu.vector_load %arg6[%swap3A_25] {strides = array<i32>} : memref<4096xf32, #tpu.memory_space<vmem>>, vector<16xf32>,
      %swap3A_27 = vector.shape_cast %swap3A_26 : vector<16xf32> to vector<16xf32>
      %swap3A_28 = vector.shape_cast %broadcast_in_dim3A_3 : vector<16xf32> to vector<16xf32>
      tpu.vector_store %arg6[%swap3A_25], %swap3A_28 {strides = array<i32>} : memref<4096xf32, #tpu.memory_space<vmem>>, vector<16xf32>,
    }
    %scan3A_8 = arith.constant 256 : i32
    %scan3A_9 = arith.constant 0 : i32
    %scan3A_10 = arith.constant -16 : i32
    %scan3A_11 = arith.constant 15 : i32
    %scan3A_12 = arith.constant 0 : i32
    %scan3A_13 = arith.constant 65 : i32
    %scan3A_14 = arith.addi %scan3A_12, %scan3A_13 : i32
    %scan3A_15 = arith.constant 1 : i32
    scf.for %scan3A_17 = %scan3A_12 to %scan3A_14 step %scan3A_15  : i32 {
      %ge3A = arith.constant 1 : i32
      %ge3A_18 = arith.cmpi sge, %scan3A_17, %ge3A : i32
      %convert_element_type3A = arith.extui %ge3A_18 : i1 to i32
      %cond3A = arith.constant 0 : i32
      %cond3A_19 = arith.cmpi ne, %convert_element_type3A, %cond3A : i32
      scf.if %cond3A_19 {
        %sub3A = arith.constant 1 : i32
        %sub3A_24 = arith.subi %scan3A_17, %sub3A : i32
        %mul3A_25 = arith.constant 2 : i32
        %mul3A_26 = arith.muli %mul3A_25, %sub3A_24 : i32
        %add3A_27 = arith.constant 1 : i32
        %add3A_28 = arith.addi %mul3A_26, %add3A_27 : i32
        %dma_wait3A = arith.constant 0 : i32
        %dma_wait3A_29 = arith.constant 0 : i32
        %dma_wait3A_30 = tpu.memref_slice %arg3[%dma_wait3A, %dma_wait3A_29] : memref<4096x4096xf32, #tpu.memory_space<hbm>> -> memref<1x4096xf32, #tpu.memory_space<hbm>>
        %dma_wait3A_31 = tpu.memref_squeeze %dma_wait3A_30 : memref<1x4096xf32, #tpu.memory_space<hbm>> -> memref<4096xf32, #tpu.memory_space<hbm>>
        %dma_wait3A_32 = arith.constant 0 : i32
        %dma_wait3A_33 = tpu.memref_slice %arg3[%dma_wait3A, %dma_wait3A_32] : memref<4096x4096xf32, #tpu.memory_space<hbm>> -> memref<1x4096xf32, #tpu.memory_space<hbm>>
        %dma_wait3A_34 = tpu.memref_squeeze %dma_wait3A_33 : memref<1x4096xf32, #tpu.memory_space<hbm>> -> memref<4096xf32, #tpu.memory_space<hbm>>
        tpu.wait_dma2 semaphore(%arg7 : memref<!tpu.dma_semaphore, #tpu.memory_space<semaphore_mem>>) src(%arg5 : memref<4096xf32, #tpu.memory_space<vmem>>) dst(%dma_wait3A_34 : memref<4096xf32, #tpu.memory_space<hbm>>)
        %get3A = arith.index_cast %mul3A_26 : i32 to index
        %get3A_35 = arith.constant 0 : index
        %get3A_36 = tpu.vector_load %arg4[%get3A, %get3A_35] {strides = array<i32>} : memref<128x32xi32, #tpu.memory_space<vmem>>, vector<1x16xi32>,
        %get3A_37 = vector.shape_cast %get3A_36 : vector<1x16xi32> to vector<16xi32>
        %get3A_38 = arith.index_cast %mul3A_26 : i32 to index
        %get3A_39 = arith.constant 16 : index
        %get3A_40 = tpu.vector_load %arg4[%get3A_38, %get3A_39] {strides = array<i32>} : memref<128x32xi32, #tpu.memory_space<vmem>>, vector<1x16xi32>,
        %get3A_41 = vector.shape_cast %get3A_40 : vector<1x16xi32> to vector<16xi32>
        %slice3A = vector.extract_strided_slice %get3A_37 {offsets = [0], sizes = [1], strides = [1]} : vector<16xi32> to vector<1xi32>
        %squeeze3A = vector.extract %slice3A[0] : i32 from vector<1xi32>
        %and3A = arith.andi %squeeze3A, %scan3A_10 : i32
        %swap3A = arith.index_cast %and3A : i32 to index
        %swap3A_42 = tpu.vector_load %arg5[%swap3A] {strides = array<i32>} : memref<4096xf32, #tpu.memory_space<vmem>>, vector<16xf32>,
        %swap3A_43 = vector.shape_cast %swap3A_42 : vector<16xf32> to vector<16xf32>
        %swap3A_44 = vector.shape_cast %broadcast_in_dim3A_3 : vector<16xf32> to vector<16xf32>
        tpu.vector_store %arg5[%swap3A], %swap3A_44 {strides = array<i32>} : memref<4096xf32, #tpu.memory_space<vmem>>, vector<16xf32>,
        %slice3A_45 = vector.extract_strided_slice %get3A_37 {offsets = [1], sizes = [1], strides = [1]} : vector<16xi32> to vector<1xi32>
        %squeeze3A_46 = vector.extract %slice3A_45[0] : i32 from vector<1xi32>
        %and3A_47 = arith.andi %squeeze3A_46, %scan3A_10 : i32
        %swap3A_48 = arith.index_cast %and3A_47 : i32 to index
        %swap3A_49 = tpu.vector_load %arg5[%swap3A_48] {strides = array<i32>} : memref<4096xf32, #tpu.memory_space<vmem>>, vector<16xf32>,
        %swap3A_50 = vector.shape_cast %swap3A_49 : vector<16xf32> to vector<16xf32>
        %swap3A_51 = vector.shape_cast %broadcast_in_dim3A_3 : vector<16xf32> to vector<16xf32>
        tpu.vector_store %arg5[%swap3A_48], %swap3A_51 {strides = array<i32>} : memref<4096xf32, #tpu.memory_space<vmem>>, vector<16xf32>,
        %slice3A_52 = vector.extract_strided_slice %get3A_37 {offsets = [2], sizes = [1], strides = [1]} : vector<16xi32> to vector<1xi32>
        %squeeze3A_53 = vector.extract %slice3A_52[0] : i32 from vector<1xi32>
        %and3A_54 = arith.andi %squeeze3A_53, %scan3A_10 : i32
        %swap3A_55 = arith.index_cast %and3A_54 : i32 to index
        %swap3A_56 = tpu.vector_load %arg5[%swap3A_55] {strides = array<i32>} : memref<4096xf32, #tpu.memory_space<vmem>>, vector<16xf32>,
        %swap3A_57 = vector.shape_cast %swap3A_56 : vector<16xf32> to vector<16xf32>
        %swap3A_58 = vector.shape_cast %broadcast_in_dim3A_3 : vector<16xf32> to vector<16xf32>
        tpu.vector_store %arg5[%swap3A_55], %swap3A_58 {strides = array<i32>} : memref<4096xf32, #tpu.memory_space<vmem>>, vector<16xf32>,
        %slice3A_59 = vector.extract_strided_slice %get3A_37 {offsets = [3], sizes = [1], strides = [1]} : vector<16xi32> to vector<1xi32>
        %squeeze3A_60 = vector.extract %slice3A_59[0] : i32 from vector<1xi32>
        %and3A_61 = arith.andi %squeeze3A_60, %scan3A_10 : i32
        %swap3A_62 = arith.index_cast %and3A_61 : i32 to index
        %swap3A_63 = tpu.vector_load %arg5[%swap3A_62] {strides = array<i32>} : memref<4096xf32, #tpu.memory_space<vmem>>, vector<16xf32>,
        %swap3A_64 = vector.shape_cast %swap3A_63 : vector<16xf32> to vector<16xf32>
        %swap3A_65 = vector.shape_cast %broadcast_in_dim3A_3 : vector<16xf32> to vector<16xf32>
        tpu.vector_store %arg5[%swap3A_62], %swap3A_65 {strides = array<i32>} : memref<4096xf32, #tpu.memory_space<vmem>>, vector<16xf32>,
        %slice3A_66 = vector.extract_strided_slice %get3A_37 {offsets = [4], sizes = [1], strides = [1]} : vector<16xi32> to vector<1xi32>
        %squeeze3A_67 = vector.extract %slice3A_66[0] : i32 from vector<1xi32>
        %and3A_68 = arith.andi %squeeze3A_67, %scan3A_10 : i32
        %swap3A_69 = arith.index_cast %and3A_68 : i32 to index
        %swap3A_70 = tpu.vector_load %arg5[%swap3A_69] {strides = array<i32>} : memref<4096xf32, #tpu.memory_space<vmem>>, vector<16xf32>,
        %swap3A_71 = vector.shape_cast %swap3A_70 : vector<16xf32> to vector<16xf32>
        %swap3A_72 = vector.shape_cast %broadcast_in_dim3A_3 : vector<16xf32> to vector<16xf32>
        tpu.vector_store %arg5[%swap3A_69], %swap3A_72 {strides = array<i32>} : memref<4096xf32, #tpu.memory_space<vmem>>, vector<16xf32>,
        %slice3A_73 = vector.extract_strided_slice %get3A_37 {offsets = [5], sizes = [1], strides = [1]} : vector<16xi32> to vector<1xi32>
        %squeeze3A_74 = vector.extract %slice3A_73[0] : i32 from vector<1xi32>
        %and3A_75 = arith.andi %squeeze3A_74, %scan3A_10 : i32
        %swap3A_76 = arith.index_cast %and3A_75 : i32 to index
        %swap3A_77 = tpu.vector_load %arg5[%swap3A_76] {strides = array<i32>} : memref<4096xf32, #tpu.memory_space<vmem>>, vector<16xf32>,
        %swap3A_78 = vector.shape_cast %swap3A_77 : vector<16xf32> to vector<16xf32>
        %swap3A_79 = vector.shape_cast %broadcast_in_dim3A_3 : vector<16xf32> to vector<16xf32>
        tpu.vector_store %arg5[%swap3A_76], %swap3A_79 {strides = array<i32>} : memref<4096xf32, #tpu.memory_space<vmem>>, vector<16xf32>,
        %slice3A_80 = vector.extract_strided_slice %get3A_37 {offsets = [6], sizes = [1], strides = [1]} : vector<16xi32> to vector<1xi32>
        %squeeze3A_81 = vector.extract %slice3A_80[0] : i32 from vector<1xi32>
        %and3A_82 = arith.andi %squeeze3A_81, %scan3A_10 : i32
        %swap3A_83 = arith.index_cast %and3A_82 : i32 to index
        %swap3A_84 = tpu.vector_load %arg5[%swap3A_83] {strides = array<i32>} : memref<4096xf32, #tpu.memory_space<vmem>>, vector<16xf32>,
        %swap3A_85 = vector.shape_cast %swap3A_84 : vector<16xf32> to vector<16xf32>
        %swap3A_86 = vector.shape_cast %broadcast_in_dim3A_3 : vector<16xf32> to vector<16xf32>
        tpu.vector_store %arg5[%swap3A_83], %swap3A_86 {strides = array<i32>} : memref<4096xf32, #tpu.memory_space<vmem>>, vector<16xf32>,
        %slice3A_87 = vector.extract_strided_slice %get3A_37 {offsets = [7], sizes = [1], strides = [1]} : vector<16xi32> to vector<1xi32>
        %squeeze3A_88 = vector.extract %slice3A_87[0] : i32 from vector<1xi32>
        %and3A_89 = arith.andi %squeeze3A_88, %scan3A_10 : i32
        %swap3A_90 = arith.index_cast %and3A_89 : i32 to index
        %swap3A_91 = tpu.vector_load %arg5[%swap3A_90] {strides = array<i32>} : memref<4096xf32, #tpu.memory_space<vmem>>, vector<16xf32>,
        %swap3A_92 = vector.shape_cast %swap3A_91 : vector<16xf32> to vector<16xf32>
        %swap3A_93 = vector.shape_cast %broadcast_in_dim3A_3 : vector<16xf32> to vector<16xf32>
        tpu.vector_store %arg5[%swap3A_90], %swap3A_93 {strides = array<i32>} : memref<4096xf32, #tpu.memory_space<vmem>>, vector<16xf32>,
        %slice3A_94 = vector.extract_strided_slice %get3A_37 {offsets = [8], sizes = [1], strides = [1]} : vector<16xi32> to vector<1xi32>
        %squeeze3A_95 = vector.extract %slice3A_94[0] : i32 from vector<1xi32>
        %and3A_96 = arith.andi %squeeze3A_95, %scan3A_10 : i32
        %swap3A_97 = arith.index_cast %and3A_96 : i32 to index
        %swap3A_98 = tpu.vector_load %arg5[%swap3A_97] {strides = array<i32>} : memref<4096xf32, #tpu.memory_space<vmem>>, vector<16xf32>,
        %swap3A_99 = vector.shape_cast %swap3A_98 : vector<16xf32> to vector<16xf32>
        %swap3A_100 = vector.shape_cast %broadcast_in_dim3A_3 : vector<16xf32> to vector<16xf32>
        tpu.vector_store %arg5[%swap3A_97], %swap3A_100 {strides = array<i32>} : memref<4096xf32, #tpu.memory_space<vmem>>, vector<16xf32>,
        %slice3A_101 = vector.extract_strided_slice %get3A_37 {offsets = [9], sizes = [1], strides = [1]} : vector<16xi32> to vector<1xi32>
        %squeeze3A_102 = vector.extract %slice3A_101[0] : i32 from vector<1xi32>
        %and3A_103 = arith.andi %squeeze3A_102, %scan3A_10 : i32
        %swap3A_104 = arith.index_cast %and3A_103 : i32 to index
        %swap3A_105 = tpu.vector_load %arg5[%swap3A_104] {strides = array<i32>} : memref<4096xf32, #tpu.memory_space<vmem>>, vector<16xf32>,
        %swap3A_106 = vector.shape_cast %swap3A_105 : vector<16xf32> to vector<16xf32>
        %swap3A_107 = vector.shape_cast %broadcast_in_dim3A_3 : vector<16xf32> to vector<16xf32>
        tpu.vector_store %arg5[%swap3A_104], %swap3A_107 {strides = array<i32>} : memref<4096xf32, #tpu.memory_space<vmem>>, vector<16xf32>,
        %slice3A_108 = vector.extract_strided_slice %get3A_37 {offsets = [10], sizes = [1], strides = [1]} : vector<16xi32> to vector<1xi32>
        %squeeze3A_109 = vector.extract %slice3A_108[0] : i32 from vector<1xi32>
        %and3A_110 = arith.andi %squeeze3A_109, %scan3A_10 : i32
        %swap3A_111 = arith.index_cast %and3A_110 : i32 to index
        %swap3A_112 = tpu.vector_load %arg5[%swap3A_111] {strides = array<i32>} : memref<4096xf32, #tpu.memory_space<vmem>>, vector<16xf32>,
        %swap3A_113 = vector.shape_cast %swap3A_112 : vector<16xf32> to vector<16xf32>
        %swap3A_114 = vector.shape_cast %broadcast_in_dim3A_3 : vector<16xf32> to vector<16xf32>
        tpu.vector_store %arg5[%swap3A_111], %swap3A_114 {strides = array<i32>} : memref<4096xf32, #tpu.memory_space<vmem>>, vector<16xf32>,
        %slice3A_115 = vector.extract_strided_slice %get3A_37 {offsets = [11], sizes = [1], strides = [1]} : vector<16xi32> to vector<1xi32>
        %squeeze3A_116 = vector.extract %slice3A_115[0] : i32 from vector<1xi32>
        %and3A_117 = arith.andi %squeeze3A_116, %scan3A_10 : i32
        %swap3A_118 = arith.index_cast %and3A_117 : i32 to index
        %swap3A_119 = tpu.vector_load %arg5[%swap3A_118] {strides = array<i32>} : memref<4096xf32, #tpu.memory_space<vmem>>, vector<16xf32>,
        %swap3A_120 = vector.shape_cast %swap3A_119 : vector<16xf32> to vector<16xf32>
        %swap3A_121 = vector.shape_cast %broadcast_in_dim3A_3 : vector<16xf32> to vector<16xf32>
        tpu.vector_store %arg5[%swap3A_118], %swap3A_121 {strides = array<i32>} : memref<4096xf32, #tpu.memory_space<vmem>>, vector<16xf32>,
        %slice3A_122 = vector.extract_strided_slice %get3A_37 {offsets = [12], sizes = [1], strides = [1]} : vector<16xi32> to vector<1xi32>
        %squeeze3A_123 = vector.extract %slice3A_122[0] : i32 from vector<1xi32>
        %and3A_124 = arith.andi %squeeze3A_123, %scan3A_10 : i32
        %swap3A_125 = arith.index_cast %and3A_124 : i32 to index
        %swap3A_126 = tpu.vector_load %arg5[%swap3A_125] {strides = array<i32>} : memref<4096xf32, #tpu.memory_space<vmem>>, vector<16xf32>,
        %swap3A_127 = vector.shape_cast %swap3A_126 : vector<16xf32> to vector<16xf32>
        %swap3A_128 = vector.shape_cast %broadcast_in_dim3A_3 : vector<16xf32> to vector<16xf32>
        tpu.vector_store %arg5[%swap3A_125], %swap3A_128 {strides = array<i32>} : memref<4096xf32, #tpu.memory_space<vmem>>, vector<16xf32>,
        %slice3A_129 = vector.extract_strided_slice %get3A_37 {offsets = [13], sizes = [1], strides = [1]} : vector<16xi32> to vector<1xi32>
        %squeeze3A_130 = vector.extract %slice3A_129[0] : i32 from vector<1xi32>
        %and3A_131 = arith.andi %squeeze3A_130, %scan3A_10 : i32
        %swap3A_132 = arith.index_cast %and3A_131 : i32 to index
        %swap3A_133 = tpu.vector_load %arg5[%swap3A_132] {strides = array<i32>} : memref<4096xf32, #tpu.memory_space<vmem>>, vector<16xf32>,
        %swap3A_134 = vector.shape_cast %swap3A_133 : vector<16xf32> to vector<16xf32>
        %swap3A_135 = vector.shape_cast %broadcast_in_dim3A_3 : vector<16xf32> to vector<16xf32>
        tpu.vector_store %arg5[%swap3A_132], %swap3A_135 {strides = array<i32>} : memref<4096xf32, #tpu.memory_space<vmem>>, vector<16xf32>,
        %slice3A_136 = vector.extract_strided_slice %get3A_37 {offsets = [14], sizes = [1], strides = [1]} : vector<16xi32> to vector<1xi32>
        %squeeze3A_137 = vector.extract %slice3A_136[0] : i32 from vector<1xi32>
        %and3A_138 = arith.andi %squeeze3A_137, %scan3A_10 : i32
        %swap3A_139 = arith.index_cast %and3A_138 : i32 to index
        %swap3A_140 = tpu.vector_load %arg5[%swap3A_139] {strides = array<i32>} : memref<4096xf32, #tpu.memory_space<vmem>>, vector<16xf32>,
        %swap3A_141 = vector.shape_cast %swap3A_140 : vector<16xf32> to vector<16xf32>
        %swap3A_142 = vector.shape_cast %broadcast_in_dim3A_3 : vector<16xf32> to vector<16xf32>
        tpu.vector_store %arg5[%swap3A_139], %swap3A_142 {strides = array<i32>} : memref<4096xf32, #tpu.memory_space<vmem>>, vector<16xf32>,
        %slice3A_143 = vector.extract_strided_slice %get3A_37 {offsets = [15], sizes = [1], strides = [1]} : vector<16xi32> to vector<1xi32>
        %squeeze3A_144 = vector.extract %slice3A_143[0] : i32 from vector<1xi32>
        %and3A_145 = arith.andi %squeeze3A_144, %scan3A_10 : i32
        %swap3A_146 = arith.index_cast %and3A_145 : i32 to index
        %swap3A_147 = tpu.vector_load %arg5[%swap3A_146] {strides = array<i32>} : memref<4096xf32, #tpu.memory_space<vmem>>, vector<16xf32>,
        %swap3A_148 = vector.shape_cast %swap3A_147 : vector<16xf32> to vector<16xf32>
        %swap3A_149 = vector.shape_cast %broadcast_in_dim3A_3 : vector<16xf32> to vector<16xf32>
        tpu.vector_store %arg5[%swap3A_146], %swap3A_149 {strides = array<i32>} : memref<4096xf32, #tpu.memory_space<vmem>>, vector<16xf32>,
        %slice3A_150 = vector.extract_strided_slice %get3A_41 {offsets = [0], sizes = [1], strides = [1]} : vector<16xi32> to vector<1xi32>
        %squeeze3A_151 = vector.extract %slice3A_150[0] : i32 from vector<1xi32>
        %and3A_152 = arith.andi %squeeze3A_151, %scan3A_10 : i32
        %swap3A_153 = arith.index_cast %and3A_152 : i32 to index
        %swap3A_154 = tpu.vector_load %arg5[%swap3A_153] {strides = array<i32>} : memref<4096xf32, #tpu.memory_space<vmem>>, vector<16xf32>,
        %swap3A_155 = vector.shape_cast %swap3A_154 : vector<16xf32> to vector<16xf32>
        %swap3A_156 = vector.shape_cast %broadcast_in_dim3A_3 : vector<16xf32> to vector<16xf32>
        tpu.vector_store %arg5[%swap3A_153], %swap3A_156 {strides = array<i32>} : memref<4096xf32, #tpu.memory_space<vmem>>, vector<16xf32>,
        %slice3A_157 = vector.extract_strided_slice %get3A_41 {offsets = [1], sizes = [1], strides = [1]} : vector<16xi32> to vector<1xi32>
        %squeeze3A_158 = vector.extract %slice3A_157[0] : i32 from vector<1xi32>
        %and3A_159 = arith.andi %squeeze3A_158, %scan3A_10 : i32
        %swap3A_160 = arith.index_cast %and3A_159 : i32 to index
        %swap3A_161 = tpu.vector_load %arg5[%swap3A_160] {strides = array<i32>} : memref<4096xf32, #tpu.memory_space<vmem>>, vector<16xf32>,
        %swap3A_162 = vector.shape_cast %swap3A_161 : vector<16xf32> to vector<16xf32>
        %swap3A_163 = vector.shape_cast %broadcast_in_dim3A_3 : vector<16xf32> to vector<16xf32>
        tpu.vector_store %arg5[%swap3A_160], %swap3A_163 {strides = array<i32>} : memref<4096xf32, #tpu.memory_space<vmem>>, vector<16xf32>,
        %slice3A_164 = vector.extract_strided_slice %get3A_41 {offsets = [2], sizes = [1], strides = [1]} : vector<16xi32> to vector<1xi32>
        %squeeze3A_165 = vector.extract %slice3A_164[0] : i32 from vector<1xi32>
        %and3A_166 = arith.andi %squeeze3A_165, %scan3A_10 : i32
        %swap3A_167 = arith.index_cast %and3A_166 : i32 to index
        %swap3A_168 = tpu.vector_load %arg5[%swap3A_167] {strides = array<i32>} : memref<4096xf32, #tpu.memory_space<vmem>>, vector<16xf32>,
        %swap3A_169 = vector.shape_cast %swap3A_168 : vector<16xf32> to vector<16xf32>
        %swap3A_170 = vector.shape_cast %broadcast_in_dim3A_3 : vector<16xf32> to vector<16xf32>
        tpu.vector_store %arg5[%swap3A_167], %swap3A_170 {strides = array<i32>} : memref<4096xf32, #tpu.memory_space<vmem>>, vector<16xf32>,
        %slice3A_171 = vector.extract_strided_slice %get3A_41 {offsets = [3], sizes = [1], strides = [1]} : vector<16xi32> to vector<1xi32>
        %squeeze3A_172 = vector.extract %slice3A_171[0] : i32 from vector<1xi32>
        %and3A_173 = arith.andi %squeeze3A_172, %scan3A_10 : i32
        %swap3A_174 = arith.index_cast %and3A_173 : i32 to index
        %swap3A_175 = tpu.vector_load %arg5[%swap3A_174] {strides = array<i32>} : memref<4096xf32, #tpu.memory_space<vmem>>, vector<16xf32>,
        %swap3A_176 = vector.shape_cast %swap3A_175 : vector<16xf32> to vector<16xf32>
        %swap3A_177 = vector.shape_cast %broadcast_in_dim3A_3 : vector<16xf32> to vector<16xf32>
        tpu.vector_store %arg5[%swap3A_174], %swap3A_177 {strides = array<i32>} : memref<4096xf32, #tpu.memory_space<vmem>>, vector<16xf32>,
        %slice3A_178 = vector.extract_strided_slice %get3A_41 {offsets = [4], sizes = [1], strides = [1]} : vector<16xi32> to vector<1xi32>
        %squeeze3A_179 = vector.extract %slice3A_178[0] : i32 from vector<1xi32>
        %and3A_180 = arith.andi %squeeze3A_179, %scan3A_10 : i32
        %swap3A_181 = arith.index_cast %and3A_180 : i32 to index
        %swap3A_182 = tpu.vector_load %arg5[%swap3A_181] {strides = array<i32>} : memref<4096xf32, #tpu.memory_space<vmem>>, vector<16xf32>,
        %swap3A_183 = vector.shape_cast %swap3A_182 : vector<16xf32> to vector<16xf32>
        %swap3A_184 = vector.shape_cast %broadcast_in_dim3A_3 : vector<16xf32> to vector<16xf32>
        tpu.vector_store %arg5[%swap3A_181], %swap3A_184 {strides = array<i32>} : memref<4096xf32, #tpu.memory_space<vmem>>, vector<16xf32>,
        %slice3A_185 = vector.extract_strided_slice %get3A_41 {offsets = [5], sizes = [1], strides = [1]} : vector<16xi32> to vector<1xi32>
        %squeeze3A_186 = vector.extract %slice3A_185[0] : i32 from vector<1xi32>
        %and3A_187 = arith.andi %squeeze3A_186, %scan3A_10 : i32
        %swap3A_188 = arith.index_cast %and3A_187 : i32 to index
        %swap3A_189 = tpu.vector_load %arg5[%swap3A_188] {strides = array<i32>} : memref<4096xf32, #tpu.memory_space<vmem>>, vector<16xf32>,
        %swap3A_190 = vector.shape_cast %swap3A_189 : vector<16xf32> to vector<16xf32>
        %swap3A_191 = vector.shape_cast %broadcast_in_dim3A_3 : vector<16xf32> to vector<16xf32>
        tpu.vector_store %arg5[%swap3A_188], %swap3A_191 {strides = array<i32>} : memref<4096xf32, #tpu.memory_space<vmem>>, vector<16xf32>,
        %slice3A_192 = vector.extract_strided_slice %get3A_41 {offsets = [6], sizes = [1], strides = [1]} : vector<16xi32> to vector<1xi32>
        %squeeze3A_193 = vector.extract %slice3A_192[0] : i32 from vector<1xi32>
        %and3A_194 = arith.andi %squeeze3A_193, %scan3A_10 : i32
        %swap3A_195 = arith.index_cast %and3A_194 : i32 to index
        %swap3A_196 = tpu.vector_load %arg5[%swap3A_195] {strides = array<i32>} : memref<4096xf32, #tpu.memory_space<vmem>>, vector<16xf32>,
        %swap3A_197 = vector.shape_cast %swap3A_196 : vector<16xf32> to vector<16xf32>
        %swap3A_198 = vector.shape_cast %broadcast_in_dim3A_3 : vector<16xf32> to vector<16xf32>
        tpu.vector_store %arg5[%swap3A_195], %swap3A_198 {strides = array<i32>} : memref<4096xf32, #tpu.memory_space<vmem>>, vector<16xf32>,
        %slice3A_199 = vector.extract_strided_slice %get3A_41 {offsets = [7], sizes = [1], strides = [1]} : vector<16xi32> to vector<1xi32>
        %squeeze3A_200 = vector.extract %slice3A_199[0] : i32 from vector<1xi32>
        %and3A_201 = arith.andi %squeeze3A_200, %scan3A_10 : i32
        %swap3A_202 = arith.index_cast %and3A_201 : i32 to index
        %swap3A_203 = tpu.vector_load %arg5[%swap3A_202] {strides = array<i32>} : memref<4096xf32, #tpu.memory_space<vmem>>, vector<16xf32>,
        %swap3A_204 = vector.shape_cast %swap3A_203 : vector<16xf32> to vector<16xf32>
        %swap3A_205 = vector.shape_cast %broadcast_in_dim3A_3 : vector<16xf32> to vector<16xf32>
        tpu.vector_store %arg5[%swap3A_202], %swap3A_205 {strides = array<i32>} : memref<4096xf32, #tpu.memory_space<vmem>>, vector<16xf32>,
        %slice3A_206 = vector.extract_strided_slice %get3A_41 {offsets = [8], sizes = [1], strides = [1]} : vector<16xi32> to vector<1xi32>
        %squeeze3A_207 = vector.extract %slice3A_206[0] : i32 from vector<1xi32>
        %and3A_208 = arith.andi %squeeze3A_207, %scan3A_10 : i32
        %swap3A_209 = arith.index_cast %and3A_208 : i32 to index
        %swap3A_210 = tpu.vector_load %arg5[%swap3A_209] {strides = array<i32>} : memref<4096xf32, #tpu.memory_space<vmem>>, vector<16xf32>,
        %swap3A_211 = vector.shape_cast %swap3A_210 : vector<16xf32> to vector<16xf32>
        %swap3A_212 = vector.shape_cast %broadcast_in_dim3A_3 : vector<16xf32> to vector<16xf32>
        tpu.vector_store %arg5[%swap3A_209], %swap3A_212 {strides = array<i32>} : memref<4096xf32, #tpu.memory_space<vmem>>, vector<16xf32>,
        %slice3A_213 = vector.extract_strided_slice %get3A_41 {offsets = [9], sizes = [1], strides = [1]} : vector<16xi32> to vector<1xi32>
        %squeeze3A_214 = vector.extract %slice3A_213[0] : i32 from vector<1xi32>
        %and3A_215 = arith.andi %squeeze3A_214, %scan3A_10 : i32
        %swap3A_216 = arith.index_cast %and3A_215 : i32 to index
        %swap3A_217 = tpu.vector_load %arg5[%swap3A_216] {strides = array<i32>} : memref<4096xf32, #tpu.memory_space<vmem>>, vector<16xf32>,
        %swap3A_218 = vector.shape_cast %swap3A_217 : vector<16xf32> to vector<16xf32>
        %swap3A_219 = vector.shape_cast %broadcast_in_dim3A_3 : vector<16xf32> to vector<16xf32>
        tpu.vector_store %arg5[%swap3A_216], %swap3A_219 {strides = array<i32>} : memref<4096xf32, #tpu.memory_space<vmem>>, vector<16xf32>,
        %slice3A_220 = vector.extract_strided_slice %get3A_41 {offsets = [10], sizes = [1], strides = [1]} : vector<16xi32> to vector<1xi32>
        %squeeze3A_221 = vector.extract %slice3A_220[0] : i32 from vector<1xi32>
        %and3A_222 = arith.andi %squeeze3A_221, %scan3A_10 : i32
        %swap3A_223 = arith.index_cast %and3A_222 : i32 to index
        %swap3A_224 = tpu.vector_load %arg5[%swap3A_223] {strides = array<i32>} : memref<4096xf32, #tpu.memory_space<vmem>>, vector<16xf32>,
        %swap3A_225 = vector.shape_cast %swap3A_224 : vector<16xf32> to vector<16xf32>
        %swap3A_226 = vector.shape_cast %broadcast_in_dim3A_3 : vector<16xf32> to vector<16xf32>
        tpu.vector_store %arg5[%swap3A_223], %swap3A_226 {strides = array<i32>} : memref<4096xf32, #tpu.memory_space<vmem>>, vector<16xf32>,
        %slice3A_227 = vector.extract_strided_slice %get3A_41 {offsets = [11], sizes = [1], strides = [1]} : vector<16xi32> to vector<1xi32>
        %squeeze3A_228 = vector.extract %slice3A_227[0] : i32 from vector<1xi32>
        %and3A_229 = arith.andi %squeeze3A_228, %scan3A_10 : i32
        %swap3A_230 = arith.index_cast %and3A_229 : i32 to index
        %swap3A_231 = tpu.vector_load %arg5[%swap3A_230] {strides = array<i32>} : memref<4096xf32, #tpu.memory_space<vmem>>, vector<16xf32>,
        %swap3A_232 = vector.shape_cast %swap3A_231 : vector<16xf32> to vector<16xf32>
        %swap3A_233 = vector.shape_cast %broadcast_in_dim3A_3 : vector<16xf32> to vector<16xf32>
        tpu.vector_store %arg5[%swap3A_230], %swap3A_233 {strides = array<i32>} : memref<4096xf32, #tpu.memory_space<vmem>>, vector<16xf32>,
        %slice3A_234 = vector.extract_strided_slice %get3A_41 {offsets = [12], sizes = [1], strides = [1]} : vector<16xi32> to vector<1xi32>
        %squeeze3A_235 = vector.extract %slice3A_234[0] : i32 from vector<1xi32>
        %and3A_236 = arith.andi %squeeze3A_235, %scan3A_10 : i32
        %swap3A_237 = arith.index_cast %and3A_236 : i32 to index
        %swap3A_238 = tpu.vector_load %arg5[%swap3A_237] {strides = array<i32>} : memref<4096xf32, #tpu.memory_space<vmem>>, vector<16xf32>,
        %swap3A_239 = vector.shape_cast %swap3A_238 : vector<16xf32> to vector<16xf32>
        %swap3A_240 = vector.shape_cast %broadcast_in_dim3A_3 : vector<16xf32> to vector<16xf32>
        tpu.vector_store %arg5[%swap3A_237], %swap3A_240 {strides = array<i32>} : memref<4096xf32, #tpu.memory_space<vmem>>, vector<16xf32>,
        %slice3A_241 = vector.extract_strided_slice %get3A_41 {offsets = [13], sizes = [1], strides = [1]} : vector<16xi32> to vector<1xi32>
        %squeeze3A_242 = vector.extract %slice3A_241[0] : i32 from vector<1xi32>
        %and3A_243 = arith.andi %squeeze3A_242, %scan3A_10 : i32
        %swap3A_244 = arith.index_cast %and3A_243 : i32 to index
        %swap3A_245 = tpu.vector_load %arg5[%swap3A_244] {strides = array<i32>} : memref<4096xf32, #tpu.memory_space<vmem>>, vector<16xf32>,
        %swap3A_246 = vector.shape_cast %swap3A_245 : vector<16xf32> to vector<16xf32>
        %swap3A_247 = vector.shape_cast %broadcast_in_dim3A_3 : vector<16xf32> to vector<16xf32>
        tpu.vector_store %arg5[%swap3A_244], %swap3A_247 {strides = array<i32>} : memref<4096xf32, #tpu.memory_space<vmem>>, vector<16xf32>,
        %slice3A_248 = vector.extract_strided_slice %get3A_41 {offsets = [14], sizes = [1], strides = [1]} : vector<16xi32> to vector<1xi32>
        %squeeze3A_249 = vector.extract %slice3A_248[0] : i32 from vector<1xi32>
        %and3A_250 = arith.andi %squeeze3A_249, %scan3A_10 : i32
        %swap3A_251 = arith.index_cast %and3A_250 : i32 to index
        %swap3A_252 = tpu.vector_load %arg5[%swap3A_251] {strides = array<i32>} : memref<4096xf32, #tpu.memory_space<vmem>>, vector<16xf32>,
        %swap3A_253 = vector.shape_cast %swap3A_252 : vector<16xf32> to vector<16xf32>
        %swap3A_254 = vector.shape_cast %broadcast_in_dim3A_3 : vector<16xf32> to vector<16xf32>
        tpu.vector_store %arg5[%swap3A_251], %swap3A_254 {strides = array<i32>} : memref<4096xf32, #tpu.memory_space<vmem>>, vector<16xf32>,
        %slice3A_255 = vector.extract_strided_slice %get3A_41 {offsets = [15], sizes = [1], strides = [1]} : vector<16xi32> to vector<1xi32>
        %squeeze3A_256 = vector.extract %slice3A_255[0] : i32 from vector<1xi32>
        %and3A_257 = arith.andi %squeeze3A_256, %scan3A_10 : i32
        %swap3A_258 = arith.index_cast %and3A_257 : i32 to index
        %swap3A_259 = tpu.vector_load %arg5[%swap3A_258] {strides = array<i32>} : memref<4096xf32, #tpu.memory_space<vmem>>, vector<16xf32>,
        %swap3A_260 = vector.shape_cast %swap3A_259 : vector<16xf32> to vector<16xf32>
        %swap3A_261 = vector.shape_cast %broadcast_in_dim3A_3 : vector<16xf32> to vector<16xf32>
        tpu.vector_store %arg5[%swap3A_258], %swap3A_261 {strides = array<i32>} : memref<4096xf32, #tpu.memory_space<vmem>>, vector<16xf32>,
        %dma_wait3A_262 = arith.constant 0 : i32
        %dma_wait3A_263 = arith.constant 0 : i32
        %dma_wait3A_264 = tpu.memref_slice %arg3[%dma_wait3A_262, %dma_wait3A_263] : memref<4096x4096xf32, #tpu.memory_space<hbm>> -> memref<1x4096xf32, #tpu.memory_space<hbm>>
        %dma_wait3A_265 = tpu.memref_squeeze %dma_wait3A_264 : memref<1x4096xf32, #tpu.memory_space<hbm>> -> memref<4096xf32, #tpu.memory_space<hbm>>
        %dma_wait3A_266 = arith.constant 0 : i32
        %dma_wait3A_267 = tpu.memref_slice %arg3[%dma_wait3A_262, %dma_wait3A_266] : memref<4096x4096xf32, #tpu.memory_space<hbm>> -> memref<1x4096xf32, #tpu.memory_space<hbm>>
        %dma_wait3A_268 = tpu.memref_squeeze %dma_wait3A_267 : memref<1x4096xf32, #tpu.memory_space<hbm>> -> memref<4096xf32, #tpu.memory_space<hbm>>
        tpu.wait_dma2 semaphore(%arg8 : memref<!tpu.dma_semaphore, #tpu.memory_space<semaphore_mem>>) src(%arg6 : memref<4096xf32, #tpu.memory_space<vmem>>) dst(%dma_wait3A_268 : memref<4096xf32, #tpu.memory_space<hbm>>)
        %get3A_269 = arith.index_cast %add3A_28 : i32 to index
        %get3A_270 = arith.constant 0 : index
        %get3A_271 = tpu.vector_load %arg4[%get3A_269, %get3A_270] {strides = array<i32>} : memref<128x32xi32, #tpu.memory_space<vmem>>, vector<1x16xi32>,
        %get3A_272 = vector.shape_cast %get3A_271 : vector<1x16xi32> to vector<16xi32>
        %get3A_273 = arith.index_cast %add3A_28 : i32 to index
        %get3A_274 = arith.constant 16 : index
        %get3A_275 = tpu.vector_load %arg4[%get3A_273, %get3A_274] {strides = array<i32>} : memref<128x32xi32, #tpu.memory_space<vmem>>, vector<1x16xi32>,
        %get3A_276 = vector.shape_cast %get3A_275 : vector<1x16xi32> to vector<16xi32>
        %slice3A_277 = vector.extract_strided_slice %get3A_272 {offsets = [0], sizes = [1], strides = [1]} : vector<16xi32> to vector<1xi32>
        %squeeze3A_278 = vector.extract %slice3A_277[0] : i32 from vector<1xi32>
        %and3A_279 = arith.andi %squeeze3A_278, %scan3A_10 : i32
        %swap3A_280 = arith.index_cast %and3A_279 : i32 to index
        %swap3A_281 = tpu.vector_load %arg6[%swap3A_280] {strides = array<i32>} : memref<4096xf32, #tpu.memory_space<vmem>>, vector<16xf32>,
        %swap3A_282 = vector.shape_cast %swap3A_281 : vector<16xf32> to vector<16xf32>
        %swap3A_283 = vector.shape_cast %broadcast_in_dim3A_3 : vector<16xf32> to vector<16xf32>
        tpu.vector_store %arg6[%swap3A_280], %swap3A_283 {strides = array<i32>} : memref<4096xf32, #tpu.memory_space<vmem>>, vector<16xf32>,
        %slice3A_284 = vector.extract_strided_slice %get3A_272 {offsets = [1], sizes = [1], strides = [1]} : vector<16xi32> to vector<1xi32>
        %squeeze3A_285 = vector.extract %slice3A_284[0] : i32 from vector<1xi32>
        %and3A_286 = arith.andi %squeeze3A_285, %scan3A_10 : i32
        %swap3A_287 = arith.index_cast %and3A_286 : i32 to index
        %swap3A_288 = tpu.vector_load %arg6[%swap3A_287] {strides = array<i32>} : memref<4096xf32, #tpu.memory_space<vmem>>, vector<16xf32>,
        %swap3A_289 = vector.shape_cast %swap3A_288 : vector<16xf32> to vector<16xf32>
        %swap3A_290 = vector.shape_cast %broadcast_in_dim3A_3 : vector<16xf32> to vector<16xf32>
        tpu.vector_store %arg6[%swap3A_287], %swap3A_290 {strides = array<i32>} : memref<4096xf32, #tpu.memory_space<vmem>>, vector<16xf32>,
        %slice3A_291 = vector.extract_strided_slice %get3A_272 {offsets = [2], sizes = [1], strides = [1]} : vector<16xi32> to vector<1xi32>
        %squeeze3A_292 = vector.extract %slice3A_291[0] : i32 from vector<1xi32>
        %and3A_293 = arith.andi %squeeze3A_292, %scan3A_10 : i32
        %swap3A_294 = arith.index_cast %and3A_293 : i32 to index
        %swap3A_295 = tpu.vector_load %arg6[%swap3A_294] {strides = array<i32>} : memref<4096xf32, #tpu.memory_space<vmem>>, vector<16xf32>,
        %swap3A_296 = vector.shape_cast %swap3A_295 : vector<16xf32> to vector<16xf32>
        %swap3A_297 = vector.shape_cast %broadcast_in_dim3A_3 : vector<16xf32> to vector<16xf32>
        tpu.vector_store %arg6[%swap3A_294], %swap3A_297 {strides = array<i32>} : memref<4096xf32, #tpu.memory_space<vmem>>, vector<16xf32>,
        %slice3A_298 = vector.extract_strided_slice %get3A_272 {offsets = [3], sizes = [1], strides = [1]} : vector<16xi32> to vector<1xi32>
        %squeeze3A_299 = vector.extract %slice3A_298[0] : i32 from vector<1xi32>
        %and3A_300 = arith.andi %squeeze3A_299, %scan3A_10 : i32
        %swap3A_301 = arith.index_cast %and3A_300 : i32 to index
        %swap3A_302 = tpu.vector_load %arg6[%swap3A_301] {strides = array<i32>} : memref<4096xf32, #tpu.memory_space<vmem>>, vector<16xf32>,
        %swap3A_303 = vector.shape_cast %swap3A_302 : vector<16xf32> to vector<16xf32>
        %swap3A_304 = vector.shape_cast %broadcast_in_dim3A_3 : vector<16xf32> to vector<16xf32>
        tpu.vector_store %arg6[%swap3A_301], %swap3A_304 {strides = array<i32>} : memref<4096xf32, #tpu.memory_space<vmem>>, vector<16xf32>,
        %slice3A_305 = vector.extract_strided_slice %get3A_272 {offsets = [4], sizes = [1], strides = [1]} : vector<16xi32> to vector<1xi32>
        %squeeze3A_306 = vector.extract %slice3A_305[0] : i32 from vector<1xi32>
        %and3A_307 = arith.andi %squeeze3A_306, %scan3A_10 : i32
        %swap3A_308 = arith.index_cast %and3A_307 : i32 to index
        %swap3A_309 = tpu.vector_load %arg6[%swap3A_308] {strides = array<i32>} : memref<4096xf32, #tpu.memory_space<vmem>>, vector<16xf32>,
        %swap3A_310 = vector.shape_cast %swap3A_309 : vector<16xf32> to vector<16xf32>
        %swap3A_311 = vector.shape_cast %broadcast_in_dim3A_3 : vector<16xf32> to vector<16xf32>
        tpu.vector_store %arg6[%swap3A_308], %swap3A_311 {strides = array<i32>} : memref<4096xf32, #tpu.memory_space<vmem>>, vector<16xf32>,
        %slice3A_312 = vector.extract_strided_slice %get3A_272 {offsets = [5], sizes = [1], strides = [1]} : vector<16xi32> to vector<1xi32>
        %squeeze3A_313 = vector.extract %slice3A_312[0] : i32 from vector<1xi32>
        %and3A_314 = arith.andi %squeeze3A_313, %scan3A_10 : i32
        %swap3A_315 = arith.index_cast %and3A_314 : i32 to index
        %swap3A_316 = tpu.vector_load %arg6[%swap3A_315] {strides = array<i32>} : memref<4096xf32, #tpu.memory_space<vmem>>, vector<16xf32>,
        %swap3A_317 = vector.shape_cast %swap3A_316 : vector<16xf32> to vector<16xf32>
        %swap3A_318 = vector.shape_cast %broadcast_in_dim3A_3 : vector<16xf32> to vector<16xf32>
        tpu.vector_store %arg6[%swap3A_315], %swap3A_318 {strides = array<i32>} : memref<4096xf32, #tpu.memory_space<vmem>>, vector<16xf32>,
        %slice3A_319 = vector.extract_strided_slice %get3A_272 {offsets = [6], sizes = [1], strides = [1]} : vector<16xi32> to vector<1xi32>
        %squeeze3A_320 = vector.extract %slice3A_319[0] : i32 from vector<1xi32>
        %and3A_321 = arith.andi %squeeze3A_320, %scan3A_10 : i32
        %swap3A_322 = arith.index_cast %and3A_321 : i32 to index
        %swap3A_323 = tpu.vector_load %arg6[%swap3A_322] {strides = array<i32>} : memref<4096xf32, #tpu.memory_space<vmem>>, vector<16xf32>,
        %swap3A_324 = vector.shape_cast %swap3A_323 : vector<16xf32> to vector<16xf32>
        %swap3A_325 = vector.shape_cast %broadcast_in_dim3A_3 : vector<16xf32> to vector<16xf32>
        tpu.vector_store %arg6[%swap3A_322], %swap3A_325 {strides = array<i32>} : memref<4096xf32, #tpu.memory_space<vmem>>, vector<16xf32>,
        %slice3A_326 = vector.extract_strided_slice %get3A_272 {offsets = [7], sizes = [1], strides = [1]} : vector<16xi32> to vector<1xi32>
        %squeeze3A_327 = vector.extract %slice3A_326[0] : i32 from vector<1xi32>
        %and3A_328 = arith.andi %squeeze3A_327, %scan3A_10 : i32
        %swap3A_329 = arith.index_cast %and3A_328 : i32 to index
        %swap3A_330 = tpu.vector_load %arg6[%swap3A_329] {strides = array<i32>} : memref<4096xf32, #tpu.memory_space<vmem>>, vector<16xf32>,
        %swap3A_331 = vector.shape_cast %swap3A_330 : vector<16xf32> to vector<16xf32>
        %swap3A_332 = vector.shape_cast %broadcast_in_dim3A_3 : vector<16xf32> to vector<16xf32>
        tpu.vector_store %arg6[%swap3A_329], %swap3A_332 {strides = array<i32>} : memref<4096xf32, #tpu.memory_space<vmem>>, vector<16xf32>,
        %slice3A_333 = vector.extract_strided_slice %get3A_272 {offsets = [8], sizes = [1], strides = [1]} : vector<16xi32> to vector<1xi32>
        %squeeze3A_334 = vector.extract %slice3A_333[0] : i32 from vector<1xi32>
        %and3A_335 = arith.andi %squeeze3A_334, %scan3A_10 : i32
        %swap3A_336 = arith.index_cast %and3A_335 : i32 to index
        %swap3A_337 = tpu.vector_load %arg6[%swap3A_336] {strides = array<i32>} : memref<4096xf32, #tpu.memory_space<vmem>>, vector<16xf32>,
        %swap3A_338 = vector.shape_cast %swap3A_337 : vector<16xf32> to vector<16xf32>
        %swap3A_339 = vector.shape_cast %broadcast_in_dim3A_3 : vector<16xf32> to vector<16xf32>
        tpu.vector_store %arg6[%swap3A_336], %swap3A_339 {strides = array<i32>} : memref<4096xf32, #tpu.memory_space<vmem>>, vector<16xf32>,
        %slice3A_340 = vector.extract_strided_slice %get3A_272 {offsets = [9], sizes = [1], strides = [1]} : vector<16xi32> to vector<1xi32>
        %squeeze3A_341 = vector.extract %slice3A_340[0] : i32 from vector<1xi32>
        %and3A_342 = arith.andi %squeeze3A_341, %scan3A_10 : i32
        %swap3A_343 = arith.index_cast %and3A_342 : i32 to index
        %swap3A_344 = tpu.vector_load %arg6[%swap3A_343] {strides = array<i32>} : memref<4096xf32, #tpu.memory_space<vmem>>, vector<16xf32>,
        %swap3A_345 = vector.shape_cast %swap3A_344 : vector<16xf32> to vector<16xf32>
        %swap3A_346 = vector.shape_cast %broadcast_in_dim3A_3 : vector<16xf32> to vector<16xf32>
        tpu.vector_store %arg6[%swap3A_343], %swap3A_346 {strides = array<i32>} : memref<4096xf32, #tpu.memory_space<vmem>>, vector<16xf32>,
        %slice3A_347 = vector.extract_strided_slice %get3A_272 {offsets = [10], sizes = [1], strides = [1]} : vector<16xi32> to vector<1xi32>
        %squeeze3A_348 = vector.extract %slice3A_347[0] : i32 from vector<1xi32>
        %and3A_349 = arith.andi %squeeze3A_348, %scan3A_10 : i32
        %swap3A_350 = arith.index_cast %and3A_349 : i32 to index
        %swap3A_351 = tpu.vector_load %arg6[%swap3A_350] {strides = array<i32>} : memref<4096xf32, #tpu.memory_space<vmem>>, vector<16xf32>,
        %swap3A_352 = vector.shape_cast %swap3A_351 : vector<16xf32> to vector<16xf32>
        %swap3A_353 = vector.shape_cast %broadcast_in_dim3A_3 : vector<16xf32> to vector<16xf32>
        tpu.vector_store %arg6[%swap3A_350], %swap3A_353 {strides = array<i32>} : memref<4096xf32, #tpu.memory_space<vmem>>, vector<16xf32>,
        %slice3A_354 = vector.extract_strided_slice %get3A_272 {offsets = [11], sizes = [1], strides = [1]} : vector<16xi32> to vector<1xi32>
        %squeeze3A_355 = vector.extract %slice3A_354[0] : i32 from vector<1xi32>
        %and3A_356 = arith.andi %squeeze3A_355, %scan3A_10 : i32
        %swap3A_357 = arith.index_cast %and3A_356 : i32 to index
        %swap3A_358 = tpu.vector_load %arg6[%swap3A_357] {strides = array<i32>} : memref<4096xf32, #tpu.memory_space<vmem>>, vector<16xf32>,
        %swap3A_359 = vector.shape_cast %swap3A_358 : vector<16xf32> to vector<16xf32>
        %swap3A_360 = vector.shape_cast %broadcast_in_dim3A_3 : vector<16xf32> to vector<16xf32>
        tpu.vector_store %arg6[%swap3A_357], %swap3A_360 {strides = array<i32>} : memref<4096xf32, #tpu.memory_space<vmem>>, vector<16xf32>,
        %slice3A_361 = vector.extract_strided_slice %get3A_272 {offsets = [12], sizes = [1], strides = [1]} : vector<16xi32> to vector<1xi32>
        %squeeze3A_362 = vector.extract %slice3A_361[0] : i32 from vector<1xi32>
        %and3A_363 = arith.andi %squeeze3A_362, %scan3A_10 : i32
        %swap3A_364 = arith.index_cast %and3A_363 : i32 to index
        %swap3A_365 = tpu.vector_load %arg6[%swap3A_364] {strides = array<i32>} : memref<4096xf32, #tpu.memory_space<vmem>>, vector<16xf32>,
        %swap3A_366 = vector.shape_cast %swap3A_365 : vector<16xf32> to vector<16xf32>
        %swap3A_367 = vector.shape_cast %broadcast_in_dim3A_3 : vector<16xf32> to vector<16xf32>
        tpu.vector_store %arg6[%swap3A_364], %swap3A_367 {strides = array<i32>} : memref<4096xf32, #tpu.memory_space<vmem>>, vector<16xf32>,
        %slice3A_368 = vector.extract_strided_slice %get3A_272 {offsets = [13], sizes = [1], strides = [1]} : vector<16xi32> to vector<1xi32>
        %squeeze3A_369 = vector.extract %slice3A_368[0] : i32 from vector<1xi32>
        %and3A_370 = arith.andi %squeeze3A_369, %scan3A_10 : i32
        %swap3A_371 = arith.index_cast %and3A_370 : i32 to index
        %swap3A_372 = tpu.vector_load %arg6[%swap3A_371] {strides = array<i32>} : memref<4096xf32, #tpu.memory_space<vmem>>, vector<16xf32>,
        %swap3A_373 = vector.shape_cast %swap3A_372 : vector<16xf32> to vector<16xf32>
        %swap3A_374 = vector.shape_cast %broadcast_in_dim3A_3 : vector<16xf32> to vector<16xf32>
        tpu.vector_store %arg6[%swap3A_371], %swap3A_374 {strides = array<i32>} : memref<4096xf32, #tpu.memory_space<vmem>>, vector<16xf32>,
        %slice3A_375 = vector.extract_strided_slice %get3A_272 {offsets = [14], sizes = [1], strides = [1]} : vector<16xi32> to vector<1xi32>
        %squeeze3A_376 = vector.extract %slice3A_375[0] : i32 from vector<1xi32>
        %and3A_377 = arith.andi %squeeze3A_376, %scan3A_10 : i32
        %swap3A_378 = arith.index_cast %and3A_377 : i32 to index
        %swap3A_379 = tpu.vector_load %arg6[%swap3A_378] {strides = array<i32>} : memref<4096xf32, #tpu.memory_space<vmem>>, vector<16xf32>,
        %swap3A_380 = vector.shape_cast %swap3A_379 : vector<16xf32> to vector<16xf32>
        %swap3A_381 = vector.shape_cast %broadcast_in_dim3A_3 : vector<16xf32> to vector<16xf32>
        tpu.vector_store %arg6[%swap3A_378], %swap3A_381 {strides = array<i32>} : memref<4096xf32, #tpu.memory_space<vmem>>, vector<16xf32>,
        %slice3A_382 = vector.extract_strided_slice %get3A_272 {offsets = [15], sizes = [1], strides = [1]} : vector<16xi32> to vector<1xi32>
        %squeeze3A_383 = vector.extract %slice3A_382[0] : i32 from vector<1xi32>
        %and3A_384 = arith.andi %squeeze3A_383, %scan3A_10 : i32
        %swap3A_385 = arith.index_cast %and3A_384 : i32 to index
        %swap3A_386 = tpu.vector_load %arg6[%swap3A_385] {strides = array<i32>} : memref<4096xf32, #tpu.memory_space<vmem>>, vector<16xf32>,
        %swap3A_387 = vector.shape_cast %swap3A_386 : vector<16xf32> to vector<16xf32>
        %swap3A_388 = vector.shape_cast %broadcast_in_dim3A_3 : vector<16xf32> to vector<16xf32>
        tpu.vector_store %arg6[%swap3A_385], %swap3A_388 {strides = array<i32>} : memref<4096xf32, #tpu.memory_space<vmem>>, vector<16xf32>,
        %slice3A_389 = vector.extract_strided_slice %get3A_276 {offsets = [0], sizes = [1], strides = [1]} : vector<16xi32> to vector<1xi32>
        %squeeze3A_390 = vector.extract %slice3A_389[0] : i32 from vector<1xi32>
        %and3A_391 = arith.andi %squeeze3A_390, %scan3A_10 : i32
        %swap3A_392 = arith.index_cast %and3A_391 : i32 to index
        %swap3A_393 = tpu.vector_load %arg6[%swap3A_392] {strides = array<i32>} : memref<4096xf32, #tpu.memory_space<vmem>>, vector<16xf32>,
        %swap3A_394 = vector.shape_cast %swap3A_393 : vector<16xf32> to vector<16xf32>
        %swap3A_395 = vector.shape_cast %broadcast_in_dim3A_3 : vector<16xf32> to vector<16xf32>
        tpu.vector_store %arg6[%swap3A_392], %swap3A_395 {strides = array<i32>} : memref<4096xf32, #tpu.memory_space<vmem>>, vector<16xf32>,
        %slice3A_396 = vector.extract_strided_slice %get3A_276 {offsets = [1], sizes = [1], strides = [1]} : vector<16xi32> to vector<1xi32>
        %squeeze3A_397 = vector.extract %slice3A_396[0] : i32 from vector<1xi32>
        %and3A_398 = arith.andi %squeeze3A_397, %scan3A_10 : i32
        %swap3A_399 = arith.index_cast %and3A_398 : i32 to index
        %swap3A_400 = tpu.vector_load %arg6[%swap3A_399] {strides = array<i32>} : memref<4096xf32, #tpu.memory_space<vmem>>, vector<16xf32>,
        %swap3A_401 = vector.shape_cast %swap3A_400 : vector<16xf32> to vector<16xf32>
        %swap3A_402 = vector.shape_cast %broadcast_in_dim3A_3 : vector<16xf32> to vector<16xf32>
        tpu.vector_store %arg6[%swap3A_399], %swap3A_402 {strides = array<i32>} : memref<4096xf32, #tpu.memory_space<vmem>>, vector<16xf32>,
        %slice3A_403 = vector.extract_strided_slice %get3A_276 {offsets = [2], sizes = [1], strides = [1]} : vector<16xi32> to vector<1xi32>
        %squeeze3A_404 = vector.extract %slice3A_403[0] : i32 from vector<1xi32>
        %and3A_405 = arith.andi %squeeze3A_404, %scan3A_10 : i32
        %swap3A_406 = arith.index_cast %and3A_405 : i32 to index
        %swap3A_407 = tpu.vector_load %arg6[%swap3A_406] {strides = array<i32>} : memref<4096xf32, #tpu.memory_space<vmem>>, vector<16xf32>,
        %swap3A_408 = vector.shape_cast %swap3A_407 : vector<16xf32> to vector<16xf32>
        %swap3A_409 = vector.shape_cast %broadcast_in_dim3A_3 : vector<16xf32> to vector<16xf32>
        tpu.vector_store %arg6[%swap3A_406], %swap3A_409 {strides = array<i32>} : memref<4096xf32, #tpu.memory_space<vmem>>, vector<16xf32>,
        %slice3A_410 = vector.extract_strided_slice %get3A_276 {offsets = [3], sizes = [1], strides = [1]} : vector<16xi32> to vector<1xi32>
        %squeeze3A_411 = vector.extract %slice3A_410[0] : i32 from vector<1xi32>
        %and3A_412 = arith.andi %squeeze3A_411, %scan3A_10 : i32
        %swap3A_413 = arith.index_cast %and3A_412 : i32 to index
        %swap3A_414 = tpu.vector_load %arg6[%swap3A_413] {strides = array<i32>} : memref<4096xf32, #tpu.memory_space<vmem>>, vector<16xf32>,
        %swap3A_415 = vector.shape_cast %swap3A_414 : vector<16xf32> to vector<16xf32>
        %swap3A_416 = vector.shape_cast %broadcast_in_dim3A_3 : vector<16xf32> to vector<16xf32>
        tpu.vector_store %arg6[%swap3A_413], %swap3A_416 {strides = array<i32>} : memref<4096xf32, #tpu.memory_space<vmem>>, vector<16xf32>,
        %slice3A_417 = vector.extract_strided_slice %get3A_276 {offsets = [4], sizes = [1], strides = [1]} : vector<16xi32> to vector<1xi32>
        %squeeze3A_418 = vector.extract %slice3A_417[0] : i32 from vector<1xi32>
        %and3A_419 = arith.andi %squeeze3A_418, %scan3A_10 : i32
        %swap3A_420 = arith.index_cast %and3A_419 : i32 to index
        %swap3A_421 = tpu.vector_load %arg6[%swap3A_420] {strides = array<i32>} : memref<4096xf32, #tpu.memory_space<vmem>>, vector<16xf32>,
        %swap3A_422 = vector.shape_cast %swap3A_421 : vector<16xf32> to vector<16xf32>
        %swap3A_423 = vector.shape_cast %broadcast_in_dim3A_3 : vector<16xf32> to vector<16xf32>
        tpu.vector_store %arg6[%swap3A_420], %swap3A_423 {strides = array<i32>} : memref<4096xf32, #tpu.memory_space<vmem>>, vector<16xf32>,
        %slice3A_424 = vector.extract_strided_slice %get3A_276 {offsets = [5], sizes = [1], strides = [1]} : vector<16xi32> to vector<1xi32>
        %squeeze3A_425 = vector.extract %slice3A_424[0] : i32 from vector<1xi32>
        %and3A_426 = arith.andi %squeeze3A_425, %scan3A_10 : i32
        %swap3A_427 = arith.index_cast %and3A_426 : i32 to index
        %swap3A_428 = tpu.vector_load %arg6[%swap3A_427] {strides = array<i32>} : memref<4096xf32, #tpu.memory_space<vmem>>, vector<16xf32>,
        %swap3A_429 = vector.shape_cast %swap3A_428 : vector<16xf32> to vector<16xf32>
        %swap3A_430 = vector.shape_cast %broadcast_in_dim3A_3 : vector<16xf32> to vector<16xf32>
        tpu.vector_store %arg6[%swap3A_427], %swap3A_430 {strides = array<i32>} : memref<4096xf32, #tpu.memory_space<vmem>>, vector<16xf32>,
        %slice3A_431 = vector.extract_strided_slice %get3A_276 {offsets = [6], sizes = [1], strides = [1]} : vector<16xi32> to vector<1xi32>
        %squeeze3A_432 = vector.extract %slice3A_431[0] : i32 from vector<1xi32>
        %and3A_433 = arith.andi %squeeze3A_432, %scan3A_10 : i32
        %swap3A_434 = arith.index_cast %and3A_433 : i32 to index
        %swap3A_435 = tpu.vector_load %arg6[%swap3A_434] {strides = array<i32>} : memref<4096xf32, #tpu.memory_space<vmem>>, vector<16xf32>,
        %swap3A_436 = vector.shape_cast %swap3A_435 : vector<16xf32> to vector<16xf32>
        %swap3A_437 = vector.shape_cast %broadcast_in_dim3A_3 : vector<16xf32> to vector<16xf32>
        tpu.vector_store %arg6[%swap3A_434], %swap3A_437 {strides = array<i32>} : memref<4096xf32, #tpu.memory_space<vmem>>, vector<16xf32>,
        %slice3A_438 = vector.extract_strided_slice %get3A_276 {offsets = [7], sizes = [1], strides = [1]} : vector<16xi32> to vector<1xi32>
        %squeeze3A_439 = vector.extract %slice3A_438[0] : i32 from vector<1xi32>
        %and3A_440 = arith.andi %squeeze3A_439, %scan3A_10 : i32
        %swap3A_441 = arith.index_cast %and3A_440 : i32 to index
        %swap3A_442 = tpu.vector_load %arg6[%swap3A_441] {strides = array<i32>} : memref<4096xf32, #tpu.memory_space<vmem>>, vector<16xf32>,
        %swap3A_443 = vector.shape_cast %swap3A_442 : vector<16xf32> to vector<16xf32>
        %swap3A_444 = vector.shape_cast %broadcast_in_dim3A_3 : vector<16xf32> to vector<16xf32>
        tpu.vector_store %arg6[%swap3A_441], %swap3A_444 {strides = array<i32>} : memref<4096xf32, #tpu.memory_space<vmem>>, vector<16xf32>,
        %slice3A_445 = vector.extract_strided_slice %get3A_276 {offsets = [8], sizes = [1], strides = [1]} : vector<16xi32> to vector<1xi32>
        %squeeze3A_446 = vector.extract %slice3A_445[0] : i32 from vector<1xi32>
        %and3A_447 = arith.andi %squeeze3A_446, %scan3A_10 : i32
        %swap3A_448 = arith.index_cast %and3A_447 : i32 to index
        %swap3A_449 = tpu.vector_load %arg6[%swap3A_448] {strides = array<i32>} : memref<4096xf32, #tpu.memory_space<vmem>>, vector<16xf32>,
        %swap3A_450 = vector.shape_cast %swap3A_449 : vector<16xf32> to vector<16xf32>
        %swap3A_451 = vector.shape_cast %broadcast_in_dim3A_3 : vector<16xf32> to vector<16xf32>
        tpu.vector_store %arg6[%swap3A_448], %swap3A_451 {strides = array<i32>} : memref<4096xf32, #tpu.memory_space<vmem>>, vector<16xf32>,
        %slice3A_452 = vector.extract_strided_slice %get3A_276 {offsets = [9], sizes = [1], strides = [1]} : vector<16xi32> to vector<1xi32>
        %squeeze3A_453 = vector.extract %slice3A_452[0] : i32 from vector<1xi32>
        %and3A_454 = arith.andi %squeeze3A_453, %scan3A_10 : i32
        %swap3A_455 = arith.index_cast %and3A_454 : i32 to index
        %swap3A_456 = tpu.vector_load %arg6[%swap3A_455] {strides = array<i32>} : memref<4096xf32, #tpu.memory_space<vmem>>, vector<16xf32>,
        %swap3A_457 = vector.shape_cast %swap3A_456 : vector<16xf32> to vector<16xf32>
        %swap3A_458 = vector.shape_cast %broadcast_in_dim3A_3 : vector<16xf32> to vector<16xf32>
        tpu.vector_store %arg6[%swap3A_455], %swap3A_458 {strides = array<i32>} : memref<4096xf32, #tpu.memory_space<vmem>>, vector<16xf32>,
        %slice3A_459 = vector.extract_strided_slice %get3A_276 {offsets = [10], sizes = [1], strides = [1]} : vector<16xi32> to vector<1xi32>
        %squeeze3A_460 = vector.extract %slice3A_459[0] : i32 from vector<1xi32>
        %and3A_461 = arith.andi %squeeze3A_460, %scan3A_10 : i32
        %swap3A_462 = arith.index_cast %and3A_461 : i32 to index
        %swap3A_463 = tpu.vector_load %arg6[%swap3A_462] {strides = array<i32>} : memref<4096xf32, #tpu.memory_space<vmem>>, vector<16xf32>,
        %swap3A_464 = vector.shape_cast %swap3A_463 : vector<16xf32> to vector<16xf32>
        %swap3A_465 = vector.shape_cast %broadcast_in_dim3A_3 : vector<16xf32> to vector<16xf32>
        tpu.vector_store %arg6[%swap3A_462], %swap3A_465 {strides = array<i32>} : memref<4096xf32, #tpu.memory_space<vmem>>, vector<16xf32>,
        %slice3A_466 = vector.extract_strided_slice %get3A_276 {offsets = [11], sizes = [1], strides = [1]} : vector<16xi32> to vector<1xi32>
        %squeeze3A_467 = vector.extract %slice3A_466[0] : i32 from vector<1xi32>
        %and3A_468 = arith.andi %squeeze3A_467, %scan3A_10 : i32
        %swap3A_469 = arith.index_cast %and3A_468 : i32 to index
        %swap3A_470 = tpu.vector_load %arg6[%swap3A_469] {strides = array<i32>} : memref<4096xf32, #tpu.memory_space<vmem>>, vector<16xf32>,
        %swap3A_471 = vector.shape_cast %swap3A_470 : vector<16xf32> to vector<16xf32>
        %swap3A_472 = vector.shape_cast %broadcast_in_dim3A_3 : vector<16xf32> to vector<16xf32>
        tpu.vector_store %arg6[%swap3A_469], %swap3A_472 {strides = array<i32>} : memref<4096xf32, #tpu.memory_space<vmem>>, vector<16xf32>,
        %slice3A_473 = vector.extract_strided_slice %get3A_276 {offsets = [12], sizes = [1], strides = [1]} : vector<16xi32> to vector<1xi32>
        %squeeze3A_474 = vector.extract %slice3A_473[0] : i32 from vector<1xi32>
        %and3A_475 = arith.andi %squeeze3A_474, %scan3A_10 : i32
        %swap3A_476 = arith.index_cast %and3A_475 : i32 to index
        %swap3A_477 = tpu.vector_load %arg6[%swap3A_476] {strides = array<i32>} : memref<4096xf32, #tpu.memory_space<vmem>>, vector<16xf32>,
        %swap3A_478 = vector.shape_cast %swap3A_477 : vector<16xf32> to vector<16xf32>
        %swap3A_479 = vector.shape_cast %broadcast_in_dim3A_3 : vector<16xf32> to vector<16xf32>
        tpu.vector_store %arg6[%swap3A_476], %swap3A_479 {strides = array<i32>} : memref<4096xf32, #tpu.memory_space<vmem>>, vector<16xf32>,
        %slice3A_480 = vector.extract_strided_slice %get3A_276 {offsets = [13], sizes = [1], strides = [1]} : vector<16xi32> to vector<1xi32>
        %squeeze3A_481 = vector.extract %slice3A_480[0] : i32 from vector<1xi32>
        %and3A_482 = arith.andi %squeeze3A_481, %scan3A_10 : i32
        %swap3A_483 = arith.index_cast %and3A_482 : i32 to index
        %swap3A_484 = tpu.vector_load %arg6[%swap3A_483] {strides = array<i32>} : memref<4096xf32, #tpu.memory_space<vmem>>, vector<16xf32>,
        %swap3A_485 = vector.shape_cast %swap3A_484 : vector<16xf32> to vector<16xf32>
        %swap3A_486 = vector.shape_cast %broadcast_in_dim3A_3 : vector<16xf32> to vector<16xf32>
        tpu.vector_store %arg6[%swap3A_483], %swap3A_486 {strides = array<i32>} : memref<4096xf32, #tpu.memory_space<vmem>>, vector<16xf32>,
        %slice3A_487 = vector.extract_strided_slice %get3A_276 {offsets = [14], sizes = [1], strides = [1]} : vector<16xi32> to vector<1xi32>
        %squeeze3A_488 = vector.extract %slice3A_487[0] : i32 from vector<1xi32>
        %and3A_489 = arith.andi %squeeze3A_488, %scan3A_10 : i32
        %swap3A_490 = arith.index_cast %and3A_489 : i32 to index
        %swap3A_491 = tpu.vector_load %arg6[%swap3A_490] {strides = array<i32>} : memref<4096xf32, #tpu.memory_space<vmem>>, vector<16xf32>,
        %swap3A_492 = vector.shape_cast %swap3A_491 : vector<16xf32> to vector<16xf32>
        %swap3A_493 = vector.shape_cast %broadcast_in_dim3A_3 : vector<16xf32> to vector<16xf32>
        tpu.vector_store %arg6[%swap3A_490], %swap3A_493 {strides = array<i32>} : memref<4096xf32, #tpu.memory_space<vmem>>, vector<16xf32>,
        %slice3A_494 = vector.extract_strided_slice %get3A_276 {offsets = [15], sizes = [1], strides = [1]} : vector<16xi32> to vector<1xi32>
        %squeeze3A_495 = vector.extract %slice3A_494[0] : i32 from vector<1xi32>
        %and3A_496 = arith.andi %squeeze3A_495, %scan3A_10 : i32
        %swap3A_497 = arith.index_cast %and3A_496 : i32 to index
        %swap3A_498 = tpu.vector_load %arg6[%swap3A_497] {strides = array<i32>} : memref<4096xf32, #tpu.memory_space<vmem>>, vector<16xf32>,
        %swap3A_499 = vector.shape_cast %swap3A_498 : vector<16xf32> to vector<16xf32>
        %swap3A_500 = vector.shape_cast %broadcast_in_dim3A_3 : vector<16xf32> to vector<16xf32>
        tpu.vector_store %arg6[%swap3A_497], %swap3A_500 {strides = array<i32>} : memref<4096xf32, #tpu.memory_space<vmem>>, vector<16xf32>,
      } else {
      }
      %lt3A = arith.constant 64 : i32
      %lt3A_20 = arith.cmpi slt, %scan3A_17, %lt3A : i32
      %convert_element_type3A_21 = arith.extui %lt3A_20 : i1 to i32
      %cond3A_22 = arith.constant 0 : i32
      %cond3A_23 = arith.cmpi ne, %convert_element_type3A_21, %cond3A_22 : i32
      scf.if %cond3A_23 {
        %mul3A_24 = arith.constant 2 : i32
        %mul3A_25 = arith.muli %mul3A_24, %scan3A_17 : i32
        %mul3A_26 = arith.constant 2 : i32
        %mul3A_27 = arith.muli %mul3A_26, %scan3A_17 : i32
        %add3A_28 = arith.constant 1 : i32
        %add3A_29 = arith.addi %mul3A_27, %add3A_28 : i32
        %get3A = arith.index_cast %mul3A_25 : i32 to index
        %get3A_30 = arith.constant 0 : index
        %get3A_31 = tpu.vector_load %arg4[%get3A, %get3A_30] {strides = array<i32>} : memref<128x32xi32, #tpu.memory_space<vmem>>, vector<1x16xi32>,
        %get3A_32 = vector.shape_cast %get3A_31 : vector<1x16xi32> to vector<16xi32>
        %get3A_33 = arith.index_cast %mul3A_25 : i32 to index
        %get3A_34 = arith.constant 16 : index
        %get3A_35 = tpu.vector_load %arg4[%get3A_33, %get3A_34] {strides = array<i32>} : memref<128x32xi32, #tpu.memory_space<vmem>>, vector<1x16xi32>,
        %get3A_36 = vector.shape_cast %get3A_35 : vector<1x16xi32> to vector<16xi32>
        %slice3A = vector.extract_strided_slice %get3A_32 {offsets = [0], sizes = [1], strides = [1]} : vector<16xi32> to vector<1xi32>
        %squeeze3A = vector.extract %slice3A[0] : i32 from vector<1xi32>
        %and3A = arith.andi %squeeze3A, %scan3A_10 : i32
        %and3A_37 = arith.andi %squeeze3A, %scan3A_11 : i32
        %eq3A = vector.broadcast %and3A_37 : i32 to vector<16xi32>
        %eq3A_38 = arith.cmpi eq, %iota3A, %eq3A : vector<16xi32>
        %jit3A = arith.constant 1.000000e+00 : f32
        %jit3A_39 = arith.constant 0.000000e+00 : f32
        %broadcast_in_dim3A_40 = vector.broadcast %jit3A : f32 to vector<16xf32>
        %broadcast_in_dim3A_41 = vector.broadcast %jit3A_39 : f32 to vector<16xf32>
        %select_n3A = arith.select %eq3A_38, %broadcast_in_dim3A_40, %broadcast_in_dim3A_41 : vector<16xi1>, vector<16xf32>
        %get3A_42 = arith.index_cast %and3A : i32 to index
        %get3A_43 = tpu.vector_load %arg5[%get3A_42] {strides = array<i32>} : memref<4096xf32, #tpu.memory_space<vmem>>, vector<16xf32>,
        %get3A_44 = vector.shape_cast %get3A_43 : vector<16xf32> to vector<16xf32>
        %add3A_45 = arith.addf %get3A_44, %select_n3A : vector<16xf32>
        %swap3A = arith.index_cast %and3A : i32 to index
        %swap3A_46 = tpu.vector_load %arg5[%swap3A] {strides = array<i32>} : memref<4096xf32, #tpu.memory_space<vmem>>, vector<16xf32>,
        %swap3A_47 = vector.shape_cast %swap3A_46 : vector<16xf32> to vector<16xf32>
        %swap3A_48 = vector.shape_cast %add3A_45 : vector<16xf32> to vector<16xf32>
        tpu.vector_store %arg5[%swap3A], %swap3A_48 {strides = array<i32>} : memref<4096xf32, #tpu.memory_space<vmem>>, vector<16xf32>,
        %slice3A_49 = vector.extract_strided_slice %get3A_32 {offsets = [1], sizes = [1], strides = [1]} : vector<16xi32> to vector<1xi32>
        %squeeze3A_50 = vector.extract %slice3A_49[0] : i32 from vector<1xi32>
        %and3A_51 = arith.andi %squeeze3A_50, %scan3A_10 : i32
        %and3A_52 = arith.andi %squeeze3A_50, %scan3A_11 : i32
        %eq3A_53 = vector.broadcast %and3A_52 : i32 to vector<16xi32>
        %eq3A_54 = arith.cmpi eq, %iota3A, %eq3A_53 : vector<16xi32>
        %jit3A_55 = arith.constant 1.000000e+00 : f32
        %jit3A_56 = arith.constant 0.000000e+00 : f32
        %broadcast_in_dim3A_57 = vector.broadcast %jit3A_55 : f32 to vector<16xf32>
        %broadcast_in_dim3A_58 = vector.broadcast %jit3A_56 : f32 to vector<16xf32>
        %select_n3A_59 = arith.select %eq3A_54, %broadcast_in_dim3A_57, %broadcast_in_dim3A_58 : vector<16xi1>, vector<16xf32>
        %get3A_60 = arith.index_cast %and3A_51 : i32 to index
        %get3A_61 = tpu.vector_load %arg5[%get3A_60] {strides = array<i32>} : memref<4096xf32, #tpu.memory_space<vmem>>, vector<16xf32>,
        %get3A_62 = vector.shape_cast %get3A_61 : vector<16xf32> to vector<16xf32>
        %add3A_63 = arith.addf %get3A_62, %select_n3A_59 : vector<16xf32>
        %swap3A_64 = arith.index_cast %and3A_51 : i32 to index
        %swap3A_65 = tpu.vector_load %arg5[%swap3A_64] {strides = array<i32>} : memref<4096xf32, #tpu.memory_space<vmem>>, vector<16xf32>,
        %swap3A_66 = vector.shape_cast %swap3A_65 : vector<16xf32> to vector<16xf32>
        %swap3A_67 = vector.shape_cast %add3A_63 : vector<16xf32> to vector<16xf32>
        tpu.vector_store %arg5[%swap3A_64], %swap3A_67 {strides = array<i32>} : memref<4096xf32, #tpu.memory_space<vmem>>, vector<16xf32>,
        %slice3A_68 = vector.extract_strided_slice %get3A_32 {offsets = [2], sizes = [1], strides = [1]} : vector<16xi32> to vector<1xi32>
        %squeeze3A_69 = vector.extract %slice3A_68[0] : i32 from vector<1xi32>
        %and3A_70 = arith.andi %squeeze3A_69, %scan3A_10 : i32
        %and3A_71 = arith.andi %squeeze3A_69, %scan3A_11 : i32
        %eq3A_72 = vector.broadcast %and3A_71 : i32 to vector<16xi32>
        %eq3A_73 = arith.cmpi eq, %iota3A, %eq3A_72 : vector<16xi32>
        %jit3A_74 = arith.constant 1.000000e+00 : f32
        %jit3A_75 = arith.constant 0.000000e+00 : f32
        %broadcast_in_dim3A_76 = vector.broadcast %jit3A_74 : f32 to vector<16xf32>
        %broadcast_in_dim3A_77 = vector.broadcast %jit3A_75 : f32 to vector<16xf32>
        %select_n3A_78 = arith.select %eq3A_73, %broadcast_in_dim3A_76, %broadcast_in_dim3A_77 : vector<16xi1>, vector<16xf32>
        %get3A_79 = arith.index_cast %and3A_70 : i32 to index
        %get3A_80 = tpu.vector_load %arg5[%get3A_79] {strides = array<i32>} : memref<4096xf32, #tpu.memory_space<vmem>>, vector<16xf32>,
        %get3A_81 = vector.shape_cast %get3A_80 : vector<16xf32> to vector<16xf32>
        %add3A_82 = arith.addf %get3A_81, %select_n3A_78 : vector<16xf32>
        %swap3A_83 = arith.index_cast %and3A_70 : i32 to index
        %swap3A_84 = tpu.vector_load %arg5[%swap3A_83] {strides = array<i32>} : memref<4096xf32, #tpu.memory_space<vmem>>, vector<16xf32>,
        %swap3A_85 = vector.shape_cast %swap3A_84 : vector<16xf32> to vector<16xf32>
        %swap3A_86 = vector.shape_cast %add3A_82 : vector<16xf32> to vector<16xf32>
        tpu.vector_store %arg5[%swap3A_83], %swap3A_86 {strides = array<i32>} : memref<4096xf32, #tpu.memory_space<vmem>>, vector<16xf32>,
        %slice3A_87 = vector.extract_strided_slice %get3A_32 {offsets = [3], sizes = [1], strides = [1]} : vector<16xi32> to vector<1xi32>
        %squeeze3A_88 = vector.extract %slice3A_87[0] : i32 from vector<1xi32>
        %and3A_89 = arith.andi %squeeze3A_88, %scan3A_10 : i32
        %and3A_90 = arith.andi %squeeze3A_88, %scan3A_11 : i32
        %eq3A_91 = vector.broadcast %and3A_90 : i32 to vector<16xi32>
        %eq3A_92 = arith.cmpi eq, %iota3A, %eq3A_91 : vector<16xi32>
        %jit3A_93 = arith.constant 1.000000e+00 : f32
        %jit3A_94 = arith.constant 0.000000e+00 : f32
        %broadcast_in_dim3A_95 = vector.broadcast %jit3A_93 : f32 to vector<16xf32>
        %broadcast_in_dim3A_96 = vector.broadcast %jit3A_94 : f32 to vector<16xf32>
        %select_n3A_97 = arith.select %eq3A_92, %broadcast_in_dim3A_95, %broadcast_in_dim3A_96 : vector<16xi1>, vector<16xf32>
        %get3A_98 = arith.index_cast %and3A_89 : i32 to index
        %get3A_99 = tpu.vector_load %arg5[%get3A_98] {strides = array<i32>} : memref<4096xf32, #tpu.memory_space<vmem>>, vector<16xf32>,
        %get3A_100 = vector.shape_cast %get3A_99 : vector<16xf32> to vector<16xf32>
        %add3A_101 = arith.addf %get3A_100, %select_n3A_97 : vector<16xf32>
        %swap3A_102 = arith.index_cast %and3A_89 : i32 to index
        %swap3A_103 = tpu.vector_load %arg5[%swap3A_102] {strides = array<i32>} : memref<4096xf32, #tpu.memory_space<vmem>>, vector<16xf32>,
        %swap3A_104 = vector.shape_cast %swap3A_103 : vector<16xf32> to vector<16xf32>
        %swap3A_105 = vector.shape_cast %add3A_101 : vector<16xf32> to vector<16xf32>
        tpu.vector_store %arg5[%swap3A_102], %swap3A_105 {strides = array<i32>} : memref<4096xf32, #tpu.memory_space<vmem>>, vector<16xf32>,
        %slice3A_106 = vector.extract_strided_slice %get3A_32 {offsets = [4], sizes = [1], strides = [1]} : vector<16xi32> to vector<1xi32>
        %squeeze3A_107 = vector.extract %slice3A_106[0] : i32 from vector<1xi32>
        %and3A_108 = arith.andi %squeeze3A_107, %scan3A_10 : i32
        %and3A_109 = arith.andi %squeeze3A_107, %scan3A_11 : i32
        %eq3A_110 = vector.broadcast %and3A_109 : i32 to vector<16xi32>
        %eq3A_111 = arith.cmpi eq, %iota3A, %eq3A_110 : vector<16xi32>
        %jit3A_112 = arith.constant 1.000000e+00 : f32
        %jit3A_113 = arith.constant 0.000000e+00 : f32
        %broadcast_in_dim3A_114 = vector.broadcast %jit3A_112 : f32 to vector<16xf32>
        %broadcast_in_dim3A_115 = vector.broadcast %jit3A_113 : f32 to vector<16xf32>
        %select_n3A_116 = arith.select %eq3A_111, %broadcast_in_dim3A_114, %broadcast_in_dim3A_115 : vector<16xi1>, vector<16xf32>
        %get3A_117 = arith.index_cast %and3A_108 : i32 to index
        %get3A_118 = tpu.vector_load %arg5[%get3A_117] {strides = array<i32>} : memref<4096xf32, #tpu.memory_space<vmem>>, vector<16xf32>,
        %get3A_119 = vector.shape_cast %get3A_118 : vector<16xf32> to vector<16xf32>
        %add3A_120 = arith.addf %get3A_119, %select_n3A_116 : vector<16xf32>
        %swap3A_121 = arith.index_cast %and3A_108 : i32 to index
        %swap3A_122 = tpu.vector_load %arg5[%swap3A_121] {strides = array<i32>} : memref<4096xf32, #tpu.memory_space<vmem>>, vector<16xf32>,
        %swap3A_123 = vector.shape_cast %swap3A_122 : vector<16xf32> to vector<16xf32>
        %swap3A_124 = vector.shape_cast %add3A_120 : vector<16xf32> to vector<16xf32>
        tpu.vector_store %arg5[%swap3A_121], %swap3A_124 {strides = array<i32>} : memref<4096xf32, #tpu.memory_space<vmem>>, vector<16xf32>,
        %slice3A_125 = vector.extract_strided_slice %get3A_32 {offsets = [5], sizes = [1], strides = [1]} : vector<16xi32> to vector<1xi32>
        %squeeze3A_126 = vector.extract %slice3A_125[0] : i32 from vector<1xi32>
        %and3A_127 = arith.andi %squeeze3A_126, %scan3A_10 : i32
        %and3A_128 = arith.andi %squeeze3A_126, %scan3A_11 : i32
        %eq3A_129 = vector.broadcast %and3A_128 : i32 to vector<16xi32>
        %eq3A_130 = arith.cmpi eq, %iota3A, %eq3A_129 : vector<16xi32>
        %jit3A_131 = arith.constant 1.000000e+00 : f32
        %jit3A_132 = arith.constant 0.000000e+00 : f32
        %broadcast_in_dim3A_133 = vector.broadcast %jit3A_131 : f32 to vector<16xf32>
        %broadcast_in_dim3A_134 = vector.broadcast %jit3A_132 : f32 to vector<16xf32>
        %select_n3A_135 = arith.select %eq3A_130, %broadcast_in_dim3A_133, %broadcast_in_dim3A_134 : vector<16xi1>, vector<16xf32>
        %get3A_136 = arith.index_cast %and3A_127 : i32 to index
        %get3A_137 = tpu.vector_load %arg5[%get3A_136] {strides = array<i32>} : memref<4096xf32, #tpu.memory_space<vmem>>, vector<16xf32>,
        %get3A_138 = vector.shape_cast %get3A_137 : vector<16xf32> to vector<16xf32>
        %add3A_139 = arith.addf %get3A_138, %select_n3A_135 : vector<16xf32>
        %swap3A_140 = arith.index_cast %and3A_127 : i32 to index
        %swap3A_141 = tpu.vector_load %arg5[%swap3A_140] {strides = array<i32>} : memref<4096xf32, #tpu.memory_space<vmem>>, vector<16xf32>,
        %swap3A_142 = vector.shape_cast %swap3A_141 : vector<16xf32> to vector<16xf32>
        %swap3A_143 = vector.shape_cast %add3A_139 : vector<16xf32> to vector<16xf32>
        tpu.vector_store %arg5[%swap3A_140], %swap3A_143 {strides = array<i32>} : memref<4096xf32, #tpu.memory_space<vmem>>, vector<16xf32>,
        %slice3A_144 = vector.extract_strided_slice %get3A_32 {offsets = [6], sizes = [1], strides = [1]} : vector<16xi32> to vector<1xi32>
        %squeeze3A_145 = vector.extract %slice3A_144[0] : i32 from vector<1xi32>
        %and3A_146 = arith.andi %squeeze3A_145, %scan3A_10 : i32
        %and3A_147 = arith.andi %squeeze3A_145, %scan3A_11 : i32
        %eq3A_148 = vector.broadcast %and3A_147 : i32 to vector<16xi32>
        %eq3A_149 = arith.cmpi eq, %iota3A, %eq3A_148 : vector<16xi32>
        %jit3A_150 = arith.constant 1.000000e+00 : f32
        %jit3A_151 = arith.constant 0.000000e+00 : f32
        %broadcast_in_dim3A_152 = vector.broadcast %jit3A_150 : f32 to vector<16xf32>
        %broadcast_in_dim3A_153 = vector.broadcast %jit3A_151 : f32 to vector<16xf32>
        %select_n3A_154 = arith.select %eq3A_149, %broadcast_in_dim3A_152, %broadcast_in_dim3A_153 : vector<16xi1>, vector<16xf32>
        %get3A_155 = arith.index_cast %and3A_146 : i32 to index
        %get3A_156 = tpu.vector_load %arg5[%get3A_155] {strides = array<i32>} : memref<4096xf32, #tpu.memory_space<vmem>>, vector<16xf32>,
        %get3A_157 = vector.shape_cast %get3A_156 : vector<16xf32> to vector<16xf32>
        %add3A_158 = arith.addf %get3A_157, %select_n3A_154 : vector<16xf32>
        %swap3A_159 = arith.index_cast %and3A_146 : i32 to index
        %swap3A_160 = tpu.vector_load %arg5[%swap3A_159] {strides = array<i32>} : memref<4096xf32, #tpu.memory_space<vmem>>, vector<16xf32>,
        %swap3A_161 = vector.shape_cast %swap3A_160 : vector<16xf32> to vector<16xf32>
        %swap3A_162 = vector.shape_cast %add3A_158 : vector<16xf32> to vector<16xf32>
        tpu.vector_store %arg5[%swap3A_159], %swap3A_162 {strides = array<i32>} : memref<4096xf32, #tpu.memory_space<vmem>>, vector<16xf32>,
        %slice3A_163 = vector.extract_strided_slice %get3A_32 {offsets = [7], sizes = [1], strides = [1]} : vector<16xi32> to vector<1xi32>
        %squeeze3A_164 = vector.extract %slice3A_163[0] : i32 from vector<1xi32>
        %and3A_165 = arith.andi %squeeze3A_164, %scan3A_10 : i32
        %and3A_166 = arith.andi %squeeze3A_164, %scan3A_11 : i32
        %eq3A_167 = vector.broadcast %and3A_166 : i32 to vector<16xi32>
        %eq3A_168 = arith.cmpi eq, %iota3A, %eq3A_167 : vector<16xi32>
        %jit3A_169 = arith.constant 1.000000e+00 : f32
        %jit3A_170 = arith.constant 0.000000e+00 : f32
        %broadcast_in_dim3A_171 = vector.broadcast %jit3A_169 : f32 to vector<16xf32>
        %broadcast_in_dim3A_172 = vector.broadcast %jit3A_170 : f32 to vector<16xf32>
        %select_n3A_173 = arith.select %eq3A_168, %broadcast_in_dim3A_171, %broadcast_in_dim3A_172 : vector<16xi1>, vector<16xf32>
        %get3A_174 = arith.index_cast %and3A_165 : i32 to index
        %get3A_175 = tpu.vector_load %arg5[%get3A_174] {strides = array<i32>} : memref<4096xf32, #tpu.memory_space<vmem>>, vector<16xf32>,
        %get3A_176 = vector.shape_cast %get3A_175 : vector<16xf32> to vector<16xf32>
        %add3A_177 = arith.addf %get3A_176, %select_n3A_173 : vector<16xf32>
        %swap3A_178 = arith.index_cast %and3A_165 : i32 to index
        %swap3A_179 = tpu.vector_load %arg5[%swap3A_178] {strides = array<i32>} : memref<4096xf32, #tpu.memory_space<vmem>>, vector<16xf32>,
        %swap3A_180 = vector.shape_cast %swap3A_179 : vector<16xf32> to vector<16xf32>
        %swap3A_181 = vector.shape_cast %add3A_177 : vector<16xf32> to vector<16xf32>
        tpu.vector_store %arg5[%swap3A_178], %swap3A_181 {strides = array<i32>} : memref<4096xf32, #tpu.memory_space<vmem>>, vector<16xf32>,
        %slice3A_182 = vector.extract_strided_slice %get3A_32 {offsets = [8], sizes = [1], strides = [1]} : vector<16xi32> to vector<1xi32>
        %squeeze3A_183 = vector.extract %slice3A_182[0] : i32 from vector<1xi32>
        %and3A_184 = arith.andi %squeeze3A_183, %scan3A_10 : i32
        %and3A_185 = arith.andi %squeeze3A_183, %scan3A_11 : i32
        %eq3A_186 = vector.broadcast %and3A_185 : i32 to vector<16xi32>
        %eq3A_187 = arith.cmpi eq, %iota3A, %eq3A_186 : vector<16xi32>
        %jit3A_188 = arith.constant 1.000000e+00 : f32
        %jit3A_189 = arith.constant 0.000000e+00 : f32
        %broadcast_in_dim3A_190 = vector.broadcast %jit3A_188 : f32 to vector<16xf32>
        %broadcast_in_dim3A_191 = vector.broadcast %jit3A_189 : f32 to vector<16xf32>
        %select_n3A_192 = arith.select %eq3A_187, %broadcast_in_dim3A_190, %broadcast_in_dim3A_191 : vector<16xi1>, vector<16xf32>
        %get3A_193 = arith.index_cast %and3A_184 : i32 to index
        %get3A_194 = tpu.vector_load %arg5[%get3A_193] {strides = array<i32>} : memref<4096xf32, #tpu.memory_space<vmem>>, vector<16xf32>,
        %get3A_195 = vector.shape_cast %get3A_194 : vector<16xf32> to vector<16xf32>
        %add3A_196 = arith.addf %get3A_195, %select_n3A_192 : vector<16xf32>
        %swap3A_197 = arith.index_cast %and3A_184 : i32 to index
        %swap3A_198 = tpu.vector_load %arg5[%swap3A_197] {strides = array<i32>} : memref<4096xf32, #tpu.memory_space<vmem>>, vector<16xf32>,
        %swap3A_199 = vector.shape_cast %swap3A_198 : vector<16xf32> to vector<16xf32>
        %swap3A_200 = vector.shape_cast %add3A_196 : vector<16xf32> to vector<16xf32>
        tpu.vector_store %arg5[%swap3A_197], %swap3A_200 {strides = array<i32>} : memref<4096xf32, #tpu.memory_space<vmem>>, vector<16xf32>,
        %slice3A_201 = vector.extract_strided_slice %get3A_32 {offsets = [9], sizes = [1], strides = [1]} : vector<16xi32> to vector<1xi32>
        %squeeze3A_202 = vector.extract %slice3A_201[0] : i32 from vector<1xi32>
        %and3A_203 = arith.andi %squeeze3A_202, %scan3A_10 : i32
        %and3A_204 = arith.andi %squeeze3A_202, %scan3A_11 : i32
        %eq3A_205 = vector.broadcast %and3A_204 : i32 to vector<16xi32>
        %eq3A_206 = arith.cmpi eq, %iota3A, %eq3A_205 : vector<16xi32>
        %jit3A_207 = arith.constant 1.000000e+00 : f32
        %jit3A_208 = arith.constant 0.000000e+00 : f32
        %broadcast_in_dim3A_209 = vector.broadcast %jit3A_207 : f32 to vector<16xf32>
        %broadcast_in_dim3A_210 = vector.broadcast %jit3A_208 : f32 to vector<16xf32>
        %select_n3A_211 = arith.select %eq3A_206, %broadcast_in_dim3A_209, %broadcast_in_dim3A_210 : vector<16xi1>, vector<16xf32>
        %get3A_212 = arith.index_cast %and3A_203 : i32 to index
        %get3A_213 = tpu.vector_load %arg5[%get3A_212] {strides = array<i32>} : memref<4096xf32, #tpu.memory_space<vmem>>, vector<16xf32>,
        %get3A_214 = vector.shape_cast %get3A_213 : vector<16xf32> to vector<16xf32>
        %add3A_215 = arith.addf %get3A_214, %select_n3A_211 : vector<16xf32>
        %swap3A_216 = arith.index_cast %and3A_203 : i32 to index
        %swap3A_217 = tpu.vector_load %arg5[%swap3A_216] {strides = array<i32>} : memref<4096xf32, #tpu.memory_space<vmem>>, vector<16xf32>,
        %swap3A_218 = vector.shape_cast %swap3A_217 : vector<16xf32> to vector<16xf32>
        %swap3A_219 = vector.shape_cast %add3A_215 : vector<16xf32> to vector<16xf32>
        tpu.vector_store %arg5[%swap3A_216], %swap3A_219 {strides = array<i32>} : memref<4096xf32, #tpu.memory_space<vmem>>, vector<16xf32>,
        %slice3A_220 = vector.extract_strided_slice %get3A_32 {offsets = [10], sizes = [1], strides = [1]} : vector<16xi32> to vector<1xi32>
        %squeeze3A_221 = vector.extract %slice3A_220[0] : i32 from vector<1xi32>
        %and3A_222 = arith.andi %squeeze3A_221, %scan3A_10 : i32
        %and3A_223 = arith.andi %squeeze3A_221, %scan3A_11 : i32
        %eq3A_224 = vector.broadcast %and3A_223 : i32 to vector<16xi32>
        %eq3A_225 = arith.cmpi eq, %iota3A, %eq3A_224 : vector<16xi32>
        %jit3A_226 = arith.constant 1.000000e+00 : f32
        %jit3A_227 = arith.constant 0.000000e+00 : f32
        %broadcast_in_dim3A_228 = vector.broadcast %jit3A_226 : f32 to vector<16xf32>
        %broadcast_in_dim3A_229 = vector.broadcast %jit3A_227 : f32 to vector<16xf32>
        %select_n3A_230 = arith.select %eq3A_225, %broadcast_in_dim3A_228, %broadcast_in_dim3A_229 : vector<16xi1>, vector<16xf32>
        %get3A_231 = arith.index_cast %and3A_222 : i32 to index
        %get3A_232 = tpu.vector_load %arg5[%get3A_231] {strides = array<i32>} : memref<4096xf32, #tpu.memory_space<vmem>>, vector<16xf32>,
        %get3A_233 = vector.shape_cast %get3A_232 : vector<16xf32> to vector<16xf32>
        %add3A_234 = arith.addf %get3A_233, %select_n3A_230 : vector<16xf32>
        %swap3A_235 = arith.index_cast %and3A_222 : i32 to index
        %swap3A_236 = tpu.vector_load %arg5[%swap3A_235] {strides = array<i32>} : memref<4096xf32, #tpu.memory_space<vmem>>, vector<16xf32>,
        %swap3A_237 = vector.shape_cast %swap3A_236 : vector<16xf32> to vector<16xf32>
        %swap3A_238 = vector.shape_cast %add3A_234 : vector<16xf32> to vector<16xf32>
        tpu.vector_store %arg5[%swap3A_235], %swap3A_238 {strides = array<i32>} : memref<4096xf32, #tpu.memory_space<vmem>>, vector<16xf32>,
        %slice3A_239 = vector.extract_strided_slice %get3A_32 {offsets = [11], sizes = [1], strides = [1]} : vector<16xi32> to vector<1xi32>
        %squeeze3A_240 = vector.extract %slice3A_239[0] : i32 from vector<1xi32>
        %and3A_241 = arith.andi %squeeze3A_240, %scan3A_10 : i32
        %and3A_242 = arith.andi %squeeze3A_240, %scan3A_11 : i32
        %eq3A_243 = vector.broadcast %and3A_242 : i32 to vector<16xi32>
        %eq3A_244 = arith.cmpi eq, %iota3A, %eq3A_243 : vector<16xi32>
        %jit3A_245 = arith.constant 1.000000e+00 : f32
        %jit3A_246 = arith.constant 0.000000e+00 : f32
        %broadcast_in_dim3A_247 = vector.broadcast %jit3A_245 : f32 to vector<16xf32>
        %broadcast_in_dim3A_248 = vector.broadcast %jit3A_246 : f32 to vector<16xf32>
        %select_n3A_249 = arith.select %eq3A_244, %broadcast_in_dim3A_247, %broadcast_in_dim3A_248 : vector<16xi1>, vector<16xf32>
        %get3A_250 = arith.index_cast %and3A_241 : i32 to index
        %get3A_251 = tpu.vector_load %arg5[%get3A_250] {strides = array<i32>} : memref<4096xf32, #tpu.memory_space<vmem>>, vector<16xf32>,
        %get3A_252 = vector.shape_cast %get3A_251 : vector<16xf32> to vector<16xf32>
        %add3A_253 = arith.addf %get3A_252, %select_n3A_249 : vector<16xf32>
        %swap3A_254 = arith.index_cast %and3A_241 : i32 to index
        %swap3A_255 = tpu.vector_load %arg5[%swap3A_254] {strides = array<i32>} : memref<4096xf32, #tpu.memory_space<vmem>>, vector<16xf32>,
        %swap3A_256 = vector.shape_cast %swap3A_255 : vector<16xf32> to vector<16xf32>
        %swap3A_257 = vector.shape_cast %add3A_253 : vector<16xf32> to vector<16xf32>
        tpu.vector_store %arg5[%swap3A_254], %swap3A_257 {strides = array<i32>} : memref<4096xf32, #tpu.memory_space<vmem>>, vector<16xf32>,
        %slice3A_258 = vector.extract_strided_slice %get3A_32 {offsets = [12], sizes = [1], strides = [1]} : vector<16xi32> to vector<1xi32>
        %squeeze3A_259 = vector.extract %slice3A_258[0] : i32 from vector<1xi32>
        %and3A_260 = arith.andi %squeeze3A_259, %scan3A_10 : i32
        %and3A_261 = arith.andi %squeeze3A_259, %scan3A_11 : i32
        %eq3A_262 = vector.broadcast %and3A_261 : i32 to vector<16xi32>
        %eq3A_263 = arith.cmpi eq, %iota3A, %eq3A_262 : vector<16xi32>
        %jit3A_264 = arith.constant 1.000000e+00 : f32
        %jit3A_265 = arith.constant 0.000000e+00 : f32
        %broadcast_in_dim3A_266 = vector.broadcast %jit3A_264 : f32 to vector<16xf32>
        %broadcast_in_dim3A_267 = vector.broadcast %jit3A_265 : f32 to vector<16xf32>
        %select_n3A_268 = arith.select %eq3A_263, %broadcast_in_dim3A_266, %broadcast_in_dim3A_267 : vector<16xi1>, vector<16xf32>
        %get3A_269 = arith.index_cast %and3A_260 : i32 to index
        %get3A_270 = tpu.vector_load %arg5[%get3A_269] {strides = array<i32>} : memref<4096xf32, #tpu.memory_space<vmem>>, vector<16xf32>,
        %get3A_271 = vector.shape_cast %get3A_270 : vector<16xf32> to vector<16xf32>
        %add3A_272 = arith.addf %get3A_271, %select_n3A_268 : vector<16xf32>
        %swap3A_273 = arith.index_cast %and3A_260 : i32 to index
        %swap3A_274 = tpu.vector_load %arg5[%swap3A_273] {strides = array<i32>} : memref<4096xf32, #tpu.memory_space<vmem>>, vector<16xf32>,
        %swap3A_275 = vector.shape_cast %swap3A_274 : vector<16xf32> to vector<16xf32>
        %swap3A_276 = vector.shape_cast %add3A_272 : vector<16xf32> to vector<16xf32>
        tpu.vector_store %arg5[%swap3A_273], %swap3A_276 {strides = array<i32>} : memref<4096xf32, #tpu.memory_space<vmem>>, vector<16xf32>,
        %slice3A_277 = vector.extract_strided_slice %get3A_32 {offsets = [13], sizes = [1], strides = [1]} : vector<16xi32> to vector<1xi32>
        %squeeze3A_278 = vector.extract %slice3A_277[0] : i32 from vector<1xi32>
        %and3A_279 = arith.andi %squeeze3A_278, %scan3A_10 : i32
        %and3A_280 = arith.andi %squeeze3A_278, %scan3A_11 : i32
        %eq3A_281 = vector.broadcast %and3A_280 : i32 to vector<16xi32>
        %eq3A_282 = arith.cmpi eq, %iota3A, %eq3A_281 : vector<16xi32>
        %jit3A_283 = arith.constant 1.000000e+00 : f32
        %jit3A_284 = arith.constant 0.000000e+00 : f32
        %broadcast_in_dim3A_285 = vector.broadcast %jit3A_283 : f32 to vector<16xf32>
        %broadcast_in_dim3A_286 = vector.broadcast %jit3A_284 : f32 to vector<16xf32>
        %select_n3A_287 = arith.select %eq3A_282, %broadcast_in_dim3A_285, %broadcast_in_dim3A_286 : vector<16xi1>, vector<16xf32>
        %get3A_288 = arith.index_cast %and3A_279 : i32 to index
        %get3A_289 = tpu.vector_load %arg5[%get3A_288] {strides = array<i32>} : memref<4096xf32, #tpu.memory_space<vmem>>, vector<16xf32>,
        %get3A_290 = vector.shape_cast %get3A_289 : vector<16xf32> to vector<16xf32>
        %add3A_291 = arith.addf %get3A_290, %select_n3A_287 : vector<16xf32>
        %swap3A_292 = arith.index_cast %and3A_279 : i32 to index
        %swap3A_293 = tpu.vector_load %arg5[%swap3A_292] {strides = array<i32>} : memref<4096xf32, #tpu.memory_space<vmem>>, vector<16xf32>,
        %swap3A_294 = vector.shape_cast %swap3A_293 : vector<16xf32> to vector<16xf32>
        %swap3A_295 = vector.shape_cast %add3A_291 : vector<16xf32> to vector<16xf32>
        tpu.vector_store %arg5[%swap3A_292], %swap3A_295 {strides = array<i32>} : memref<4096xf32, #tpu.memory_space<vmem>>, vector<16xf32>,
        %slice3A_296 = vector.extract_strided_slice %get3A_32 {offsets = [14], sizes = [1], strides = [1]} : vector<16xi32> to vector<1xi32>
        %squeeze3A_297 = vector.extract %slice3A_296[0] : i32 from vector<1xi32>
        %and3A_298 = arith.andi %squeeze3A_297, %scan3A_10 : i32
        %and3A_299 = arith.andi %squeeze3A_297, %scan3A_11 : i32
        %eq3A_300 = vector.broadcast %and3A_299 : i32 to vector<16xi32>
        %eq3A_301 = arith.cmpi eq, %iota3A, %eq3A_300 : vector<16xi32>
        %jit3A_302 = arith.constant 1.000000e+00 : f32
        %jit3A_303 = arith.constant 0.000000e+00 : f32
        %broadcast_in_dim3A_304 = vector.broadcast %jit3A_302 : f32 to vector<16xf32>
        %broadcast_in_dim3A_305 = vector.broadcast %jit3A_303 : f32 to vector<16xf32>
        %select_n3A_306 = arith.select %eq3A_301, %broadcast_in_dim3A_304, %broadcast_in_dim3A_305 : vector<16xi1>, vector<16xf32>
        %get3A_307 = arith.index_cast %and3A_298 : i32 to index
        %get3A_308 = tpu.vector_load %arg5[%get3A_307] {strides = array<i32>} : memref<4096xf32, #tpu.memory_space<vmem>>, vector<16xf32>,
        %get3A_309 = vector.shape_cast %get3A_308 : vector<16xf32> to vector<16xf32>
        %add3A_310 = arith.addf %get3A_309, %select_n3A_306 : vector<16xf32>
        %swap3A_311 = arith.index_cast %and3A_298 : i32 to index
        %swap3A_312 = tpu.vector_load %arg5[%swap3A_311] {strides = array<i32>} : memref<4096xf32, #tpu.memory_space<vmem>>, vector<16xf32>,
        %swap3A_313 = vector.shape_cast %swap3A_312 : vector<16xf32> to vector<16xf32>
        %swap3A_314 = vector.shape_cast %add3A_310 : vector<16xf32> to vector<16xf32>
        tpu.vector_store %arg5[%swap3A_311], %swap3A_314 {strides = array<i32>} : memref<4096xf32, #tpu.memory_space<vmem>>, vector<16xf32>,
        %slice3A_315 = vector.extract_strided_slice %get3A_32 {offsets = [15], sizes = [1], strides = [1]} : vector<16xi32> to vector<1xi32>
        %squeeze3A_316 = vector.extract %slice3A_315[0] : i32 from vector<1xi32>
        %and3A_317 = arith.andi %squeeze3A_316, %scan3A_10 : i32
        %and3A_318 = arith.andi %squeeze3A_316, %scan3A_11 : i32
        %eq3A_319 = vector.broadcast %and3A_318 : i32 to vector<16xi32>
        %eq3A_320 = arith.cmpi eq, %iota3A, %eq3A_319 : vector<16xi32>
        %jit3A_321 = arith.constant 1.000000e+00 : f32
        %jit3A_322 = arith.constant 0.000000e+00 : f32
        %broadcast_in_dim3A_323 = vector.broadcast %jit3A_321 : f32 to vector<16xf32>
        %broadcast_in_dim3A_324 = vector.broadcast %jit3A_322 : f32 to vector<16xf32>
        %select_n3A_325 = arith.select %eq3A_320, %broadcast_in_dim3A_323, %broadcast_in_dim3A_324 : vector<16xi1>, vector<16xf32>
        %get3A_326 = arith.index_cast %and3A_317 : i32 to index
        %get3A_327 = tpu.vector_load %arg5[%get3A_326] {strides = array<i32>} : memref<4096xf32, #tpu.memory_space<vmem>>, vector<16xf32>,
        %get3A_328 = vector.shape_cast %get3A_327 : vector<16xf32> to vector<16xf32>
        %add3A_329 = arith.addf %get3A_328, %select_n3A_325 : vector<16xf32>
        %swap3A_330 = arith.index_cast %and3A_317 : i32 to index
        %swap3A_331 = tpu.vector_load %arg5[%swap3A_330] {strides = array<i32>} : memref<4096xf32, #tpu.memory_space<vmem>>, vector<16xf32>,
        %swap3A_332 = vector.shape_cast %swap3A_331 : vector<16xf32> to vector<16xf32>
        %swap3A_333 = vector.shape_cast %add3A_329 : vector<16xf32> to vector<16xf32>
        tpu.vector_store %arg5[%swap3A_330], %swap3A_333 {strides = array<i32>} : memref<4096xf32, #tpu.memory_space<vmem>>, vector<16xf32>,
        %slice3A_334 = vector.extract_strided_slice %get3A_36 {offsets = [0], sizes = [1], strides = [1]} : vector<16xi32> to vector<1xi32>
        %squeeze3A_335 = vector.extract %slice3A_334[0] : i32 from vector<1xi32>
        %and3A_336 = arith.andi %squeeze3A_335, %scan3A_10 : i32
        %and3A_337 = arith.andi %squeeze3A_335, %scan3A_11 : i32
        %eq3A_338 = vector.broadcast %and3A_337 : i32 to vector<16xi32>
        %eq3A_339 = arith.cmpi eq, %iota3A, %eq3A_338 : vector<16xi32>
        %jit3A_340 = arith.constant 1.000000e+00 : f32
        %jit3A_341 = arith.constant 0.000000e+00 : f32
        %broadcast_in_dim3A_342 = vector.broadcast %jit3A_340 : f32 to vector<16xf32>
        %broadcast_in_dim3A_343 = vector.broadcast %jit3A_341 : f32 to vector<16xf32>
        %select_n3A_344 = arith.select %eq3A_339, %broadcast_in_dim3A_342, %broadcast_in_dim3A_343 : vector<16xi1>, vector<16xf32>
        %get3A_345 = arith.index_cast %and3A_336 : i32 to index
        %get3A_346 = tpu.vector_load %arg5[%get3A_345] {strides = array<i32>} : memref<4096xf32, #tpu.memory_space<vmem>>, vector<16xf32>,
        %get3A_347 = vector.shape_cast %get3A_346 : vector<16xf32> to vector<16xf32>
        %add3A_348 = arith.addf %get3A_347, %select_n3A_344 : vector<16xf32>
        %swap3A_349 = arith.index_cast %and3A_336 : i32 to index
        %swap3A_350 = tpu.vector_load %arg5[%swap3A_349] {strides = array<i32>} : memref<4096xf32, #tpu.memory_space<vmem>>, vector<16xf32>,
        %swap3A_351 = vector.shape_cast %swap3A_350 : vector<16xf32> to vector<16xf32>
        %swap3A_352 = vector.shape_cast %add3A_348 : vector<16xf32> to vector<16xf32>
        tpu.vector_store %arg5[%swap3A_349], %swap3A_352 {strides = array<i32>} : memref<4096xf32, #tpu.memory_space<vmem>>, vector<16xf32>,
        %slice3A_353 = vector.extract_strided_slice %get3A_36 {offsets = [1], sizes = [1], strides = [1]} : vector<16xi32> to vector<1xi32>
        %squeeze3A_354 = vector.extract %slice3A_353[0] : i32 from vector<1xi32>
        %and3A_355 = arith.andi %squeeze3A_354, %scan3A_10 : i32
        %and3A_356 = arith.andi %squeeze3A_354, %scan3A_11 : i32
        %eq3A_357 = vector.broadcast %and3A_356 : i32 to vector<16xi32>
        %eq3A_358 = arith.cmpi eq, %iota3A, %eq3A_357 : vector<16xi32>
        %jit3A_359 = arith.constant 1.000000e+00 : f32
        %jit3A_360 = arith.constant 0.000000e+00 : f32
        %broadcast_in_dim3A_361 = vector.broadcast %jit3A_359 : f32 to vector<16xf32>
        %broadcast_in_dim3A_362 = vector.broadcast %jit3A_360 : f32 to vector<16xf32>
        %select_n3A_363 = arith.select %eq3A_358, %broadcast_in_dim3A_361, %broadcast_in_dim3A_362 : vector<16xi1>, vector<16xf32>
        %get3A_364 = arith.index_cast %and3A_355 : i32 to index
        %get3A_365 = tpu.vector_load %arg5[%get3A_364] {strides = array<i32>} : memref<4096xf32, #tpu.memory_space<vmem>>, vector<16xf32>,
        %get3A_366 = vector.shape_cast %get3A_365 : vector<16xf32> to vector<16xf32>
        %add3A_367 = arith.addf %get3A_366, %select_n3A_363 : vector<16xf32>
        %swap3A_368 = arith.index_cast %and3A_355 : i32 to index
        %swap3A_369 = tpu.vector_load %arg5[%swap3A_368] {strides = array<i32>} : memref<4096xf32, #tpu.memory_space<vmem>>, vector<16xf32>,
        %swap3A_370 = vector.shape_cast %swap3A_369 : vector<16xf32> to vector<16xf32>
        %swap3A_371 = vector.shape_cast %add3A_367 : vector<16xf32> to vector<16xf32>
        tpu.vector_store %arg5[%swap3A_368], %swap3A_371 {strides = array<i32>} : memref<4096xf32, #tpu.memory_space<vmem>>, vector<16xf32>,
        %slice3A_372 = vector.extract_strided_slice %get3A_36 {offsets = [2], sizes = [1], strides = [1]} : vector<16xi32> to vector<1xi32>
        %squeeze3A_373 = vector.extract %slice3A_372[0] : i32 from vector<1xi32>
        %and3A_374 = arith.andi %squeeze3A_373, %scan3A_10 : i32
        %and3A_375 = arith.andi %squeeze3A_373, %scan3A_11 : i32
        %eq3A_376 = vector.broadcast %and3A_375 : i32 to vector<16xi32>
        %eq3A_377 = arith.cmpi eq, %iota3A, %eq3A_376 : vector<16xi32>
        %jit3A_378 = arith.constant 1.000000e+00 : f32
        %jit3A_379 = arith.constant 0.000000e+00 : f32
        %broadcast_in_dim3A_380 = vector.broadcast %jit3A_378 : f32 to vector<16xf32>
        %broadcast_in_dim3A_381 = vector.broadcast %jit3A_379 : f32 to vector<16xf32>
        %select_n3A_382 = arith.select %eq3A_377, %broadcast_in_dim3A_380, %broadcast_in_dim3A_381 : vector<16xi1>, vector<16xf32>
        %get3A_383 = arith.index_cast %and3A_374 : i32 to index
        %get3A_384 = tpu.vector_load %arg5[%get3A_383] {strides = array<i32>} : memref<4096xf32, #tpu.memory_space<vmem>>, vector<16xf32>,
        %get3A_385 = vector.shape_cast %get3A_384 : vector<16xf32> to vector<16xf32>
        %add3A_386 = arith.addf %get3A_385, %select_n3A_382 : vector<16xf32>
        %swap3A_387 = arith.index_cast %and3A_374 : i32 to index
        %swap3A_388 = tpu.vector_load %arg5[%swap3A_387] {strides = array<i32>} : memref<4096xf32, #tpu.memory_space<vmem>>, vector<16xf32>,
        %swap3A_389 = vector.shape_cast %swap3A_388 : vector<16xf32> to vector<16xf32>
        %swap3A_390 = vector.shape_cast %add3A_386 : vector<16xf32> to vector<16xf32>
        tpu.vector_store %arg5[%swap3A_387], %swap3A_390 {strides = array<i32>} : memref<4096xf32, #tpu.memory_space<vmem>>, vector<16xf32>,
        %slice3A_391 = vector.extract_strided_slice %get3A_36 {offsets = [3], sizes = [1], strides = [1]} : vector<16xi32> to vector<1xi32>
        %squeeze3A_392 = vector.extract %slice3A_391[0] : i32 from vector<1xi32>
        %and3A_393 = arith.andi %squeeze3A_392, %scan3A_10 : i32
        %and3A_394 = arith.andi %squeeze3A_392, %scan3A_11 : i32
        %eq3A_395 = vector.broadcast %and3A_394 : i32 to vector<16xi32>
        %eq3A_396 = arith.cmpi eq, %iota3A, %eq3A_395 : vector<16xi32>
        %jit3A_397 = arith.constant 1.000000e+00 : f32
        %jit3A_398 = arith.constant 0.000000e+00 : f32
        %broadcast_in_dim3A_399 = vector.broadcast %jit3A_397 : f32 to vector<16xf32>
        %broadcast_in_dim3A_400 = vector.broadcast %jit3A_398 : f32 to vector<16xf32>
        %select_n3A_401 = arith.select %eq3A_396, %broadcast_in_dim3A_399, %broadcast_in_dim3A_400 : vector<16xi1>, vector<16xf32>
        %get3A_402 = arith.index_cast %and3A_393 : i32 to index
        %get3A_403 = tpu.vector_load %arg5[%get3A_402] {strides = array<i32>} : memref<4096xf32, #tpu.memory_space<vmem>>, vector<16xf32>,
        %get3A_404 = vector.shape_cast %get3A_403 : vector<16xf32> to vector<16xf32>
        %add3A_405 = arith.addf %get3A_404, %select_n3A_401 : vector<16xf32>
        %swap3A_406 = arith.index_cast %and3A_393 : i32 to index
        %swap3A_407 = tpu.vector_load %arg5[%swap3A_406] {strides = array<i32>} : memref<4096xf32, #tpu.memory_space<vmem>>, vector<16xf32>,
        %swap3A_408 = vector.shape_cast %swap3A_407 : vector<16xf32> to vector<16xf32>
        %swap3A_409 = vector.shape_cast %add3A_405 : vector<16xf32> to vector<16xf32>
        tpu.vector_store %arg5[%swap3A_406], %swap3A_409 {strides = array<i32>} : memref<4096xf32, #tpu.memory_space<vmem>>, vector<16xf32>,
        %slice3A_410 = vector.extract_strided_slice %get3A_36 {offsets = [4], sizes = [1], strides = [1]} : vector<16xi32> to vector<1xi32>
        %squeeze3A_411 = vector.extract %slice3A_410[0] : i32 from vector<1xi32>
        %and3A_412 = arith.andi %squeeze3A_411, %scan3A_10 : i32
        %and3A_413 = arith.andi %squeeze3A_411, %scan3A_11 : i32
        %eq3A_414 = vector.broadcast %and3A_413 : i32 to vector<16xi32>
        %eq3A_415 = arith.cmpi eq, %iota3A, %eq3A_414 : vector<16xi32>
        %jit3A_416 = arith.constant 1.000000e+00 : f32
        %jit3A_417 = arith.constant 0.000000e+00 : f32
        %broadcast_in_dim3A_418 = vector.broadcast %jit3A_416 : f32 to vector<16xf32>
        %broadcast_in_dim3A_419 = vector.broadcast %jit3A_417 : f32 to vector<16xf32>
        %select_n3A_420 = arith.select %eq3A_415, %broadcast_in_dim3A_418, %broadcast_in_dim3A_419 : vector<16xi1>, vector<16xf32>
        %get3A_421 = arith.index_cast %and3A_412 : i32 to index
        %get3A_422 = tpu.vector_load %arg5[%get3A_421] {strides = array<i32>} : memref<4096xf32, #tpu.memory_space<vmem>>, vector<16xf32>,
        %get3A_423 = vector.shape_cast %get3A_422 : vector<16xf32> to vector<16xf32>
        %add3A_424 = arith.addf %get3A_423, %select_n3A_420 : vector<16xf32>
        %swap3A_425 = arith.index_cast %and3A_412 : i32 to index
        %swap3A_426 = tpu.vector_load %arg5[%swap3A_425] {strides = array<i32>} : memref<4096xf32, #tpu.memory_space<vmem>>, vector<16xf32>,
        %swap3A_427 = vector.shape_cast %swap3A_426 : vector<16xf32> to vector<16xf32>
        %swap3A_428 = vector.shape_cast %add3A_424 : vector<16xf32> to vector<16xf32>
        tpu.vector_store %arg5[%swap3A_425], %swap3A_428 {strides = array<i32>} : memref<4096xf32, #tpu.memory_space<vmem>>, vector<16xf32>,
        %slice3A_429 = vector.extract_strided_slice %get3A_36 {offsets = [5], sizes = [1], strides = [1]} : vector<16xi32> to vector<1xi32>
        %squeeze3A_430 = vector.extract %slice3A_429[0] : i32 from vector<1xi32>
        %and3A_431 = arith.andi %squeeze3A_430, %scan3A_10 : i32
        %and3A_432 = arith.andi %squeeze3A_430, %scan3A_11 : i32
        %eq3A_433 = vector.broadcast %and3A_432 : i32 to vector<16xi32>
        %eq3A_434 = arith.cmpi eq, %iota3A, %eq3A_433 : vector<16xi32>
        %jit3A_435 = arith.constant 1.000000e+00 : f32
        %jit3A_436 = arith.constant 0.000000e+00 : f32
        %broadcast_in_dim3A_437 = vector.broadcast %jit3A_435 : f32 to vector<16xf32>
        %broadcast_in_dim3A_438 = vector.broadcast %jit3A_436 : f32 to vector<16xf32>
        %select_n3A_439 = arith.select %eq3A_434, %broadcast_in_dim3A_437, %broadcast_in_dim3A_438 : vector<16xi1>, vector<16xf32>
        %get3A_440 = arith.index_cast %and3A_431 : i32 to index
        %get3A_441 = tpu.vector_load %arg5[%get3A_440] {strides = array<i32>} : memref<4096xf32, #tpu.memory_space<vmem>>, vector<16xf32>,
        %get3A_442 = vector.shape_cast %get3A_441 : vector<16xf32> to vector<16xf32>
        %add3A_443 = arith.addf %get3A_442, %select_n3A_439 : vector<16xf32>
        %swap3A_444 = arith.index_cast %and3A_431 : i32 to index
        %swap3A_445 = tpu.vector_load %arg5[%swap3A_444] {strides = array<i32>} : memref<4096xf32, #tpu.memory_space<vmem>>, vector<16xf32>,
        %swap3A_446 = vector.shape_cast %swap3A_445 : vector<16xf32> to vector<16xf32>
        %swap3A_447 = vector.shape_cast %add3A_443 : vector<16xf32> to vector<16xf32>
        tpu.vector_store %arg5[%swap3A_444], %swap3A_447 {strides = array<i32>} : memref<4096xf32, #tpu.memory_space<vmem>>, vector<16xf32>,
        %slice3A_448 = vector.extract_strided_slice %get3A_36 {offsets = [6], sizes = [1], strides = [1]} : vector<16xi32> to vector<1xi32>
        %squeeze3A_449 = vector.extract %slice3A_448[0] : i32 from vector<1xi32>
        %and3A_450 = arith.andi %squeeze3A_449, %scan3A_10 : i32
        %and3A_451 = arith.andi %squeeze3A_449, %scan3A_11 : i32
        %eq3A_452 = vector.broadcast %and3A_451 : i32 to vector<16xi32>
        %eq3A_453 = arith.cmpi eq, %iota3A, %eq3A_452 : vector<16xi32>
        %jit3A_454 = arith.constant 1.000000e+00 : f32
        %jit3A_455 = arith.constant 0.000000e+00 : f32
        %broadcast_in_dim3A_456 = vector.broadcast %jit3A_454 : f32 to vector<16xf32>
        %broadcast_in_dim3A_457 = vector.broadcast %jit3A_455 : f32 to vector<16xf32>
        %select_n3A_458 = arith.select %eq3A_453, %broadcast_in_dim3A_456, %broadcast_in_dim3A_457 : vector<16xi1>, vector<16xf32>
        %get3A_459 = arith.index_cast %and3A_450 : i32 to index
        %get3A_460 = tpu.vector_load %arg5[%get3A_459] {strides = array<i32>} : memref<4096xf32, #tpu.memory_space<vmem>>, vector<16xf32>,
        %get3A_461 = vector.shape_cast %get3A_460 : vector<16xf32> to vector<16xf32>
        %add3A_462 = arith.addf %get3A_461, %select_n3A_458 : vector<16xf32>
        %swap3A_463 = arith.index_cast %and3A_450 : i32 to index
        %swap3A_464 = tpu.vector_load %arg5[%swap3A_463] {strides = array<i32>} : memref<4096xf32, #tpu.memory_space<vmem>>, vector<16xf32>,
        %swap3A_465 = vector.shape_cast %swap3A_464 : vector<16xf32> to vector<16xf32>
        %swap3A_466 = vector.shape_cast %add3A_462 : vector<16xf32> to vector<16xf32>
        tpu.vector_store %arg5[%swap3A_463], %swap3A_466 {strides = array<i32>} : memref<4096xf32, #tpu.memory_space<vmem>>, vector<16xf32>,
        %slice3A_467 = vector.extract_strided_slice %get3A_36 {offsets = [7], sizes = [1], strides = [1]} : vector<16xi32> to vector<1xi32>
        %squeeze3A_468 = vector.extract %slice3A_467[0] : i32 from vector<1xi32>
        %and3A_469 = arith.andi %squeeze3A_468, %scan3A_10 : i32
        %and3A_470 = arith.andi %squeeze3A_468, %scan3A_11 : i32
        %eq3A_471 = vector.broadcast %and3A_470 : i32 to vector<16xi32>
        %eq3A_472 = arith.cmpi eq, %iota3A, %eq3A_471 : vector<16xi32>
        %jit3A_473 = arith.constant 1.000000e+00 : f32
        %jit3A_474 = arith.constant 0.000000e+00 : f32
        %broadcast_in_dim3A_475 = vector.broadcast %jit3A_473 : f32 to vector<16xf32>
        %broadcast_in_dim3A_476 = vector.broadcast %jit3A_474 : f32 to vector<16xf32>
        %select_n3A_477 = arith.select %eq3A_472, %broadcast_in_dim3A_475, %broadcast_in_dim3A_476 : vector<16xi1>, vector<16xf32>
        %get3A_478 = arith.index_cast %and3A_469 : i32 to index
        %get3A_479 = tpu.vector_load %arg5[%get3A_478] {strides = array<i32>} : memref<4096xf32, #tpu.memory_space<vmem>>, vector<16xf32>,
        %get3A_480 = vector.shape_cast %get3A_479 : vector<16xf32> to vector<16xf32>
        %add3A_481 = arith.addf %get3A_480, %select_n3A_477 : vector<16xf32>
        %swap3A_482 = arith.index_cast %and3A_469 : i32 to index
        %swap3A_483 = tpu.vector_load %arg5[%swap3A_482] {strides = array<i32>} : memref<4096xf32, #tpu.memory_space<vmem>>, vector<16xf32>,
        %swap3A_484 = vector.shape_cast %swap3A_483 : vector<16xf32> to vector<16xf32>
        %swap3A_485 = vector.shape_cast %add3A_481 : vector<16xf32> to vector<16xf32>
        tpu.vector_store %arg5[%swap3A_482], %swap3A_485 {strides = array<i32>} : memref<4096xf32, #tpu.memory_space<vmem>>, vector<16xf32>,
        %slice3A_486 = vector.extract_strided_slice %get3A_36 {offsets = [8], sizes = [1], strides = [1]} : vector<16xi32> to vector<1xi32>
        %squeeze3A_487 = vector.extract %slice3A_486[0] : i32 from vector<1xi32>
        %and3A_488 = arith.andi %squeeze3A_487, %scan3A_10 : i32
        %and3A_489 = arith.andi %squeeze3A_487, %scan3A_11 : i32
        %eq3A_490 = vector.broadcast %and3A_489 : i32 to vector<16xi32>
        %eq3A_491 = arith.cmpi eq, %iota3A, %eq3A_490 : vector<16xi32>
        %jit3A_492 = arith.constant 1.000000e+00 : f32
        %jit3A_493 = arith.constant 0.000000e+00 : f32
        %broadcast_in_dim3A_494 = vector.broadcast %jit3A_492 : f32 to vector<16xf32>
        %broadcast_in_dim3A_495 = vector.broadcast %jit3A_493 : f32 to vector<16xf32>
        %select_n3A_496 = arith.select %eq3A_491, %broadcast_in_dim3A_494, %broadcast_in_dim3A_495 : vector<16xi1>, vector<16xf32>
        %get3A_497 = arith.index_cast %and3A_488 : i32 to index
        %get3A_498 = tpu.vector_load %arg5[%get3A_497] {strides = array<i32>} : memref<4096xf32, #tpu.memory_space<vmem>>, vector<16xf32>,
        %get3A_499 = vector.shape_cast %get3A_498 : vector<16xf32> to vector<16xf32>
        %add3A_500 = arith.addf %get3A_499, %select_n3A_496 : vector<16xf32>
        %swap3A_501 = arith.index_cast %and3A_488 : i32 to index
        %swap3A_502 = tpu.vector_load %arg5[%swap3A_501] {strides = array<i32>} : memref<4096xf32, #tpu.memory_space<vmem>>, vector<16xf32>,
        %swap3A_503 = vector.shape_cast %swap3A_502 : vector<16xf32> to vector<16xf32>
        %swap3A_504 = vector.shape_cast %add3A_500 : vector<16xf32> to vector<16xf32>
        tpu.vector_store %arg5[%swap3A_501], %swap3A_504 {strides = array<i32>} : memref<4096xf32, #tpu.memory_space<vmem>>, vector<16xf32>,
        %slice3A_505 = vector.extract_strided_slice %get3A_36 {offsets = [9], sizes = [1], strides = [1]} : vector<16xi32> to vector<1xi32>
        %squeeze3A_506 = vector.extract %slice3A_505[0] : i32 from vector<1xi32>
        %and3A_507 = arith.andi %squeeze3A_506, %scan3A_10 : i32
        %and3A_508 = arith.andi %squeeze3A_506, %scan3A_11 : i32
        %eq3A_509 = vector.broadcast %and3A_508 : i32 to vector<16xi32>
        %eq3A_510 = arith.cmpi eq, %iota3A, %eq3A_509 : vector<16xi32>
        %jit3A_511 = arith.constant 1.000000e+00 : f32
        %jit3A_512 = arith.constant 0.000000e+00 : f32
        %broadcast_in_dim3A_513 = vector.broadcast %jit3A_511 : f32 to vector<16xf32>
        %broadcast_in_dim3A_514 = vector.broadcast %jit3A_512 : f32 to vector<16xf32>
        %select_n3A_515 = arith.select %eq3A_510, %broadcast_in_dim3A_513, %broadcast_in_dim3A_514 : vector<16xi1>, vector<16xf32>
        %get3A_516 = arith.index_cast %and3A_507 : i32 to index
        %get3A_517 = tpu.vector_load %arg5[%get3A_516] {strides = array<i32>} : memref<4096xf32, #tpu.memory_space<vmem>>, vector<16xf32>,
        %get3A_518 = vector.shape_cast %get3A_517 : vector<16xf32> to vector<16xf32>
        %add3A_519 = arith.addf %get3A_518, %select_n3A_515 : vector<16xf32>
        %swap3A_520 = arith.index_cast %and3A_507 : i32 to index
        %swap3A_521 = tpu.vector_load %arg5[%swap3A_520] {strides = array<i32>} : memref<4096xf32, #tpu.memory_space<vmem>>, vector<16xf32>,
        %swap3A_522 = vector.shape_cast %swap3A_521 : vector<16xf32> to vector<16xf32>
        %swap3A_523 = vector.shape_cast %add3A_519 : vector<16xf32> to vector<16xf32>
        tpu.vector_store %arg5[%swap3A_520], %swap3A_523 {strides = array<i32>} : memref<4096xf32, #tpu.memory_space<vmem>>, vector<16xf32>,
        %slice3A_524 = vector.extract_strided_slice %get3A_36 {offsets = [10], sizes = [1], strides = [1]} : vector<16xi32> to vector<1xi32>
        %squeeze3A_525 = vector.extract %slice3A_524[0] : i32 from vector<1xi32>
        %and3A_526 = arith.andi %squeeze3A_525, %scan3A_10 : i32
        %and3A_527 = arith.andi %squeeze3A_525, %scan3A_11 : i32
        %eq3A_528 = vector.broadcast %and3A_527 : i32 to vector<16xi32>
        %eq3A_529 = arith.cmpi eq, %iota3A, %eq3A_528 : vector<16xi32>
        %jit3A_530 = arith.constant 1.000000e+00 : f32
        %jit3A_531 = arith.constant 0.000000e+00 : f32
        %broadcast_in_dim3A_532 = vector.broadcast %jit3A_530 : f32 to vector<16xf32>
        %broadcast_in_dim3A_533 = vector.broadcast %jit3A_531 : f32 to vector<16xf32>
        %select_n3A_534 = arith.select %eq3A_529, %broadcast_in_dim3A_532, %broadcast_in_dim3A_533 : vector<16xi1>, vector<16xf32>
        %get3A_535 = arith.index_cast %and3A_526 : i32 to index
        %get3A_536 = tpu.vector_load %arg5[%get3A_535] {strides = array<i32>} : memref<4096xf32, #tpu.memory_space<vmem>>, vector<16xf32>,
        %get3A_537 = vector.shape_cast %get3A_536 : vector<16xf32> to vector<16xf32>
        %add3A_538 = arith.addf %get3A_537, %select_n3A_534 : vector<16xf32>
        %swap3A_539 = arith.index_cast %and3A_526 : i32 to index
        %swap3A_540 = tpu.vector_load %arg5[%swap3A_539] {strides = array<i32>} : memref<4096xf32, #tpu.memory_space<vmem>>, vector<16xf32>,
        %swap3A_541 = vector.shape_cast %swap3A_540 : vector<16xf32> to vector<16xf32>
        %swap3A_542 = vector.shape_cast %add3A_538 : vector<16xf32> to vector<16xf32>
        tpu.vector_store %arg5[%swap3A_539], %swap3A_542 {strides = array<i32>} : memref<4096xf32, #tpu.memory_space<vmem>>, vector<16xf32>,
        %slice3A_543 = vector.extract_strided_slice %get3A_36 {offsets = [11], sizes = [1], strides = [1]} : vector<16xi32> to vector<1xi32>
        %squeeze3A_544 = vector.extract %slice3A_543[0] : i32 from vector<1xi32>
        %and3A_545 = arith.andi %squeeze3A_544, %scan3A_10 : i32
        %and3A_546 = arith.andi %squeeze3A_544, %scan3A_11 : i32
        %eq3A_547 = vector.broadcast %and3A_546 : i32 to vector<16xi32>
        %eq3A_548 = arith.cmpi eq, %iota3A, %eq3A_547 : vector<16xi32>
        %jit3A_549 = arith.constant 1.000000e+00 : f32
        %jit3A_550 = arith.constant 0.000000e+00 : f32
        %broadcast_in_dim3A_551 = vector.broadcast %jit3A_549 : f32 to vector<16xf32>
        %broadcast_in_dim3A_552 = vector.broadcast %jit3A_550 : f32 to vector<16xf32>
        %select_n3A_553 = arith.select %eq3A_548, %broadcast_in_dim3A_551, %broadcast_in_dim3A_552 : vector<16xi1>, vector<16xf32>
        %get3A_554 = arith.index_cast %and3A_545 : i32 to index
        %get3A_555 = tpu.vector_load %arg5[%get3A_554] {strides = array<i32>} : memref<4096xf32, #tpu.memory_space<vmem>>, vector<16xf32>,
        %get3A_556 = vector.shape_cast %get3A_555 : vector<16xf32> to vector<16xf32>
        %add3A_557 = arith.addf %get3A_556, %select_n3A_553 : vector<16xf32>
        %swap3A_558 = arith.index_cast %and3A_545 : i32 to index
        %swap3A_559 = tpu.vector_load %arg5[%swap3A_558] {strides = array<i32>} : memref<4096xf32, #tpu.memory_space<vmem>>, vector<16xf32>,
        %swap3A_560 = vector.shape_cast %swap3A_559 : vector<16xf32> to vector<16xf32>
        %swap3A_561 = vector.shape_cast %add3A_557 : vector<16xf32> to vector<16xf32>
        tpu.vector_store %arg5[%swap3A_558], %swap3A_561 {strides = array<i32>} : memref<4096xf32, #tpu.memory_space<vmem>>, vector<16xf32>,
        %slice3A_562 = vector.extract_strided_slice %get3A_36 {offsets = [12], sizes = [1], strides = [1]} : vector<16xi32> to vector<1xi32>
        %squeeze3A_563 = vector.extract %slice3A_562[0] : i32 from vector<1xi32>
        %and3A_564 = arith.andi %squeeze3A_563, %scan3A_10 : i32
        %and3A_565 = arith.andi %squeeze3A_563, %scan3A_11 : i32
        %eq3A_566 = vector.broadcast %and3A_565 : i32 to vector<16xi32>
        %eq3A_567 = arith.cmpi eq, %iota3A, %eq3A_566 : vector<16xi32>
        %jit3A_568 = arith.constant 1.000000e+00 : f32
        %jit3A_569 = arith.constant 0.000000e+00 : f32
        %broadcast_in_dim3A_570 = vector.broadcast %jit3A_568 : f32 to vector<16xf32>
        %broadcast_in_dim3A_571 = vector.broadcast %jit3A_569 : f32 to vector<16xf32>
        %select_n3A_572 = arith.select %eq3A_567, %broadcast_in_dim3A_570, %broadcast_in_dim3A_571 : vector<16xi1>, vector<16xf32>
        %get3A_573 = arith.index_cast %and3A_564 : i32 to index
        %get3A_574 = tpu.vector_load %arg5[%get3A_573] {strides = array<i32>} : memref<4096xf32, #tpu.memory_space<vmem>>, vector<16xf32>,
        %get3A_575 = vector.shape_cast %get3A_574 : vector<16xf32> to vector<16xf32>
        %add3A_576 = arith.addf %get3A_575, %select_n3A_572 : vector<16xf32>
        %swap3A_577 = arith.index_cast %and3A_564 : i32 to index
        %swap3A_578 = tpu.vector_load %arg5[%swap3A_577] {strides = array<i32>} : memref<4096xf32, #tpu.memory_space<vmem>>, vector<16xf32>,
        %swap3A_579 = vector.shape_cast %swap3A_578 : vector<16xf32> to vector<16xf32>
        %swap3A_580 = vector.shape_cast %add3A_576 : vector<16xf32> to vector<16xf32>
        tpu.vector_store %arg5[%swap3A_577], %swap3A_580 {strides = array<i32>} : memref<4096xf32, #tpu.memory_space<vmem>>, vector<16xf32>,
        %slice3A_581 = vector.extract_strided_slice %get3A_36 {offsets = [13], sizes = [1], strides = [1]} : vector<16xi32> to vector<1xi32>
        %squeeze3A_582 = vector.extract %slice3A_581[0] : i32 from vector<1xi32>
        %and3A_583 = arith.andi %squeeze3A_582, %scan3A_10 : i32
        %and3A_584 = arith.andi %squeeze3A_582, %scan3A_11 : i32
        %eq3A_585 = vector.broadcast %and3A_584 : i32 to vector<16xi32>
        %eq3A_586 = arith.cmpi eq, %iota3A, %eq3A_585 : vector<16xi32>
        %jit3A_587 = arith.constant 1.000000e+00 : f32
        %jit3A_588 = arith.constant 0.000000e+00 : f32
        %broadcast_in_dim3A_589 = vector.broadcast %jit3A_587 : f32 to vector<16xf32>
        %broadcast_in_dim3A_590 = vector.broadcast %jit3A_588 : f32 to vector<16xf32>
        %select_n3A_591 = arith.select %eq3A_586, %broadcast_in_dim3A_589, %broadcast_in_dim3A_590 : vector<16xi1>, vector<16xf32>
        %get3A_592 = arith.index_cast %and3A_583 : i32 to index
        %get3A_593 = tpu.vector_load %arg5[%get3A_592] {strides = array<i32>} : memref<4096xf32, #tpu.memory_space<vmem>>, vector<16xf32>,
        %get3A_594 = vector.shape_cast %get3A_593 : vector<16xf32> to vector<16xf32>
        %add3A_595 = arith.addf %get3A_594, %select_n3A_591 : vector<16xf32>
        %swap3A_596 = arith.index_cast %and3A_583 : i32 to index
        %swap3A_597 = tpu.vector_load %arg5[%swap3A_596] {strides = array<i32>} : memref<4096xf32, #tpu.memory_space<vmem>>, vector<16xf32>,
        %swap3A_598 = vector.shape_cast %swap3A_597 : vector<16xf32> to vector<16xf32>
        %swap3A_599 = vector.shape_cast %add3A_595 : vector<16xf32> to vector<16xf32>
        tpu.vector_store %arg5[%swap3A_596], %swap3A_599 {strides = array<i32>} : memref<4096xf32, #tpu.memory_space<vmem>>, vector<16xf32>,
        %slice3A_600 = vector.extract_strided_slice %get3A_36 {offsets = [14], sizes = [1], strides = [1]} : vector<16xi32> to vector<1xi32>
        %squeeze3A_601 = vector.extract %slice3A_600[0] : i32 from vector<1xi32>
        %and3A_602 = arith.andi %squeeze3A_601, %scan3A_10 : i32
        %and3A_603 = arith.andi %squeeze3A_601, %scan3A_11 : i32
        %eq3A_604 = vector.broadcast %and3A_603 : i32 to vector<16xi32>
        %eq3A_605 = arith.cmpi eq, %iota3A, %eq3A_604 : vector<16xi32>
        %jit3A_606 = arith.constant 1.000000e+00 : f32
        %jit3A_607 = arith.constant 0.000000e+00 : f32
        %broadcast_in_dim3A_608 = vector.broadcast %jit3A_606 : f32 to vector<16xf32>
        %broadcast_in_dim3A_609 = vector.broadcast %jit3A_607 : f32 to vector<16xf32>
        %select_n3A_610 = arith.select %eq3A_605, %broadcast_in_dim3A_608, %broadcast_in_dim3A_609 : vector<16xi1>, vector<16xf32>
        %get3A_611 = arith.index_cast %and3A_602 : i32 to index
        %get3A_612 = tpu.vector_load %arg5[%get3A_611] {strides = array<i32>} : memref<4096xf32, #tpu.memory_space<vmem>>, vector<16xf32>,
        %get3A_613 = vector.shape_cast %get3A_612 : vector<16xf32> to vector<16xf32>
        %add3A_614 = arith.addf %get3A_613, %select_n3A_610 : vector<16xf32>
        %swap3A_615 = arith.index_cast %and3A_602 : i32 to index
        %swap3A_616 = tpu.vector_load %arg5[%swap3A_615] {strides = array<i32>} : memref<4096xf32, #tpu.memory_space<vmem>>, vector<16xf32>,
        %swap3A_617 = vector.shape_cast %swap3A_616 : vector<16xf32> to vector<16xf32>
        %swap3A_618 = vector.shape_cast %add3A_614 : vector<16xf32> to vector<16xf32>
        tpu.vector_store %arg5[%swap3A_615], %swap3A_618 {strides = array<i32>} : memref<4096xf32, #tpu.memory_space<vmem>>, vector<16xf32>,
        %slice3A_619 = vector.extract_strided_slice %get3A_36 {offsets = [15], sizes = [1], strides = [1]} : vector<16xi32> to vector<1xi32>
        %squeeze3A_620 = vector.extract %slice3A_619[0] : i32 from vector<1xi32>
        %and3A_621 = arith.andi %squeeze3A_620, %scan3A_10 : i32
        %and3A_622 = arith.andi %squeeze3A_620, %scan3A_11 : i32
        %eq3A_623 = vector.broadcast %and3A_622 : i32 to vector<16xi32>
        %eq3A_624 = arith.cmpi eq, %iota3A, %eq3A_623 : vector<16xi32>
        %jit3A_625 = arith.constant 1.000000e+00 : f32
        %jit3A_626 = arith.constant 0.000000e+00 : f32
        %broadcast_in_dim3A_627 = vector.broadcast %jit3A_625 : f32 to vector<16xf32>
        %broadcast_in_dim3A_628 = vector.broadcast %jit3A_626 : f32 to vector<16xf32>
        %select_n3A_629 = arith.select %eq3A_624, %broadcast_in_dim3A_627, %broadcast_in_dim3A_628 : vector<16xi1>, vector<16xf32>
        %get3A_630 = arith.index_cast %and3A_621 : i32 to index
        %get3A_631 = tpu.vector_load %arg5[%get3A_630] {strides = array<i32>} : memref<4096xf32, #tpu.memory_space<vmem>>, vector<16xf32>,
        %get3A_632 = vector.shape_cast %get3A_631 : vector<16xf32> to vector<16xf32>
        %add3A_633 = arith.addf %get3A_632, %select_n3A_629 : vector<16xf32>
        %swap3A_634 = arith.index_cast %and3A_621 : i32 to index
        %swap3A_635 = tpu.vector_load %arg5[%swap3A_634] {strides = array<i32>} : memref<4096xf32, #tpu.memory_space<vmem>>, vector<16xf32>,
        %swap3A_636 = vector.shape_cast %swap3A_635 : vector<16xf32> to vector<16xf32>
        %swap3A_637 = vector.shape_cast %add3A_633 : vector<16xf32> to vector<16xf32>
        tpu.vector_store %arg5[%swap3A_634], %swap3A_637 {strides = array<i32>} : memref<4096xf32, #tpu.memory_space<vmem>>, vector<16xf32>,
        %add3A_638 = arith.addi %mul3A_2, %mul3A_25 : i32
        %dma_start3A = arith.constant 0 : i32
        %dma_start3A_639 = tpu.memref_slice %arg3[%add3A_638, %dma_start3A] : memref<4096x4096xf32, #tpu.memory_space<hbm>> -> memref<1x4096xf32, #tpu.memory_space<hbm>>
        %dma_start3A_640 = tpu.memref_squeeze %dma_start3A_639 : memref<1x4096xf32, #tpu.memory_space<hbm>> -> memref<4096xf32, #tpu.memory_space<hbm>>
        %dma_start3A_641 = arith.constant 0 : i32
        %dma_start3A_642 = tpu.memref_slice %arg3[%add3A_638, %dma_start3A_641] : memref<4096x4096xf32, #tpu.memory_space<hbm>> -> memref<1x4096xf32, #tpu.memory_space<hbm>>
        %dma_start3A_643 = tpu.memref_squeeze %dma_start3A_642 : memref<1x4096xf32, #tpu.memory_space<hbm>> -> memref<4096xf32, #tpu.memory_space<hbm>>
        tpu.enqueue_dma source(%arg5 : memref<4096xf32, #tpu.memory_space<vmem>>) target(%dma_start3A_643 : memref<4096xf32, #tpu.memory_space<hbm>>) target_semaphore(%arg7 : memref<!tpu.dma_semaphore, #tpu.memory_space<semaphore_mem>>)
        %get3A_644 = arith.index_cast %add3A_29 : i32 to index
        %get3A_645 = arith.constant 0 : index
        %get3A_646 = tpu.vector_load %arg4[%get3A_644, %get3A_645] {strides = array<i32>} : memref<128x32xi32, #tpu.memory_space<vmem>>, vector<1x16xi32>,
        %get3A_647 = vector.shape_cast %get3A_646 : vector<1x16xi32> to vector<16xi32>
        %get3A_648 = arith.index_cast %add3A_29 : i32 to index
        %get3A_649 = arith.constant 16 : index
        %get3A_650 = tpu.vector_load %arg4[%get3A_648, %get3A_649] {strides = array<i32>} : memref<128x32xi32, #tpu.memory_space<vmem>>, vector<1x16xi32>,
        %get3A_651 = vector.shape_cast %get3A_650 : vector<1x16xi32> to vector<16xi32>
        %slice3A_652 = vector.extract_strided_slice %get3A_647 {offsets = [0], sizes = [1], strides = [1]} : vector<16xi32> to vector<1xi32>
        %squeeze3A_653 = vector.extract %slice3A_652[0] : i32 from vector<1xi32>
        %and3A_654 = arith.andi %squeeze3A_653, %scan3A_10 : i32
        %and3A_655 = arith.andi %squeeze3A_653, %scan3A_11 : i32
        %eq3A_656 = vector.broadcast %and3A_655 : i32 to vector<16xi32>
        %eq3A_657 = arith.cmpi eq, %iota3A, %eq3A_656 : vector<16xi32>
        %jit3A_658 = arith.constant 1.000000e+00 : f32
        %jit3A_659 = arith.constant 0.000000e+00 : f32
        %broadcast_in_dim3A_660 = vector.broadcast %jit3A_658 : f32 to vector<16xf32>
        %broadcast_in_dim3A_661 = vector.broadcast %jit3A_659 : f32 to vector<16xf32>
        %select_n3A_662 = arith.select %eq3A_657, %broadcast_in_dim3A_660, %broadcast_in_dim3A_661 : vector<16xi1>, vector<16xf32>
        %get3A_663 = arith.index_cast %and3A_654 : i32 to index
        %get3A_664 = tpu.vector_load %arg6[%get3A_663] {strides = array<i32>} : memref<4096xf32, #tpu.memory_space<vmem>>, vector<16xf32>,
        %get3A_665 = vector.shape_cast %get3A_664 : vector<16xf32> to vector<16xf32>
        %add3A_666 = arith.addf %get3A_665, %select_n3A_662 : vector<16xf32>
        %swap3A_667 = arith.index_cast %and3A_654 : i32 to index
        %swap3A_668 = tpu.vector_load %arg6[%swap3A_667] {strides = array<i32>} : memref<4096xf32, #tpu.memory_space<vmem>>, vector<16xf32>,
        %swap3A_669 = vector.shape_cast %swap3A_668 : vector<16xf32> to vector<16xf32>
        %swap3A_670 = vector.shape_cast %add3A_666 : vector<16xf32> to vector<16xf32>
        tpu.vector_store %arg6[%swap3A_667], %swap3A_670 {strides = array<i32>} : memref<4096xf32, #tpu.memory_space<vmem>>, vector<16xf32>,
        %slice3A_671 = vector.extract_strided_slice %get3A_647 {offsets = [1], sizes = [1], strides = [1]} : vector<16xi32> to vector<1xi32>
        %squeeze3A_672 = vector.extract %slice3A_671[0] : i32 from vector<1xi32>
        %and3A_673 = arith.andi %squeeze3A_672, %scan3A_10 : i32
        %and3A_674 = arith.andi %squeeze3A_672, %scan3A_11 : i32
        %eq3A_675 = vector.broadcast %and3A_674 : i32 to vector<16xi32>
        %eq3A_676 = arith.cmpi eq, %iota3A, %eq3A_675 : vector<16xi32>
        %jit3A_677 = arith.constant 1.000000e+00 : f32
        %jit3A_678 = arith.constant 0.000000e+00 : f32
        %broadcast_in_dim3A_679 = vector.broadcast %jit3A_677 : f32 to vector<16xf32>
        %broadcast_in_dim3A_680 = vector.broadcast %jit3A_678 : f32 to vector<16xf32>
        %select_n3A_681 = arith.select %eq3A_676, %broadcast_in_dim3A_679, %broadcast_in_dim3A_680 : vector<16xi1>, vector<16xf32>
        %get3A_682 = arith.index_cast %and3A_673 : i32 to index
        %get3A_683 = tpu.vector_load %arg6[%get3A_682] {strides = array<i32>} : memref<4096xf32, #tpu.memory_space<vmem>>, vector<16xf32>,
        %get3A_684 = vector.shape_cast %get3A_683 : vector<16xf32> to vector<16xf32>
        %add3A_685 = arith.addf %get3A_684, %select_n3A_681 : vector<16xf32>
        %swap3A_686 = arith.index_cast %and3A_673 : i32 to index
        %swap3A_687 = tpu.vector_load %arg6[%swap3A_686] {strides = array<i32>} : memref<4096xf32, #tpu.memory_space<vmem>>, vector<16xf32>,
        %swap3A_688 = vector.shape_cast %swap3A_687 : vector<16xf32> to vector<16xf32>
        %swap3A_689 = vector.shape_cast %add3A_685 : vector<16xf32> to vector<16xf32>
        tpu.vector_store %arg6[%swap3A_686], %swap3A_689 {strides = array<i32>} : memref<4096xf32, #tpu.memory_space<vmem>>, vector<16xf32>,
        %slice3A_690 = vector.extract_strided_slice %get3A_647 {offsets = [2], sizes = [1], strides = [1]} : vector<16xi32> to vector<1xi32>
        %squeeze3A_691 = vector.extract %slice3A_690[0] : i32 from vector<1xi32>
        %and3A_692 = arith.andi %squeeze3A_691, %scan3A_10 : i32
        %and3A_693 = arith.andi %squeeze3A_691, %scan3A_11 : i32
        %eq3A_694 = vector.broadcast %and3A_693 : i32 to vector<16xi32>
        %eq3A_695 = arith.cmpi eq, %iota3A, %eq3A_694 : vector<16xi32>
        %jit3A_696 = arith.constant 1.000000e+00 : f32
        %jit3A_697 = arith.constant 0.000000e+00 : f32
        %broadcast_in_dim3A_698 = vector.broadcast %jit3A_696 : f32 to vector<16xf32>
        %broadcast_in_dim3A_699 = vector.broadcast %jit3A_697 : f32 to vector<16xf32>
        %select_n3A_700 = arith.select %eq3A_695, %broadcast_in_dim3A_698, %broadcast_in_dim3A_699 : vector<16xi1>, vector<16xf32>
        %get3A_701 = arith.index_cast %and3A_692 : i32 to index
        %get3A_702 = tpu.vector_load %arg6[%get3A_701] {strides = array<i32>} : memref<4096xf32, #tpu.memory_space<vmem>>, vector<16xf32>,
        %get3A_703 = vector.shape_cast %get3A_702 : vector<16xf32> to vector<16xf32>
        %add3A_704 = arith.addf %get3A_703, %select_n3A_700 : vector<16xf32>
        %swap3A_705 = arith.index_cast %and3A_692 : i32 to index
        %swap3A_706 = tpu.vector_load %arg6[%swap3A_705] {strides = array<i32>} : memref<4096xf32, #tpu.memory_space<vmem>>, vector<16xf32>,
        %swap3A_707 = vector.shape_cast %swap3A_706 : vector<16xf32> to vector<16xf32>
        %swap3A_708 = vector.shape_cast %add3A_704 : vector<16xf32> to vector<16xf32>
        tpu.vector_store %arg6[%swap3A_705], %swap3A_708 {strides = array<i32>} : memref<4096xf32, #tpu.memory_space<vmem>>, vector<16xf32>,
        %slice3A_709 = vector.extract_strided_slice %get3A_647 {offsets = [3], sizes = [1], strides = [1]} : vector<16xi32> to vector<1xi32>
        %squeeze3A_710 = vector.extract %slice3A_709[0] : i32 from vector<1xi32>
        %and3A_711 = arith.andi %squeeze3A_710, %scan3A_10 : i32
        %and3A_712 = arith.andi %squeeze3A_710, %scan3A_11 : i32
        %eq3A_713 = vector.broadcast %and3A_712 : i32 to vector<16xi32>
        %eq3A_714 = arith.cmpi eq, %iota3A, %eq3A_713 : vector<16xi32>
        %jit3A_715 = arith.constant 1.000000e+00 : f32
        %jit3A_716 = arith.constant 0.000000e+00 : f32
        %broadcast_in_dim3A_717 = vector.broadcast %jit3A_715 : f32 to vector<16xf32>
        %broadcast_in_dim3A_718 = vector.broadcast %jit3A_716 : f32 to vector<16xf32>
        %select_n3A_719 = arith.select %eq3A_714, %broadcast_in_dim3A_717, %broadcast_in_dim3A_718 : vector<16xi1>, vector<16xf32>
        %get3A_720 = arith.index_cast %and3A_711 : i32 to index
        %get3A_721 = tpu.vector_load %arg6[%get3A_720] {strides = array<i32>} : memref<4096xf32, #tpu.memory_space<vmem>>, vector<16xf32>,
        %get3A_722 = vector.shape_cast %get3A_721 : vector<16xf32> to vector<16xf32>
        %add3A_723 = arith.addf %get3A_722, %select_n3A_719 : vector<16xf32>
        %swap3A_724 = arith.index_cast %and3A_711 : i32 to index
        %swap3A_725 = tpu.vector_load %arg6[%swap3A_724] {strides = array<i32>} : memref<4096xf32, #tpu.memory_space<vmem>>, vector<16xf32>,
        %swap3A_726 = vector.shape_cast %swap3A_725 : vector<16xf32> to vector<16xf32>
        %swap3A_727 = vector.shape_cast %add3A_723 : vector<16xf32> to vector<16xf32>
        tpu.vector_store %arg6[%swap3A_724], %swap3A_727 {strides = array<i32>} : memref<4096xf32, #tpu.memory_space<vmem>>, vector<16xf32>,
        %slice3A_728 = vector.extract_strided_slice %get3A_647 {offsets = [4], sizes = [1], strides = [1]} : vector<16xi32> to vector<1xi32>
        %squeeze3A_729 = vector.extract %slice3A_728[0] : i32 from vector<1xi32>
        %and3A_730 = arith.andi %squeeze3A_729, %scan3A_10 : i32
        %and3A_731 = arith.andi %squeeze3A_729, %scan3A_11 : i32
        %eq3A_732 = vector.broadcast %and3A_731 : i32 to vector<16xi32>
        %eq3A_733 = arith.cmpi eq, %iota3A, %eq3A_732 : vector<16xi32>
        %jit3A_734 = arith.constant 1.000000e+00 : f32
        %jit3A_735 = arith.constant 0.000000e+00 : f32
        %broadcast_in_dim3A_736 = vector.broadcast %jit3A_734 : f32 to vector<16xf32>
        %broadcast_in_dim3A_737 = vector.broadcast %jit3A_735 : f32 to vector<16xf32>
        %select_n3A_738 = arith.select %eq3A_733, %broadcast_in_dim3A_736, %broadcast_in_dim3A_737 : vector<16xi1>, vector<16xf32>
        %get3A_739 = arith.index_cast %and3A_730 : i32 to index
        %get3A_740 = tpu.vector_load %arg6[%get3A_739] {strides = array<i32>} : memref<4096xf32, #tpu.memory_space<vmem>>, vector<16xf32>,
        %get3A_741 = vector.shape_cast %get3A_740 : vector<16xf32> to vector<16xf32>
        %add3A_742 = arith.addf %get3A_741, %select_n3A_738 : vector<16xf32>
        %swap3A_743 = arith.index_cast %and3A_730 : i32 to index
        %swap3A_744 = tpu.vector_load %arg6[%swap3A_743] {strides = array<i32>} : memref<4096xf32, #tpu.memory_space<vmem>>, vector<16xf32>,
        %swap3A_745 = vector.shape_cast %swap3A_744 : vector<16xf32> to vector<16xf32>
        %swap3A_746 = vector.shape_cast %add3A_742 : vector<16xf32> to vector<16xf32>
        tpu.vector_store %arg6[%swap3A_743], %swap3A_746 {strides = array<i32>} : memref<4096xf32, #tpu.memory_space<vmem>>, vector<16xf32>,
        %slice3A_747 = vector.extract_strided_slice %get3A_647 {offsets = [5], sizes = [1], strides = [1]} : vector<16xi32> to vector<1xi32>
        %squeeze3A_748 = vector.extract %slice3A_747[0] : i32 from vector<1xi32>
        %and3A_749 = arith.andi %squeeze3A_748, %scan3A_10 : i32
        %and3A_750 = arith.andi %squeeze3A_748, %scan3A_11 : i32
        %eq3A_751 = vector.broadcast %and3A_750 : i32 to vector<16xi32>
        %eq3A_752 = arith.cmpi eq, %iota3A, %eq3A_751 : vector<16xi32>
        %jit3A_753 = arith.constant 1.000000e+00 : f32
        %jit3A_754 = arith.constant 0.000000e+00 : f32
        %broadcast_in_dim3A_755 = vector.broadcast %jit3A_753 : f32 to vector<16xf32>
        %broadcast_in_dim3A_756 = vector.broadcast %jit3A_754 : f32 to vector<16xf32>
        %select_n3A_757 = arith.select %eq3A_752, %broadcast_in_dim3A_755, %broadcast_in_dim3A_756 : vector<16xi1>, vector<16xf32>
        %get3A_758 = arith.index_cast %and3A_749 : i32 to index
        %get3A_759 = tpu.vector_load %arg6[%get3A_758] {strides = array<i32>} : memref<4096xf32, #tpu.memory_space<vmem>>, vector<16xf32>,
        %get3A_760 = vector.shape_cast %get3A_759 : vector<16xf32> to vector<16xf32>
        %add3A_761 = arith.addf %get3A_760, %select_n3A_757 : vector<16xf32>
        %swap3A_762 = arith.index_cast %and3A_749 : i32 to index
        %swap3A_763 = tpu.vector_load %arg6[%swap3A_762] {strides = array<i32>} : memref<4096xf32, #tpu.memory_space<vmem>>, vector<16xf32>,
        %swap3A_764 = vector.shape_cast %swap3A_763 : vector<16xf32> to vector<16xf32>
        %swap3A_765 = vector.shape_cast %add3A_761 : vector<16xf32> to vector<16xf32>
        tpu.vector_store %arg6[%swap3A_762], %swap3A_765 {strides = array<i32>} : memref<4096xf32, #tpu.memory_space<vmem>>, vector<16xf32>,
        %slice3A_766 = vector.extract_strided_slice %get3A_647 {offsets = [6], sizes = [1], strides = [1]} : vector<16xi32> to vector<1xi32>
        %squeeze3A_767 = vector.extract %slice3A_766[0] : i32 from vector<1xi32>
        %and3A_768 = arith.andi %squeeze3A_767, %scan3A_10 : i32
        %and3A_769 = arith.andi %squeeze3A_767, %scan3A_11 : i32
        %eq3A_770 = vector.broadcast %and3A_769 : i32 to vector<16xi32>
        %eq3A_771 = arith.cmpi eq, %iota3A, %eq3A_770 : vector<16xi32>
        %jit3A_772 = arith.constant 1.000000e+00 : f32
        %jit3A_773 = arith.constant 0.000000e+00 : f32
        %broadcast_in_dim3A_774 = vector.broadcast %jit3A_772 : f32 to vector<16xf32>
        %broadcast_in_dim3A_775 = vector.broadcast %jit3A_773 : f32 to vector<16xf32>
        %select_n3A_776 = arith.select %eq3A_771, %broadcast_in_dim3A_774, %broadcast_in_dim3A_775 : vector<16xi1>, vector<16xf32>
        %get3A_777 = arith.index_cast %and3A_768 : i32 to index
        %get3A_778 = tpu.vector_load %arg6[%get3A_777] {strides = array<i32>} : memref<4096xf32, #tpu.memory_space<vmem>>, vector<16xf32>,
        %get3A_779 = vector.shape_cast %get3A_778 : vector<16xf32> to vector<16xf32>
        %add3A_780 = arith.addf %get3A_779, %select_n3A_776 : vector<16xf32>
        %swap3A_781 = arith.index_cast %and3A_768 : i32 to index
        %swap3A_782 = tpu.vector_load %arg6[%swap3A_781] {strides = array<i32>} : memref<4096xf32, #tpu.memory_space<vmem>>, vector<16xf32>,
        %swap3A_783 = vector.shape_cast %swap3A_782 : vector<16xf32> to vector<16xf32>
        %swap3A_784 = vector.shape_cast %add3A_780 : vector<16xf32> to vector<16xf32>
        tpu.vector_store %arg6[%swap3A_781], %swap3A_784 {strides = array<i32>} : memref<4096xf32, #tpu.memory_space<vmem>>, vector<16xf32>,
        %slice3A_785 = vector.extract_strided_slice %get3A_647 {offsets = [7], sizes = [1], strides = [1]} : vector<16xi32> to vector<1xi32>
        %squeeze3A_786 = vector.extract %slice3A_785[0] : i32 from vector<1xi32>
        %and3A_787 = arith.andi %squeeze3A_786, %scan3A_10 : i32
        %and3A_788 = arith.andi %squeeze3A_786, %scan3A_11 : i32
        %eq3A_789 = vector.broadcast %and3A_788 : i32 to vector<16xi32>
        %eq3A_790 = arith.cmpi eq, %iota3A, %eq3A_789 : vector<16xi32>
        %jit3A_791 = arith.constant 1.000000e+00 : f32
        %jit3A_792 = arith.constant 0.000000e+00 : f32
        %broadcast_in_dim3A_793 = vector.broadcast %jit3A_791 : f32 to vector<16xf32>
        %broadcast_in_dim3A_794 = vector.broadcast %jit3A_792 : f32 to vector<16xf32>
        %select_n3A_795 = arith.select %eq3A_790, %broadcast_in_dim3A_793, %broadcast_in_dim3A_794 : vector<16xi1>, vector<16xf32>
        %get3A_796 = arith.index_cast %and3A_787 : i32 to index
        %get3A_797 = tpu.vector_load %arg6[%get3A_796] {strides = array<i32>} : memref<4096xf32, #tpu.memory_space<vmem>>, vector<16xf32>,
        %get3A_798 = vector.shape_cast %get3A_797 : vector<16xf32> to vector<16xf32>
        %add3A_799 = arith.addf %get3A_798, %select_n3A_795 : vector<16xf32>
        %swap3A_800 = arith.index_cast %and3A_787 : i32 to index
        %swap3A_801 = tpu.vector_load %arg6[%swap3A_800] {strides = array<i32>} : memref<4096xf32, #tpu.memory_space<vmem>>, vector<16xf32>,
        %swap3A_802 = vector.shape_cast %swap3A_801 : vector<16xf32> to vector<16xf32>
        %swap3A_803 = vector.shape_cast %add3A_799 : vector<16xf32> to vector<16xf32>
        tpu.vector_store %arg6[%swap3A_800], %swap3A_803 {strides = array<i32>} : memref<4096xf32, #tpu.memory_space<vmem>>, vector<16xf32>,
        %slice3A_804 = vector.extract_strided_slice %get3A_647 {offsets = [8], sizes = [1], strides = [1]} : vector<16xi32> to vector<1xi32>
        %squeeze3A_805 = vector.extract %slice3A_804[0] : i32 from vector<1xi32>
        %and3A_806 = arith.andi %squeeze3A_805, %scan3A_10 : i32
        %and3A_807 = arith.andi %squeeze3A_805, %scan3A_11 : i32
        %eq3A_808 = vector.broadcast %and3A_807 : i32 to vector<16xi32>
        %eq3A_809 = arith.cmpi eq, %iota3A, %eq3A_808 : vector<16xi32>
        %jit3A_810 = arith.constant 1.000000e+00 : f32
        %jit3A_811 = arith.constant 0.000000e+00 : f32
        %broadcast_in_dim3A_812 = vector.broadcast %jit3A_810 : f32 to vector<16xf32>
        %broadcast_in_dim3A_813 = vector.broadcast %jit3A_811 : f32 to vector<16xf32>
        %select_n3A_814 = arith.select %eq3A_809, %broadcast_in_dim3A_812, %broadcast_in_dim3A_813 : vector<16xi1>, vector<16xf32>
        %get3A_815 = arith.index_cast %and3A_806 : i32 to index
        %get3A_816 = tpu.vector_load %arg6[%get3A_815] {strides = array<i32>} : memref<4096xf32, #tpu.memory_space<vmem>>, vector<16xf32>,
        %get3A_817 = vector.shape_cast %get3A_816 : vector<16xf32> to vector<16xf32>
        %add3A_818 = arith.addf %get3A_817, %select_n3A_814 : vector<16xf32>
        %swap3A_819 = arith.index_cast %and3A_806 : i32 to index
        %swap3A_820 = tpu.vector_load %arg6[%swap3A_819] {strides = array<i32>} : memref<4096xf32, #tpu.memory_space<vmem>>, vector<16xf32>,
        %swap3A_821 = vector.shape_cast %swap3A_820 : vector<16xf32> to vector<16xf32>
        %swap3A_822 = vector.shape_cast %add3A_818 : vector<16xf32> to vector<16xf32>
        tpu.vector_store %arg6[%swap3A_819], %swap3A_822 {strides = array<i32>} : memref<4096xf32, #tpu.memory_space<vmem>>, vector<16xf32>,
        %slice3A_823 = vector.extract_strided_slice %get3A_647 {offsets = [9], sizes = [1], strides = [1]} : vector<16xi32> to vector<1xi32>
        %squeeze3A_824 = vector.extract %slice3A_823[0] : i32 from vector<1xi32>
        %and3A_825 = arith.andi %squeeze3A_824, %scan3A_10 : i32
        %and3A_826 = arith.andi %squeeze3A_824, %scan3A_11 : i32
        %eq3A_827 = vector.broadcast %and3A_826 : i32 to vector<16xi32>
        %eq3A_828 = arith.cmpi eq, %iota3A, %eq3A_827 : vector<16xi32>
        %jit3A_829 = arith.constant 1.000000e+00 : f32
        %jit3A_830 = arith.constant 0.000000e+00 : f32
        %broadcast_in_dim3A_831 = vector.broadcast %jit3A_829 : f32 to vector<16xf32>
        %broadcast_in_dim3A_832 = vector.broadcast %jit3A_830 : f32 to vector<16xf32>
        %select_n3A_833 = arith.select %eq3A_828, %broadcast_in_dim3A_831, %broadcast_in_dim3A_832 : vector<16xi1>, vector<16xf32>
        %get3A_834 = arith.index_cast %and3A_825 : i32 to index
        %get3A_835 = tpu.vector_load %arg6[%get3A_834] {strides = array<i32>} : memref<4096xf32, #tpu.memory_space<vmem>>, vector<16xf32>,
        %get3A_836 = vector.shape_cast %get3A_835 : vector<16xf32> to vector<16xf32>
        %add3A_837 = arith.addf %get3A_836, %select_n3A_833 : vector<16xf32>
        %swap3A_838 = arith.index_cast %and3A_825 : i32 to index
        %swap3A_839 = tpu.vector_load %arg6[%swap3A_838] {strides = array<i32>} : memref<4096xf32, #tpu.memory_space<vmem>>, vector<16xf32>,
        %swap3A_840 = vector.shape_cast %swap3A_839 : vector<16xf32> to vector<16xf32>
        %swap3A_841 = vector.shape_cast %add3A_837 : vector<16xf32> to vector<16xf32>
        tpu.vector_store %arg6[%swap3A_838], %swap3A_841 {strides = array<i32>} : memref<4096xf32, #tpu.memory_space<vmem>>, vector<16xf32>,
        %slice3A_842 = vector.extract_strided_slice %get3A_647 {offsets = [10], sizes = [1], strides = [1]} : vector<16xi32> to vector<1xi32>
        %squeeze3A_843 = vector.extract %slice3A_842[0] : i32 from vector<1xi32>
        %and3A_844 = arith.andi %squeeze3A_843, %scan3A_10 : i32
        %and3A_845 = arith.andi %squeeze3A_843, %scan3A_11 : i32
        %eq3A_846 = vector.broadcast %and3A_845 : i32 to vector<16xi32>
        %eq3A_847 = arith.cmpi eq, %iota3A, %eq3A_846 : vector<16xi32>
        %jit3A_848 = arith.constant 1.000000e+00 : f32
        %jit3A_849 = arith.constant 0.000000e+00 : f32
        %broadcast_in_dim3A_850 = vector.broadcast %jit3A_848 : f32 to vector<16xf32>
        %broadcast_in_dim3A_851 = vector.broadcast %jit3A_849 : f32 to vector<16xf32>
        %select_n3A_852 = arith.select %eq3A_847, %broadcast_in_dim3A_850, %broadcast_in_dim3A_851 : vector<16xi1>, vector<16xf32>
        %get3A_853 = arith.index_cast %and3A_844 : i32 to index
        %get3A_854 = tpu.vector_load %arg6[%get3A_853] {strides = array<i32>} : memref<4096xf32, #tpu.memory_space<vmem>>, vector<16xf32>,
        %get3A_855 = vector.shape_cast %get3A_854 : vector<16xf32> to vector<16xf32>
        %add3A_856 = arith.addf %get3A_855, %select_n3A_852 : vector<16xf32>
        %swap3A_857 = arith.index_cast %and3A_844 : i32 to index
        %swap3A_858 = tpu.vector_load %arg6[%swap3A_857] {strides = array<i32>} : memref<4096xf32, #tpu.memory_space<vmem>>, vector<16xf32>,
        %swap3A_859 = vector.shape_cast %swap3A_858 : vector<16xf32> to vector<16xf32>
        %swap3A_860 = vector.shape_cast %add3A_856 : vector<16xf32> to vector<16xf32>
        tpu.vector_store %arg6[%swap3A_857], %swap3A_860 {strides = array<i32>} : memref<4096xf32, #tpu.memory_space<vmem>>, vector<16xf32>,
        %slice3A_861 = vector.extract_strided_slice %get3A_647 {offsets = [11], sizes = [1], strides = [1]} : vector<16xi32> to vector<1xi32>
        %squeeze3A_862 = vector.extract %slice3A_861[0] : i32 from vector<1xi32>
        %and3A_863 = arith.andi %squeeze3A_862, %scan3A_10 : i32
        %and3A_864 = arith.andi %squeeze3A_862, %scan3A_11 : i32
        %eq3A_865 = vector.broadcast %and3A_864 : i32 to vector<16xi32>
        %eq3A_866 = arith.cmpi eq, %iota3A, %eq3A_865 : vector<16xi32>
        %jit3A_867 = arith.constant 1.000000e+00 : f32
        %jit3A_868 = arith.constant 0.000000e+00 : f32
        %broadcast_in_dim3A_869 = vector.broadcast %jit3A_867 : f32 to vector<16xf32>
        %broadcast_in_dim3A_870 = vector.broadcast %jit3A_868 : f32 to vector<16xf32>
        %select_n3A_871 = arith.select %eq3A_866, %broadcast_in_dim3A_869, %broadcast_in_dim3A_870 : vector<16xi1>, vector<16xf32>
        %get3A_872 = arith.index_cast %and3A_863 : i32 to index
        %get3A_873 = tpu.vector_load %arg6[%get3A_872] {strides = array<i32>} : memref<4096xf32, #tpu.memory_space<vmem>>, vector<16xf32>,
        %get3A_874 = vector.shape_cast %get3A_873 : vector<16xf32> to vector<16xf32>
        %add3A_875 = arith.addf %get3A_874, %select_n3A_871 : vector<16xf32>
        %swap3A_876 = arith.index_cast %and3A_863 : i32 to index
        %swap3A_877 = tpu.vector_load %arg6[%swap3A_876] {strides = array<i32>} : memref<4096xf32, #tpu.memory_space<vmem>>, vector<16xf32>,
        %swap3A_878 = vector.shape_cast %swap3A_877 : vector<16xf32> to vector<16xf32>
        %swap3A_879 = vector.shape_cast %add3A_875 : vector<16xf32> to vector<16xf32>
        tpu.vector_store %arg6[%swap3A_876], %swap3A_879 {strides = array<i32>} : memref<4096xf32, #tpu.memory_space<vmem>>, vector<16xf32>,
        %slice3A_880 = vector.extract_strided_slice %get3A_647 {offsets = [12], sizes = [1], strides = [1]} : vector<16xi32> to vector<1xi32>
        %squeeze3A_881 = vector.extract %slice3A_880[0] : i32 from vector<1xi32>
        %and3A_882 = arith.andi %squeeze3A_881, %scan3A_10 : i32
        %and3A_883 = arith.andi %squeeze3A_881, %scan3A_11 : i32
        %eq3A_884 = vector.broadcast %and3A_883 : i32 to vector<16xi32>
        %eq3A_885 = arith.cmpi eq, %iota3A, %eq3A_884 : vector<16xi32>
        %jit3A_886 = arith.constant 1.000000e+00 : f32
        %jit3A_887 = arith.constant 0.000000e+00 : f32
        %broadcast_in_dim3A_888 = vector.broadcast %jit3A_886 : f32 to vector<16xf32>
        %broadcast_in_dim3A_889 = vector.broadcast %jit3A_887 : f32 to vector<16xf32>
        %select_n3A_890 = arith.select %eq3A_885, %broadcast_in_dim3A_888, %broadcast_in_dim3A_889 : vector<16xi1>, vector<16xf32>
        %get3A_891 = arith.index_cast %and3A_882 : i32 to index
        %get3A_892 = tpu.vector_load %arg6[%get3A_891] {strides = array<i32>} : memref<4096xf32, #tpu.memory_space<vmem>>, vector<16xf32>,
        %get3A_893 = vector.shape_cast %get3A_892 : vector<16xf32> to vector<16xf32>
        %add3A_894 = arith.addf %get3A_893, %select_n3A_890 : vector<16xf32>
        %swap3A_895 = arith.index_cast %and3A_882 : i32 to index
        %swap3A_896 = tpu.vector_load %arg6[%swap3A_895] {strides = array<i32>} : memref<4096xf32, #tpu.memory_space<vmem>>, vector<16xf32>,
        %swap3A_897 = vector.shape_cast %swap3A_896 : vector<16xf32> to vector<16xf32>
        %swap3A_898 = vector.shape_cast %add3A_894 : vector<16xf32> to vector<16xf32>
        tpu.vector_store %arg6[%swap3A_895], %swap3A_898 {strides = array<i32>} : memref<4096xf32, #tpu.memory_space<vmem>>, vector<16xf32>,
        %slice3A_899 = vector.extract_strided_slice %get3A_647 {offsets = [13], sizes = [1], strides = [1]} : vector<16xi32> to vector<1xi32>
        %squeeze3A_900 = vector.extract %slice3A_899[0] : i32 from vector<1xi32>
        %and3A_901 = arith.andi %squeeze3A_900, %scan3A_10 : i32
        %and3A_902 = arith.andi %squeeze3A_900, %scan3A_11 : i32
        %eq3A_903 = vector.broadcast %and3A_902 : i32 to vector<16xi32>
        %eq3A_904 = arith.cmpi eq, %iota3A, %eq3A_903 : vector<16xi32>
        %jit3A_905 = arith.constant 1.000000e+00 : f32
        %jit3A_906 = arith.constant 0.000000e+00 : f32
        %broadcast_in_dim3A_907 = vector.broadcast %jit3A_905 : f32 to vector<16xf32>
        %broadcast_in_dim3A_908 = vector.broadcast %jit3A_906 : f32 to vector<16xf32>
        %select_n3A_909 = arith.select %eq3A_904, %broadcast_in_dim3A_907, %broadcast_in_dim3A_908 : vector<16xi1>, vector<16xf32>
        %get3A_910 = arith.index_cast %and3A_901 : i32 to index
        %get3A_911 = tpu.vector_load %arg6[%get3A_910] {strides = array<i32>} : memref<4096xf32, #tpu.memory_space<vmem>>, vector<16xf32>,
        %get3A_912 = vector.shape_cast %get3A_911 : vector<16xf32> to vector<16xf32>
        %add3A_913 = arith.addf %get3A_912, %select_n3A_909 : vector<16xf32>
        %swap3A_914 = arith.index_cast %and3A_901 : i32 to index
        %swap3A_915 = tpu.vector_load %arg6[%swap3A_914] {strides = array<i32>} : memref<4096xf32, #tpu.memory_space<vmem>>, vector<16xf32>,
        %swap3A_916 = vector.shape_cast %swap3A_915 : vector<16xf32> to vector<16xf32>
        %swap3A_917 = vector.shape_cast %add3A_913 : vector<16xf32> to vector<16xf32>
        tpu.vector_store %arg6[%swap3A_914], %swap3A_917 {strides = array<i32>} : memref<4096xf32, #tpu.memory_space<vmem>>, vector<16xf32>,
        %slice3A_918 = vector.extract_strided_slice %get3A_647 {offsets = [14], sizes = [1], strides = [1]} : vector<16xi32> to vector<1xi32>
        %squeeze3A_919 = vector.extract %slice3A_918[0] : i32 from vector<1xi32>
        %and3A_920 = arith.andi %squeeze3A_919, %scan3A_10 : i32
        %and3A_921 = arith.andi %squeeze3A_919, %scan3A_11 : i32
        %eq3A_922 = vector.broadcast %and3A_921 : i32 to vector<16xi32>
        %eq3A_923 = arith.cmpi eq, %iota3A, %eq3A_922 : vector<16xi32>
        %jit3A_924 = arith.constant 1.000000e+00 : f32
        %jit3A_925 = arith.constant 0.000000e+00 : f32
        %broadcast_in_dim3A_926 = vector.broadcast %jit3A_924 : f32 to vector<16xf32>
        %broadcast_in_dim3A_927 = vector.broadcast %jit3A_925 : f32 to vector<16xf32>
        %select_n3A_928 = arith.select %eq3A_923, %broadcast_in_dim3A_926, %broadcast_in_dim3A_927 : vector<16xi1>, vector<16xf32>
        %get3A_929 = arith.index_cast %and3A_920 : i32 to index
        %get3A_930 = tpu.vector_load %arg6[%get3A_929] {strides = array<i32>} : memref<4096xf32, #tpu.memory_space<vmem>>, vector<16xf32>,
        %get3A_931 = vector.shape_cast %get3A_930 : vector<16xf32> to vector<16xf32>
        %add3A_932 = arith.addf %get3A_931, %select_n3A_928 : vector<16xf32>
        %swap3A_933 = arith.index_cast %and3A_920 : i32 to index
        %swap3A_934 = tpu.vector_load %arg6[%swap3A_933] {strides = array<i32>} : memref<4096xf32, #tpu.memory_space<vmem>>, vector<16xf32>,
        %swap3A_935 = vector.shape_cast %swap3A_934 : vector<16xf32> to vector<16xf32>
        %swap3A_936 = vector.shape_cast %add3A_932 : vector<16xf32> to vector<16xf32>
        tpu.vector_store %arg6[%swap3A_933], %swap3A_936 {strides = array<i32>} : memref<4096xf32, #tpu.memory_space<vmem>>, vector<16xf32>,
        %slice3A_937 = vector.extract_strided_slice %get3A_647 {offsets = [15], sizes = [1], strides = [1]} : vector<16xi32> to vector<1xi32>
        %squeeze3A_938 = vector.extract %slice3A_937[0] : i32 from vector<1xi32>
        %and3A_939 = arith.andi %squeeze3A_938, %scan3A_10 : i32
        %and3A_940 = arith.andi %squeeze3A_938, %scan3A_11 : i32
        %eq3A_941 = vector.broadcast %and3A_940 : i32 to vector<16xi32>
        %eq3A_942 = arith.cmpi eq, %iota3A, %eq3A_941 : vector<16xi32>
        %jit3A_943 = arith.constant 1.000000e+00 : f32
        %jit3A_944 = arith.constant 0.000000e+00 : f32
        %broadcast_in_dim3A_945 = vector.broadcast %jit3A_943 : f32 to vector<16xf32>
        %broadcast_in_dim3A_946 = vector.broadcast %jit3A_944 : f32 to vector<16xf32>
        %select_n3A_947 = arith.select %eq3A_942, %broadcast_in_dim3A_945, %broadcast_in_dim3A_946 : vector<16xi1>, vector<16xf32>
        %get3A_948 = arith.index_cast %and3A_939 : i32 to index
        %get3A_949 = tpu.vector_load %arg6[%get3A_948] {strides = array<i32>} : memref<4096xf32, #tpu.memory_space<vmem>>, vector<16xf32>,
        %get3A_950 = vector.shape_cast %get3A_949 : vector<16xf32> to vector<16xf32>
        %add3A_951 = arith.addf %get3A_950, %select_n3A_947 : vector<16xf32>
        %swap3A_952 = arith.index_cast %and3A_939 : i32 to index
        %swap3A_953 = tpu.vector_load %arg6[%swap3A_952] {strides = array<i32>} : memref<4096xf32, #tpu.memory_space<vmem>>, vector<16xf32>,
        %swap3A_954 = vector.shape_cast %swap3A_953 : vector<16xf32> to vector<16xf32>
        %swap3A_955 = vector.shape_cast %add3A_951 : vector<16xf32> to vector<16xf32>
        tpu.vector_store %arg6[%swap3A_952], %swap3A_955 {strides = array<i32>} : memref<4096xf32, #tpu.memory_space<vmem>>, vector<16xf32>,
        %slice3A_956 = vector.extract_strided_slice %get3A_651 {offsets = [0], sizes = [1], strides = [1]} : vector<16xi32> to vector<1xi32>
        %squeeze3A_957 = vector.extract %slice3A_956[0] : i32 from vector<1xi32>
        %and3A_958 = arith.andi %squeeze3A_957, %scan3A_10 : i32
        %and3A_959 = arith.andi %squeeze3A_957, %scan3A_11 : i32
        %eq3A_960 = vector.broadcast %and3A_959 : i32 to vector<16xi32>
        %eq3A_961 = arith.cmpi eq, %iota3A, %eq3A_960 : vector<16xi32>
        %jit3A_962 = arith.constant 1.000000e+00 : f32
        %jit3A_963 = arith.constant 0.000000e+00 : f32
        %broadcast_in_dim3A_964 = vector.broadcast %jit3A_962 : f32 to vector<16xf32>
        %broadcast_in_dim3A_965 = vector.broadcast %jit3A_963 : f32 to vector<16xf32>
        %select_n3A_966 = arith.select %eq3A_961, %broadcast_in_dim3A_964, %broadcast_in_dim3A_965 : vector<16xi1>, vector<16xf32>
        %get3A_967 = arith.index_cast %and3A_958 : i32 to index
        %get3A_968 = tpu.vector_load %arg6[%get3A_967] {strides = array<i32>} : memref<4096xf32, #tpu.memory_space<vmem>>, vector<16xf32>,
        %get3A_969 = vector.shape_cast %get3A_968 : vector<16xf32> to vector<16xf32>
        %add3A_970 = arith.addf %get3A_969, %select_n3A_966 : vector<16xf32>
        %swap3A_971 = arith.index_cast %and3A_958 : i32 to index
        %swap3A_972 = tpu.vector_load %arg6[%swap3A_971] {strides = array<i32>} : memref<4096xf32, #tpu.memory_space<vmem>>, vector<16xf32>,
        %swap3A_973 = vector.shape_cast %swap3A_972 : vector<16xf32> to vector<16xf32>
        %swap3A_974 = vector.shape_cast %add3A_970 : vector<16xf32> to vector<16xf32>
        tpu.vector_store %arg6[%swap3A_971], %swap3A_974 {strides = array<i32>} : memref<4096xf32, #tpu.memory_space<vmem>>, vector<16xf32>,
        %slice3A_975 = vector.extract_strided_slice %get3A_651 {offsets = [1], sizes = [1], strides = [1]} : vector<16xi32> to vector<1xi32>
        %squeeze3A_976 = vector.extract %slice3A_975[0] : i32 from vector<1xi32>
        %and3A_977 = arith.andi %squeeze3A_976, %scan3A_10 : i32
        %and3A_978 = arith.andi %squeeze3A_976, %scan3A_11 : i32
        %eq3A_979 = vector.broadcast %and3A_978 : i32 to vector<16xi32>
        %eq3A_980 = arith.cmpi eq, %iota3A, %eq3A_979 : vector<16xi32>
        %jit3A_981 = arith.constant 1.000000e+00 : f32
        %jit3A_982 = arith.constant 0.000000e+00 : f32
        %broadcast_in_dim3A_983 = vector.broadcast %jit3A_981 : f32 to vector<16xf32>
        %broadcast_in_dim3A_984 = vector.broadcast %jit3A_982 : f32 to vector<16xf32>
        %select_n3A_985 = arith.select %eq3A_980, %broadcast_in_dim3A_983, %broadcast_in_dim3A_984 : vector<16xi1>, vector<16xf32>
        %get3A_986 = arith.index_cast %and3A_977 : i32 to index
        %get3A_987 = tpu.vector_load %arg6[%get3A_986] {strides = array<i32>} : memref<4096xf32, #tpu.memory_space<vmem>>, vector<16xf32>,
        %get3A_988 = vector.shape_cast %get3A_987 : vector<16xf32> to vector<16xf32>
        %add3A_989 = arith.addf %get3A_988, %select_n3A_985 : vector<16xf32>
        %swap3A_990 = arith.index_cast %and3A_977 : i32 to index
        %swap3A_991 = tpu.vector_load %arg6[%swap3A_990] {strides = array<i32>} : memref<4096xf32, #tpu.memory_space<vmem>>, vector<16xf32>,
        %swap3A_992 = vector.shape_cast %swap3A_991 : vector<16xf32> to vector<16xf32>
        %swap3A_993 = vector.shape_cast %add3A_989 : vector<16xf32> to vector<16xf32>
        tpu.vector_store %arg6[%swap3A_990], %swap3A_993 {strides = array<i32>} : memref<4096xf32, #tpu.memory_space<vmem>>, vector<16xf32>,
        %slice3A_994 = vector.extract_strided_slice %get3A_651 {offsets = [2], sizes = [1], strides = [1]} : vector<16xi32> to vector<1xi32>
        %squeeze3A_995 = vector.extract %slice3A_994[0] : i32 from vector<1xi32>
        %and3A_996 = arith.andi %squeeze3A_995, %scan3A_10 : i32
        %and3A_997 = arith.andi %squeeze3A_995, %scan3A_11 : i32
        %eq3A_998 = vector.broadcast %and3A_997 : i32 to vector<16xi32>
        %eq3A_999 = arith.cmpi eq, %iota3A, %eq3A_998 : vector<16xi32>
        %jit3A_1000 = arith.constant 1.000000e+00 : f32
        %jit3A_1001 = arith.constant 0.000000e+00 : f32
        %broadcast_in_dim3A_1002 = vector.broadcast %jit3A_1000 : f32 to vector<16xf32>
        %broadcast_in_dim3A_1003 = vector.broadcast %jit3A_1001 : f32 to vector<16xf32>
        %select_n3A_1004 = arith.select %eq3A_999, %broadcast_in_dim3A_1002, %broadcast_in_dim3A_1003 : vector<16xi1>, vector<16xf32>
        %get3A_1005 = arith.index_cast %and3A_996 : i32 to index
        %get3A_1006 = tpu.vector_load %arg6[%get3A_1005] {strides = array<i32>} : memref<4096xf32, #tpu.memory_space<vmem>>, vector<16xf32>,
        %get3A_1007 = vector.shape_cast %get3A_1006 : vector<16xf32> to vector<16xf32>
        %add3A_1008 = arith.addf %get3A_1007, %select_n3A_1004 : vector<16xf32>
        %swap3A_1009 = arith.index_cast %and3A_996 : i32 to index
        %swap3A_1010 = tpu.vector_load %arg6[%swap3A_1009] {strides = array<i32>} : memref<4096xf32, #tpu.memory_space<vmem>>, vector<16xf32>,
        %swap3A_1011 = vector.shape_cast %swap3A_1010 : vector<16xf32> to vector<16xf32>
        %swap3A_1012 = vector.shape_cast %add3A_1008 : vector<16xf32> to vector<16xf32>
        tpu.vector_store %arg6[%swap3A_1009], %swap3A_1012 {strides = array<i32>} : memref<4096xf32, #tpu.memory_space<vmem>>, vector<16xf32>,
        %slice3A_1013 = vector.extract_strided_slice %get3A_651 {offsets = [3], sizes = [1], strides = [1]} : vector<16xi32> to vector<1xi32>
        %squeeze3A_1014 = vector.extract %slice3A_1013[0] : i32 from vector<1xi32>
        %and3A_1015 = arith.andi %squeeze3A_1014, %scan3A_10 : i32
        %and3A_1016 = arith.andi %squeeze3A_1014, %scan3A_11 : i32
        %eq3A_1017 = vector.broadcast %and3A_1016 : i32 to vector<16xi32>
        %eq3A_1018 = arith.cmpi eq, %iota3A, %eq3A_1017 : vector<16xi32>
        %jit3A_1019 = arith.constant 1.000000e+00 : f32
        %jit3A_1020 = arith.constant 0.000000e+00 : f32
        %broadcast_in_dim3A_1021 = vector.broadcast %jit3A_1019 : f32 to vector<16xf32>
        %broadcast_in_dim3A_1022 = vector.broadcast %jit3A_1020 : f32 to vector<16xf32>
        %select_n3A_1023 = arith.select %eq3A_1018, %broadcast_in_dim3A_1021, %broadcast_in_dim3A_1022 : vector<16xi1>, vector<16xf32>
        %get3A_1024 = arith.index_cast %and3A_1015 : i32 to index
        %get3A_1025 = tpu.vector_load %arg6[%get3A_1024] {strides = array<i32>} : memref<4096xf32, #tpu.memory_space<vmem>>, vector<16xf32>,
        %get3A_1026 = vector.shape_cast %get3A_1025 : vector<16xf32> to vector<16xf32>
        %add3A_1027 = arith.addf %get3A_1026, %select_n3A_1023 : vector<16xf32>
        %swap3A_1028 = arith.index_cast %and3A_1015 : i32 to index
        %swap3A_1029 = tpu.vector_load %arg6[%swap3A_1028] {strides = array<i32>} : memref<4096xf32, #tpu.memory_space<vmem>>, vector<16xf32>,
        %swap3A_1030 = vector.shape_cast %swap3A_1029 : vector<16xf32> to vector<16xf32>
        %swap3A_1031 = vector.shape_cast %add3A_1027 : vector<16xf32> to vector<16xf32>
        tpu.vector_store %arg6[%swap3A_1028], %swap3A_1031 {strides = array<i32>} : memref<4096xf32, #tpu.memory_space<vmem>>, vector<16xf32>,
        %slice3A_1032 = vector.extract_strided_slice %get3A_651 {offsets = [4], sizes = [1], strides = [1]} : vector<16xi32> to vector<1xi32>
        %squeeze3A_1033 = vector.extract %slice3A_1032[0] : i32 from vector<1xi32>
        %and3A_1034 = arith.andi %squeeze3A_1033, %scan3A_10 : i32
        %and3A_1035 = arith.andi %squeeze3A_1033, %scan3A_11 : i32
        %eq3A_1036 = vector.broadcast %and3A_1035 : i32 to vector<16xi32>
        %eq3A_1037 = arith.cmpi eq, %iota3A, %eq3A_1036 : vector<16xi32>
        %jit3A_1038 = arith.constant 1.000000e+00 : f32
        %jit3A_1039 = arith.constant 0.000000e+00 : f32
        %broadcast_in_dim3A_1040 = vector.broadcast %jit3A_1038 : f32 to vector<16xf32>
        %broadcast_in_dim3A_1041 = vector.broadcast %jit3A_1039 : f32 to vector<16xf32>
        %select_n3A_1042 = arith.select %eq3A_1037, %broadcast_in_dim3A_1040, %broadcast_in_dim3A_1041 : vector<16xi1>, vector<16xf32>
        %get3A_1043 = arith.index_cast %and3A_1034 : i32 to index
        %get3A_1044 = tpu.vector_load %arg6[%get3A_1043] {strides = array<i32>} : memref<4096xf32, #tpu.memory_space<vmem>>, vector<16xf32>,
        %get3A_1045 = vector.shape_cast %get3A_1044 : vector<16xf32> to vector<16xf32>
        %add3A_1046 = arith.addf %get3A_1045, %select_n3A_1042 : vector<16xf32>
        %swap3A_1047 = arith.index_cast %and3A_1034 : i32 to index
        %swap3A_1048 = tpu.vector_load %arg6[%swap3A_1047] {strides = array<i32>} : memref<4096xf32, #tpu.memory_space<vmem>>, vector<16xf32>,
        %swap3A_1049 = vector.shape_cast %swap3A_1048 : vector<16xf32> to vector<16xf32>
        %swap3A_1050 = vector.shape_cast %add3A_1046 : vector<16xf32> to vector<16xf32>
        tpu.vector_store %arg6[%swap3A_1047], %swap3A_1050 {strides = array<i32>} : memref<4096xf32, #tpu.memory_space<vmem>>, vector<16xf32>,
        %slice3A_1051 = vector.extract_strided_slice %get3A_651 {offsets = [5], sizes = [1], strides = [1]} : vector<16xi32> to vector<1xi32>
        %squeeze3A_1052 = vector.extract %slice3A_1051[0] : i32 from vector<1xi32>
        %and3A_1053 = arith.andi %squeeze3A_1052, %scan3A_10 : i32
        %and3A_1054 = arith.andi %squeeze3A_1052, %scan3A_11 : i32
        %eq3A_1055 = vector.broadcast %and3A_1054 : i32 to vector<16xi32>
        %eq3A_1056 = arith.cmpi eq, %iota3A, %eq3A_1055 : vector<16xi32>
        %jit3A_1057 = arith.constant 1.000000e+00 : f32
        %jit3A_1058 = arith.constant 0.000000e+00 : f32
        %broadcast_in_dim3A_1059 = vector.broadcast %jit3A_1057 : f32 to vector<16xf32>
        %broadcast_in_dim3A_1060 = vector.broadcast %jit3A_1058 : f32 to vector<16xf32>
        %select_n3A_1061 = arith.select %eq3A_1056, %broadcast_in_dim3A_1059, %broadcast_in_dim3A_1060 : vector<16xi1>, vector<16xf32>
        %get3A_1062 = arith.index_cast %and3A_1053 : i32 to index
        %get3A_1063 = tpu.vector_load %arg6[%get3A_1062] {strides = array<i32>} : memref<4096xf32, #tpu.memory_space<vmem>>, vector<16xf32>,
        %get3A_1064 = vector.shape_cast %get3A_1063 : vector<16xf32> to vector<16xf32>
        %add3A_1065 = arith.addf %get3A_1064, %select_n3A_1061 : vector<16xf32>
        %swap3A_1066 = arith.index_cast %and3A_1053 : i32 to index
        %swap3A_1067 = tpu.vector_load %arg6[%swap3A_1066] {strides = array<i32>} : memref<4096xf32, #tpu.memory_space<vmem>>, vector<16xf32>,
        %swap3A_1068 = vector.shape_cast %swap3A_1067 : vector<16xf32> to vector<16xf32>
        %swap3A_1069 = vector.shape_cast %add3A_1065 : vector<16xf32> to vector<16xf32>
        tpu.vector_store %arg6[%swap3A_1066], %swap3A_1069 {strides = array<i32>} : memref<4096xf32, #tpu.memory_space<vmem>>, vector<16xf32>,
        %slice3A_1070 = vector.extract_strided_slice %get3A_651 {offsets = [6], sizes = [1], strides = [1]} : vector<16xi32> to vector<1xi32>
        %squeeze3A_1071 = vector.extract %slice3A_1070[0] : i32 from vector<1xi32>
        %and3A_1072 = arith.andi %squeeze3A_1071, %scan3A_10 : i32
        %and3A_1073 = arith.andi %squeeze3A_1071, %scan3A_11 : i32
        %eq3A_1074 = vector.broadcast %and3A_1073 : i32 to vector<16xi32>
        %eq3A_1075 = arith.cmpi eq, %iota3A, %eq3A_1074 : vector<16xi32>
        %jit3A_1076 = arith.constant 1.000000e+00 : f32
        %jit3A_1077 = arith.constant 0.000000e+00 : f32
        %broadcast_in_dim3A_1078 = vector.broadcast %jit3A_1076 : f32 to vector<16xf32>
        %broadcast_in_dim3A_1079 = vector.broadcast %jit3A_1077 : f32 to vector<16xf32>
        %select_n3A_1080 = arith.select %eq3A_1075, %broadcast_in_dim3A_1078, %broadcast_in_dim3A_1079 : vector<16xi1>, vector<16xf32>
        %get3A_1081 = arith.index_cast %and3A_1072 : i32 to index
        %get3A_1082 = tpu.vector_load %arg6[%get3A_1081] {strides = array<i32>} : memref<4096xf32, #tpu.memory_space<vmem>>, vector<16xf32>,
        %get3A_1083 = vector.shape_cast %get3A_1082 : vector<16xf32> to vector<16xf32>
        %add3A_1084 = arith.addf %get3A_1083, %select_n3A_1080 : vector<16xf32>
        %swap3A_1085 = arith.index_cast %and3A_1072 : i32 to index
        %swap3A_1086 = tpu.vector_load %arg6[%swap3A_1085] {strides = array<i32>} : memref<4096xf32, #tpu.memory_space<vmem>>, vector<16xf32>,
        %swap3A_1087 = vector.shape_cast %swap3A_1086 : vector<16xf32> to vector<16xf32>
        %swap3A_1088 = vector.shape_cast %add3A_1084 : vector<16xf32> to vector<16xf32>
        tpu.vector_store %arg6[%swap3A_1085], %swap3A_1088 {strides = array<i32>} : memref<4096xf32, #tpu.memory_space<vmem>>, vector<16xf32>,
        %slice3A_1089 = vector.extract_strided_slice %get3A_651 {offsets = [7], sizes = [1], strides = [1]} : vector<16xi32> to vector<1xi32>
        %squeeze3A_1090 = vector.extract %slice3A_1089[0] : i32 from vector<1xi32>
        %and3A_1091 = arith.andi %squeeze3A_1090, %scan3A_10 : i32
        %and3A_1092 = arith.andi %squeeze3A_1090, %scan3A_11 : i32
        %eq3A_1093 = vector.broadcast %and3A_1092 : i32 to vector<16xi32>
        %eq3A_1094 = arith.cmpi eq, %iota3A, %eq3A_1093 : vector<16xi32>
        %jit3A_1095 = arith.constant 1.000000e+00 : f32
        %jit3A_1096 = arith.constant 0.000000e+00 : f32
        %broadcast_in_dim3A_1097 = vector.broadcast %jit3A_1095 : f32 to vector<16xf32>
        %broadcast_in_dim3A_1098 = vector.broadcast %jit3A_1096 : f32 to vector<16xf32>
        %select_n3A_1099 = arith.select %eq3A_1094, %broadcast_in_dim3A_1097, %broadcast_in_dim3A_1098 : vector<16xi1>, vector<16xf32>
        %get3A_1100 = arith.index_cast %and3A_1091 : i32 to index
        %get3A_1101 = tpu.vector_load %arg6[%get3A_1100] {strides = array<i32>} : memref<4096xf32, #tpu.memory_space<vmem>>, vector<16xf32>,
        %get3A_1102 = vector.shape_cast %get3A_1101 : vector<16xf32> to vector<16xf32>
        %add3A_1103 = arith.addf %get3A_1102, %select_n3A_1099 : vector<16xf32>
        %swap3A_1104 = arith.index_cast %and3A_1091 : i32 to index
        %swap3A_1105 = tpu.vector_load %arg6[%swap3A_1104] {strides = array<i32>} : memref<4096xf32, #tpu.memory_space<vmem>>, vector<16xf32>,
        %swap3A_1106 = vector.shape_cast %swap3A_1105 : vector<16xf32> to vector<16xf32>
        %swap3A_1107 = vector.shape_cast %add3A_1103 : vector<16xf32> to vector<16xf32>
        tpu.vector_store %arg6[%swap3A_1104], %swap3A_1107 {strides = array<i32>} : memref<4096xf32, #tpu.memory_space<vmem>>, vector<16xf32>,
        %slice3A_1108 = vector.extract_strided_slice %get3A_651 {offsets = [8], sizes = [1], strides = [1]} : vector<16xi32> to vector<1xi32>
        %squeeze3A_1109 = vector.extract %slice3A_1108[0] : i32 from vector<1xi32>
        %and3A_1110 = arith.andi %squeeze3A_1109, %scan3A_10 : i32
        %and3A_1111 = arith.andi %squeeze3A_1109, %scan3A_11 : i32
        %eq3A_1112 = vector.broadcast %and3A_1111 : i32 to vector<16xi32>
        %eq3A_1113 = arith.cmpi eq, %iota3A, %eq3A_1112 : vector<16xi32>
        %jit3A_1114 = arith.constant 1.000000e+00 : f32
        %jit3A_1115 = arith.constant 0.000000e+00 : f32
        %broadcast_in_dim3A_1116 = vector.broadcast %jit3A_1114 : f32 to vector<16xf32>
        %broadcast_in_dim3A_1117 = vector.broadcast %jit3A_1115 : f32 to vector<16xf32>
        %select_n3A_1118 = arith.select %eq3A_1113, %broadcast_in_dim3A_1116, %broadcast_in_dim3A_1117 : vector<16xi1>, vector<16xf32>
        %get3A_1119 = arith.index_cast %and3A_1110 : i32 to index
        %get3A_1120 = tpu.vector_load %arg6[%get3A_1119] {strides = array<i32>} : memref<4096xf32, #tpu.memory_space<vmem>>, vector<16xf32>,
        %get3A_1121 = vector.shape_cast %get3A_1120 : vector<16xf32> to vector<16xf32>
        %add3A_1122 = arith.addf %get3A_1121, %select_n3A_1118 : vector<16xf32>
        %swap3A_1123 = arith.index_cast %and3A_1110 : i32 to index
        %swap3A_1124 = tpu.vector_load %arg6[%swap3A_1123] {strides = array<i32>} : memref<4096xf32, #tpu.memory_space<vmem>>, vector<16xf32>,
        %swap3A_1125 = vector.shape_cast %swap3A_1124 : vector<16xf32> to vector<16xf32>
        %swap3A_1126 = vector.shape_cast %add3A_1122 : vector<16xf32> to vector<16xf32>
        tpu.vector_store %arg6[%swap3A_1123], %swap3A_1126 {strides = array<i32>} : memref<4096xf32, #tpu.memory_space<vmem>>, vector<16xf32>,
        %slice3A_1127 = vector.extract_strided_slice %get3A_651 {offsets = [9], sizes = [1], strides = [1]} : vector<16xi32> to vector<1xi32>
        %squeeze3A_1128 = vector.extract %slice3A_1127[0] : i32 from vector<1xi32>
        %and3A_1129 = arith.andi %squeeze3A_1128, %scan3A_10 : i32
        %and3A_1130 = arith.andi %squeeze3A_1128, %scan3A_11 : i32
        %eq3A_1131 = vector.broadcast %and3A_1130 : i32 to vector<16xi32>
        %eq3A_1132 = arith.cmpi eq, %iota3A, %eq3A_1131 : vector<16xi32>
        %jit3A_1133 = arith.constant 1.000000e+00 : f32
        %jit3A_1134 = arith.constant 0.000000e+00 : f32
        %broadcast_in_dim3A_1135 = vector.broadcast %jit3A_1133 : f32 to vector<16xf32>
        %broadcast_in_dim3A_1136 = vector.broadcast %jit3A_1134 : f32 to vector<16xf32>
        %select_n3A_1137 = arith.select %eq3A_1132, %broadcast_in_dim3A_1135, %broadcast_in_dim3A_1136 : vector<16xi1>, vector<16xf32>
        %get3A_1138 = arith.index_cast %and3A_1129 : i32 to index
        %get3A_1139 = tpu.vector_load %arg6[%get3A_1138] {strides = array<i32>} : memref<4096xf32, #tpu.memory_space<vmem>>, vector<16xf32>,
        %get3A_1140 = vector.shape_cast %get3A_1139 : vector<16xf32> to vector<16xf32>
        %add3A_1141 = arith.addf %get3A_1140, %select_n3A_1137 : vector<16xf32>
        %swap3A_1142 = arith.index_cast %and3A_1129 : i32 to index
        %swap3A_1143 = tpu.vector_load %arg6[%swap3A_1142] {strides = array<i32>} : memref<4096xf32, #tpu.memory_space<vmem>>, vector<16xf32>,
        %swap3A_1144 = vector.shape_cast %swap3A_1143 : vector<16xf32> to vector<16xf32>
        %swap3A_1145 = vector.shape_cast %add3A_1141 : vector<16xf32> to vector<16xf32>
        tpu.vector_store %arg6[%swap3A_1142], %swap3A_1145 {strides = array<i32>} : memref<4096xf32, #tpu.memory_space<vmem>>, vector<16xf32>,
        %slice3A_1146 = vector.extract_strided_slice %get3A_651 {offsets = [10], sizes = [1], strides = [1]} : vector<16xi32> to vector<1xi32>
        %squeeze3A_1147 = vector.extract %slice3A_1146[0] : i32 from vector<1xi32>
        %and3A_1148 = arith.andi %squeeze3A_1147, %scan3A_10 : i32
        %and3A_1149 = arith.andi %squeeze3A_1147, %scan3A_11 : i32
        %eq3A_1150 = vector.broadcast %and3A_1149 : i32 to vector<16xi32>
        %eq3A_1151 = arith.cmpi eq, %iota3A, %eq3A_1150 : vector<16xi32>
        %jit3A_1152 = arith.constant 1.000000e+00 : f32
        %jit3A_1153 = arith.constant 0.000000e+00 : f32
        %broadcast_in_dim3A_1154 = vector.broadcast %jit3A_1152 : f32 to vector<16xf32>
        %broadcast_in_dim3A_1155 = vector.broadcast %jit3A_1153 : f32 to vector<16xf32>
        %select_n3A_1156 = arith.select %eq3A_1151, %broadcast_in_dim3A_1154, %broadcast_in_dim3A_1155 : vector<16xi1>, vector<16xf32>
        %get3A_1157 = arith.index_cast %and3A_1148 : i32 to index
        %get3A_1158 = tpu.vector_load %arg6[%get3A_1157] {strides = array<i32>} : memref<4096xf32, #tpu.memory_space<vmem>>, vector<16xf32>,
        %get3A_1159 = vector.shape_cast %get3A_1158 : vector<16xf32> to vector<16xf32>
        %add3A_1160 = arith.addf %get3A_1159, %select_n3A_1156 : vector<16xf32>
        %swap3A_1161 = arith.index_cast %and3A_1148 : i32 to index
        %swap3A_1162 = tpu.vector_load %arg6[%swap3A_1161] {strides = array<i32>} : memref<4096xf32, #tpu.memory_space<vmem>>, vector<16xf32>,
        %swap3A_1163 = vector.shape_cast %swap3A_1162 : vector<16xf32> to vector<16xf32>
        %swap3A_1164 = vector.shape_cast %add3A_1160 : vector<16xf32> to vector<16xf32>
        tpu.vector_store %arg6[%swap3A_1161], %swap3A_1164 {strides = array<i32>} : memref<4096xf32, #tpu.memory_space<vmem>>, vector<16xf32>,
        %slice3A_1165 = vector.extract_strided_slice %get3A_651 {offsets = [11], sizes = [1], strides = [1]} : vector<16xi32> to vector<1xi32>
        %squeeze3A_1166 = vector.extract %slice3A_1165[0] : i32 from vector<1xi32>
        %and3A_1167 = arith.andi %squeeze3A_1166, %scan3A_10 : i32
        %and3A_1168 = arith.andi %squeeze3A_1166, %scan3A_11 : i32
        %eq3A_1169 = vector.broadcast %and3A_1168 : i32 to vector<16xi32>
        %eq3A_1170 = arith.cmpi eq, %iota3A, %eq3A_1169 : vector<16xi32>
        %jit3A_1171 = arith.constant 1.000000e+00 : f32
        %jit3A_1172 = arith.constant 0.000000e+00 : f32
        %broadcast_in_dim3A_1173 = vector.broadcast %jit3A_1171 : f32 to vector<16xf32>
        %broadcast_in_dim3A_1174 = vector.broadcast %jit3A_1172 : f32 to vector<16xf32>
        %select_n3A_1175 = arith.select %eq3A_1170, %broadcast_in_dim3A_1173, %broadcast_in_dim3A_1174 : vector<16xi1>, vector<16xf32>
        %get3A_1176 = arith.index_cast %and3A_1167 : i32 to index
        %get3A_1177 = tpu.vector_load %arg6[%get3A_1176] {strides = array<i32>} : memref<4096xf32, #tpu.memory_space<vmem>>, vector<16xf32>,
        %get3A_1178 = vector.shape_cast %get3A_1177 : vector<16xf32> to vector<16xf32>
        %add3A_1179 = arith.addf %get3A_1178, %select_n3A_1175 : vector<16xf32>
        %swap3A_1180 = arith.index_cast %and3A_1167 : i32 to index
        %swap3A_1181 = tpu.vector_load %arg6[%swap3A_1180] {strides = array<i32>} : memref<4096xf32, #tpu.memory_space<vmem>>, vector<16xf32>,
        %swap3A_1182 = vector.shape_cast %swap3A_1181 : vector<16xf32> to vector<16xf32>
        %swap3A_1183 = vector.shape_cast %add3A_1179 : vector<16xf32> to vector<16xf32>
        tpu.vector_store %arg6[%swap3A_1180], %swap3A_1183 {strides = array<i32>} : memref<4096xf32, #tpu.memory_space<vmem>>, vector<16xf32>,
        %slice3A_1184 = vector.extract_strided_slice %get3A_651 {offsets = [12], sizes = [1], strides = [1]} : vector<16xi32> to vector<1xi32>
        %squeeze3A_1185 = vector.extract %slice3A_1184[0] : i32 from vector<1xi32>
        %and3A_1186 = arith.andi %squeeze3A_1185, %scan3A_10 : i32
        %and3A_1187 = arith.andi %squeeze3A_1185, %scan3A_11 : i32
        %eq3A_1188 = vector.broadcast %and3A_1187 : i32 to vector<16xi32>
        %eq3A_1189 = arith.cmpi eq, %iota3A, %eq3A_1188 : vector<16xi32>
        %jit3A_1190 = arith.constant 1.000000e+00 : f32
        %jit3A_1191 = arith.constant 0.000000e+00 : f32
        %broadcast_in_dim3A_1192 = vector.broadcast %jit3A_1190 : f32 to vector<16xf32>
        %broadcast_in_dim3A_1193 = vector.broadcast %jit3A_1191 : f32 to vector<16xf32>
        %select_n3A_1194 = arith.select %eq3A_1189, %broadcast_in_dim3A_1192, %broadcast_in_dim3A_1193 : vector<16xi1>, vector<16xf32>
        %get3A_1195 = arith.index_cast %and3A_1186 : i32 to index
        %get3A_1196 = tpu.vector_load %arg6[%get3A_1195] {strides = array<i32>} : memref<4096xf32, #tpu.memory_space<vmem>>, vector<16xf32>,
        %get3A_1197 = vector.shape_cast %get3A_1196 : vector<16xf32> to vector<16xf32>
        %add3A_1198 = arith.addf %get3A_1197, %select_n3A_1194 : vector<16xf32>
        %swap3A_1199 = arith.index_cast %and3A_1186 : i32 to index
        %swap3A_1200 = tpu.vector_load %arg6[%swap3A_1199] {strides = array<i32>} : memref<4096xf32, #tpu.memory_space<vmem>>, vector<16xf32>,
        %swap3A_1201 = vector.shape_cast %swap3A_1200 : vector<16xf32> to vector<16xf32>
        %swap3A_1202 = vector.shape_cast %add3A_1198 : vector<16xf32> to vector<16xf32>
        tpu.vector_store %arg6[%swap3A_1199], %swap3A_1202 {strides = array<i32>} : memref<4096xf32, #tpu.memory_space<vmem>>, vector<16xf32>,
        %slice3A_1203 = vector.extract_strided_slice %get3A_651 {offsets = [13], sizes = [1], strides = [1]} : vector<16xi32> to vector<1xi32>
        %squeeze3A_1204 = vector.extract %slice3A_1203[0] : i32 from vector<1xi32>
        %and3A_1205 = arith.andi %squeeze3A_1204, %scan3A_10 : i32
        %and3A_1206 = arith.andi %squeeze3A_1204, %scan3A_11 : i32
        %eq3A_1207 = vector.broadcast %and3A_1206 : i32 to vector<16xi32>
        %eq3A_1208 = arith.cmpi eq, %iota3A, %eq3A_1207 : vector<16xi32>
        %jit3A_1209 = arith.constant 1.000000e+00 : f32
        %jit3A_1210 = arith.constant 0.000000e+00 : f32
        %broadcast_in_dim3A_1211 = vector.broadcast %jit3A_1209 : f32 to vector<16xf32>
        %broadcast_in_dim3A_1212 = vector.broadcast %jit3A_1210 : f32 to vector<16xf32>
        %select_n3A_1213 = arith.select %eq3A_1208, %broadcast_in_dim3A_1211, %broadcast_in_dim3A_1212 : vector<16xi1>, vector<16xf32>
        %get3A_1214 = arith.index_cast %and3A_1205 : i32 to index
        %get3A_1215 = tpu.vector_load %arg6[%get3A_1214] {strides = array<i32>} : memref<4096xf32, #tpu.memory_space<vmem>>, vector<16xf32>,
        %get3A_1216 = vector.shape_cast %get3A_1215 : vector<16xf32> to vector<16xf32>
        %add3A_1217 = arith.addf %get3A_1216, %select_n3A_1213 : vector<16xf32>
        %swap3A_1218 = arith.index_cast %and3A_1205 : i32 to index
        %swap3A_1219 = tpu.vector_load %arg6[%swap3A_1218] {strides = array<i32>} : memref<4096xf32, #tpu.memory_space<vmem>>, vector<16xf32>,
        %swap3A_1220 = vector.shape_cast %swap3A_1219 : vector<16xf32> to vector<16xf32>
        %swap3A_1221 = vector.shape_cast %add3A_1217 : vector<16xf32> to vector<16xf32>
        tpu.vector_store %arg6[%swap3A_1218], %swap3A_1221 {strides = array<i32>} : memref<4096xf32, #tpu.memory_space<vmem>>, vector<16xf32>,
        %slice3A_1222 = vector.extract_strided_slice %get3A_651 {offsets = [14], sizes = [1], strides = [1]} : vector<16xi32> to vector<1xi32>
        %squeeze3A_1223 = vector.extract %slice3A_1222[0] : i32 from vector<1xi32>
        %and3A_1224 = arith.andi %squeeze3A_1223, %scan3A_10 : i32
        %and3A_1225 = arith.andi %squeeze3A_1223, %scan3A_11 : i32
        %eq3A_1226 = vector.broadcast %and3A_1225 : i32 to vector<16xi32>
        %eq3A_1227 = arith.cmpi eq, %iota3A, %eq3A_1226 : vector<16xi32>
        %jit3A_1228 = arith.constant 1.000000e+00 : f32
        %jit3A_1229 = arith.constant 0.000000e+00 : f32
        %broadcast_in_dim3A_1230 = vector.broadcast %jit3A_1228 : f32 to vector<16xf32>
        %broadcast_in_dim3A_1231 = vector.broadcast %jit3A_1229 : f32 to vector<16xf32>
        %select_n3A_1232 = arith.select %eq3A_1227, %broadcast_in_dim3A_1230, %broadcast_in_dim3A_1231 : vector<16xi1>, vector<16xf32>
        %get3A_1233 = arith.index_cast %and3A_1224 : i32 to index
        %get3A_1234 = tpu.vector_load %arg6[%get3A_1233] {strides = array<i32>} : memref<4096xf32, #tpu.memory_space<vmem>>, vector<16xf32>,
        %get3A_1235 = vector.shape_cast %get3A_1234 : vector<16xf32> to vector<16xf32>
        %add3A_1236 = arith.addf %get3A_1235, %select_n3A_1232 : vector<16xf32>
        %swap3A_1237 = arith.index_cast %and3A_1224 : i32 to index
        %swap3A_1238 = tpu.vector_load %arg6[%swap3A_1237] {strides = array<i32>} : memref<4096xf32, #tpu.memory_space<vmem>>, vector<16xf32>,
        %swap3A_1239 = vector.shape_cast %swap3A_1238 : vector<16xf32> to vector<16xf32>
        %swap3A_1240 = vector.shape_cast %add3A_1236 : vector<16xf32> to vector<16xf32>
        tpu.vector_store %arg6[%swap3A_1237], %swap3A_1240 {strides = array<i32>} : memref<4096xf32, #tpu.memory_space<vmem>>, vector<16xf32>,
        %slice3A_1241 = vector.extract_strided_slice %get3A_651 {offsets = [15], sizes = [1], strides = [1]} : vector<16xi32> to vector<1xi32>
        %squeeze3A_1242 = vector.extract %slice3A_1241[0] : i32 from vector<1xi32>
        %and3A_1243 = arith.andi %squeeze3A_1242, %scan3A_10 : i32
        %and3A_1244 = arith.andi %squeeze3A_1242, %scan3A_11 : i32
        %eq3A_1245 = vector.broadcast %and3A_1244 : i32 to vector<16xi32>
        %eq3A_1246 = arith.cmpi eq, %iota3A, %eq3A_1245 : vector<16xi32>
        %jit3A_1247 = arith.constant 1.000000e+00 : f32
        %jit3A_1248 = arith.constant 0.000000e+00 : f32
        %broadcast_in_dim3A_1249 = vector.broadcast %jit3A_1247 : f32 to vector<16xf32>
        %broadcast_in_dim3A_1250 = vector.broadcast %jit3A_1248 : f32 to vector<16xf32>
        %select_n3A_1251 = arith.select %eq3A_1246, %broadcast_in_dim3A_1249, %broadcast_in_dim3A_1250 : vector<16xi1>, vector<16xf32>
        %get3A_1252 = arith.index_cast %and3A_1243 : i32 to index
        %get3A_1253 = tpu.vector_load %arg6[%get3A_1252] {strides = array<i32>} : memref<4096xf32, #tpu.memory_space<vmem>>, vector<16xf32>,
        %get3A_1254 = vector.shape_cast %get3A_1253 : vector<16xf32> to vector<16xf32>
        %add3A_1255 = arith.addf %get3A_1254, %select_n3A_1251 : vector<16xf32>
        %swap3A_1256 = arith.index_cast %and3A_1243 : i32 to index
        %swap3A_1257 = tpu.vector_load %arg6[%swap3A_1256] {strides = array<i32>} : memref<4096xf32, #tpu.memory_space<vmem>>, vector<16xf32>,
        %swap3A_1258 = vector.shape_cast %swap3A_1257 : vector<16xf32> to vector<16xf32>
        %swap3A_1259 = vector.shape_cast %add3A_1255 : vector<16xf32> to vector<16xf32>
        tpu.vector_store %arg6[%swap3A_1256], %swap3A_1259 {strides = array<i32>} : memref<4096xf32, #tpu.memory_space<vmem>>, vector<16xf32>,
        %add3A_1260 = arith.addi %mul3A_2, %add3A_29 : i32
        %dma_start3A_1261 = arith.constant 0 : i32
        %dma_start3A_1262 = tpu.memref_slice %arg3[%add3A_1260, %dma_start3A_1261] : memref<4096x4096xf32, #tpu.memory_space<hbm>> -> memref<1x4096xf32, #tpu.memory_space<hbm>>
        %dma_start3A_1263 = tpu.memref_squeeze %dma_start3A_1262 : memref<1x4096xf32, #tpu.memory_space<hbm>> -> memref<4096xf32, #tpu.memory_space<hbm>>
        %dma_start3A_1264 = arith.constant 0 : i32
        %dma_start3A_1265 = tpu.memref_slice %arg3[%add3A_1260, %dma_start3A_1264] : memref<4096x4096xf32, #tpu.memory_space<hbm>> -> memref<1x4096xf32, #tpu.memory_space<hbm>>
        %dma_start3A_1266 = tpu.memref_squeeze %dma_start3A_1265 : memref<1x4096xf32, #tpu.memory_space<hbm>> -> memref<4096xf32, #tpu.memory_space<hbm>>
        tpu.enqueue_dma source(%arg6 : memref<4096xf32, #tpu.memory_space<vmem>>) target(%dma_start3A_1266 : memref<4096xf32, #tpu.memory_space<hbm>>) target_semaphore(%arg8 : memref<!tpu.dma_semaphore, #tpu.memory_space<semaphore_mem>>)
      } else {
      }
    }
    %scan3A_16 = arith.constant 65 : i32
    return
  }
}

#map = affine_map<(d0, d1) -> (0, 0)>
module attributes {stable_mosaic.version = 14 : i64} {
  func.func @_wbuild_body(%arg0: i32, %arg1: i32, %arg2: memref<4096x32xi32, #tpu.memory_space<hbm>>, %arg3: memref<4096x4096xf32, #tpu.memory_space<hbm>>, %arg4: memref<128x32xi32, #tpu.memory_space<vmem>>, %arg5: memref<4096xf32, #tpu.memory_space<vmem>>, %arg6: memref<4096xf32, #tpu.memory_space<vmem>>, %arg7: memref<!tpu.dma_semaphore, #tpu.memory_space<semaphore_mem>>, %arg8: memref<!tpu.dma_semaphore, #tpu.memory_space<semaphore_mem>>) attributes {dimension_semantics = [#tpu.dimension_semantics<core_parallel>, #tpu.dimension_semantics<subcore_parallel>], iteration_bounds = array<i64: 2, 16>, scalar_prefetch = 0 : i64, scratch_operands = 5 : i64, tpu.core_type = #tpu.core_type<sc_vector_subcore>, window_params = [{transform_indices = #map}, {transform_indices = #map}]} {
    %mul3A = arith.constant 16 : i32
    %mul3A_0 = arith.muli %arg0, %mul3A : i32
    %add3A = arith.addi %mul3A_0, %arg1 : i32
    %mul3A_1 = arith.constant 128 : i32
    %mul3A_2 = arith.muli %add3A, %mul3A_1 : i32
    %iota3A = tpu.iota {dimensions = array<i32: 0>} : vector<16xi32>
    %broadcast_in_dim3A = arith.constant 0.000000e+00 : f32
    %broadcast_in_dim3A_3 = vector.broadcast %broadcast_in_dim3A : f32 to vector<16xf32>
    "tpu.region"() ({
      %run_scoped3A = tpu.sem_alloc : memref<!tpu.dma_semaphore, #tpu.memory_space<semaphore_mem>>
      %dma_start3A = arith.constant 0 : i32
      %dma_start3A_17 = tpu.memref_slice %arg2[%mul3A_2, %dma_start3A] : memref<4096x32xi32, #tpu.memory_space<hbm>> -> memref<128x32xi32, #tpu.memory_space<hbm>>
      %dma_start3A_18 = arith.constant 0 : i32
      %dma_start3A_19 = tpu.memref_slice %arg2[%mul3A_2, %dma_start3A_18] : memref<4096x32xi32, #tpu.memory_space<hbm>> -> memref<128x32xi32, #tpu.memory_space<hbm>>
      tpu.enqueue_dma source(%dma_start3A_19 : memref<128x32xi32, #tpu.memory_space<hbm>>) target(%arg4 : memref<128x32xi32, #tpu.memory_space<vmem>>) target_semaphore(%run_scoped3A : memref<!tpu.dma_semaphore, #tpu.memory_space<semaphore_mem>>)
      %dma_wait3A = arith.constant 0 : i32
      %dma_wait3A_20 = tpu.memref_slice %arg2[%mul3A_2, %dma_wait3A] : memref<4096x32xi32, #tpu.memory_space<hbm>> -> memref<128x32xi32, #tpu.memory_space<hbm>>
      %dma_wait3A_21 = arith.constant 0 : i32
      %dma_wait3A_22 = tpu.memref_slice %arg2[%mul3A_2, %dma_wait3A_21] : memref<4096x32xi32, #tpu.memory_space<hbm>> -> memref<128x32xi32, #tpu.memory_space<hbm>>
      tpu.wait_dma2 semaphore(%run_scoped3A : memref<!tpu.dma_semaphore, #tpu.memory_space<semaphore_mem>>) src(%dma_wait3A_22 : memref<128x32xi32, #tpu.memory_space<hbm>>) dst(%arg4 : memref<128x32xi32, #tpu.memory_space<vmem>>)
      tpu.yield
    }) : () -> ()
    %scan3A = arith.constant 0 : i32
    %scan3A_4 = arith.constant 0 : i32
    %scan3A_5 = arith.constant 256 : i32
    %scan3A_6 = arith.addi %scan3A_4, %scan3A_5 : i32
    %scan3A_7 = arith.constant 1 : i32
    scf.for %scan3A_17 = %scan3A_4 to %scan3A_6 step %scan3A_7  : i32 {
      %mul3A_18 = arith.constant 16 : i32
      %mul3A_19 = arith.muli %mul3A_18, %scan3A_17 : i32
      %swap3A = arith.index_cast %mul3A_19 : i32 to index
      %swap3A_20 = tpu.vector_load %arg5[%swap3A] {strides = array<i32>} : memref<4096xf32, #tpu.memory_space<vmem>>, vector<16xf32>,
      %swap3A_21 = vector.shape_cast %swap3A_20 : vector<16xf32> to vector<16xf32>
      %swap3A_22 = vector.shape_cast %broadcast_in_dim3A_3 : vector<16xf32> to vector<16xf32>
      tpu.vector_store %arg5[%swap3A], %swap3A_22 {strides = array<i32>} : memref<4096xf32, #tpu.memory_space<vmem>>, vector<16xf32>,
      %mul3A_23 = arith.constant 16 : i32
      %mul3A_24 = arith.muli %mul3A_23, %scan3A_17 : i32
      %swap3A_25 = arith.index_cast %mul3A_24 : i32 to index
      %swap3A_26 = tpu.vector_load %arg6[%swap3A_25] {strides = array<i32>} : memref<4096xf32, #tpu.memory_space<vmem>>, vector<16xf32>,
      %swap3A_27 = vector.shape_cast %swap3A_26 : vector<16xf32> to vector<16xf32>
      %swap3A_28 = vector.shape_cast %broadcast_in_dim3A_3 : vector<16xf32> to vector<16xf32>
      tpu.vector_store %arg6[%swap3A_25], %swap3A_28 {strides = array<i32>} : memref<4096xf32, #tpu.memory_space<vmem>>, vector<16xf32>,
    }
    %scan3A_8 = arith.constant 256 : i32
    %scan3A_9 = arith.constant 0 : i32
    %scan3A_10 = arith.constant -16 : i32
    %scan3A_11 = arith.constant 15 : i32
    %scan3A_12 = arith.constant 0 : i32
    %scan3A_13 = arith.constant 65 : i32
    %scan3A_14 = arith.addi %scan3A_12, %scan3A_13 : i32
    %scan3A_15 = arith.constant 1 : i32
    scf.for %scan3A_17 = %scan3A_12 to %scan3A_14 step %scan3A_15  : i32 {
      %ge3A = arith.constant 1 : i32
      %ge3A_18 = arith.cmpi sge, %scan3A_17, %ge3A : i32
      %convert_element_type3A = arith.extui %ge3A_18 : i1 to i32
      %cond3A = arith.constant 0 : i32
      %cond3A_19 = arith.cmpi ne, %convert_element_type3A, %cond3A : i32
      scf.if %cond3A_19 {
        %sub3A = arith.constant 1 : i32
        %sub3A_24 = arith.subi %scan3A_17, %sub3A : i32
        %mul3A_25 = arith.constant 2 : i32
        %mul3A_26 = arith.muli %mul3A_25, %sub3A_24 : i32
        %add3A_27 = arith.constant 1 : i32
        %add3A_28 = arith.addi %mul3A_26, %add3A_27 : i32
        %dma_wait3A = arith.constant 0 : i32
        %dma_wait3A_29 = arith.constant 0 : i32
        %dma_wait3A_30 = tpu.memref_slice %arg3[%dma_wait3A, %dma_wait3A_29] : memref<4096x4096xf32, #tpu.memory_space<hbm>> -> memref<1x4096xf32, #tpu.memory_space<hbm>>
        %dma_wait3A_31 = tpu.memref_squeeze %dma_wait3A_30 : memref<1x4096xf32, #tpu.memory_space<hbm>> -> memref<4096xf32, #tpu.memory_space<hbm>>
        %dma_wait3A_32 = arith.constant 0 : i32
        %dma_wait3A_33 = tpu.memref_slice %arg3[%dma_wait3A, %dma_wait3A_32] : memref<4096x4096xf32, #tpu.memory_space<hbm>> -> memref<1x4096xf32, #tpu.memory_space<hbm>>
        %dma_wait3A_34 = tpu.memref_squeeze %dma_wait3A_33 : memref<1x4096xf32, #tpu.memory_space<hbm>> -> memref<4096xf32, #tpu.memory_space<hbm>>
        tpu.wait_dma2 semaphore(%arg7 : memref<!tpu.dma_semaphore, #tpu.memory_space<semaphore_mem>>) src(%arg5 : memref<4096xf32, #tpu.memory_space<vmem>>) dst(%dma_wait3A_34 : memref<4096xf32, #tpu.memory_space<hbm>>)
        %get3A = arith.index_cast %mul3A_26 : i32 to index
        %get3A_35 = arith.constant 0 : index
        %get3A_36 = tpu.vector_load %arg4[%get3A, %get3A_35] {strides = array<i32>} : memref<128x32xi32, #tpu.memory_space<vmem>>, vector<1x16xi32>,
        %get3A_37 = vector.shape_cast %get3A_36 : vector<1x16xi32> to vector<16xi32>
        %get3A_38 = arith.index_cast %mul3A_26 : i32 to index
        %get3A_39 = arith.constant 16 : index
        %get3A_40 = tpu.vector_load %arg4[%get3A_38, %get3A_39] {strides = array<i32>} : memref<128x32xi32, #tpu.memory_space<vmem>>, vector<1x16xi32>,
        %get3A_41 = vector.shape_cast %get3A_40 : vector<1x16xi32> to vector<16xi32>
        %slice3A = vector.extract_strided_slice %get3A_37 {offsets = [0], sizes = [1], strides = [1]} : vector<16xi32> to vector<1xi32>
        %squeeze3A = vector.extract %slice3A[0] : i32 from vector<1xi32>
        %and3A = arith.andi %squeeze3A, %scan3A_10 : i32
        %swap3A = arith.index_cast %and3A : i32 to index
        %swap3A_42 = tpu.vector_load %arg5[%swap3A] {strides = array<i32>} : memref<4096xf32, #tpu.memory_space<vmem>>, vector<16xf32>,
        %swap3A_43 = vector.shape_cast %swap3A_42 : vector<16xf32> to vector<16xf32>
        %swap3A_44 = vector.shape_cast %broadcast_in_dim3A_3 : vector<16xf32> to vector<16xf32>
        tpu.vector_store %arg5[%swap3A], %swap3A_44 {strides = array<i32>} : memref<4096xf32, #tpu.memory_space<vmem>>, vector<16xf32>,
        %slice3A_45 = vector.extract_strided_slice %get3A_37 {offsets = [1], sizes = [1], strides = [1]} : vector<16xi32> to vector<1xi32>
        %squeeze3A_46 = vector.extract %slice3A_45[0] : i32 from vector<1xi32>
        %and3A_47 = arith.andi %squeeze3A_46, %scan3A_10 : i32
        %swap3A_48 = arith.index_cast %and3A_47 : i32 to index
        %swap3A_49 = tpu.vector_load %arg5[%swap3A_48] {strides = array<i32>} : memref<4096xf32, #tpu.memory_space<vmem>>, vector<16xf32>,
        %swap3A_50 = vector.shape_cast %swap3A_49 : vector<16xf32> to vector<16xf32>
        %swap3A_51 = vector.shape_cast %broadcast_in_dim3A_3 : vector<16xf32> to vector<16xf32>
        tpu.vector_store %arg5[%swap3A_48], %swap3A_51 {strides = array<i32>} : memref<4096xf32, #tpu.memory_space<vmem>>, vector<16xf32>,
        %slice3A_52 = vector.extract_strided_slice %get3A_37 {offsets = [2], sizes = [1], strides = [1]} : vector<16xi32> to vector<1xi32>
        %squeeze3A_53 = vector.extract %slice3A_52[0] : i32 from vector<1xi32>
        %and3A_54 = arith.andi %squeeze3A_53, %scan3A_10 : i32
        %swap3A_55 = arith.index_cast %and3A_54 : i32 to index
        %swap3A_56 = tpu.vector_load %arg5[%swap3A_55] {strides = array<i32>} : memref<4096xf32, #tpu.memory_space<vmem>>, vector<16xf32>,
        %swap3A_57 = vector.shape_cast %swap3A_56 : vector<16xf32> to vector<16xf32>
        %swap3A_58 = vector.shape_cast %broadcast_in_dim3A_3 : vector<16xf32> to vector<16xf32>
        tpu.vector_store %arg5[%swap3A_55], %swap3A_58 {strides = array<i32>} : memref<4096xf32, #tpu.memory_space<vmem>>, vector<16xf32>,
        %slice3A_59 = vector.extract_strided_slice %get3A_37 {offsets = [3], sizes = [1], strides = [1]} : vector<16xi32> to vector<1xi32>
        %squeeze3A_60 = vector.extract %slice3A_59[0] : i32 from vector<1xi32>
        %and3A_61 = arith.andi %squeeze3A_60, %scan3A_10 : i32
        %swap3A_62 = arith.index_cast %and3A_61 : i32 to index
        %swap3A_63 = tpu.vector_load %arg5[%swap3A_62] {strides = array<i32>} : memref<4096xf32, #tpu.memory_space<vmem>>, vector<16xf32>,
        %swap3A_64 = vector.shape_cast %swap3A_63 : vector<16xf32> to vector<16xf32>
        %swap3A_65 = vector.shape_cast %broadcast_in_dim3A_3 : vector<16xf32> to vector<16xf32>
        tpu.vector_store %arg5[%swap3A_62], %swap3A_65 {strides = array<i32>} : memref<4096xf32, #tpu.memory_space<vmem>>, vector<16xf32>,
        %slice3A_66 = vector.extract_strided_slice %get3A_37 {offsets = [4], sizes = [1], strides = [1]} : vector<16xi32> to vector<1xi32>
        %squeeze3A_67 = vector.extract %slice3A_66[0] : i32 from vector<1xi32>
        %and3A_68 = arith.andi %squeeze3A_67, %scan3A_10 : i32
        %swap3A_69 = arith.index_cast %and3A_68 : i32 to index
        %swap3A_70 = tpu.vector_load %arg5[%swap3A_69] {strides = array<i32>} : memref<4096xf32, #tpu.memory_space<vmem>>, vector<16xf32>,
        %swap3A_71 = vector.shape_cast %swap3A_70 : vector<16xf32> to vector<16xf32>
        %swap3A_72 = vector.shape_cast %broadcast_in_dim3A_3 : vector<16xf32> to vector<16xf32>
        tpu.vector_store %arg5[%swap3A_69], %swap3A_72 {strides = array<i32>} : memref<4096xf32, #tpu.memory_space<vmem>>, vector<16xf32>,
        %slice3A_73 = vector.extract_strided_slice %get3A_37 {offsets = [5], sizes = [1], strides = [1]} : vector<16xi32> to vector<1xi32>
        %squeeze3A_74 = vector.extract %slice3A_73[0] : i32 from vector<1xi32>
        %and3A_75 = arith.andi %squeeze3A_74, %scan3A_10 : i32
        %swap3A_76 = arith.index_cast %and3A_75 : i32 to index
        %swap3A_77 = tpu.vector_load %arg5[%swap3A_76] {strides = array<i32>} : memref<4096xf32, #tpu.memory_space<vmem>>, vector<16xf32>,
        %swap3A_78 = vector.shape_cast %swap3A_77 : vector<16xf32> to vector<16xf32>
        %swap3A_79 = vector.shape_cast %broadcast_in_dim3A_3 : vector<16xf32> to vector<16xf32>
        tpu.vector_store %arg5[%swap3A_76], %swap3A_79 {strides = array<i32>} : memref<4096xf32, #tpu.memory_space<vmem>>, vector<16xf32>,
        %slice3A_80 = vector.extract_strided_slice %get3A_37 {offsets = [6], sizes = [1], strides = [1]} : vector<16xi32> to vector<1xi32>
        %squeeze3A_81 = vector.extract %slice3A_80[0] : i32 from vector<1xi32>
        %and3A_82 = arith.andi %squeeze3A_81, %scan3A_10 : i32
        %swap3A_83 = arith.index_cast %and3A_82 : i32 to index
        %swap3A_84 = tpu.vector_load %arg5[%swap3A_83] {strides = array<i32>} : memref<4096xf32, #tpu.memory_space<vmem>>, vector<16xf32>,
        %swap3A_85 = vector.shape_cast %swap3A_84 : vector<16xf32> to vector<16xf32>
        %swap3A_86 = vector.shape_cast %broadcast_in_dim3A_3 : vector<16xf32> to vector<16xf32>
        tpu.vector_store %arg5[%swap3A_83], %swap3A_86 {strides = array<i32>} : memref<4096xf32, #tpu.memory_space<vmem>>, vector<16xf32>,
        %slice3A_87 = vector.extract_strided_slice %get3A_37 {offsets = [7], sizes = [1], strides = [1]} : vector<16xi32> to vector<1xi32>
        %squeeze3A_88 = vector.extract %slice3A_87[0] : i32 from vector<1xi32>
        %and3A_89 = arith.andi %squeeze3A_88, %scan3A_10 : i32
        %swap3A_90 = arith.index_cast %and3A_89 : i32 to index
        %swap3A_91 = tpu.vector_load %arg5[%swap3A_90] {strides = array<i32>} : memref<4096xf32, #tpu.memory_space<vmem>>, vector<16xf32>,
        %swap3A_92 = vector.shape_cast %swap3A_91 : vector<16xf32> to vector<16xf32>
        %swap3A_93 = vector.shape_cast %broadcast_in_dim3A_3 : vector<16xf32> to vector<16xf32>
        tpu.vector_store %arg5[%swap3A_90], %swap3A_93 {strides = array<i32>} : memref<4096xf32, #tpu.memory_space<vmem>>, vector<16xf32>,
        %slice3A_94 = vector.extract_strided_slice %get3A_37 {offsets = [8], sizes = [1], strides = [1]} : vector<16xi32> to vector<1xi32>
        %squeeze3A_95 = vector.extract %slice3A_94[0] : i32 from vector<1xi32>
        %and3A_96 = arith.andi %squeeze3A_95, %scan3A_10 : i32
        %swap3A_97 = arith.index_cast %and3A_96 : i32 to index
        %swap3A_98 = tpu.vector_load %arg5[%swap3A_97] {strides = array<i32>} : memref<4096xf32, #tpu.memory_space<vmem>>, vector<16xf32>,
        %swap3A_99 = vector.shape_cast %swap3A_98 : vector<16xf32> to vector<16xf32>
        %swap3A_100 = vector.shape_cast %broadcast_in_dim3A_3 : vector<16xf32> to vector<16xf32>
        tpu.vector_store %arg5[%swap3A_97], %swap3A_100 {strides = array<i32>} : memref<4096xf32, #tpu.memory_space<vmem>>, vector<16xf32>,
        %slice3A_101 = vector.extract_strided_slice %get3A_37 {offsets = [9], sizes = [1], strides = [1]} : vector<16xi32> to vector<1xi32>
        %squeeze3A_102 = vector.extract %slice3A_101[0] : i32 from vector<1xi32>
        %and3A_103 = arith.andi %squeeze3A_102, %scan3A_10 : i32
        %swap3A_104 = arith.index_cast %and3A_103 : i32 to index
        %swap3A_105 = tpu.vector_load %arg5[%swap3A_104] {strides = array<i32>} : memref<4096xf32, #tpu.memory_space<vmem>>, vector<16xf32>,
        %swap3A_106 = vector.shape_cast %swap3A_105 : vector<16xf32> to vector<16xf32>
        %swap3A_107 = vector.shape_cast %broadcast_in_dim3A_3 : vector<16xf32> to vector<16xf32>
        tpu.vector_store %arg5[%swap3A_104], %swap3A_107 {strides = array<i32>} : memref<4096xf32, #tpu.memory_space<vmem>>, vector<16xf32>,
        %slice3A_108 = vector.extract_strided_slice %get3A_37 {offsets = [10], sizes = [1], strides = [1]} : vector<16xi32> to vector<1xi32>
        %squeeze3A_109 = vector.extract %slice3A_108[0] : i32 from vector<1xi32>
        %and3A_110 = arith.andi %squeeze3A_109, %scan3A_10 : i32
        %swap3A_111 = arith.index_cast %and3A_110 : i32 to index
        %swap3A_112 = tpu.vector_load %arg5[%swap3A_111] {strides = array<i32>} : memref<4096xf32, #tpu.memory_space<vmem>>, vector<16xf32>,
        %swap3A_113 = vector.shape_cast %swap3A_112 : vector<16xf32> to vector<16xf32>
        %swap3A_114 = vector.shape_cast %broadcast_in_dim3A_3 : vector<16xf32> to vector<16xf32>
        tpu.vector_store %arg5[%swap3A_111], %swap3A_114 {strides = array<i32>} : memref<4096xf32, #tpu.memory_space<vmem>>, vector<16xf32>,
        %slice3A_115 = vector.extract_strided_slice %get3A_37 {offsets = [11], sizes = [1], strides = [1]} : vector<16xi32> to vector<1xi32>
        %squeeze3A_116 = vector.extract %slice3A_115[0] : i32 from vector<1xi32>
        %and3A_117 = arith.andi %squeeze3A_116, %scan3A_10 : i32
        %swap3A_118 = arith.index_cast %and3A_117 : i32 to index
        %swap3A_119 = tpu.vector_load %arg5[%swap3A_118] {strides = array<i32>} : memref<4096xf32, #tpu.memory_space<vmem>>, vector<16xf32>,
        %swap3A_120 = vector.shape_cast %swap3A_119 : vector<16xf32> to vector<16xf32>
        %swap3A_121 = vector.shape_cast %broadcast_in_dim3A_3 : vector<16xf32> to vector<16xf32>
        tpu.vector_store %arg5[%swap3A_118], %swap3A_121 {strides = array<i32>} : memref<4096xf32, #tpu.memory_space<vmem>>, vector<16xf32>,
        %slice3A_122 = vector.extract_strided_slice %get3A_37 {offsets = [12], sizes = [1], strides = [1]} : vector<16xi32> to vector<1xi32>
        %squeeze3A_123 = vector.extract %slice3A_122[0] : i32 from vector<1xi32>
        %and3A_124 = arith.andi %squeeze3A_123, %scan3A_10 : i32
        %swap3A_125 = arith.index_cast %and3A_124 : i32 to index
        %swap3A_126 = tpu.vector_load %arg5[%swap3A_125] {strides = array<i32>} : memref<4096xf32, #tpu.memory_space<vmem>>, vector<16xf32>,
        %swap3A_127 = vector.shape_cast %swap3A_126 : vector<16xf32> to vector<16xf32>
        %swap3A_128 = vector.shape_cast %broadcast_in_dim3A_3 : vector<16xf32> to vector<16xf32>
        tpu.vector_store %arg5[%swap3A_125], %swap3A_128 {strides = array<i32>} : memref<4096xf32, #tpu.memory_space<vmem>>, vector<16xf32>,
        %slice3A_129 = vector.extract_strided_slice %get3A_37 {offsets = [13], sizes = [1], strides = [1]} : vector<16xi32> to vector<1xi32>
        %squeeze3A_130 = vector.extract %slice3A_129[0] : i32 from vector<1xi32>
        %and3A_131 = arith.andi %squeeze3A_130, %scan3A_10 : i32
        %swap3A_132 = arith.index_cast %and3A_131 : i32 to index
        %swap3A_133 = tpu.vector_load %arg5[%swap3A_132] {strides = array<i32>} : memref<4096xf32, #tpu.memory_space<vmem>>, vector<16xf32>,
        %swap3A_134 = vector.shape_cast %swap3A_133 : vector<16xf32> to vector<16xf32>
        %swap3A_135 = vector.shape_cast %broadcast_in_dim3A_3 : vector<16xf32> to vector<16xf32>
        tpu.vector_store %arg5[%swap3A_132], %swap3A_135 {strides = array<i32>} : memref<4096xf32, #tpu.memory_space<vmem>>, vector<16xf32>,
        %slice3A_136 = vector.extract_strided_slice %get3A_37 {offsets = [14], sizes = [1], strides = [1]} : vector<16xi32> to vector<1xi32>
        %squeeze3A_137 = vector.extract %slice3A_136[0] : i32 from vector<1xi32>
        %and3A_138 = arith.andi %squeeze3A_137, %scan3A_10 : i32
        %swap3A_139 = arith.index_cast %and3A_138 : i32 to index
        %swap3A_140 = tpu.vector_load %arg5[%swap3A_139] {strides = array<i32>} : memref<4096xf32, #tpu.memory_space<vmem>>, vector<16xf32>,
        %swap3A_141 = vector.shape_cast %swap3A_140 : vector<16xf32> to vector<16xf32>
        %swap3A_142 = vector.shape_cast %broadcast_in_dim3A_3 : vector<16xf32> to vector<16xf32>
        tpu.vector_store %arg5[%swap3A_139], %swap3A_142 {strides = array<i32>} : memref<4096xf32, #tpu.memory_space<vmem>>, vector<16xf32>,
        %slice3A_143 = vector.extract_strided_slice %get3A_37 {offsets = [15], sizes = [1], strides = [1]} : vector<16xi32> to vector<1xi32>
        %squeeze3A_144 = vector.extract %slice3A_143[0] : i32 from vector<1xi32>
        %and3A_145 = arith.andi %squeeze3A_144, %scan3A_10 : i32
        %swap3A_146 = arith.index_cast %and3A_145 : i32 to index
        %swap3A_147 = tpu.vector_load %arg5[%swap3A_146] {strides = array<i32>} : memref<4096xf32, #tpu.memory_space<vmem>>, vector<16xf32>,
        %swap3A_148 = vector.shape_cast %swap3A_147 : vector<16xf32> to vector<16xf32>
        %swap3A_149 = vector.shape_cast %broadcast_in_dim3A_3 : vector<16xf32> to vector<16xf32>
        tpu.vector_store %arg5[%swap3A_146], %swap3A_149 {strides = array<i32>} : memref<4096xf32, #tpu.memory_space<vmem>>, vector<16xf32>,
        %slice3A_150 = vector.extract_strided_slice %get3A_41 {offsets = [0], sizes = [1], strides = [1]} : vector<16xi32> to vector<1xi32>
        %squeeze3A_151 = vector.extract %slice3A_150[0] : i32 from vector<1xi32>
        %and3A_152 = arith.andi %squeeze3A_151, %scan3A_10 : i32
        %swap3A_153 = arith.index_cast %and3A_152 : i32 to index
        %swap3A_154 = tpu.vector_load %arg5[%swap3A_153] {strides = array<i32>} : memref<4096xf32, #tpu.memory_space<vmem>>, vector<16xf32>,
        %swap3A_155 = vector.shape_cast %swap3A_154 : vector<16xf32> to vector<16xf32>
        %swap3A_156 = vector.shape_cast %broadcast_in_dim3A_3 : vector<16xf32> to vector<16xf32>
        tpu.vector_store %arg5[%swap3A_153], %swap3A_156 {strides = array<i32>} : memref<4096xf32, #tpu.memory_space<vmem>>, vector<16xf32>,
        %slice3A_157 = vector.extract_strided_slice %get3A_41 {offsets = [1], sizes = [1], strides = [1]} : vector<16xi32> to vector<1xi32>
        %squeeze3A_158 = vector.extract %slice3A_157[0] : i32 from vector<1xi32>
        %and3A_159 = arith.andi %squeeze3A_158, %scan3A_10 : i32
        %swap3A_160 = arith.index_cast %and3A_159 : i32 to index
        %swap3A_161 = tpu.vector_load %arg5[%swap3A_160] {strides = array<i32>} : memref<4096xf32, #tpu.memory_space<vmem>>, vector<16xf32>,
        %swap3A_162 = vector.shape_cast %swap3A_161 : vector<16xf32> to vector<16xf32>
        %swap3A_163 = vector.shape_cast %broadcast_in_dim3A_3 : vector<16xf32> to vector<16xf32>
        tpu.vector_store %arg5[%swap3A_160], %swap3A_163 {strides = array<i32>} : memref<4096xf32, #tpu.memory_space<vmem>>, vector<16xf32>,
        %slice3A_164 = vector.extract_strided_slice %get3A_41 {offsets = [2], sizes = [1], strides = [1]} : vector<16xi32> to vector<1xi32>
        %squeeze3A_165 = vector.extract %slice3A_164[0] : i32 from vector<1xi32>
        %and3A_166 = arith.andi %squeeze3A_165, %scan3A_10 : i32
        %swap3A_167 = arith.index_cast %and3A_166 : i32 to index
        %swap3A_168 = tpu.vector_load %arg5[%swap3A_167] {strides = array<i32>} : memref<4096xf32, #tpu.memory_space<vmem>>, vector<16xf32>,
        %swap3A_169 = vector.shape_cast %swap3A_168 : vector<16xf32> to vector<16xf32>
        %swap3A_170 = vector.shape_cast %broadcast_in_dim3A_3 : vector<16xf32> to vector<16xf32>
        tpu.vector_store %arg5[%swap3A_167], %swap3A_170 {strides = array<i32>} : memref<4096xf32, #tpu.memory_space<vmem>>, vector<16xf32>,
        %slice3A_171 = vector.extract_strided_slice %get3A_41 {offsets = [3], sizes = [1], strides = [1]} : vector<16xi32> to vector<1xi32>
        %squeeze3A_172 = vector.extract %slice3A_171[0] : i32 from vector<1xi32>
        %and3A_173 = arith.andi %squeeze3A_172, %scan3A_10 : i32
        %swap3A_174 = arith.index_cast %and3A_173 : i32 to index
        %swap3A_175 = tpu.vector_load %arg5[%swap3A_174] {strides = array<i32>} : memref<4096xf32, #tpu.memory_space<vmem>>, vector<16xf32>,
        %swap3A_176 = vector.shape_cast %swap3A_175 : vector<16xf32> to vector<16xf32>
        %swap3A_177 = vector.shape_cast %broadcast_in_dim3A_3 : vector<16xf32> to vector<16xf32>
        tpu.vector_store %arg5[%swap3A_174], %swap3A_177 {strides = array<i32>} : memref<4096xf32, #tpu.memory_space<vmem>>, vector<16xf32>,
        %slice3A_178 = vector.extract_strided_slice %get3A_41 {offsets = [4], sizes = [1], strides = [1]} : vector<16xi32> to vector<1xi32>
        %squeeze3A_179 = vector.extract %slice3A_178[0] : i32 from vector<1xi32>
        %and3A_180 = arith.andi %squeeze3A_179, %scan3A_10 : i32
        %swap3A_181 = arith.index_cast %and3A_180 : i32 to index
        %swap3A_182 = tpu.vector_load %arg5[%swap3A_181] {strides = array<i32>} : memref<4096xf32, #tpu.memory_space<vmem>>, vector<16xf32>,
        %swap3A_183 = vector.shape_cast %swap3A_182 : vector<16xf32> to vector<16xf32>
        %swap3A_184 = vector.shape_cast %broadcast_in_dim3A_3 : vector<16xf32> to vector<16xf32>
        tpu.vector_store %arg5[%swap3A_181], %swap3A_184 {strides = array<i32>} : memref<4096xf32, #tpu.memory_space<vmem>>, vector<16xf32>,
        %slice3A_185 = vector.extract_strided_slice %get3A_41 {offsets = [5], sizes = [1], strides = [1]} : vector<16xi32> to vector<1xi32>
        %squeeze3A_186 = vector.extract %slice3A_185[0] : i32 from vector<1xi32>
        %and3A_187 = arith.andi %squeeze3A_186, %scan3A_10 : i32
        %swap3A_188 = arith.index_cast %and3A_187 : i32 to index
        %swap3A_189 = tpu.vector_load %arg5[%swap3A_188] {strides = array<i32>} : memref<4096xf32, #tpu.memory_space<vmem>>, vector<16xf32>,
        %swap3A_190 = vector.shape_cast %swap3A_189 : vector<16xf32> to vector<16xf32>
        %swap3A_191 = vector.shape_cast %broadcast_in_dim3A_3 : vector<16xf32> to vector<16xf32>
        tpu.vector_store %arg5[%swap3A_188], %swap3A_191 {strides = array<i32>} : memref<4096xf32, #tpu.memory_space<vmem>>, vector<16xf32>,
        %slice3A_192 = vector.extract_strided_slice %get3A_41 {offsets = [6], sizes = [1], strides = [1]} : vector<16xi32> to vector<1xi32>
        %squeeze3A_193 = vector.extract %slice3A_192[0] : i32 from vector<1xi32>
        %and3A_194 = arith.andi %squeeze3A_193, %scan3A_10 : i32
        %swap3A_195 = arith.index_cast %and3A_194 : i32 to index
        %swap3A_196 = tpu.vector_load %arg5[%swap3A_195] {strides = array<i32>} : memref<4096xf32, #tpu.memory_space<vmem>>, vector<16xf32>,
        %swap3A_197 = vector.shape_cast %swap3A_196 : vector<16xf32> to vector<16xf32>
        %swap3A_198 = vector.shape_cast %broadcast_in_dim3A_3 : vector<16xf32> to vector<16xf32>
        tpu.vector_store %arg5[%swap3A_195], %swap3A_198 {strides = array<i32>} : memref<4096xf32, #tpu.memory_space<vmem>>, vector<16xf32>,
        %slice3A_199 = vector.extract_strided_slice %get3A_41 {offsets = [7], sizes = [1], strides = [1]} : vector<16xi32> to vector<1xi32>
        %squeeze3A_200 = vector.extract %slice3A_199[0] : i32 from vector<1xi32>
        %and3A_201 = arith.andi %squeeze3A_200, %scan3A_10 : i32
        %swap3A_202 = arith.index_cast %and3A_201 : i32 to index
        %swap3A_203 = tpu.vector_load %arg5[%swap3A_202] {strides = array<i32>} : memref<4096xf32, #tpu.memory_space<vmem>>, vector<16xf32>,
        %swap3A_204 = vector.shape_cast %swap3A_203 : vector<16xf32> to vector<16xf32>
        %swap3A_205 = vector.shape_cast %broadcast_in_dim3A_3 : vector<16xf32> to vector<16xf32>
        tpu.vector_store %arg5[%swap3A_202], %swap3A_205 {strides = array<i32>} : memref<4096xf32, #tpu.memory_space<vmem>>, vector<16xf32>,
        %slice3A_206 = vector.extract_strided_slice %get3A_41 {offsets = [8], sizes = [1], strides = [1]} : vector<16xi32> to vector<1xi32>
        %squeeze3A_207 = vector.extract %slice3A_206[0] : i32 from vector<1xi32>
        %and3A_208 = arith.andi %squeeze3A_207, %scan3A_10 : i32
        %swap3A_209 = arith.index_cast %and3A_208 : i32 to index
        %swap3A_210 = tpu.vector_load %arg5[%swap3A_209] {strides = array<i32>} : memref<4096xf32, #tpu.memory_space<vmem>>, vector<16xf32>,
        %swap3A_211 = vector.shape_cast %swap3A_210 : vector<16xf32> to vector<16xf32>
        %swap3A_212 = vector.shape_cast %broadcast_in_dim3A_3 : vector<16xf32> to vector<16xf32>
        tpu.vector_store %arg5[%swap3A_209], %swap3A_212 {strides = array<i32>} : memref<4096xf32, #tpu.memory_space<vmem>>, vector<16xf32>,
        %slice3A_213 = vector.extract_strided_slice %get3A_41 {offsets = [9], sizes = [1], strides = [1]} : vector<16xi32> to vector<1xi32>
        %squeeze3A_214 = vector.extract %slice3A_213[0] : i32 from vector<1xi32>
        %and3A_215 = arith.andi %squeeze3A_214, %scan3A_10 : i32
        %swap3A_216 = arith.index_cast %and3A_215 : i32 to index
        %swap3A_217 = tpu.vector_load %arg5[%swap3A_216] {strides = array<i32>} : memref<4096xf32, #tpu.memory_space<vmem>>, vector<16xf32>,
        %swap3A_218 = vector.shape_cast %swap3A_217 : vector<16xf32> to vector<16xf32>
        %swap3A_219 = vector.shape_cast %broadcast_in_dim3A_3 : vector<16xf32> to vector<16xf32>
        tpu.vector_store %arg5[%swap3A_216], %swap3A_219 {strides = array<i32>} : memref<4096xf32, #tpu.memory_space<vmem>>, vector<16xf32>,
        %slice3A_220 = vector.extract_strided_slice %get3A_41 {offsets = [10], sizes = [1], strides = [1]} : vector<16xi32> to vector<1xi32>
        %squeeze3A_221 = vector.extract %slice3A_220[0] : i32 from vector<1xi32>
        %and3A_222 = arith.andi %squeeze3A_221, %scan3A_10 : i32
        %swap3A_223 = arith.index_cast %and3A_222 : i32 to index
        %swap3A_224 = tpu.vector_load %arg5[%swap3A_223] {strides = array<i32>} : memref<4096xf32, #tpu.memory_space<vmem>>, vector<16xf32>,
        %swap3A_225 = vector.shape_cast %swap3A_224 : vector<16xf32> to vector<16xf32>
        %swap3A_226 = vector.shape_cast %broadcast_in_dim3A_3 : vector<16xf32> to vector<16xf32>
        tpu.vector_store %arg5[%swap3A_223], %swap3A_226 {strides = array<i32>} : memref<4096xf32, #tpu.memory_space<vmem>>, vector<16xf32>,
        %slice3A_227 = vector.extract_strided_slice %get3A_41 {offsets = [11], sizes = [1], strides = [1]} : vector<16xi32> to vector<1xi32>
        %squeeze3A_228 = vector.extract %slice3A_227[0] : i32 from vector<1xi32>
        %and3A_229 = arith.andi %squeeze3A_228, %scan3A_10 : i32
        %swap3A_230 = arith.index_cast %and3A_229 : i32 to index
        %swap3A_231 = tpu.vector_load %arg5[%swap3A_230] {strides = array<i32>} : memref<4096xf32, #tpu.memory_space<vmem>>, vector<16xf32>,
        %swap3A_232 = vector.shape_cast %swap3A_231 : vector<16xf32> to vector<16xf32>
        %swap3A_233 = vector.shape_cast %broadcast_in_dim3A_3 : vector<16xf32> to vector<16xf32>
        tpu.vector_store %arg5[%swap3A_230], %swap3A_233 {strides = array<i32>} : memref<4096xf32, #tpu.memory_space<vmem>>, vector<16xf32>,
        %slice3A_234 = vector.extract_strided_slice %get3A_41 {offsets = [12], sizes = [1], strides = [1]} : vector<16xi32> to vector<1xi32>
        %squeeze3A_235 = vector.extract %slice3A_234[0] : i32 from vector<1xi32>
        %and3A_236 = arith.andi %squeeze3A_235, %scan3A_10 : i32
        %swap3A_237 = arith.index_cast %and3A_236 : i32 to index
        %swap3A_238 = tpu.vector_load %arg5[%swap3A_237] {strides = array<i32>} : memref<4096xf32, #tpu.memory_space<vmem>>, vector<16xf32>,
        %swap3A_239 = vector.shape_cast %swap3A_238 : vector<16xf32> to vector<16xf32>
        %swap3A_240 = vector.shape_cast %broadcast_in_dim3A_3 : vector<16xf32> to vector<16xf32>
        tpu.vector_store %arg5[%swap3A_237], %swap3A_240 {strides = array<i32>} : memref<4096xf32, #tpu.memory_space<vmem>>, vector<16xf32>,
        %slice3A_241 = vector.extract_strided_slice %get3A_41 {offsets = [13], sizes = [1], strides = [1]} : vector<16xi32> to vector<1xi32>
        %squeeze3A_242 = vector.extract %slice3A_241[0] : i32 from vector<1xi32>
        %and3A_243 = arith.andi %squeeze3A_242, %scan3A_10 : i32
        %swap3A_244 = arith.index_cast %and3A_243 : i32 to index
        %swap3A_245 = tpu.vector_load %arg5[%swap3A_244] {strides = array<i32>} : memref<4096xf32, #tpu.memory_space<vmem>>, vector<16xf32>,
        %swap3A_246 = vector.shape_cast %swap3A_245 : vector<16xf32> to vector<16xf32>
        %swap3A_247 = vector.shape_cast %broadcast_in_dim3A_3 : vector<16xf32> to vector<16xf32>
        tpu.vector_store %arg5[%swap3A_244], %swap3A_247 {strides = array<i32>} : memref<4096xf32, #tpu.memory_space<vmem>>, vector<16xf32>,
        %slice3A_248 = vector.extract_strided_slice %get3A_41 {offsets = [14], sizes = [1], strides = [1]} : vector<16xi32> to vector<1xi32>
        %squeeze3A_249 = vector.extract %slice3A_248[0] : i32 from vector<1xi32>
        %and3A_250 = arith.andi %squeeze3A_249, %scan3A_10 : i32
        %swap3A_251 = arith.index_cast %and3A_250 : i32 to index
        %swap3A_252 = tpu.vector_load %arg5[%swap3A_251] {strides = array<i32>} : memref<4096xf32, #tpu.memory_space<vmem>>, vector<16xf32>,
        %swap3A_253 = vector.shape_cast %swap3A_252 : vector<16xf32> to vector<16xf32>
        %swap3A_254 = vector.shape_cast %broadcast_in_dim3A_3 : vector<16xf32> to vector<16xf32>
        tpu.vector_store %arg5[%swap3A_251], %swap3A_254 {strides = array<i32>} : memref<4096xf32, #tpu.memory_space<vmem>>, vector<16xf32>,
        %slice3A_255 = vector.extract_strided_slice %get3A_41 {offsets = [15], sizes = [1], strides = [1]} : vector<16xi32> to vector<1xi32>
        %squeeze3A_256 = vector.extract %slice3A_255[0] : i32 from vector<1xi32>
        %and3A_257 = arith.andi %squeeze3A_256, %scan3A_10 : i32
        %swap3A_258 = arith.index_cast %and3A_257 : i32 to index
        %swap3A_259 = tpu.vector_load %arg5[%swap3A_258] {strides = array<i32>} : memref<4096xf32, #tpu.memory_space<vmem>>, vector<16xf32>,
        %swap3A_260 = vector.shape_cast %swap3A_259 : vector<16xf32> to vector<16xf32>
        %swap3A_261 = vector.shape_cast %broadcast_in_dim3A_3 : vector<16xf32> to vector<16xf32>
        tpu.vector_store %arg5[%swap3A_258], %swap3A_261 {strides = array<i32>} : memref<4096xf32, #tpu.memory_space<vmem>>, vector<16xf32>,
        %dma_wait3A_262 = arith.constant 0 : i32
        %dma_wait3A_263 = arith.constant 0 : i32
        %dma_wait3A_264 = tpu.memref_slice %arg3[%dma_wait3A_262, %dma_wait3A_263] : memref<4096x4096xf32, #tpu.memory_space<hbm>> -> memref<1x4096xf32, #tpu.memory_space<hbm>>
        %dma_wait3A_265 = tpu.memref_squeeze %dma_wait3A_264 : memref<1x4096xf32, #tpu.memory_space<hbm>> -> memref<4096xf32, #tpu.memory_space<hbm>>
        %dma_wait3A_266 = arith.constant 0 : i32
        %dma_wait3A_267 = tpu.memref_slice %arg3[%dma_wait3A_262, %dma_wait3A_266] : memref<4096x4096xf32, #tpu.memory_space<hbm>> -> memref<1x4096xf32, #tpu.memory_space<hbm>>
        %dma_wait3A_268 = tpu.memref_squeeze %dma_wait3A_267 : memref<1x4096xf32, #tpu.memory_space<hbm>> -> memref<4096xf32, #tpu.memory_space<hbm>>
        tpu.wait_dma2 semaphore(%arg8 : memref<!tpu.dma_semaphore, #tpu.memory_space<semaphore_mem>>) src(%arg6 : memref<4096xf32, #tpu.memory_space<vmem>>) dst(%dma_wait3A_268 : memref<4096xf32, #tpu.memory_space<hbm>>)
        %get3A_269 = arith.index_cast %add3A_28 : i32 to index
        %get3A_270 = arith.constant 0 : index
        %get3A_271 = tpu.vector_load %arg4[%get3A_269, %get3A_270] {strides = array<i32>} : memref<128x32xi32, #tpu.memory_space<vmem>>, vector<1x16xi32>,
        %get3A_272 = vector.shape_cast %get3A_271 : vector<1x16xi32> to vector<16xi32>
        %get3A_273 = arith.index_cast %add3A_28 : i32 to index
        %get3A_274 = arith.constant 16 : index
        %get3A_275 = tpu.vector_load %arg4[%get3A_273, %get3A_274] {strides = array<i32>} : memref<128x32xi32, #tpu.memory_space<vmem>>, vector<1x16xi32>,
        %get3A_276 = vector.shape_cast %get3A_275 : vector<1x16xi32> to vector<16xi32>
        %slice3A_277 = vector.extract_strided_slice %get3A_272 {offsets = [0], sizes = [1], strides = [1]} : vector<16xi32> to vector<1xi32>
        %squeeze3A_278 = vector.extract %slice3A_277[0] : i32 from vector<1xi32>
        %and3A_279 = arith.andi %squeeze3A_278, %scan3A_10 : i32
        %swap3A_280 = arith.index_cast %and3A_279 : i32 to index
        %swap3A_281 = tpu.vector_load %arg6[%swap3A_280] {strides = array<i32>} : memref<4096xf32, #tpu.memory_space<vmem>>, vector<16xf32>,
        %swap3A_282 = vector.shape_cast %swap3A_281 : vector<16xf32> to vector<16xf32>
        %swap3A_283 = vector.shape_cast %broadcast_in_dim3A_3 : vector<16xf32> to vector<16xf32>
        tpu.vector_store %arg6[%swap3A_280], %swap3A_283 {strides = array<i32>} : memref<4096xf32, #tpu.memory_space<vmem>>, vector<16xf32>,
        %slice3A_284 = vector.extract_strided_slice %get3A_272 {offsets = [1], sizes = [1], strides = [1]} : vector<16xi32> to vector<1xi32>
        %squeeze3A_285 = vector.extract %slice3A_284[0] : i32 from vector<1xi32>
        %and3A_286 = arith.andi %squeeze3A_285, %scan3A_10 : i32
        %swap3A_287 = arith.index_cast %and3A_286 : i32 to index
        %swap3A_288 = tpu.vector_load %arg6[%swap3A_287] {strides = array<i32>} : memref<4096xf32, #tpu.memory_space<vmem>>, vector<16xf32>,
        %swap3A_289 = vector.shape_cast %swap3A_288 : vector<16xf32> to vector<16xf32>
        %swap3A_290 = vector.shape_cast %broadcast_in_dim3A_3 : vector<16xf32> to vector<16xf32>
        tpu.vector_store %arg6[%swap3A_287], %swap3A_290 {strides = array<i32>} : memref<4096xf32, #tpu.memory_space<vmem>>, vector<16xf32>,
        %slice3A_291 = vector.extract_strided_slice %get3A_272 {offsets = [2], sizes = [1], strides = [1]} : vector<16xi32> to vector<1xi32>
        %squeeze3A_292 = vector.extract %slice3A_291[0] : i32 from vector<1xi32>
        %and3A_293 = arith.andi %squeeze3A_292, %scan3A_10 : i32
        %swap3A_294 = arith.index_cast %and3A_293 : i32 to index
        %swap3A_295 = tpu.vector_load %arg6[%swap3A_294] {strides = array<i32>} : memref<4096xf32, #tpu.memory_space<vmem>>, vector<16xf32>,
        %swap3A_296 = vector.shape_cast %swap3A_295 : vector<16xf32> to vector<16xf32>
        %swap3A_297 = vector.shape_cast %broadcast_in_dim3A_3 : vector<16xf32> to vector<16xf32>
        tpu.vector_store %arg6[%swap3A_294], %swap3A_297 {strides = array<i32>} : memref<4096xf32, #tpu.memory_space<vmem>>, vector<16xf32>,
        %slice3A_298 = vector.extract_strided_slice %get3A_272 {offsets = [3], sizes = [1], strides = [1]} : vector<16xi32> to vector<1xi32>
        %squeeze3A_299 = vector.extract %slice3A_298[0] : i32 from vector<1xi32>
        %and3A_300 = arith.andi %squeeze3A_299, %scan3A_10 : i32
        %swap3A_301 = arith.index_cast %and3A_300 : i32 to index
        %swap3A_302 = tpu.vector_load %arg6[%swap3A_301] {strides = array<i32>} : memref<4096xf32, #tpu.memory_space<vmem>>, vector<16xf32>,
        %swap3A_303 = vector.shape_cast %swap3A_302 : vector<16xf32> to vector<16xf32>
        %swap3A_304 = vector.shape_cast %broadcast_in_dim3A_3 : vector<16xf32> to vector<16xf32>
        tpu.vector_store %arg6[%swap3A_301], %swap3A_304 {strides = array<i32>} : memref<4096xf32, #tpu.memory_space<vmem>>, vector<16xf32>,
        %slice3A_305 = vector.extract_strided_slice %get3A_272 {offsets = [4], sizes = [1], strides = [1]} : vector<16xi32> to vector<1xi32>
        %squeeze3A_306 = vector.extract %slice3A_305[0] : i32 from vector<1xi32>
        %and3A_307 = arith.andi %squeeze3A_306, %scan3A_10 : i32
        %swap3A_308 = arith.index_cast %and3A_307 : i32 to index
        %swap3A_309 = tpu.vector_load %arg6[%swap3A_308] {strides = array<i32>} : memref<4096xf32, #tpu.memory_space<vmem>>, vector<16xf32>,
        %swap3A_310 = vector.shape_cast %swap3A_309 : vector<16xf32> to vector<16xf32>
        %swap3A_311 = vector.shape_cast %broadcast_in_dim3A_3 : vector<16xf32> to vector<16xf32>
        tpu.vector_store %arg6[%swap3A_308], %swap3A_311 {strides = array<i32>} : memref<4096xf32, #tpu.memory_space<vmem>>, vector<16xf32>,
        %slice3A_312 = vector.extract_strided_slice %get3A_272 {offsets = [5], sizes = [1], strides = [1]} : vector<16xi32> to vector<1xi32>
        %squeeze3A_313 = vector.extract %slice3A_312[0] : i32 from vector<1xi32>
        %and3A_314 = arith.andi %squeeze3A_313, %scan3A_10 : i32
        %swap3A_315 = arith.index_cast %and3A_314 : i32 to index
        %swap3A_316 = tpu.vector_load %arg6[%swap3A_315] {strides = array<i32>} : memref<4096xf32, #tpu.memory_space<vmem>>, vector<16xf32>,
        %swap3A_317 = vector.shape_cast %swap3A_316 : vector<16xf32> to vector<16xf32>
        %swap3A_318 = vector.shape_cast %broadcast_in_dim3A_3 : vector<16xf32> to vector<16xf32>
        tpu.vector_store %arg6[%swap3A_315], %swap3A_318 {strides = array<i32>} : memref<4096xf32, #tpu.memory_space<vmem>>, vector<16xf32>,
        %slice3A_319 = vector.extract_strided_slice %get3A_272 {offsets = [6], sizes = [1], strides = [1]} : vector<16xi32> to vector<1xi32>
        %squeeze3A_320 = vector.extract %slice3A_319[0] : i32 from vector<1xi32>
        %and3A_321 = arith.andi %squeeze3A_320, %scan3A_10 : i32
        %swap3A_322 = arith.index_cast %and3A_321 : i32 to index
        %swap3A_323 = tpu.vector_load %arg6[%swap3A_322] {strides = array<i32>} : memref<4096xf32, #tpu.memory_space<vmem>>, vector<16xf32>,
        %swap3A_324 = vector.shape_cast %swap3A_323 : vector<16xf32> to vector<16xf32>
        %swap3A_325 = vector.shape_cast %broadcast_in_dim3A_3 : vector<16xf32> to vector<16xf32>
        tpu.vector_store %arg6[%swap3A_322], %swap3A_325 {strides = array<i32>} : memref<4096xf32, #tpu.memory_space<vmem>>, vector<16xf32>,
        %slice3A_326 = vector.extract_strided_slice %get3A_272 {offsets = [7], sizes = [1], strides = [1]} : vector<16xi32> to vector<1xi32>
        %squeeze3A_327 = vector.extract %slice3A_326[0] : i32 from vector<1xi32>
        %and3A_328 = arith.andi %squeeze3A_327, %scan3A_10 : i32
        %swap3A_329 = arith.index_cast %and3A_328 : i32 to index
        %swap3A_330 = tpu.vector_load %arg6[%swap3A_329] {strides = array<i32>} : memref<4096xf32, #tpu.memory_space<vmem>>, vector<16xf32>,
        %swap3A_331 = vector.shape_cast %swap3A_330 : vector<16xf32> to vector<16xf32>
        %swap3A_332 = vector.shape_cast %broadcast_in_dim3A_3 : vector<16xf32> to vector<16xf32>
        tpu.vector_store %arg6[%swap3A_329], %swap3A_332 {strides = array<i32>} : memref<4096xf32, #tpu.memory_space<vmem>>, vector<16xf32>,
        %slice3A_333 = vector.extract_strided_slice %get3A_272 {offsets = [8], sizes = [1], strides = [1]} : vector<16xi32> to vector<1xi32>
        %squeeze3A_334 = vector.extract %slice3A_333[0] : i32 from vector<1xi32>
        %and3A_335 = arith.andi %squeeze3A_334, %scan3A_10 : i32
        %swap3A_336 = arith.index_cast %and3A_335 : i32 to index
        %swap3A_337 = tpu.vector_load %arg6[%swap3A_336] {strides = array<i32>} : memref<4096xf32, #tpu.memory_space<vmem>>, vector<16xf32>,
        %swap3A_338 = vector.shape_cast %swap3A_337 : vector<16xf32> to vector<16xf32>
        %swap3A_339 = vector.shape_cast %broadcast_in_dim3A_3 : vector<16xf32> to vector<16xf32>
        tpu.vector_store %arg6[%swap3A_336], %swap3A_339 {strides = array<i32>} : memref<4096xf32, #tpu.memory_space<vmem>>, vector<16xf32>,
        %slice3A_340 = vector.extract_strided_slice %get3A_272 {offsets = [9], sizes = [1], strides = [1]} : vector<16xi32> to vector<1xi32>
        %squeeze3A_341 = vector.extract %slice3A_340[0] : i32 from vector<1xi32>
        %and3A_342 = arith.andi %squeeze3A_341, %scan3A_10 : i32
        %swap3A_343 = arith.index_cast %and3A_342 : i32 to index
        %swap3A_344 = tpu.vector_load %arg6[%swap3A_343] {strides = array<i32>} : memref<4096xf32, #tpu.memory_space<vmem>>, vector<16xf32>,
        %swap3A_345 = vector.shape_cast %swap3A_344 : vector<16xf32> to vector<16xf32>
        %swap3A_346 = vector.shape_cast %broadcast_in_dim3A_3 : vector<16xf32> to vector<16xf32>
        tpu.vector_store %arg6[%swap3A_343], %swap3A_346 {strides = array<i32>} : memref<4096xf32, #tpu.memory_space<vmem>>, vector<16xf32>,
        %slice3A_347 = vector.extract_strided_slice %get3A_272 {offsets = [10], sizes = [1], strides = [1]} : vector<16xi32> to vector<1xi32>
        %squeeze3A_348 = vector.extract %slice3A_347[0] : i32 from vector<1xi32>
        %and3A_349 = arith.andi %squeeze3A_348, %scan3A_10 : i32
        %swap3A_350 = arith.index_cast %and3A_349 : i32 to index
        %swap3A_351 = tpu.vector_load %arg6[%swap3A_350] {strides = array<i32>} : memref<4096xf32, #tpu.memory_space<vmem>>, vector<16xf32>,
        %swap3A_352 = vector.shape_cast %swap3A_351 : vector<16xf32> to vector<16xf32>
        %swap3A_353 = vector.shape_cast %broadcast_in_dim3A_3 : vector<16xf32> to vector<16xf32>
        tpu.vector_store %arg6[%swap3A_350], %swap3A_353 {strides = array<i32>} : memref<4096xf32, #tpu.memory_space<vmem>>, vector<16xf32>,
        %slice3A_354 = vector.extract_strided_slice %get3A_272 {offsets = [11], sizes = [1], strides = [1]} : vector<16xi32> to vector<1xi32>
        %squeeze3A_355 = vector.extract %slice3A_354[0] : i32 from vector<1xi32>
        %and3A_356 = arith.andi %squeeze3A_355, %scan3A_10 : i32
        %swap3A_357 = arith.index_cast %and3A_356 : i32 to index
        %swap3A_358 = tpu.vector_load %arg6[%swap3A_357] {strides = array<i32>} : memref<4096xf32, #tpu.memory_space<vmem>>, vector<16xf32>,
        %swap3A_359 = vector.shape_cast %swap3A_358 : vector<16xf32> to vector<16xf32>
        %swap3A_360 = vector.shape_cast %broadcast_in_dim3A_3 : vector<16xf32> to vector<16xf32>
        tpu.vector_store %arg6[%swap3A_357], %swap3A_360 {strides = array<i32>} : memref<4096xf32, #tpu.memory_space<vmem>>, vector<16xf32>,
        %slice3A_361 = vector.extract_strided_slice %get3A_272 {offsets = [12], sizes = [1], strides = [1]} : vector<16xi32> to vector<1xi32>
        %squeeze3A_362 = vector.extract %slice3A_361[0] : i32 from vector<1xi32>
        %and3A_363 = arith.andi %squeeze3A_362, %scan3A_10 : i32
        %swap3A_364 = arith.index_cast %and3A_363 : i32 to index
        %swap3A_365 = tpu.vector_load %arg6[%swap3A_364] {strides = array<i32>} : memref<4096xf32, #tpu.memory_space<vmem>>, vector<16xf32>,
        %swap3A_366 = vector.shape_cast %swap3A_365 : vector<16xf32> to vector<16xf32>
        %swap3A_367 = vector.shape_cast %broadcast_in_dim3A_3 : vector<16xf32> to vector<16xf32>
        tpu.vector_store %arg6[%swap3A_364], %swap3A_367 {strides = array<i32>} : memref<4096xf32, #tpu.memory_space<vmem>>, vector<16xf32>,
        %slice3A_368 = vector.extract_strided_slice %get3A_272 {offsets = [13], sizes = [1], strides = [1]} : vector<16xi32> to vector<1xi32>
        %squeeze3A_369 = vector.extract %slice3A_368[0] : i32 from vector<1xi32>
        %and3A_370 = arith.andi %squeeze3A_369, %scan3A_10 : i32
        %swap3A_371 = arith.index_cast %and3A_370 : i32 to index
        %swap3A_372 = tpu.vector_load %arg6[%swap3A_371] {strides = array<i32>} : memref<4096xf32, #tpu.memory_space<vmem>>, vector<16xf32>,
        %swap3A_373 = vector.shape_cast %swap3A_372 : vector<16xf32> to vector<16xf32>
        %swap3A_374 = vector.shape_cast %broadcast_in_dim3A_3 : vector<16xf32> to vector<16xf32>
        tpu.vector_store %arg6[%swap3A_371], %swap3A_374 {strides = array<i32>} : memref<4096xf32, #tpu.memory_space<vmem>>, vector<16xf32>,
        %slice3A_375 = vector.extract_strided_slice %get3A_272 {offsets = [14], sizes = [1], strides = [1]} : vector<16xi32> to vector<1xi32>
        %squeeze3A_376 = vector.extract %slice3A_375[0] : i32 from vector<1xi32>
        %and3A_377 = arith.andi %squeeze3A_376, %scan3A_10 : i32
        %swap3A_378 = arith.index_cast %and3A_377 : i32 to index
        %swap3A_379 = tpu.vector_load %arg6[%swap3A_378] {strides = array<i32>} : memref<4096xf32, #tpu.memory_space<vmem>>, vector<16xf32>,
        %swap3A_380 = vector.shape_cast %swap3A_379 : vector<16xf32> to vector<16xf32>
        %swap3A_381 = vector.shape_cast %broadcast_in_dim3A_3 : vector<16xf32> to vector<16xf32>
        tpu.vector_store %arg6[%swap3A_378], %swap3A_381 {strides = array<i32>} : memref<4096xf32, #tpu.memory_space<vmem>>, vector<16xf32>,
        %slice3A_382 = vector.extract_strided_slice %get3A_272 {offsets = [15], sizes = [1], strides = [1]} : vector<16xi32> to vector<1xi32>
        %squeeze3A_383 = vector.extract %slice3A_382[0] : i32 from vector<1xi32>
        %and3A_384 = arith.andi %squeeze3A_383, %scan3A_10 : i32
        %swap3A_385 = arith.index_cast %and3A_384 : i32 to index
        %swap3A_386 = tpu.vector_load %arg6[%swap3A_385] {strides = array<i32>} : memref<4096xf32, #tpu.memory_space<vmem>>, vector<16xf32>,
        %swap3A_387 = vector.shape_cast %swap3A_386 : vector<16xf32> to vector<16xf32>
        %swap3A_388 = vector.shape_cast %broadcast_in_dim3A_3 : vector<16xf32> to vector<16xf32>
        tpu.vector_store %arg6[%swap3A_385], %swap3A_388 {strides = array<i32>} : memref<4096xf32, #tpu.memory_space<vmem>>, vector<16xf32>,
        %slice3A_389 = vector.extract_strided_slice %get3A_276 {offsets = [0], sizes = [1], strides = [1]} : vector<16xi32> to vector<1xi32>
        %squeeze3A_390 = vector.extract %slice3A_389[0] : i32 from vector<1xi32>
        %and3A_391 = arith.andi %squeeze3A_390, %scan3A_10 : i32
        %swap3A_392 = arith.index_cast %and3A_391 : i32 to index
        %swap3A_393 = tpu.vector_load %arg6[%swap3A_392] {strides = array<i32>} : memref<4096xf32, #tpu.memory_space<vmem>>, vector<16xf32>,
        %swap3A_394 = vector.shape_cast %swap3A_393 : vector<16xf32> to vector<16xf32>
        %swap3A_395 = vector.shape_cast %broadcast_in_dim3A_3 : vector<16xf32> to vector<16xf32>
        tpu.vector_store %arg6[%swap3A_392], %swap3A_395 {strides = array<i32>} : memref<4096xf32, #tpu.memory_space<vmem>>, vector<16xf32>,
        %slice3A_396 = vector.extract_strided_slice %get3A_276 {offsets = [1], sizes = [1], strides = [1]} : vector<16xi32> to vector<1xi32>
        %squeeze3A_397 = vector.extract %slice3A_396[0] : i32 from vector<1xi32>
        %and3A_398 = arith.andi %squeeze3A_397, %scan3A_10 : i32
        %swap3A_399 = arith.index_cast %and3A_398 : i32 to index
        %swap3A_400 = tpu.vector_load %arg6[%swap3A_399] {strides = array<i32>} : memref<4096xf32, #tpu.memory_space<vmem>>, vector<16xf32>,
        %swap3A_401 = vector.shape_cast %swap3A_400 : vector<16xf32> to vector<16xf32>
        %swap3A_402 = vector.shape_cast %broadcast_in_dim3A_3 : vector<16xf32> to vector<16xf32>
        tpu.vector_store %arg6[%swap3A_399], %swap3A_402 {strides = array<i32>} : memref<4096xf32, #tpu.memory_space<vmem>>, vector<16xf32>,
        %slice3A_403 = vector.extract_strided_slice %get3A_276 {offsets = [2], sizes = [1], strides = [1]} : vector<16xi32> to vector<1xi32>
        %squeeze3A_404 = vector.extract %slice3A_403[0] : i32 from vector<1xi32>
        %and3A_405 = arith.andi %squeeze3A_404, %scan3A_10 : i32
        %swap3A_406 = arith.index_cast %and3A_405 : i32 to index
        %swap3A_407 = tpu.vector_load %arg6[%swap3A_406] {strides = array<i32>} : memref<4096xf32, #tpu.memory_space<vmem>>, vector<16xf32>,
        %swap3A_408 = vector.shape_cast %swap3A_407 : vector<16xf32> to vector<16xf32>
        %swap3A_409 = vector.shape_cast %broadcast_in_dim3A_3 : vector<16xf32> to vector<16xf32>
        tpu.vector_store %arg6[%swap3A_406], %swap3A_409 {strides = array<i32>} : memref<4096xf32, #tpu.memory_space<vmem>>, vector<16xf32>,
        %slice3A_410 = vector.extract_strided_slice %get3A_276 {offsets = [3], sizes = [1], strides = [1]} : vector<16xi32> to vector<1xi32>
        %squeeze3A_411 = vector.extract %slice3A_410[0] : i32 from vector<1xi32>
        %and3A_412 = arith.andi %squeeze3A_411, %scan3A_10 : i32
        %swap3A_413 = arith.index_cast %and3A_412 : i32 to index
        %swap3A_414 = tpu.vector_load %arg6[%swap3A_413] {strides = array<i32>} : memref<4096xf32, #tpu.memory_space<vmem>>, vector<16xf32>,
        %swap3A_415 = vector.shape_cast %swap3A_414 : vector<16xf32> to vector<16xf32>
        %swap3A_416 = vector.shape_cast %broadcast_in_dim3A_3 : vector<16xf32> to vector<16xf32>
        tpu.vector_store %arg6[%swap3A_413], %swap3A_416 {strides = array<i32>} : memref<4096xf32, #tpu.memory_space<vmem>>, vector<16xf32>,
        %slice3A_417 = vector.extract_strided_slice %get3A_276 {offsets = [4], sizes = [1], strides = [1]} : vector<16xi32> to vector<1xi32>
        %squeeze3A_418 = vector.extract %slice3A_417[0] : i32 from vector<1xi32>
        %and3A_419 = arith.andi %squeeze3A_418, %scan3A_10 : i32
        %swap3A_420 = arith.index_cast %and3A_419 : i32 to index
        %swap3A_421 = tpu.vector_load %arg6[%swap3A_420] {strides = array<i32>} : memref<4096xf32, #tpu.memory_space<vmem>>, vector<16xf32>,
        %swap3A_422 = vector.shape_cast %swap3A_421 : vector<16xf32> to vector<16xf32>
        %swap3A_423 = vector.shape_cast %broadcast_in_dim3A_3 : vector<16xf32> to vector<16xf32>
        tpu.vector_store %arg6[%swap3A_420], %swap3A_423 {strides = array<i32>} : memref<4096xf32, #tpu.memory_space<vmem>>, vector<16xf32>,
        %slice3A_424 = vector.extract_strided_slice %get3A_276 {offsets = [5], sizes = [1], strides = [1]} : vector<16xi32> to vector<1xi32>
        %squeeze3A_425 = vector.extract %slice3A_424[0] : i32 from vector<1xi32>
        %and3A_426 = arith.andi %squeeze3A_425, %scan3A_10 : i32
        %swap3A_427 = arith.index_cast %and3A_426 : i32 to index
        %swap3A_428 = tpu.vector_load %arg6[%swap3A_427] {strides = array<i32>} : memref<4096xf32, #tpu.memory_space<vmem>>, vector<16xf32>,
        %swap3A_429 = vector.shape_cast %swap3A_428 : vector<16xf32> to vector<16xf32>
        %swap3A_430 = vector.shape_cast %broadcast_in_dim3A_3 : vector<16xf32> to vector<16xf32>
        tpu.vector_store %arg6[%swap3A_427], %swap3A_430 {strides = array<i32>} : memref<4096xf32, #tpu.memory_space<vmem>>, vector<16xf32>,
        %slice3A_431 = vector.extract_strided_slice %get3A_276 {offsets = [6], sizes = [1], strides = [1]} : vector<16xi32> to vector<1xi32>
        %squeeze3A_432 = vector.extract %slice3A_431[0] : i32 from vector<1xi32>
        %and3A_433 = arith.andi %squeeze3A_432, %scan3A_10 : i32
        %swap3A_434 = arith.index_cast %and3A_433 : i32 to index
        %swap3A_435 = tpu.vector_load %arg6[%swap3A_434] {strides = array<i32>} : memref<4096xf32, #tpu.memory_space<vmem>>, vector<16xf32>,
        %swap3A_436 = vector.shape_cast %swap3A_435 : vector<16xf32> to vector<16xf32>
        %swap3A_437 = vector.shape_cast %broadcast_in_dim3A_3 : vector<16xf32> to vector<16xf32>
        tpu.vector_store %arg6[%swap3A_434], %swap3A_437 {strides = array<i32>} : memref<4096xf32, #tpu.memory_space<vmem>>, vector<16xf32>,
        %slice3A_438 = vector.extract_strided_slice %get3A_276 {offsets = [7], sizes = [1], strides = [1]} : vector<16xi32> to vector<1xi32>
        %squeeze3A_439 = vector.extract %slice3A_438[0] : i32 from vector<1xi32>
        %and3A_440 = arith.andi %squeeze3A_439, %scan3A_10 : i32
        %swap3A_441 = arith.index_cast %and3A_440 : i32 to index
        %swap3A_442 = tpu.vector_load %arg6[%swap3A_441] {strides = array<i32>} : memref<4096xf32, #tpu.memory_space<vmem>>, vector<16xf32>,
        %swap3A_443 = vector.shape_cast %swap3A_442 : vector<16xf32> to vector<16xf32>
        %swap3A_444 = vector.shape_cast %broadcast_in_dim3A_3 : vector<16xf32> to vector<16xf32>
        tpu.vector_store %arg6[%swap3A_441], %swap3A_444 {strides = array<i32>} : memref<4096xf32, #tpu.memory_space<vmem>>, vector<16xf32>,
        %slice3A_445 = vector.extract_strided_slice %get3A_276 {offsets = [8], sizes = [1], strides = [1]} : vector<16xi32> to vector<1xi32>
        %squeeze3A_446 = vector.extract %slice3A_445[0] : i32 from vector<1xi32>
        %and3A_447 = arith.andi %squeeze3A_446, %scan3A_10 : i32
        %swap3A_448 = arith.index_cast %and3A_447 : i32 to index
        %swap3A_449 = tpu.vector_load %arg6[%swap3A_448] {strides = array<i32>} : memref<4096xf32, #tpu.memory_space<vmem>>, vector<16xf32>,
        %swap3A_450 = vector.shape_cast %swap3A_449 : vector<16xf32> to vector<16xf32>
        %swap3A_451 = vector.shape_cast %broadcast_in_dim3A_3 : vector<16xf32> to vector<16xf32>
        tpu.vector_store %arg6[%swap3A_448], %swap3A_451 {strides = array<i32>} : memref<4096xf32, #tpu.memory_space<vmem>>, vector<16xf32>,
        %slice3A_452 = vector.extract_strided_slice %get3A_276 {offsets = [9], sizes = [1], strides = [1]} : vector<16xi32> to vector<1xi32>
        %squeeze3A_453 = vector.extract %slice3A_452[0] : i32 from vector<1xi32>
        %and3A_454 = arith.andi %squeeze3A_453, %scan3A_10 : i32
        %swap3A_455 = arith.index_cast %and3A_454 : i32 to index
        %swap3A_456 = tpu.vector_load %arg6[%swap3A_455] {strides = array<i32>} : memref<4096xf32, #tpu.memory_space<vmem>>, vector<16xf32>,
        %swap3A_457 = vector.shape_cast %swap3A_456 : vector<16xf32> to vector<16xf32>
        %swap3A_458 = vector.shape_cast %broadcast_in_dim3A_3 : vector<16xf32> to vector<16xf32>
        tpu.vector_store %arg6[%swap3A_455], %swap3A_458 {strides = array<i32>} : memref<4096xf32, #tpu.memory_space<vmem>>, vector<16xf32>,
        %slice3A_459 = vector.extract_strided_slice %get3A_276 {offsets = [10], sizes = [1], strides = [1]} : vector<16xi32> to vector<1xi32>
        %squeeze3A_460 = vector.extract %slice3A_459[0] : i32 from vector<1xi32>
        %and3A_461 = arith.andi %squeeze3A_460, %scan3A_10 : i32
        %swap3A_462 = arith.index_cast %and3A_461 : i32 to index
        %swap3A_463 = tpu.vector_load %arg6[%swap3A_462] {strides = array<i32>} : memref<4096xf32, #tpu.memory_space<vmem>>, vector<16xf32>,
        %swap3A_464 = vector.shape_cast %swap3A_463 : vector<16xf32> to vector<16xf32>
        %swap3A_465 = vector.shape_cast %broadcast_in_dim3A_3 : vector<16xf32> to vector<16xf32>
        tpu.vector_store %arg6[%swap3A_462], %swap3A_465 {strides = array<i32>} : memref<4096xf32, #tpu.memory_space<vmem>>, vector<16xf32>,
        %slice3A_466 = vector.extract_strided_slice %get3A_276 {offsets = [11], sizes = [1], strides = [1]} : vector<16xi32> to vector<1xi32>
        %squeeze3A_467 = vector.extract %slice3A_466[0] : i32 from vector<1xi32>
        %and3A_468 = arith.andi %squeeze3A_467, %scan3A_10 : i32
        %swap3A_469 = arith.index_cast %and3A_468 : i32 to index
        %swap3A_470 = tpu.vector_load %arg6[%swap3A_469] {strides = array<i32>} : memref<4096xf32, #tpu.memory_space<vmem>>, vector<16xf32>,
        %swap3A_471 = vector.shape_cast %swap3A_470 : vector<16xf32> to vector<16xf32>
        %swap3A_472 = vector.shape_cast %broadcast_in_dim3A_3 : vector<16xf32> to vector<16xf32>
        tpu.vector_store %arg6[%swap3A_469], %swap3A_472 {strides = array<i32>} : memref<4096xf32, #tpu.memory_space<vmem>>, vector<16xf32>,
        %slice3A_473 = vector.extract_strided_slice %get3A_276 {offsets = [12], sizes = [1], strides = [1]} : vector<16xi32> to vector<1xi32>
        %squeeze3A_474 = vector.extract %slice3A_473[0] : i32 from vector<1xi32>
        %and3A_475 = arith.andi %squeeze3A_474, %scan3A_10 : i32
        %swap3A_476 = arith.index_cast %and3A_475 : i32 to index
        %swap3A_477 = tpu.vector_load %arg6[%swap3A_476] {strides = array<i32>} : memref<4096xf32, #tpu.memory_space<vmem>>, vector<16xf32>,
        %swap3A_478 = vector.shape_cast %swap3A_477 : vector<16xf32> to vector<16xf32>
        %swap3A_479 = vector.shape_cast %broadcast_in_dim3A_3 : vector<16xf32> to vector<16xf32>
        tpu.vector_store %arg6[%swap3A_476], %swap3A_479 {strides = array<i32>} : memref<4096xf32, #tpu.memory_space<vmem>>, vector<16xf32>,
        %slice3A_480 = vector.extract_strided_slice %get3A_276 {offsets = [13], sizes = [1], strides = [1]} : vector<16xi32> to vector<1xi32>
        %squeeze3A_481 = vector.extract %slice3A_480[0] : i32 from vector<1xi32>
        %and3A_482 = arith.andi %squeeze3A_481, %scan3A_10 : i32
        %swap3A_483 = arith.index_cast %and3A_482 : i32 to index
        %swap3A_484 = tpu.vector_load %arg6[%swap3A_483] {strides = array<i32>} : memref<4096xf32, #tpu.memory_space<vmem>>, vector<16xf32>,
        %swap3A_485 = vector.shape_cast %swap3A_484 : vector<16xf32> to vector<16xf32>
        %swap3A_486 = vector.shape_cast %broadcast_in_dim3A_3 : vector<16xf32> to vector<16xf32>
        tpu.vector_store %arg6[%swap3A_483], %swap3A_486 {strides = array<i32>} : memref<4096xf32, #tpu.memory_space<vmem>>, vector<16xf32>,
        %slice3A_487 = vector.extract_strided_slice %get3A_276 {offsets = [14], sizes = [1], strides = [1]} : vector<16xi32> to vector<1xi32>
        %squeeze3A_488 = vector.extract %slice3A_487[0] : i32 from vector<1xi32>
        %and3A_489 = arith.andi %squeeze3A_488, %scan3A_10 : i32
        %swap3A_490 = arith.index_cast %and3A_489 : i32 to index
        %swap3A_491 = tpu.vector_load %arg6[%swap3A_490] {strides = array<i32>} : memref<4096xf32, #tpu.memory_space<vmem>>, vector<16xf32>,
        %swap3A_492 = vector.shape_cast %swap3A_491 : vector<16xf32> to vector<16xf32>
        %swap3A_493 = vector.shape_cast %broadcast_in_dim3A_3 : vector<16xf32> to vector<16xf32>
        tpu.vector_store %arg6[%swap3A_490], %swap3A_493 {strides = array<i32>} : memref<4096xf32, #tpu.memory_space<vmem>>, vector<16xf32>,
        %slice3A_494 = vector.extract_strided_slice %get3A_276 {offsets = [15], sizes = [1], strides = [1]} : vector<16xi32> to vector<1xi32>
        %squeeze3A_495 = vector.extract %slice3A_494[0] : i32 from vector<1xi32>
        %and3A_496 = arith.andi %squeeze3A_495, %scan3A_10 : i32
        %swap3A_497 = arith.index_cast %and3A_496 : i32 to index
        %swap3A_498 = tpu.vector_load %arg6[%swap3A_497] {strides = array<i32>} : memref<4096xf32, #tpu.memory_space<vmem>>, vector<16xf32>,
        %swap3A_499 = vector.shape_cast %swap3A_498 : vector<16xf32> to vector<16xf32>
        %swap3A_500 = vector.shape_cast %broadcast_in_dim3A_3 : vector<16xf32> to vector<16xf32>
        tpu.vector_store %arg6[%swap3A_497], %swap3A_500 {strides = array<i32>} : memref<4096xf32, #tpu.memory_space<vmem>>, vector<16xf32>,
      } else {
      }
      %lt3A = arith.constant 64 : i32
      %lt3A_20 = arith.cmpi slt, %scan3A_17, %lt3A : i32
      %convert_element_type3A_21 = arith.extui %lt3A_20 : i1 to i32
      %cond3A_22 = arith.constant 0 : i32
      %cond3A_23 = arith.cmpi ne, %convert_element_type3A_21, %cond3A_22 : i32
      scf.if %cond3A_23 {
        %mul3A_24 = arith.constant 2 : i32
        %mul3A_25 = arith.muli %mul3A_24, %scan3A_17 : i32
        %mul3A_26 = arith.constant 2 : i32
        %mul3A_27 = arith.muli %mul3A_26, %scan3A_17 : i32
        %add3A_28 = arith.constant 1 : i32
        %add3A_29 = arith.addi %mul3A_27, %add3A_28 : i32
        %get3A = arith.index_cast %mul3A_25 : i32 to index
        %get3A_30 = arith.constant 0 : index
        %get3A_31 = tpu.vector_load %arg4[%get3A, %get3A_30] {strides = array<i32>} : memref<128x32xi32, #tpu.memory_space<vmem>>, vector<1x16xi32>,
        %get3A_32 = vector.shape_cast %get3A_31 : vector<1x16xi32> to vector<16xi32>
        %get3A_33 = arith.index_cast %mul3A_25 : i32 to index
        %get3A_34 = arith.constant 16 : index
        %get3A_35 = tpu.vector_load %arg4[%get3A_33, %get3A_34] {strides = array<i32>} : memref<128x32xi32, #tpu.memory_space<vmem>>, vector<1x16xi32>,
        %get3A_36 = vector.shape_cast %get3A_35 : vector<1x16xi32> to vector<16xi32>
        %slice3A = vector.extract_strided_slice %get3A_32 {offsets = [0], sizes = [1], strides = [1]} : vector<16xi32> to vector<1xi32>
        %squeeze3A = vector.extract %slice3A[0] : i32 from vector<1xi32>
        %and3A = arith.andi %squeeze3A, %scan3A_10 : i32
        %and3A_37 = arith.andi %squeeze3A, %scan3A_11 : i32
        %eq3A = vector.broadcast %and3A_37 : i32 to vector<16xi32>
        %eq3A_38 = arith.cmpi eq, %iota3A, %eq3A : vector<16xi32>
        %jit3A = arith.constant 1.000000e+00 : f32
        %jit3A_39 = arith.constant 0.000000e+00 : f32
        %broadcast_in_dim3A_40 = vector.broadcast %jit3A : f32 to vector<16xf32>
        %broadcast_in_dim3A_41 = vector.broadcast %jit3A_39 : f32 to vector<16xf32>
        %select_n3A = arith.select %eq3A_38, %broadcast_in_dim3A_40, %broadcast_in_dim3A_41 : vector<16xi1>, vector<16xf32>
        %get3A_42 = arith.index_cast %and3A : i32 to index
        %get3A_43 = tpu.vector_load %arg5[%get3A_42] {strides = array<i32>} : memref<4096xf32, #tpu.memory_space<vmem>>, vector<16xf32>,
        %get3A_44 = vector.shape_cast %get3A_43 : vector<16xf32> to vector<16xf32>
        %add3A_45 = arith.addf %get3A_44, %select_n3A : vector<16xf32>
        %swap3A = arith.index_cast %and3A : i32 to index
        %swap3A_46 = tpu.vector_load %arg5[%swap3A] {strides = array<i32>} : memref<4096xf32, #tpu.memory_space<vmem>>, vector<16xf32>,
        %swap3A_47 = vector.shape_cast %swap3A_46 : vector<16xf32> to vector<16xf32>
        %swap3A_48 = vector.shape_cast %add3A_45 : vector<16xf32> to vector<16xf32>
        tpu.vector_store %arg5[%swap3A], %swap3A_48 {strides = array<i32>} : memref<4096xf32, #tpu.memory_space<vmem>>, vector<16xf32>,
        %slice3A_49 = vector.extract_strided_slice %get3A_32 {offsets = [1], sizes = [1], strides = [1]} : vector<16xi32> to vector<1xi32>
        %squeeze3A_50 = vector.extract %slice3A_49[0] : i32 from vector<1xi32>
        %and3A_51 = arith.andi %squeeze3A_50, %scan3A_10 : i32
        %and3A_52 = arith.andi %squeeze3A_50, %scan3A_11 : i32
        %eq3A_53 = vector.broadcast %and3A_52 : i32 to vector<16xi32>
        %eq3A_54 = arith.cmpi eq, %iota3A, %eq3A_53 : vector<16xi32>
        %jit3A_55 = arith.constant 1.000000e+00 : f32
        %jit3A_56 = arith.constant 0.000000e+00 : f32
        %broadcast_in_dim3A_57 = vector.broadcast %jit3A_55 : f32 to vector<16xf32>
        %broadcast_in_dim3A_58 = vector.broadcast %jit3A_56 : f32 to vector<16xf32>
        %select_n3A_59 = arith.select %eq3A_54, %broadcast_in_dim3A_57, %broadcast_in_dim3A_58 : vector<16xi1>, vector<16xf32>
        %get3A_60 = arith.index_cast %and3A_51 : i32 to index
        %get3A_61 = tpu.vector_load %arg5[%get3A_60] {strides = array<i32>} : memref<4096xf32, #tpu.memory_space<vmem>>, vector<16xf32>,
        %get3A_62 = vector.shape_cast %get3A_61 : vector<16xf32> to vector<16xf32>
        %add3A_63 = arith.addf %get3A_62, %select_n3A_59 : vector<16xf32>
        %swap3A_64 = arith.index_cast %and3A_51 : i32 to index
        %swap3A_65 = tpu.vector_load %arg5[%swap3A_64] {strides = array<i32>} : memref<4096xf32, #tpu.memory_space<vmem>>, vector<16xf32>,
        %swap3A_66 = vector.shape_cast %swap3A_65 : vector<16xf32> to vector<16xf32>
        %swap3A_67 = vector.shape_cast %add3A_63 : vector<16xf32> to vector<16xf32>
        tpu.vector_store %arg5[%swap3A_64], %swap3A_67 {strides = array<i32>} : memref<4096xf32, #tpu.memory_space<vmem>>, vector<16xf32>,
        %slice3A_68 = vector.extract_strided_slice %get3A_32 {offsets = [2], sizes = [1], strides = [1]} : vector<16xi32> to vector<1xi32>
        %squeeze3A_69 = vector.extract %slice3A_68[0] : i32 from vector<1xi32>
        %and3A_70 = arith.andi %squeeze3A_69, %scan3A_10 : i32
        %and3A_71 = arith.andi %squeeze3A_69, %scan3A_11 : i32
        %eq3A_72 = vector.broadcast %and3A_71 : i32 to vector<16xi32>
        %eq3A_73 = arith.cmpi eq, %iota3A, %eq3A_72 : vector<16xi32>
        %jit3A_74 = arith.constant 1.000000e+00 : f32
        %jit3A_75 = arith.constant 0.000000e+00 : f32
        %broadcast_in_dim3A_76 = vector.broadcast %jit3A_74 : f32 to vector<16xf32>
        %broadcast_in_dim3A_77 = vector.broadcast %jit3A_75 : f32 to vector<16xf32>
        %select_n3A_78 = arith.select %eq3A_73, %broadcast_in_dim3A_76, %broadcast_in_dim3A_77 : vector<16xi1>, vector<16xf32>
        %get3A_79 = arith.index_cast %and3A_70 : i32 to index
        %get3A_80 = tpu.vector_load %arg5[%get3A_79] {strides = array<i32>} : memref<4096xf32, #tpu.memory_space<vmem>>, vector<16xf32>,
        %get3A_81 = vector.shape_cast %get3A_80 : vector<16xf32> to vector<16xf32>
        %add3A_82 = arith.addf %get3A_81, %select_n3A_78 : vector<16xf32>
        %swap3A_83 = arith.index_cast %and3A_70 : i32 to index
        %swap3A_84 = tpu.vector_load %arg5[%swap3A_83] {strides = array<i32>} : memref<4096xf32, #tpu.memory_space<vmem>>, vector<16xf32>,
        %swap3A_85 = vector.shape_cast %swap3A_84 : vector<16xf32> to vector<16xf32>
        %swap3A_86 = vector.shape_cast %add3A_82 : vector<16xf32> to vector<16xf32>
        tpu.vector_store %arg5[%swap3A_83], %swap3A_86 {strides = array<i32>} : memref<4096xf32, #tpu.memory_space<vmem>>, vector<16xf32>,
        %slice3A_87 = vector.extract_strided_slice %get3A_32 {offsets = [3], sizes = [1], strides = [1]} : vector<16xi32> to vector<1xi32>
        %squeeze3A_88 = vector.extract %slice3A_87[0] : i32 from vector<1xi32>
        %and3A_89 = arith.andi %squeeze3A_88, %scan3A_10 : i32
        %and3A_90 = arith.andi %squeeze3A_88, %scan3A_11 : i32
        %eq3A_91 = vector.broadcast %and3A_90 : i32 to vector<16xi32>
        %eq3A_92 = arith.cmpi eq, %iota3A, %eq3A_91 : vector<16xi32>
        %jit3A_93 = arith.constant 1.000000e+00 : f32
        %jit3A_94 = arith.constant 0.000000e+00 : f32
        %broadcast_in_dim3A_95 = vector.broadcast %jit3A_93 : f32 to vector<16xf32>
        %broadcast_in_dim3A_96 = vector.broadcast %jit3A_94 : f32 to vector<16xf32>
        %select_n3A_97 = arith.select %eq3A_92, %broadcast_in_dim3A_95, %broadcast_in_dim3A_96 : vector<16xi1>, vector<16xf32>
        %get3A_98 = arith.index_cast %and3A_89 : i32 to index
        %get3A_99 = tpu.vector_load %arg5[%get3A_98] {strides = array<i32>} : memref<4096xf32, #tpu.memory_space<vmem>>, vector<16xf32>,
        %get3A_100 = vector.shape_cast %get3A_99 : vector<16xf32> to vector<16xf32>
        %add3A_101 = arith.addf %get3A_100, %select_n3A_97 : vector<16xf32>
        %swap3A_102 = arith.index_cast %and3A_89 : i32 to index
        %swap3A_103 = tpu.vector_load %arg5[%swap3A_102] {strides = array<i32>} : memref<4096xf32, #tpu.memory_space<vmem>>, vector<16xf32>,
        %swap3A_104 = vector.shape_cast %swap3A_103 : vector<16xf32> to vector<16xf32>
        %swap3A_105 = vector.shape_cast %add3A_101 : vector<16xf32> to vector<16xf32>
        tpu.vector_store %arg5[%swap3A_102], %swap3A_105 {strides = array<i32>} : memref<4096xf32, #tpu.memory_space<vmem>>, vector<16xf32>,
        %slice3A_106 = vector.extract_strided_slice %get3A_32 {offsets = [4], sizes = [1], strides = [1]} : vector<16xi32> to vector<1xi32>
        %squeeze3A_107 = vector.extract %slice3A_106[0] : i32 from vector<1xi32>
        %and3A_108 = arith.andi %squeeze3A_107, %scan3A_10 : i32
        %and3A_109 = arith.andi %squeeze3A_107, %scan3A_11 : i32
        %eq3A_110 = vector.broadcast %and3A_109 : i32 to vector<16xi32>
        %eq3A_111 = arith.cmpi eq, %iota3A, %eq3A_110 : vector<16xi32>
        %jit3A_112 = arith.constant 1.000000e+00 : f32
        %jit3A_113 = arith.constant 0.000000e+00 : f32
        %broadcast_in_dim3A_114 = vector.broadcast %jit3A_112 : f32 to vector<16xf32>
        %broadcast_in_dim3A_115 = vector.broadcast %jit3A_113 : f32 to vector<16xf32>
        %select_n3A_116 = arith.select %eq3A_111, %broadcast_in_dim3A_114, %broadcast_in_dim3A_115 : vector<16xi1>, vector<16xf32>
        %get3A_117 = arith.index_cast %and3A_108 : i32 to index
        %get3A_118 = tpu.vector_load %arg5[%get3A_117] {strides = array<i32>} : memref<4096xf32, #tpu.memory_space<vmem>>, vector<16xf32>,
        %get3A_119 = vector.shape_cast %get3A_118 : vector<16xf32> to vector<16xf32>
        %add3A_120 = arith.addf %get3A_119, %select_n3A_116 : vector<16xf32>
        %swap3A_121 = arith.index_cast %and3A_108 : i32 to index
        %swap3A_122 = tpu.vector_load %arg5[%swap3A_121] {strides = array<i32>} : memref<4096xf32, #tpu.memory_space<vmem>>, vector<16xf32>,
        %swap3A_123 = vector.shape_cast %swap3A_122 : vector<16xf32> to vector<16xf32>
        %swap3A_124 = vector.shape_cast %add3A_120 : vector<16xf32> to vector<16xf32>
        tpu.vector_store %arg5[%swap3A_121], %swap3A_124 {strides = array<i32>} : memref<4096xf32, #tpu.memory_space<vmem>>, vector<16xf32>,
        %slice3A_125 = vector.extract_strided_slice %get3A_32 {offsets = [5], sizes = [1], strides = [1]} : vector<16xi32> to vector<1xi32>
        %squeeze3A_126 = vector.extract %slice3A_125[0] : i32 from vector<1xi32>
        %and3A_127 = arith.andi %squeeze3A_126, %scan3A_10 : i32
        %and3A_128 = arith.andi %squeeze3A_126, %scan3A_11 : i32
        %eq3A_129 = vector.broadcast %and3A_128 : i32 to vector<16xi32>
        %eq3A_130 = arith.cmpi eq, %iota3A, %eq3A_129 : vector<16xi32>
        %jit3A_131 = arith.constant 1.000000e+00 : f32
        %jit3A_132 = arith.constant 0.000000e+00 : f32
        %broadcast_in_dim3A_133 = vector.broadcast %jit3A_131 : f32 to vector<16xf32>
        %broadcast_in_dim3A_134 = vector.broadcast %jit3A_132 : f32 to vector<16xf32>
        %select_n3A_135 = arith.select %eq3A_130, %broadcast_in_dim3A_133, %broadcast_in_dim3A_134 : vector<16xi1>, vector<16xf32>
        %get3A_136 = arith.index_cast %and3A_127 : i32 to index
        %get3A_137 = tpu.vector_load %arg5[%get3A_136] {strides = array<i32>} : memref<4096xf32, #tpu.memory_space<vmem>>, vector<16xf32>,
        %get3A_138 = vector.shape_cast %get3A_137 : vector<16xf32> to vector<16xf32>
        %add3A_139 = arith.addf %get3A_138, %select_n3A_135 : vector<16xf32>
        %swap3A_140 = arith.index_cast %and3A_127 : i32 to index
        %swap3A_141 = tpu.vector_load %arg5[%swap3A_140] {strides = array<i32>} : memref<4096xf32, #tpu.memory_space<vmem>>, vector<16xf32>,
        %swap3A_142 = vector.shape_cast %swap3A_141 : vector<16xf32> to vector<16xf32>
        %swap3A_143 = vector.shape_cast %add3A_139 : vector<16xf32> to vector<16xf32>
        tpu.vector_store %arg5[%swap3A_140], %swap3A_143 {strides = array<i32>} : memref<4096xf32, #tpu.memory_space<vmem>>, vector<16xf32>,
        %slice3A_144 = vector.extract_strided_slice %get3A_32 {offsets = [6], sizes = [1], strides = [1]} : vector<16xi32> to vector<1xi32>
        %squeeze3A_145 = vector.extract %slice3A_144[0] : i32 from vector<1xi32>
        %and3A_146 = arith.andi %squeeze3A_145, %scan3A_10 : i32
        %and3A_147 = arith.andi %squeeze3A_145, %scan3A_11 : i32
        %eq3A_148 = vector.broadcast %and3A_147 : i32 to vector<16xi32>
        %eq3A_149 = arith.cmpi eq, %iota3A, %eq3A_148 : vector<16xi32>
        %jit3A_150 = arith.constant 1.000000e+00 : f32
        %jit3A_151 = arith.constant 0.000000e+00 : f32
        %broadcast_in_dim3A_152 = vector.broadcast %jit3A_150 : f32 to vector<16xf32>
        %broadcast_in_dim3A_153 = vector.broadcast %jit3A_151 : f32 to vector<16xf32>
        %select_n3A_154 = arith.select %eq3A_149, %broadcast_in_dim3A_152, %broadcast_in_dim3A_153 : vector<16xi1>, vector<16xf32>
        %get3A_155 = arith.index_cast %and3A_146 : i32 to index
        %get3A_156 = tpu.vector_load %arg5[%get3A_155] {strides = array<i32>} : memref<4096xf32, #tpu.memory_space<vmem>>, vector<16xf32>,
        %get3A_157 = vector.shape_cast %get3A_156 : vector<16xf32> to vector<16xf32>
        %add3A_158 = arith.addf %get3A_157, %select_n3A_154 : vector<16xf32>
        %swap3A_159 = arith.index_cast %and3A_146 : i32 to index
        %swap3A_160 = tpu.vector_load %arg5[%swap3A_159] {strides = array<i32>} : memref<4096xf32, #tpu.memory_space<vmem>>, vector<16xf32>,
        %swap3A_161 = vector.shape_cast %swap3A_160 : vector<16xf32> to vector<16xf32>
        %swap3A_162 = vector.shape_cast %add3A_158 : vector<16xf32> to vector<16xf32>
        tpu.vector_store %arg5[%swap3A_159], %swap3A_162 {strides = array<i32>} : memref<4096xf32, #tpu.memory_space<vmem>>, vector<16xf32>,
        %slice3A_163 = vector.extract_strided_slice %get3A_32 {offsets = [7], sizes = [1], strides = [1]} : vector<16xi32> to vector<1xi32>
        %squeeze3A_164 = vector.extract %slice3A_163[0] : i32 from vector<1xi32>
        %and3A_165 = arith.andi %squeeze3A_164, %scan3A_10 : i32
        %and3A_166 = arith.andi %squeeze3A_164, %scan3A_11 : i32
        %eq3A_167 = vector.broadcast %and3A_166 : i32 to vector<16xi32>
        %eq3A_168 = arith.cmpi eq, %iota3A, %eq3A_167 : vector<16xi32>
        %jit3A_169 = arith.constant 1.000000e+00 : f32
        %jit3A_170 = arith.constant 0.000000e+00 : f32
        %broadcast_in_dim3A_171 = vector.broadcast %jit3A_169 : f32 to vector<16xf32>
        %broadcast_in_dim3A_172 = vector.broadcast %jit3A_170 : f32 to vector<16xf32>
        %select_n3A_173 = arith.select %eq3A_168, %broadcast_in_dim3A_171, %broadcast_in_dim3A_172 : vector<16xi1>, vector<16xf32>
        %get3A_174 = arith.index_cast %and3A_165 : i32 to index
        %get3A_175 = tpu.vector_load %arg5[%get3A_174] {strides = array<i32>} : memref<4096xf32, #tpu.memory_space<vmem>>, vector<16xf32>,
        %get3A_176 = vector.shape_cast %get3A_175 : vector<16xf32> to vector<16xf32>
        %add3A_177 = arith.addf %get3A_176, %select_n3A_173 : vector<16xf32>
        %swap3A_178 = arith.index_cast %and3A_165 : i32 to index
        %swap3A_179 = tpu.vector_load %arg5[%swap3A_178] {strides = array<i32>} : memref<4096xf32, #tpu.memory_space<vmem>>, vector<16xf32>,
        %swap3A_180 = vector.shape_cast %swap3A_179 : vector<16xf32> to vector<16xf32>
        %swap3A_181 = vector.shape_cast %add3A_177 : vector<16xf32> to vector<16xf32>
        tpu.vector_store %arg5[%swap3A_178], %swap3A_181 {strides = array<i32>} : memref<4096xf32, #tpu.memory_space<vmem>>, vector<16xf32>,
        %slice3A_182 = vector.extract_strided_slice %get3A_32 {offsets = [8], sizes = [1], strides = [1]} : vector<16xi32> to vector<1xi32>
        %squeeze3A_183 = vector.extract %slice3A_182[0] : i32 from vector<1xi32>
        %and3A_184 = arith.andi %squeeze3A_183, %scan3A_10 : i32
        %and3A_185 = arith.andi %squeeze3A_183, %scan3A_11 : i32
        %eq3A_186 = vector.broadcast %and3A_185 : i32 to vector<16xi32>
        %eq3A_187 = arith.cmpi eq, %iota3A, %eq3A_186 : vector<16xi32>
        %jit3A_188 = arith.constant 1.000000e+00 : f32
        %jit3A_189 = arith.constant 0.000000e+00 : f32
        %broadcast_in_dim3A_190 = vector.broadcast %jit3A_188 : f32 to vector<16xf32>
        %broadcast_in_dim3A_191 = vector.broadcast %jit3A_189 : f32 to vector<16xf32>
        %select_n3A_192 = arith.select %eq3A_187, %broadcast_in_dim3A_190, %broadcast_in_dim3A_191 : vector<16xi1>, vector<16xf32>
        %get3A_193 = arith.index_cast %and3A_184 : i32 to index
        %get3A_194 = tpu.vector_load %arg5[%get3A_193] {strides = array<i32>} : memref<4096xf32, #tpu.memory_space<vmem>>, vector<16xf32>,
        %get3A_195 = vector.shape_cast %get3A_194 : vector<16xf32> to vector<16xf32>
        %add3A_196 = arith.addf %get3A_195, %select_n3A_192 : vector<16xf32>
        %swap3A_197 = arith.index_cast %and3A_184 : i32 to index
        %swap3A_198 = tpu.vector_load %arg5[%swap3A_197] {strides = array<i32>} : memref<4096xf32, #tpu.memory_space<vmem>>, vector<16xf32>,
        %swap3A_199 = vector.shape_cast %swap3A_198 : vector<16xf32> to vector<16xf32>
        %swap3A_200 = vector.shape_cast %add3A_196 : vector<16xf32> to vector<16xf32>
        tpu.vector_store %arg5[%swap3A_197], %swap3A_200 {strides = array<i32>} : memref<4096xf32, #tpu.memory_space<vmem>>, vector<16xf32>,
        %slice3A_201 = vector.extract_strided_slice %get3A_32 {offsets = [9], sizes = [1], strides = [1]} : vector<16xi32> to vector<1xi32>
        %squeeze3A_202 = vector.extract %slice3A_201[0] : i32 from vector<1xi32>
        %and3A_203 = arith.andi %squeeze3A_202, %scan3A_10 : i32
        %and3A_204 = arith.andi %squeeze3A_202, %scan3A_11 : i32
        %eq3A_205 = vector.broadcast %and3A_204 : i32 to vector<16xi32>
        %eq3A_206 = arith.cmpi eq, %iota3A, %eq3A_205 : vector<16xi32>
        %jit3A_207 = arith.constant 1.000000e+00 : f32
        %jit3A_208 = arith.constant 0.000000e+00 : f32
        %broadcast_in_dim3A_209 = vector.broadcast %jit3A_207 : f32 to vector<16xf32>
        %broadcast_in_dim3A_210 = vector.broadcast %jit3A_208 : f32 to vector<16xf32>
        %select_n3A_211 = arith.select %eq3A_206, %broadcast_in_dim3A_209, %broadcast_in_dim3A_210 : vector<16xi1>, vector<16xf32>
        %get3A_212 = arith.index_cast %and3A_203 : i32 to index
        %get3A_213 = tpu.vector_load %arg5[%get3A_212] {strides = array<i32>} : memref<4096xf32, #tpu.memory_space<vmem>>, vector<16xf32>,
        %get3A_214 = vector.shape_cast %get3A_213 : vector<16xf32> to vector<16xf32>
        %add3A_215 = arith.addf %get3A_214, %select_n3A_211 : vector<16xf32>
        %swap3A_216 = arith.index_cast %and3A_203 : i32 to index
        %swap3A_217 = tpu.vector_load %arg5[%swap3A_216] {strides = array<i32>} : memref<4096xf32, #tpu.memory_space<vmem>>, vector<16xf32>,
        %swap3A_218 = vector.shape_cast %swap3A_217 : vector<16xf32> to vector<16xf32>
        %swap3A_219 = vector.shape_cast %add3A_215 : vector<16xf32> to vector<16xf32>
        tpu.vector_store %arg5[%swap3A_216], %swap3A_219 {strides = array<i32>} : memref<4096xf32, #tpu.memory_space<vmem>>, vector<16xf32>,
        %slice3A_220 = vector.extract_strided_slice %get3A_32 {offsets = [10], sizes = [1], strides = [1]} : vector<16xi32> to vector<1xi32>
        %squeeze3A_221 = vector.extract %slice3A_220[0] : i32 from vector<1xi32>
        %and3A_222 = arith.andi %squeeze3A_221, %scan3A_10 : i32
        %and3A_223 = arith.andi %squeeze3A_221, %scan3A_11 : i32
        %eq3A_224 = vector.broadcast %and3A_223 : i32 to vector<16xi32>
        %eq3A_225 = arith.cmpi eq, %iota3A, %eq3A_224 : vector<16xi32>
        %jit3A_226 = arith.constant 1.000000e+00 : f32
        %jit3A_227 = arith.constant 0.000000e+00 : f32
        %broadcast_in_dim3A_228 = vector.broadcast %jit3A_226 : f32 to vector<16xf32>
        %broadcast_in_dim3A_229 = vector.broadcast %jit3A_227 : f32 to vector<16xf32>
        %select_n3A_230 = arith.select %eq3A_225, %broadcast_in_dim3A_228, %broadcast_in_dim3A_229 : vector<16xi1>, vector<16xf32>
        %get3A_231 = arith.index_cast %and3A_222 : i32 to index
        %get3A_232 = tpu.vector_load %arg5[%get3A_231] {strides = array<i32>} : memref<4096xf32, #tpu.memory_space<vmem>>, vector<16xf32>,
        %get3A_233 = vector.shape_cast %get3A_232 : vector<16xf32> to vector<16xf32>
        %add3A_234 = arith.addf %get3A_233, %select_n3A_230 : vector<16xf32>
        %swap3A_235 = arith.index_cast %and3A_222 : i32 to index
        %swap3A_236 = tpu.vector_load %arg5[%swap3A_235] {strides = array<i32>} : memref<4096xf32, #tpu.memory_space<vmem>>, vector<16xf32>,
        %swap3A_237 = vector.shape_cast %swap3A_236 : vector<16xf32> to vector<16xf32>
        %swap3A_238 = vector.shape_cast %add3A_234 : vector<16xf32> to vector<16xf32>
        tpu.vector_store %arg5[%swap3A_235], %swap3A_238 {strides = array<i32>} : memref<4096xf32, #tpu.memory_space<vmem>>, vector<16xf32>,
        %slice3A_239 = vector.extract_strided_slice %get3A_32 {offsets = [11], sizes = [1], strides = [1]} : vector<16xi32> to vector<1xi32>
        %squeeze3A_240 = vector.extract %slice3A_239[0] : i32 from vector<1xi32>
        %and3A_241 = arith.andi %squeeze3A_240, %scan3A_10 : i32
        %and3A_242 = arith.andi %squeeze3A_240, %scan3A_11 : i32
        %eq3A_243 = vector.broadcast %and3A_242 : i32 to vector<16xi32>
        %eq3A_244 = arith.cmpi eq, %iota3A, %eq3A_243 : vector<16xi32>
        %jit3A_245 = arith.constant 1.000000e+00 : f32
        %jit3A_246 = arith.constant 0.000000e+00 : f32
        %broadcast_in_dim3A_247 = vector.broadcast %jit3A_245 : f32 to vector<16xf32>
        %broadcast_in_dim3A_248 = vector.broadcast %jit3A_246 : f32 to vector<16xf32>
        %select_n3A_249 = arith.select %eq3A_244, %broadcast_in_dim3A_247, %broadcast_in_dim3A_248 : vector<16xi1>, vector<16xf32>
        %get3A_250 = arith.index_cast %and3A_241 : i32 to index
        %get3A_251 = tpu.vector_load %arg5[%get3A_250] {strides = array<i32>} : memref<4096xf32, #tpu.memory_space<vmem>>, vector<16xf32>,
        %get3A_252 = vector.shape_cast %get3A_251 : vector<16xf32> to vector<16xf32>
        %add3A_253 = arith.addf %get3A_252, %select_n3A_249 : vector<16xf32>
        %swap3A_254 = arith.index_cast %and3A_241 : i32 to index
        %swap3A_255 = tpu.vector_load %arg5[%swap3A_254] {strides = array<i32>} : memref<4096xf32, #tpu.memory_space<vmem>>, vector<16xf32>,
        %swap3A_256 = vector.shape_cast %swap3A_255 : vector<16xf32> to vector<16xf32>
        %swap3A_257 = vector.shape_cast %add3A_253 : vector<16xf32> to vector<16xf32>
        tpu.vector_store %arg5[%swap3A_254], %swap3A_257 {strides = array<i32>} : memref<4096xf32, #tpu.memory_space<vmem>>, vector<16xf32>,
        %slice3A_258 = vector.extract_strided_slice %get3A_32 {offsets = [12], sizes = [1], strides = [1]} : vector<16xi32> to vector<1xi32>
        %squeeze3A_259 = vector.extract %slice3A_258[0] : i32 from vector<1xi32>
        %and3A_260 = arith.andi %squeeze3A_259, %scan3A_10 : i32
        %and3A_261 = arith.andi %squeeze3A_259, %scan3A_11 : i32
        %eq3A_262 = vector.broadcast %and3A_261 : i32 to vector<16xi32>
        %eq3A_263 = arith.cmpi eq, %iota3A, %eq3A_262 : vector<16xi32>
        %jit3A_264 = arith.constant 1.000000e+00 : f32
        %jit3A_265 = arith.constant 0.000000e+00 : f32
        %broadcast_in_dim3A_266 = vector.broadcast %jit3A_264 : f32 to vector<16xf32>
        %broadcast_in_dim3A_267 = vector.broadcast %jit3A_265 : f32 to vector<16xf32>
        %select_n3A_268 = arith.select %eq3A_263, %broadcast_in_dim3A_266, %broadcast_in_dim3A_267 : vector<16xi1>, vector<16xf32>
        %get3A_269 = arith.index_cast %and3A_260 : i32 to index
        %get3A_270 = tpu.vector_load %arg5[%get3A_269] {strides = array<i32>} : memref<4096xf32, #tpu.memory_space<vmem>>, vector<16xf32>,
        %get3A_271 = vector.shape_cast %get3A_270 : vector<16xf32> to vector<16xf32>
        %add3A_272 = arith.addf %get3A_271, %select_n3A_268 : vector<16xf32>
        %swap3A_273 = arith.index_cast %and3A_260 : i32 to index
        %swap3A_274 = tpu.vector_load %arg5[%swap3A_273] {strides = array<i32>} : memref<4096xf32, #tpu.memory_space<vmem>>, vector<16xf32>,
        %swap3A_275 = vector.shape_cast %swap3A_274 : vector<16xf32> to vector<16xf32>
        %swap3A_276 = vector.shape_cast %add3A_272 : vector<16xf32> to vector<16xf32>
        tpu.vector_store %arg5[%swap3A_273], %swap3A_276 {strides = array<i32>} : memref<4096xf32, #tpu.memory_space<vmem>>, vector<16xf32>,
        %slice3A_277 = vector.extract_strided_slice %get3A_32 {offsets = [13], sizes = [1], strides = [1]} : vector<16xi32> to vector<1xi32>
        %squeeze3A_278 = vector.extract %slice3A_277[0] : i32 from vector<1xi32>
        %and3A_279 = arith.andi %squeeze3A_278, %scan3A_10 : i32
        %and3A_280 = arith.andi %squeeze3A_278, %scan3A_11 : i32
        %eq3A_281 = vector.broadcast %and3A_280 : i32 to vector<16xi32>
        %eq3A_282 = arith.cmpi eq, %iota3A, %eq3A_281 : vector<16xi32>
        %jit3A_283 = arith.constant 1.000000e+00 : f32
        %jit3A_284 = arith.constant 0.000000e+00 : f32
        %broadcast_in_dim3A_285 = vector.broadcast %jit3A_283 : f32 to vector<16xf32>
        %broadcast_in_dim3A_286 = vector.broadcast %jit3A_284 : f32 to vector<16xf32>
        %select_n3A_287 = arith.select %eq3A_282, %broadcast_in_dim3A_285, %broadcast_in_dim3A_286 : vector<16xi1>, vector<16xf32>
        %get3A_288 = arith.index_cast %and3A_279 : i32 to index
        %get3A_289 = tpu.vector_load %arg5[%get3A_288] {strides = array<i32>} : memref<4096xf32, #tpu.memory_space<vmem>>, vector<16xf32>,
        %get3A_290 = vector.shape_cast %get3A_289 : vector<16xf32> to vector<16xf32>
        %add3A_291 = arith.addf %get3A_290, %select_n3A_287 : vector<16xf32>
        %swap3A_292 = arith.index_cast %and3A_279 : i32 to index
        %swap3A_293 = tpu.vector_load %arg5[%swap3A_292] {strides = array<i32>} : memref<4096xf32, #tpu.memory_space<vmem>>, vector<16xf32>,
        %swap3A_294 = vector.shape_cast %swap3A_293 : vector<16xf32> to vector<16xf32>
        %swap3A_295 = vector.shape_cast %add3A_291 : vector<16xf32> to vector<16xf32>
        tpu.vector_store %arg5[%swap3A_292], %swap3A_295 {strides = array<i32>} : memref<4096xf32, #tpu.memory_space<vmem>>, vector<16xf32>,
        %slice3A_296 = vector.extract_strided_slice %get3A_32 {offsets = [14], sizes = [1], strides = [1]} : vector<16xi32> to vector<1xi32>
        %squeeze3A_297 = vector.extract %slice3A_296[0] : i32 from vector<1xi32>
        %and3A_298 = arith.andi %squeeze3A_297, %scan3A_10 : i32
        %and3A_299 = arith.andi %squeeze3A_297, %scan3A_11 : i32
        %eq3A_300 = vector.broadcast %and3A_299 : i32 to vector<16xi32>
        %eq3A_301 = arith.cmpi eq, %iota3A, %eq3A_300 : vector<16xi32>
        %jit3A_302 = arith.constant 1.000000e+00 : f32
        %jit3A_303 = arith.constant 0.000000e+00 : f32
        %broadcast_in_dim3A_304 = vector.broadcast %jit3A_302 : f32 to vector<16xf32>
        %broadcast_in_dim3A_305 = vector.broadcast %jit3A_303 : f32 to vector<16xf32>
        %select_n3A_306 = arith.select %eq3A_301, %broadcast_in_dim3A_304, %broadcast_in_dim3A_305 : vector<16xi1>, vector<16xf32>
        %get3A_307 = arith.index_cast %and3A_298 : i32 to index
        %get3A_308 = tpu.vector_load %arg5[%get3A_307] {strides = array<i32>} : memref<4096xf32, #tpu.memory_space<vmem>>, vector<16xf32>,
        %get3A_309 = vector.shape_cast %get3A_308 : vector<16xf32> to vector<16xf32>
        %add3A_310 = arith.addf %get3A_309, %select_n3A_306 : vector<16xf32>
        %swap3A_311 = arith.index_cast %and3A_298 : i32 to index
        %swap3A_312 = tpu.vector_load %arg5[%swap3A_311] {strides = array<i32>} : memref<4096xf32, #tpu.memory_space<vmem>>, vector<16xf32>,
        %swap3A_313 = vector.shape_cast %swap3A_312 : vector<16xf32> to vector<16xf32>
        %swap3A_314 = vector.shape_cast %add3A_310 : vector<16xf32> to vector<16xf32>
        tpu.vector_store %arg5[%swap3A_311], %swap3A_314 {strides = array<i32>} : memref<4096xf32, #tpu.memory_space<vmem>>, vector<16xf32>,
        %slice3A_315 = vector.extract_strided_slice %get3A_32 {offsets = [15], sizes = [1], strides = [1]} : vector<16xi32> to vector<1xi32>
        %squeeze3A_316 = vector.extract %slice3A_315[0] : i32 from vector<1xi32>
        %and3A_317 = arith.andi %squeeze3A_316, %scan3A_10 : i32
        %and3A_318 = arith.andi %squeeze3A_316, %scan3A_11 : i32
        %eq3A_319 = vector.broadcast %and3A_318 : i32 to vector<16xi32>
        %eq3A_320 = arith.cmpi eq, %iota3A, %eq3A_319 : vector<16xi32>
        %jit3A_321 = arith.constant 1.000000e+00 : f32
        %jit3A_322 = arith.constant 0.000000e+00 : f32
        %broadcast_in_dim3A_323 = vector.broadcast %jit3A_321 : f32 to vector<16xf32>
        %broadcast_in_dim3A_324 = vector.broadcast %jit3A_322 : f32 to vector<16xf32>
        %select_n3A_325 = arith.select %eq3A_320, %broadcast_in_dim3A_323, %broadcast_in_dim3A_324 : vector<16xi1>, vector<16xf32>
        %get3A_326 = arith.index_cast %and3A_317 : i32 to index
        %get3A_327 = tpu.vector_load %arg5[%get3A_326] {strides = array<i32>} : memref<4096xf32, #tpu.memory_space<vmem>>, vector<16xf32>,
        %get3A_328 = vector.shape_cast %get3A_327 : vector<16xf32> to vector<16xf32>
        %add3A_329 = arith.addf %get3A_328, %select_n3A_325 : vector<16xf32>
        %swap3A_330 = arith.index_cast %and3A_317 : i32 to index
        %swap3A_331 = tpu.vector_load %arg5[%swap3A_330] {strides = array<i32>} : memref<4096xf32, #tpu.memory_space<vmem>>, vector<16xf32>,
        %swap3A_332 = vector.shape_cast %swap3A_331 : vector<16xf32> to vector<16xf32>
        %swap3A_333 = vector.shape_cast %add3A_329 : vector<16xf32> to vector<16xf32>
        tpu.vector_store %arg5[%swap3A_330], %swap3A_333 {strides = array<i32>} : memref<4096xf32, #tpu.memory_space<vmem>>, vector<16xf32>,
        %slice3A_334 = vector.extract_strided_slice %get3A_36 {offsets = [0], sizes = [1], strides = [1]} : vector<16xi32> to vector<1xi32>
        %squeeze3A_335 = vector.extract %slice3A_334[0] : i32 from vector<1xi32>
        %and3A_336 = arith.andi %squeeze3A_335, %scan3A_10 : i32
        %and3A_337 = arith.andi %squeeze3A_335, %scan3A_11 : i32
        %eq3A_338 = vector.broadcast %and3A_337 : i32 to vector<16xi32>
        %eq3A_339 = arith.cmpi eq, %iota3A, %eq3A_338 : vector<16xi32>
        %jit3A_340 = arith.constant 1.000000e+00 : f32
        %jit3A_341 = arith.constant 0.000000e+00 : f32
        %broadcast_in_dim3A_342 = vector.broadcast %jit3A_340 : f32 to vector<16xf32>
        %broadcast_in_dim3A_343 = vector.broadcast %jit3A_341 : f32 to vector<16xf32>
        %select_n3A_344 = arith.select %eq3A_339, %broadcast_in_dim3A_342, %broadcast_in_dim3A_343 : vector<16xi1>, vector<16xf32>
        %get3A_345 = arith.index_cast %and3A_336 : i32 to index
        %get3A_346 = tpu.vector_load %arg5[%get3A_345] {strides = array<i32>} : memref<4096xf32, #tpu.memory_space<vmem>>, vector<16xf32>,
        %get3A_347 = vector.shape_cast %get3A_346 : vector<16xf32> to vector<16xf32>
        %add3A_348 = arith.addf %get3A_347, %select_n3A_344 : vector<16xf32>
        %swap3A_349 = arith.index_cast %and3A_336 : i32 to index
        %swap3A_350 = tpu.vector_load %arg5[%swap3A_349] {strides = array<i32>} : memref<4096xf32, #tpu.memory_space<vmem>>, vector<16xf32>,
        %swap3A_351 = vector.shape_cast %swap3A_350 : vector<16xf32> to vector<16xf32>
        %swap3A_352 = vector.shape_cast %add3A_348 : vector<16xf32> to vector<16xf32>
        tpu.vector_store %arg5[%swap3A_349], %swap3A_352 {strides = array<i32>} : memref<4096xf32, #tpu.memory_space<vmem>>, vector<16xf32>,
        %slice3A_353 = vector.extract_strided_slice %get3A_36 {offsets = [1], sizes = [1], strides = [1]} : vector<16xi32> to vector<1xi32>
        %squeeze3A_354 = vector.extract %slice3A_353[0] : i32 from vector<1xi32>
        %and3A_355 = arith.andi %squeeze3A_354, %scan3A_10 : i32
        %and3A_356 = arith.andi %squeeze3A_354, %scan3A_11 : i32
        %eq3A_357 = vector.broadcast %and3A_356 : i32 to vector<16xi32>
        %eq3A_358 = arith.cmpi eq, %iota3A, %eq3A_357 : vector<16xi32>
        %jit3A_359 = arith.constant 1.000000e+00 : f32
        %jit3A_360 = arith.constant 0.000000e+00 : f32
        %broadcast_in_dim3A_361 = vector.broadcast %jit3A_359 : f32 to vector<16xf32>
        %broadcast_in_dim3A_362 = vector.broadcast %jit3A_360 : f32 to vector<16xf32>
        %select_n3A_363 = arith.select %eq3A_358, %broadcast_in_dim3A_361, %broadcast_in_dim3A_362 : vector<16xi1>, vector<16xf32>
        %get3A_364 = arith.index_cast %and3A_355 : i32 to index
        %get3A_365 = tpu.vector_load %arg5[%get3A_364] {strides = array<i32>} : memref<4096xf32, #tpu.memory_space<vmem>>, vector<16xf32>,
        %get3A_366 = vector.shape_cast %get3A_365 : vector<16xf32> to vector<16xf32>
        %add3A_367 = arith.addf %get3A_366, %select_n3A_363 : vector<16xf32>
        %swap3A_368 = arith.index_cast %and3A_355 : i32 to index
        %swap3A_369 = tpu.vector_load %arg5[%swap3A_368] {strides = array<i32>} : memref<4096xf32, #tpu.memory_space<vmem>>, vector<16xf32>,
        %swap3A_370 = vector.shape_cast %swap3A_369 : vector<16xf32> to vector<16xf32>
        %swap3A_371 = vector.shape_cast %add3A_367 : vector<16xf32> to vector<16xf32>
        tpu.vector_store %arg5[%swap3A_368], %swap3A_371 {strides = array<i32>} : memref<4096xf32, #tpu.memory_space<vmem>>, vector<16xf32>,
        %slice3A_372 = vector.extract_strided_slice %get3A_36 {offsets = [2], sizes = [1], strides = [1]} : vector<16xi32> to vector<1xi32>
        %squeeze3A_373 = vector.extract %slice3A_372[0] : i32 from vector<1xi32>
        %and3A_374 = arith.andi %squeeze3A_373, %scan3A_10 : i32
        %and3A_375 = arith.andi %squeeze3A_373, %scan3A_11 : i32
        %eq3A_376 = vector.broadcast %and3A_375 : i32 to vector<16xi32>
        %eq3A_377 = arith.cmpi eq, %iota3A, %eq3A_376 : vector<16xi32>
        %jit3A_378 = arith.constant 1.000000e+00 : f32
        %jit3A_379 = arith.constant 0.000000e+00 : f32
        %broadcast_in_dim3A_380 = vector.broadcast %jit3A_378 : f32 to vector<16xf32>
        %broadcast_in_dim3A_381 = vector.broadcast %jit3A_379 : f32 to vector<16xf32>
        %select_n3A_382 = arith.select %eq3A_377, %broadcast_in_dim3A_380, %broadcast_in_dim3A_381 : vector<16xi1>, vector<16xf32>
        %get3A_383 = arith.index_cast %and3A_374 : i32 to index
        %get3A_384 = tpu.vector_load %arg5[%get3A_383] {strides = array<i32>} : memref<4096xf32, #tpu.memory_space<vmem>>, vector<16xf32>,
        %get3A_385 = vector.shape_cast %get3A_384 : vector<16xf32> to vector<16xf32>
        %add3A_386 = arith.addf %get3A_385, %select_n3A_382 : vector<16xf32>
        %swap3A_387 = arith.index_cast %and3A_374 : i32 to index
        %swap3A_388 = tpu.vector_load %arg5[%swap3A_387] {strides = array<i32>} : memref<4096xf32, #tpu.memory_space<vmem>>, vector<16xf32>,
        %swap3A_389 = vector.shape_cast %swap3A_388 : vector<16xf32> to vector<16xf32>
        %swap3A_390 = vector.shape_cast %add3A_386 : vector<16xf32> to vector<16xf32>
        tpu.vector_store %arg5[%swap3A_387], %swap3A_390 {strides = array<i32>} : memref<4096xf32, #tpu.memory_space<vmem>>, vector<16xf32>,
        %slice3A_391 = vector.extract_strided_slice %get3A_36 {offsets = [3], sizes = [1], strides = [1]} : vector<16xi32> to vector<1xi32>
        %squeeze3A_392 = vector.extract %slice3A_391[0] : i32 from vector<1xi32>
        %and3A_393 = arith.andi %squeeze3A_392, %scan3A_10 : i32
        %and3A_394 = arith.andi %squeeze3A_392, %scan3A_11 : i32
        %eq3A_395 = vector.broadcast %and3A_394 : i32 to vector<16xi32>
        %eq3A_396 = arith.cmpi eq, %iota3A, %eq3A_395 : vector<16xi32>
        %jit3A_397 = arith.constant 1.000000e+00 : f32
        %jit3A_398 = arith.constant 0.000000e+00 : f32
        %broadcast_in_dim3A_399 = vector.broadcast %jit3A_397 : f32 to vector<16xf32>
        %broadcast_in_dim3A_400 = vector.broadcast %jit3A_398 : f32 to vector<16xf32>
        %select_n3A_401 = arith.select %eq3A_396, %broadcast_in_dim3A_399, %broadcast_in_dim3A_400 : vector<16xi1>, vector<16xf32>
        %get3A_402 = arith.index_cast %and3A_393 : i32 to index
        %get3A_403 = tpu.vector_load %arg5[%get3A_402] {strides = array<i32>} : memref<4096xf32, #tpu.memory_space<vmem>>, vector<16xf32>,
        %get3A_404 = vector.shape_cast %get3A_403 : vector<16xf32> to vector<16xf32>
        %add3A_405 = arith.addf %get3A_404, %select_n3A_401 : vector<16xf32>
        %swap3A_406 = arith.index_cast %and3A_393 : i32 to index
        %swap3A_407 = tpu.vector_load %arg5[%swap3A_406] {strides = array<i32>} : memref<4096xf32, #tpu.memory_space<vmem>>, vector<16xf32>,
        %swap3A_408 = vector.shape_cast %swap3A_407 : vector<16xf32> to vector<16xf32>
        %swap3A_409 = vector.shape_cast %add3A_405 : vector<16xf32> to vector<16xf32>
        tpu.vector_store %arg5[%swap3A_406], %swap3A_409 {strides = array<i32>} : memref<4096xf32, #tpu.memory_space<vmem>>, vector<16xf32>,
        %slice3A_410 = vector.extract_strided_slice %get3A_36 {offsets = [4], sizes = [1], strides = [1]} : vector<16xi32> to vector<1xi32>
        %squeeze3A_411 = vector.extract %slice3A_410[0] : i32 from vector<1xi32>
        %and3A_412 = arith.andi %squeeze3A_411, %scan3A_10 : i32
        %and3A_413 = arith.andi %squeeze3A_411, %scan3A_11 : i32
        %eq3A_414 = vector.broadcast %and3A_413 : i32 to vector<16xi32>
        %eq3A_415 = arith.cmpi eq, %iota3A, %eq3A_414 : vector<16xi32>
        %jit3A_416 = arith.constant 1.000000e+00 : f32
        %jit3A_417 = arith.constant 0.000000e+00 : f32
        %broadcast_in_dim3A_418 = vector.broadcast %jit3A_416 : f32 to vector<16xf32>
        %broadcast_in_dim3A_419 = vector.broadcast %jit3A_417 : f32 to vector<16xf32>
        %select_n3A_420 = arith.select %eq3A_415, %broadcast_in_dim3A_418, %broadcast_in_dim3A_419 : vector<16xi1>, vector<16xf32>
        %get3A_421 = arith.index_cast %and3A_412 : i32 to index
        %get3A_422 = tpu.vector_load %arg5[%get3A_421] {strides = array<i32>} : memref<4096xf32, #tpu.memory_space<vmem>>, vector<16xf32>,
        %get3A_423 = vector.shape_cast %get3A_422 : vector<16xf32> to vector<16xf32>
        %add3A_424 = arith.addf %get3A_423, %select_n3A_420 : vector<16xf32>
        %swap3A_425 = arith.index_cast %and3A_412 : i32 to index
        %swap3A_426 = tpu.vector_load %arg5[%swap3A_425] {strides = array<i32>} : memref<4096xf32, #tpu.memory_space<vmem>>, vector<16xf32>,
        %swap3A_427 = vector.shape_cast %swap3A_426 : vector<16xf32> to vector<16xf32>
        %swap3A_428 = vector.shape_cast %add3A_424 : vector<16xf32> to vector<16xf32>
        tpu.vector_store %arg5[%swap3A_425], %swap3A_428 {strides = array<i32>} : memref<4096xf32, #tpu.memory_space<vmem>>, vector<16xf32>,
        %slice3A_429 = vector.extract_strided_slice %get3A_36 {offsets = [5], sizes = [1], strides = [1]} : vector<16xi32> to vector<1xi32>
        %squeeze3A_430 = vector.extract %slice3A_429[0] : i32 from vector<1xi32>
        %and3A_431 = arith.andi %squeeze3A_430, %scan3A_10 : i32
        %and3A_432 = arith.andi %squeeze3A_430, %scan3A_11 : i32
        %eq3A_433 = vector.broadcast %and3A_432 : i32 to vector<16xi32>
        %eq3A_434 = arith.cmpi eq, %iota3A, %eq3A_433 : vector<16xi32>
        %jit3A_435 = arith.constant 1.000000e+00 : f32
        %jit3A_436 = arith.constant 0.000000e+00 : f32
        %broadcast_in_dim3A_437 = vector.broadcast %jit3A_435 : f32 to vector<16xf32>
        %broadcast_in_dim3A_438 = vector.broadcast %jit3A_436 : f32 to vector<16xf32>
        %select_n3A_439 = arith.select %eq3A_434, %broadcast_in_dim3A_437, %broadcast_in_dim3A_438 : vector<16xi1>, vector<16xf32>
        %get3A_440 = arith.index_cast %and3A_431 : i32 to index
        %get3A_441 = tpu.vector_load %arg5[%get3A_440] {strides = array<i32>} : memref<4096xf32, #tpu.memory_space<vmem>>, vector<16xf32>,
        %get3A_442 = vector.shape_cast %get3A_441 : vector<16xf32> to vector<16xf32>
        %add3A_443 = arith.addf %get3A_442, %select_n3A_439 : vector<16xf32>
        %swap3A_444 = arith.index_cast %and3A_431 : i32 to index
        %swap3A_445 = tpu.vector_load %arg5[%swap3A_444] {strides = array<i32>} : memref<4096xf32, #tpu.memory_space<vmem>>, vector<16xf32>,
        %swap3A_446 = vector.shape_cast %swap3A_445 : vector<16xf32> to vector<16xf32>
        %swap3A_447 = vector.shape_cast %add3A_443 : vector<16xf32> to vector<16xf32>
        tpu.vector_store %arg5[%swap3A_444], %swap3A_447 {strides = array<i32>} : memref<4096xf32, #tpu.memory_space<vmem>>, vector<16xf32>,
        %slice3A_448 = vector.extract_strided_slice %get3A_36 {offsets = [6], sizes = [1], strides = [1]} : vector<16xi32> to vector<1xi32>
        %squeeze3A_449 = vector.extract %slice3A_448[0] : i32 from vector<1xi32>
        %and3A_450 = arith.andi %squeeze3A_449, %scan3A_10 : i32
        %and3A_451 = arith.andi %squeeze3A_449, %scan3A_11 : i32
        %eq3A_452 = vector.broadcast %and3A_451 : i32 to vector<16xi32>
        %eq3A_453 = arith.cmpi eq, %iota3A, %eq3A_452 : vector<16xi32>
        %jit3A_454 = arith.constant 1.000000e+00 : f32
        %jit3A_455 = arith.constant 0.000000e+00 : f32
        %broadcast_in_dim3A_456 = vector.broadcast %jit3A_454 : f32 to vector<16xf32>
        %broadcast_in_dim3A_457 = vector.broadcast %jit3A_455 : f32 to vector<16xf32>
        %select_n3A_458 = arith.select %eq3A_453, %broadcast_in_dim3A_456, %broadcast_in_dim3A_457 : vector<16xi1>, vector<16xf32>
        %get3A_459 = arith.index_cast %and3A_450 : i32 to index
        %get3A_460 = tpu.vector_load %arg5[%get3A_459] {strides = array<i32>} : memref<4096xf32, #tpu.memory_space<vmem>>, vector<16xf32>,
        %get3A_461 = vector.shape_cast %get3A_460 : vector<16xf32> to vector<16xf32>
        %add3A_462 = arith.addf %get3A_461, %select_n3A_458 : vector<16xf32>
        %swap3A_463 = arith.index_cast %and3A_450 : i32 to index
        %swap3A_464 = tpu.vector_load %arg5[%swap3A_463] {strides = array<i32>} : memref<4096xf32, #tpu.memory_space<vmem>>, vector<16xf32>,
        %swap3A_465 = vector.shape_cast %swap3A_464 : vector<16xf32> to vector<16xf32>
        %swap3A_466 = vector.shape_cast %add3A_462 : vector<16xf32> to vector<16xf32>
        tpu.vector_store %arg5[%swap3A_463], %swap3A_466 {strides = array<i32>} : memref<4096xf32, #tpu.memory_space<vmem>>, vector<16xf32>,
        %slice3A_467 = vector.extract_strided_slice %get3A_36 {offsets = [7], sizes = [1], strides = [1]} : vector<16xi32> to vector<1xi32>
        %squeeze3A_468 = vector.extract %slice3A_467[0] : i32 from vector<1xi32>
        %and3A_469 = arith.andi %squeeze3A_468, %scan3A_10 : i32
        %and3A_470 = arith.andi %squeeze3A_468, %scan3A_11 : i32
        %eq3A_471 = vector.broadcast %and3A_470 : i32 to vector<16xi32>
        %eq3A_472 = arith.cmpi eq, %iota3A, %eq3A_471 : vector<16xi32>
        %jit3A_473 = arith.constant 1.000000e+00 : f32
        %jit3A_474 = arith.constant 0.000000e+00 : f32
        %broadcast_in_dim3A_475 = vector.broadcast %jit3A_473 : f32 to vector<16xf32>
        %broadcast_in_dim3A_476 = vector.broadcast %jit3A_474 : f32 to vector<16xf32>
        %select_n3A_477 = arith.select %eq3A_472, %broadcast_in_dim3A_475, %broadcast_in_dim3A_476 : vector<16xi1>, vector<16xf32>
        %get3A_478 = arith.index_cast %and3A_469 : i32 to index
        %get3A_479 = tpu.vector_load %arg5[%get3A_478] {strides = array<i32>} : memref<4096xf32, #tpu.memory_space<vmem>>, vector<16xf32>,
        %get3A_480 = vector.shape_cast %get3A_479 : vector<16xf32> to vector<16xf32>
        %add3A_481 = arith.addf %get3A_480, %select_n3A_477 : vector<16xf32>
        %swap3A_482 = arith.index_cast %and3A_469 : i32 to index
        %swap3A_483 = tpu.vector_load %arg5[%swap3A_482] {strides = array<i32>} : memref<4096xf32, #tpu.memory_space<vmem>>, vector<16xf32>,
        %swap3A_484 = vector.shape_cast %swap3A_483 : vector<16xf32> to vector<16xf32>
        %swap3A_485 = vector.shape_cast %add3A_481 : vector<16xf32> to vector<16xf32>
        tpu.vector_store %arg5[%swap3A_482], %swap3A_485 {strides = array<i32>} : memref<4096xf32, #tpu.memory_space<vmem>>, vector<16xf32>,
        %slice3A_486 = vector.extract_strided_slice %get3A_36 {offsets = [8], sizes = [1], strides = [1]} : vector<16xi32> to vector<1xi32>
        %squeeze3A_487 = vector.extract %slice3A_486[0] : i32 from vector<1xi32>
        %and3A_488 = arith.andi %squeeze3A_487, %scan3A_10 : i32
        %and3A_489 = arith.andi %squeeze3A_487, %scan3A_11 : i32
        %eq3A_490 = vector.broadcast %and3A_489 : i32 to vector<16xi32>
        %eq3A_491 = arith.cmpi eq, %iota3A, %eq3A_490 : vector<16xi32>
        %jit3A_492 = arith.constant 1.000000e+00 : f32
        %jit3A_493 = arith.constant 0.000000e+00 : f32
        %broadcast_in_dim3A_494 = vector.broadcast %jit3A_492 : f32 to vector<16xf32>
        %broadcast_in_dim3A_495 = vector.broadcast %jit3A_493 : f32 to vector<16xf32>
        %select_n3A_496 = arith.select %eq3A_491, %broadcast_in_dim3A_494, %broadcast_in_dim3A_495 : vector<16xi1>, vector<16xf32>
        %get3A_497 = arith.index_cast %and3A_488 : i32 to index
        %get3A_498 = tpu.vector_load %arg5[%get3A_497] {strides = array<i32>} : memref<4096xf32, #tpu.memory_space<vmem>>, vector<16xf32>,
        %get3A_499 = vector.shape_cast %get3A_498 : vector<16xf32> to vector<16xf32>
        %add3A_500 = arith.addf %get3A_499, %select_n3A_496 : vector<16xf32>
        %swap3A_501 = arith.index_cast %and3A_488 : i32 to index
        %swap3A_502 = tpu.vector_load %arg5[%swap3A_501] {strides = array<i32>} : memref<4096xf32, #tpu.memory_space<vmem>>, vector<16xf32>,
        %swap3A_503 = vector.shape_cast %swap3A_502 : vector<16xf32> to vector<16xf32>
        %swap3A_504 = vector.shape_cast %add3A_500 : vector<16xf32> to vector<16xf32>
        tpu.vector_store %arg5[%swap3A_501], %swap3A_504 {strides = array<i32>} : memref<4096xf32, #tpu.memory_space<vmem>>, vector<16xf32>,
        %slice3A_505 = vector.extract_strided_slice %get3A_36 {offsets = [9], sizes = [1], strides = [1]} : vector<16xi32> to vector<1xi32>
        %squeeze3A_506 = vector.extract %slice3A_505[0] : i32 from vector<1xi32>
        %and3A_507 = arith.andi %squeeze3A_506, %scan3A_10 : i32
        %and3A_508 = arith.andi %squeeze3A_506, %scan3A_11 : i32
        %eq3A_509 = vector.broadcast %and3A_508 : i32 to vector<16xi32>
        %eq3A_510 = arith.cmpi eq, %iota3A, %eq3A_509 : vector<16xi32>
        %jit3A_511 = arith.constant 1.000000e+00 : f32
        %jit3A_512 = arith.constant 0.000000e+00 : f32
        %broadcast_in_dim3A_513 = vector.broadcast %jit3A_511 : f32 to vector<16xf32>
        %broadcast_in_dim3A_514 = vector.broadcast %jit3A_512 : f32 to vector<16xf32>
        %select_n3A_515 = arith.select %eq3A_510, %broadcast_in_dim3A_513, %broadcast_in_dim3A_514 : vector<16xi1>, vector<16xf32>
        %get3A_516 = arith.index_cast %and3A_507 : i32 to index
        %get3A_517 = tpu.vector_load %arg5[%get3A_516] {strides = array<i32>} : memref<4096xf32, #tpu.memory_space<vmem>>, vector<16xf32>,
        %get3A_518 = vector.shape_cast %get3A_517 : vector<16xf32> to vector<16xf32>
        %add3A_519 = arith.addf %get3A_518, %select_n3A_515 : vector<16xf32>
        %swap3A_520 = arith.index_cast %and3A_507 : i32 to index
        %swap3A_521 = tpu.vector_load %arg5[%swap3A_520] {strides = array<i32>} : memref<4096xf32, #tpu.memory_space<vmem>>, vector<16xf32>,
        %swap3A_522 = vector.shape_cast %swap3A_521 : vector<16xf32> to vector<16xf32>
        %swap3A_523 = vector.shape_cast %add3A_519 : vector<16xf32> to vector<16xf32>
        tpu.vector_store %arg5[%swap3A_520], %swap3A_523 {strides = array<i32>} : memref<4096xf32, #tpu.memory_space<vmem>>, vector<16xf32>,
        %slice3A_524 = vector.extract_strided_slice %get3A_36 {offsets = [10], sizes = [1], strides = [1]} : vector<16xi32> to vector<1xi32>
        %squeeze3A_525 = vector.extract %slice3A_524[0] : i32 from vector<1xi32>
        %and3A_526 = arith.andi %squeeze3A_525, %scan3A_10 : i32
        %and3A_527 = arith.andi %squeeze3A_525, %scan3A_11 : i32
        %eq3A_528 = vector.broadcast %and3A_527 : i32 to vector<16xi32>
        %eq3A_529 = arith.cmpi eq, %iota3A, %eq3A_528 : vector<16xi32>
        %jit3A_530 = arith.constant 1.000000e+00 : f32
        %jit3A_531 = arith.constant 0.000000e+00 : f32
        %broadcast_in_dim3A_532 = vector.broadcast %jit3A_530 : f32 to vector<16xf32>
        %broadcast_in_dim3A_533 = vector.broadcast %jit3A_531 : f32 to vector<16xf32>
        %select_n3A_534 = arith.select %eq3A_529, %broadcast_in_dim3A_532, %broadcast_in_dim3A_533 : vector<16xi1>, vector<16xf32>
        %get3A_535 = arith.index_cast %and3A_526 : i32 to index
        %get3A_536 = tpu.vector_load %arg5[%get3A_535] {strides = array<i32>} : memref<4096xf32, #tpu.memory_space<vmem>>, vector<16xf32>,
        %get3A_537 = vector.shape_cast %get3A_536 : vector<16xf32> to vector<16xf32>
        %add3A_538 = arith.addf %get3A_537, %select_n3A_534 : vector<16xf32>
        %swap3A_539 = arith.index_cast %and3A_526 : i32 to index
        %swap3A_540 = tpu.vector_load %arg5[%swap3A_539] {strides = array<i32>} : memref<4096xf32, #tpu.memory_space<vmem>>, vector<16xf32>,
        %swap3A_541 = vector.shape_cast %swap3A_540 : vector<16xf32> to vector<16xf32>
        %swap3A_542 = vector.shape_cast %add3A_538 : vector<16xf32> to vector<16xf32>
        tpu.vector_store %arg5[%swap3A_539], %swap3A_542 {strides = array<i32>} : memref<4096xf32, #tpu.memory_space<vmem>>, vector<16xf32>,
        %slice3A_543 = vector.extract_strided_slice %get3A_36 {offsets = [11], sizes = [1], strides = [1]} : vector<16xi32> to vector<1xi32>
        %squeeze3A_544 = vector.extract %slice3A_543[0] : i32 from vector<1xi32>
        %and3A_545 = arith.andi %squeeze3A_544, %scan3A_10 : i32
        %and3A_546 = arith.andi %squeeze3A_544, %scan3A_11 : i32
        %eq3A_547 = vector.broadcast %and3A_546 : i32 to vector<16xi32>
        %eq3A_548 = arith.cmpi eq, %iota3A, %eq3A_547 : vector<16xi32>
        %jit3A_549 = arith.constant 1.000000e+00 : f32
        %jit3A_550 = arith.constant 0.000000e+00 : f32
        %broadcast_in_dim3A_551 = vector.broadcast %jit3A_549 : f32 to vector<16xf32>
        %broadcast_in_dim3A_552 = vector.broadcast %jit3A_550 : f32 to vector<16xf32>
        %select_n3A_553 = arith.select %eq3A_548, %broadcast_in_dim3A_551, %broadcast_in_dim3A_552 : vector<16xi1>, vector<16xf32>
        %get3A_554 = arith.index_cast %and3A_545 : i32 to index
        %get3A_555 = tpu.vector_load %arg5[%get3A_554] {strides = array<i32>} : memref<4096xf32, #tpu.memory_space<vmem>>, vector<16xf32>,
        %get3A_556 = vector.shape_cast %get3A_555 : vector<16xf32> to vector<16xf32>
        %add3A_557 = arith.addf %get3A_556, %select_n3A_553 : vector<16xf32>
        %swap3A_558 = arith.index_cast %and3A_545 : i32 to index
        %swap3A_559 = tpu.vector_load %arg5[%swap3A_558] {strides = array<i32>} : memref<4096xf32, #tpu.memory_space<vmem>>, vector<16xf32>,
        %swap3A_560 = vector.shape_cast %swap3A_559 : vector<16xf32> to vector<16xf32>
        %swap3A_561 = vector.shape_cast %add3A_557 : vector<16xf32> to vector<16xf32>
        tpu.vector_store %arg5[%swap3A_558], %swap3A_561 {strides = array<i32>} : memref<4096xf32, #tpu.memory_space<vmem>>, vector<16xf32>,
        %slice3A_562 = vector.extract_strided_slice %get3A_36 {offsets = [12], sizes = [1], strides = [1]} : vector<16xi32> to vector<1xi32>
        %squeeze3A_563 = vector.extract %slice3A_562[0] : i32 from vector<1xi32>
        %and3A_564 = arith.andi %squeeze3A_563, %scan3A_10 : i32
        %and3A_565 = arith.andi %squeeze3A_563, %scan3A_11 : i32
        %eq3A_566 = vector.broadcast %and3A_565 : i32 to vector<16xi32>
        %eq3A_567 = arith.cmpi eq, %iota3A, %eq3A_566 : vector<16xi32>
        %jit3A_568 = arith.constant 1.000000e+00 : f32
        %jit3A_569 = arith.constant 0.000000e+00 : f32
        %broadcast_in_dim3A_570 = vector.broadcast %jit3A_568 : f32 to vector<16xf32>
        %broadcast_in_dim3A_571 = vector.broadcast %jit3A_569 : f32 to vector<16xf32>
        %select_n3A_572 = arith.select %eq3A_567, %broadcast_in_dim3A_570, %broadcast_in_dim3A_571 : vector<16xi1>, vector<16xf32>
        %get3A_573 = arith.index_cast %and3A_564 : i32 to index
        %get3A_574 = tpu.vector_load %arg5[%get3A_573] {strides = array<i32>} : memref<4096xf32, #tpu.memory_space<vmem>>, vector<16xf32>,
        %get3A_575 = vector.shape_cast %get3A_574 : vector<16xf32> to vector<16xf32>
        %add3A_576 = arith.addf %get3A_575, %select_n3A_572 : vector<16xf32>
        %swap3A_577 = arith.index_cast %and3A_564 : i32 to index
        %swap3A_578 = tpu.vector_load %arg5[%swap3A_577] {strides = array<i32>} : memref<4096xf32, #tpu.memory_space<vmem>>, vector<16xf32>,
        %swap3A_579 = vector.shape_cast %swap3A_578 : vector<16xf32> to vector<16xf32>
        %swap3A_580 = vector.shape_cast %add3A_576 : vector<16xf32> to vector<16xf32>
        tpu.vector_store %arg5[%swap3A_577], %swap3A_580 {strides = array<i32>} : memref<4096xf32, #tpu.memory_space<vmem>>, vector<16xf32>,
        %slice3A_581 = vector.extract_strided_slice %get3A_36 {offsets = [13], sizes = [1], strides = [1]} : vector<16xi32> to vector<1xi32>
        %squeeze3A_582 = vector.extract %slice3A_581[0] : i32 from vector<1xi32>
        %and3A_583 = arith.andi %squeeze3A_582, %scan3A_10 : i32
        %and3A_584 = arith.andi %squeeze3A_582, %scan3A_11 : i32
        %eq3A_585 = vector.broadcast %and3A_584 : i32 to vector<16xi32>
        %eq3A_586 = arith.cmpi eq, %iota3A, %eq3A_585 : vector<16xi32>
        %jit3A_587 = arith.constant 1.000000e+00 : f32
        %jit3A_588 = arith.constant 0.000000e+00 : f32
        %broadcast_in_dim3A_589 = vector.broadcast %jit3A_587 : f32 to vector<16xf32>
        %broadcast_in_dim3A_590 = vector.broadcast %jit3A_588 : f32 to vector<16xf32>
        %select_n3A_591 = arith.select %eq3A_586, %broadcast_in_dim3A_589, %broadcast_in_dim3A_590 : vector<16xi1>, vector<16xf32>
        %get3A_592 = arith.index_cast %and3A_583 : i32 to index
        %get3A_593 = tpu.vector_load %arg5[%get3A_592] {strides = array<i32>} : memref<4096xf32, #tpu.memory_space<vmem>>, vector<16xf32>,
        %get3A_594 = vector.shape_cast %get3A_593 : vector<16xf32> to vector<16xf32>
        %add3A_595 = arith.addf %get3A_594, %select_n3A_591 : vector<16xf32>
        %swap3A_596 = arith.index_cast %and3A_583 : i32 to index
        %swap3A_597 = tpu.vector_load %arg5[%swap3A_596] {strides = array<i32>} : memref<4096xf32, #tpu.memory_space<vmem>>, vector<16xf32>,
        %swap3A_598 = vector.shape_cast %swap3A_597 : vector<16xf32> to vector<16xf32>
        %swap3A_599 = vector.shape_cast %add3A_595 : vector<16xf32> to vector<16xf32>
        tpu.vector_store %arg5[%swap3A_596], %swap3A_599 {strides = array<i32>} : memref<4096xf32, #tpu.memory_space<vmem>>, vector<16xf32>,
        %slice3A_600 = vector.extract_strided_slice %get3A_36 {offsets = [14], sizes = [1], strides = [1]} : vector<16xi32> to vector<1xi32>
        %squeeze3A_601 = vector.extract %slice3A_600[0] : i32 from vector<1xi32>
        %and3A_602 = arith.andi %squeeze3A_601, %scan3A_10 : i32
        %and3A_603 = arith.andi %squeeze3A_601, %scan3A_11 : i32
        %eq3A_604 = vector.broadcast %and3A_603 : i32 to vector<16xi32>
        %eq3A_605 = arith.cmpi eq, %iota3A, %eq3A_604 : vector<16xi32>
        %jit3A_606 = arith.constant 1.000000e+00 : f32
        %jit3A_607 = arith.constant 0.000000e+00 : f32
        %broadcast_in_dim3A_608 = vector.broadcast %jit3A_606 : f32 to vector<16xf32>
        %broadcast_in_dim3A_609 = vector.broadcast %jit3A_607 : f32 to vector<16xf32>
        %select_n3A_610 = arith.select %eq3A_605, %broadcast_in_dim3A_608, %broadcast_in_dim3A_609 : vector<16xi1>, vector<16xf32>
        %get3A_611 = arith.index_cast %and3A_602 : i32 to index
        %get3A_612 = tpu.vector_load %arg5[%get3A_611] {strides = array<i32>} : memref<4096xf32, #tpu.memory_space<vmem>>, vector<16xf32>,
        %get3A_613 = vector.shape_cast %get3A_612 : vector<16xf32> to vector<16xf32>
        %add3A_614 = arith.addf %get3A_613, %select_n3A_610 : vector<16xf32>
        %swap3A_615 = arith.index_cast %and3A_602 : i32 to index
        %swap3A_616 = tpu.vector_load %arg5[%swap3A_615] {strides = array<i32>} : memref<4096xf32, #tpu.memory_space<vmem>>, vector<16xf32>,
        %swap3A_617 = vector.shape_cast %swap3A_616 : vector<16xf32> to vector<16xf32>
        %swap3A_618 = vector.shape_cast %add3A_614 : vector<16xf32> to vector<16xf32>
        tpu.vector_store %arg5[%swap3A_615], %swap3A_618 {strides = array<i32>} : memref<4096xf32, #tpu.memory_space<vmem>>, vector<16xf32>,
        %slice3A_619 = vector.extract_strided_slice %get3A_36 {offsets = [15], sizes = [1], strides = [1]} : vector<16xi32> to vector<1xi32>
        %squeeze3A_620 = vector.extract %slice3A_619[0] : i32 from vector<1xi32>
        %and3A_621 = arith.andi %squeeze3A_620, %scan3A_10 : i32
        %and3A_622 = arith.andi %squeeze3A_620, %scan3A_11 : i32
        %eq3A_623 = vector.broadcast %and3A_622 : i32 to vector<16xi32>
        %eq3A_624 = arith.cmpi eq, %iota3A, %eq3A_623 : vector<16xi32>
        %jit3A_625 = arith.constant 1.000000e+00 : f32
        %jit3A_626 = arith.constant 0.000000e+00 : f32
        %broadcast_in_dim3A_627 = vector.broadcast %jit3A_625 : f32 to vector<16xf32>
        %broadcast_in_dim3A_628 = vector.broadcast %jit3A_626 : f32 to vector<16xf32>
        %select_n3A_629 = arith.select %eq3A_624, %broadcast_in_dim3A_627, %broadcast_in_dim3A_628 : vector<16xi1>, vector<16xf32>
        %get3A_630 = arith.index_cast %and3A_621 : i32 to index
        %get3A_631 = tpu.vector_load %arg5[%get3A_630] {strides = array<i32>} : memref<4096xf32, #tpu.memory_space<vmem>>, vector<16xf32>,
        %get3A_632 = vector.shape_cast %get3A_631 : vector<16xf32> to vector<16xf32>
        %add3A_633 = arith.addf %get3A_632, %select_n3A_629 : vector<16xf32>
        %swap3A_634 = arith.index_cast %and3A_621 : i32 to index
        %swap3A_635 = tpu.vector_load %arg5[%swap3A_634] {strides = array<i32>} : memref<4096xf32, #tpu.memory_space<vmem>>, vector<16xf32>,
        %swap3A_636 = vector.shape_cast %swap3A_635 : vector<16xf32> to vector<16xf32>
        %swap3A_637 = vector.shape_cast %add3A_633 : vector<16xf32> to vector<16xf32>
        tpu.vector_store %arg5[%swap3A_634], %swap3A_637 {strides = array<i32>} : memref<4096xf32, #tpu.memory_space<vmem>>, vector<16xf32>,
        %add3A_638 = arith.addi %mul3A_2, %mul3A_25 : i32
        %dma_start3A = arith.constant 0 : i32
        %dma_start3A_639 = tpu.memref_slice %arg3[%add3A_638, %dma_start3A] : memref<4096x4096xf32, #tpu.memory_space<hbm>> -> memref<1x4096xf32, #tpu.memory_space<hbm>>
        %dma_start3A_640 = tpu.memref_squeeze %dma_start3A_639 : memref<1x4096xf32, #tpu.memory_space<hbm>> -> memref<4096xf32, #tpu.memory_space<hbm>>
        %dma_start3A_641 = arith.constant 0 : i32
        %dma_start3A_642 = tpu.memref_slice %arg3[%add3A_638, %dma_start3A_641] : memref<4096x4096xf32, #tpu.memory_space<hbm>> -> memref<1x4096xf32, #tpu.memory_space<hbm>>
        %dma_start3A_643 = tpu.memref_squeeze %dma_start3A_642 : memref<1x4096xf32, #tpu.memory_space<hbm>> -> memref<4096xf32, #tpu.memory_space<hbm>>
        tpu.enqueue_dma source(%arg5 : memref<4096xf32, #tpu.memory_space<vmem>>) target(%dma_start3A_643 : memref<4096xf32, #tpu.memory_space<hbm>>) target_semaphore(%arg7 : memref<!tpu.dma_semaphore, #tpu.memory_space<semaphore_mem>>)
        %get3A_644 = arith.index_cast %add3A_29 : i32 to index
        %get3A_645 = arith.constant 0 : index
        %get3A_646 = tpu.vector_load %arg4[%get3A_644, %get3A_645] {strides = array<i32>} : memref<128x32xi32, #tpu.memory_space<vmem>>, vector<1x16xi32>,
        %get3A_647 = vector.shape_cast %get3A_646 : vector<1x16xi32> to vector<16xi32>
        %get3A_648 = arith.index_cast %add3A_29 : i32 to index
        %get3A_649 = arith.constant 16 : index
        %get3A_650 = tpu.vector_load %arg4[%get3A_648, %get3A_649] {strides = array<i32>} : memref<128x32xi32, #tpu.memory_space<vmem>>, vector<1x16xi32>,
        %get3A_651 = vector.shape_cast %get3A_650 : vector<1x16xi32> to vector<16xi32>
        %slice3A_652 = vector.extract_strided_slice %get3A_647 {offsets = [0], sizes = [1], strides = [1]} : vector<16xi32> to vector<1xi32>
        %squeeze3A_653 = vector.extract %slice3A_652[0] : i32 from vector<1xi32>
        %and3A_654 = arith.andi %squeeze3A_653, %scan3A_10 : i32
        %and3A_655 = arith.andi %squeeze3A_653, %scan3A_11 : i32
        %eq3A_656 = vector.broadcast %and3A_655 : i32 to vector<16xi32>
        %eq3A_657 = arith.cmpi eq, %iota3A, %eq3A_656 : vector<16xi32>
        %jit3A_658 = arith.constant 1.000000e+00 : f32
        %jit3A_659 = arith.constant 0.000000e+00 : f32
        %broadcast_in_dim3A_660 = vector.broadcast %jit3A_658 : f32 to vector<16xf32>
        %broadcast_in_dim3A_661 = vector.broadcast %jit3A_659 : f32 to vector<16xf32>
        %select_n3A_662 = arith.select %eq3A_657, %broadcast_in_dim3A_660, %broadcast_in_dim3A_661 : vector<16xi1>, vector<16xf32>
        %get3A_663 = arith.index_cast %and3A_654 : i32 to index
        %get3A_664 = tpu.vector_load %arg6[%get3A_663] {strides = array<i32>} : memref<4096xf32, #tpu.memory_space<vmem>>, vector<16xf32>,
        %get3A_665 = vector.shape_cast %get3A_664 : vector<16xf32> to vector<16xf32>
        %add3A_666 = arith.addf %get3A_665, %select_n3A_662 : vector<16xf32>
        %swap3A_667 = arith.index_cast %and3A_654 : i32 to index
        %swap3A_668 = tpu.vector_load %arg6[%swap3A_667] {strides = array<i32>} : memref<4096xf32, #tpu.memory_space<vmem>>, vector<16xf32>,
        %swap3A_669 = vector.shape_cast %swap3A_668 : vector<16xf32> to vector<16xf32>
        %swap3A_670 = vector.shape_cast %add3A_666 : vector<16xf32> to vector<16xf32>
        tpu.vector_store %arg6[%swap3A_667], %swap3A_670 {strides = array<i32>} : memref<4096xf32, #tpu.memory_space<vmem>>, vector<16xf32>,
        %slice3A_671 = vector.extract_strided_slice %get3A_647 {offsets = [1], sizes = [1], strides = [1]} : vector<16xi32> to vector<1xi32>
        %squeeze3A_672 = vector.extract %slice3A_671[0] : i32 from vector<1xi32>
        %and3A_673 = arith.andi %squeeze3A_672, %scan3A_10 : i32
        %and3A_674 = arith.andi %squeeze3A_672, %scan3A_11 : i32
        %eq3A_675 = vector.broadcast %and3A_674 : i32 to vector<16xi32>
        %eq3A_676 = arith.cmpi eq, %iota3A, %eq3A_675 : vector<16xi32>
        %jit3A_677 = arith.constant 1.000000e+00 : f32
        %jit3A_678 = arith.constant 0.000000e+00 : f32
        %broadcast_in_dim3A_679 = vector.broadcast %jit3A_677 : f32 to vector<16xf32>
        %broadcast_in_dim3A_680 = vector.broadcast %jit3A_678 : f32 to vector<16xf32>
        %select_n3A_681 = arith.select %eq3A_676, %broadcast_in_dim3A_679, %broadcast_in_dim3A_680 : vector<16xi1>, vector<16xf32>
        %get3A_682 = arith.index_cast %and3A_673 : i32 to index
        %get3A_683 = tpu.vector_load %arg6[%get3A_682] {strides = array<i32>} : memref<4096xf32, #tpu.memory_space<vmem>>, vector<16xf32>,
        %get3A_684 = vector.shape_cast %get3A_683 : vector<16xf32> to vector<16xf32>
        %add3A_685 = arith.addf %get3A_684, %select_n3A_681 : vector<16xf32>
        %swap3A_686 = arith.index_cast %and3A_673 : i32 to index
        %swap3A_687 = tpu.vector_load %arg6[%swap3A_686] {strides = array<i32>} : memref<4096xf32, #tpu.memory_space<vmem>>, vector<16xf32>,
        %swap3A_688 = vector.shape_cast %swap3A_687 : vector<16xf32> to vector<16xf32>
        %swap3A_689 = vector.shape_cast %add3A_685 : vector<16xf32> to vector<16xf32>
        tpu.vector_store %arg6[%swap3A_686], %swap3A_689 {strides = array<i32>} : memref<4096xf32, #tpu.memory_space<vmem>>, vector<16xf32>,
        %slice3A_690 = vector.extract_strided_slice %get3A_647 {offsets = [2], sizes = [1], strides = [1]} : vector<16xi32> to vector<1xi32>
        %squeeze3A_691 = vector.extract %slice3A_690[0] : i32 from vector<1xi32>
        %and3A_692 = arith.andi %squeeze3A_691, %scan3A_10 : i32
        %and3A_693 = arith.andi %squeeze3A_691, %scan3A_11 : i32
        %eq3A_694 = vector.broadcast %and3A_693 : i32 to vector<16xi32>
        %eq3A_695 = arith.cmpi eq, %iota3A, %eq3A_694 : vector<16xi32>
        %jit3A_696 = arith.constant 1.000000e+00 : f32
        %jit3A_697 = arith.constant 0.000000e+00 : f32
        %broadcast_in_dim3A_698 = vector.broadcast %jit3A_696 : f32 to vector<16xf32>
        %broadcast_in_dim3A_699 = vector.broadcast %jit3A_697 : f32 to vector<16xf32>
        %select_n3A_700 = arith.select %eq3A_695, %broadcast_in_dim3A_698, %broadcast_in_dim3A_699 : vector<16xi1>, vector<16xf32>
        %get3A_701 = arith.index_cast %and3A_692 : i32 to index
        %get3A_702 = tpu.vector_load %arg6[%get3A_701] {strides = array<i32>} : memref<4096xf32, #tpu.memory_space<vmem>>, vector<16xf32>,
        %get3A_703 = vector.shape_cast %get3A_702 : vector<16xf32> to vector<16xf32>
        %add3A_704 = arith.addf %get3A_703, %select_n3A_700 : vector<16xf32>
        %swap3A_705 = arith.index_cast %and3A_692 : i32 to index
        %swap3A_706 = tpu.vector_load %arg6[%swap3A_705] {strides = array<i32>} : memref<4096xf32, #tpu.memory_space<vmem>>, vector<16xf32>,
        %swap3A_707 = vector.shape_cast %swap3A_706 : vector<16xf32> to vector<16xf32>
        %swap3A_708 = vector.shape_cast %add3A_704 : vector<16xf32> to vector<16xf32>
        tpu.vector_store %arg6[%swap3A_705], %swap3A_708 {strides = array<i32>} : memref<4096xf32, #tpu.memory_space<vmem>>, vector<16xf32>,
        %slice3A_709 = vector.extract_strided_slice %get3A_647 {offsets = [3], sizes = [1], strides = [1]} : vector<16xi32> to vector<1xi32>
        %squeeze3A_710 = vector.extract %slice3A_709[0] : i32 from vector<1xi32>
        %and3A_711 = arith.andi %squeeze3A_710, %scan3A_10 : i32
        %and3A_712 = arith.andi %squeeze3A_710, %scan3A_11 : i32
        %eq3A_713 = vector.broadcast %and3A_712 : i32 to vector<16xi32>
        %eq3A_714 = arith.cmpi eq, %iota3A, %eq3A_713 : vector<16xi32>
        %jit3A_715 = arith.constant 1.000000e+00 : f32
        %jit3A_716 = arith.constant 0.000000e+00 : f32
        %broadcast_in_dim3A_717 = vector.broadcast %jit3A_715 : f32 to vector<16xf32>
        %broadcast_in_dim3A_718 = vector.broadcast %jit3A_716 : f32 to vector<16xf32>
        %select_n3A_719 = arith.select %eq3A_714, %broadcast_in_dim3A_717, %broadcast_in_dim3A_718 : vector<16xi1>, vector<16xf32>
        %get3A_720 = arith.index_cast %and3A_711 : i32 to index
        %get3A_721 = tpu.vector_load %arg6[%get3A_720] {strides = array<i32>} : memref<4096xf32, #tpu.memory_space<vmem>>, vector<16xf32>,
        %get3A_722 = vector.shape_cast %get3A_721 : vector<16xf32> to vector<16xf32>
        %add3A_723 = arith.addf %get3A_722, %select_n3A_719 : vector<16xf32>
        %swap3A_724 = arith.index_cast %and3A_711 : i32 to index
        %swap3A_725 = tpu.vector_load %arg6[%swap3A_724] {strides = array<i32>} : memref<4096xf32, #tpu.memory_space<vmem>>, vector<16xf32>,
        %swap3A_726 = vector.shape_cast %swap3A_725 : vector<16xf32> to vector<16xf32>
        %swap3A_727 = vector.shape_cast %add3A_723 : vector<16xf32> to vector<16xf32>
        tpu.vector_store %arg6[%swap3A_724], %swap3A_727 {strides = array<i32>} : memref<4096xf32, #tpu.memory_space<vmem>>, vector<16xf32>,
        %slice3A_728 = vector.extract_strided_slice %get3A_647 {offsets = [4], sizes = [1], strides = [1]} : vector<16xi32> to vector<1xi32>
        %squeeze3A_729 = vector.extract %slice3A_728[0] : i32 from vector<1xi32>
        %and3A_730 = arith.andi %squeeze3A_729, %scan3A_10 : i32
        %and3A_731 = arith.andi %squeeze3A_729, %scan3A_11 : i32
        %eq3A_732 = vector.broadcast %and3A_731 : i32 to vector<16xi32>
        %eq3A_733 = arith.cmpi eq, %iota3A, %eq3A_732 : vector<16xi32>
        %jit3A_734 = arith.constant 1.000000e+00 : f32
        %jit3A_735 = arith.constant 0.000000e+00 : f32
        %broadcast_in_dim3A_736 = vector.broadcast %jit3A_734 : f32 to vector<16xf32>
        %broadcast_in_dim3A_737 = vector.broadcast %jit3A_735 : f32 to vector<16xf32>
        %select_n3A_738 = arith.select %eq3A_733, %broadcast_in_dim3A_736, %broadcast_in_dim3A_737 : vector<16xi1>, vector<16xf32>
        %get3A_739 = arith.index_cast %and3A_730 : i32 to index
        %get3A_740 = tpu.vector_load %arg6[%get3A_739] {strides = array<i32>} : memref<4096xf32, #tpu.memory_space<vmem>>, vector<16xf32>,
        %get3A_741 = vector.shape_cast %get3A_740 : vector<16xf32> to vector<16xf32>
        %add3A_742 = arith.addf %get3A_741, %select_n3A_738 : vector<16xf32>
        %swap3A_743 = arith.index_cast %and3A_730 : i32 to index
        %swap3A_744 = tpu.vector_load %arg6[%swap3A_743] {strides = array<i32>} : memref<4096xf32, #tpu.memory_space<vmem>>, vector<16xf32>,
        %swap3A_745 = vector.shape_cast %swap3A_744 : vector<16xf32> to vector<16xf32>
        %swap3A_746 = vector.shape_cast %add3A_742 : vector<16xf32> to vector<16xf32>
        tpu.vector_store %arg6[%swap3A_743], %swap3A_746 {strides = array<i32>} : memref<4096xf32, #tpu.memory_space<vmem>>, vector<16xf32>,
        %slice3A_747 = vector.extract_strided_slice %get3A_647 {offsets = [5], sizes = [1], strides = [1]} : vector<16xi32> to vector<1xi32>
        %squeeze3A_748 = vector.extract %slice3A_747[0] : i32 from vector<1xi32>
        %and3A_749 = arith.andi %squeeze3A_748, %scan3A_10 : i32
        %and3A_750 = arith.andi %squeeze3A_748, %scan3A_11 : i32
        %eq3A_751 = vector.broadcast %and3A_750 : i32 to vector<16xi32>
        %eq3A_752 = arith.cmpi eq, %iota3A, %eq3A_751 : vector<16xi32>
        %jit3A_753 = arith.constant 1.000000e+00 : f32
        %jit3A_754 = arith.constant 0.000000e+00 : f32
        %broadcast_in_dim3A_755 = vector.broadcast %jit3A_753 : f32 to vector<16xf32>
        %broadcast_in_dim3A_756 = vector.broadcast %jit3A_754 : f32 to vector<16xf32>
        %select_n3A_757 = arith.select %eq3A_752, %broadcast_in_dim3A_755, %broadcast_in_dim3A_756 : vector<16xi1>, vector<16xf32>
        %get3A_758 = arith.index_cast %and3A_749 : i32 to index
        %get3A_759 = tpu.vector_load %arg6[%get3A_758] {strides = array<i32>} : memref<4096xf32, #tpu.memory_space<vmem>>, vector<16xf32>,
        %get3A_760 = vector.shape_cast %get3A_759 : vector<16xf32> to vector<16xf32>
        %add3A_761 = arith.addf %get3A_760, %select_n3A_757 : vector<16xf32>
        %swap3A_762 = arith.index_cast %and3A_749 : i32 to index
        %swap3A_763 = tpu.vector_load %arg6[%swap3A_762] {strides = array<i32>} : memref<4096xf32, #tpu.memory_space<vmem>>, vector<16xf32>,
        %swap3A_764 = vector.shape_cast %swap3A_763 : vector<16xf32> to vector<16xf32>
        %swap3A_765 = vector.shape_cast %add3A_761 : vector<16xf32> to vector<16xf32>
        tpu.vector_store %arg6[%swap3A_762], %swap3A_765 {strides = array<i32>} : memref<4096xf32, #tpu.memory_space<vmem>>, vector<16xf32>,
        %slice3A_766 = vector.extract_strided_slice %get3A_647 {offsets = [6], sizes = [1], strides = [1]} : vector<16xi32> to vector<1xi32>
        %squeeze3A_767 = vector.extract %slice3A_766[0] : i32 from vector<1xi32>
        %and3A_768 = arith.andi %squeeze3A_767, %scan3A_10 : i32
        %and3A_769 = arith.andi %squeeze3A_767, %scan3A_11 : i32
        %eq3A_770 = vector.broadcast %and3A_769 : i32 to vector<16xi32>
        %eq3A_771 = arith.cmpi eq, %iota3A, %eq3A_770 : vector<16xi32>
        %jit3A_772 = arith.constant 1.000000e+00 : f32
        %jit3A_773 = arith.constant 0.000000e+00 : f32
        %broadcast_in_dim3A_774 = vector.broadcast %jit3A_772 : f32 to vector<16xf32>
        %broadcast_in_dim3A_775 = vector.broadcast %jit3A_773 : f32 to vector<16xf32>
        %select_n3A_776 = arith.select %eq3A_771, %broadcast_in_dim3A_774, %broadcast_in_dim3A_775 : vector<16xi1>, vector<16xf32>
        %get3A_777 = arith.index_cast %and3A_768 : i32 to index
        %get3A_778 = tpu.vector_load %arg6[%get3A_777] {strides = array<i32>} : memref<4096xf32, #tpu.memory_space<vmem>>, vector<16xf32>,
        %get3A_779 = vector.shape_cast %get3A_778 : vector<16xf32> to vector<16xf32>
        %add3A_780 = arith.addf %get3A_779, %select_n3A_776 : vector<16xf32>
        %swap3A_781 = arith.index_cast %and3A_768 : i32 to index
        %swap3A_782 = tpu.vector_load %arg6[%swap3A_781] {strides = array<i32>} : memref<4096xf32, #tpu.memory_space<vmem>>, vector<16xf32>,
        %swap3A_783 = vector.shape_cast %swap3A_782 : vector<16xf32> to vector<16xf32>
        %swap3A_784 = vector.shape_cast %add3A_780 : vector<16xf32> to vector<16xf32>
        tpu.vector_store %arg6[%swap3A_781], %swap3A_784 {strides = array<i32>} : memref<4096xf32, #tpu.memory_space<vmem>>, vector<16xf32>,
        %slice3A_785 = vector.extract_strided_slice %get3A_647 {offsets = [7], sizes = [1], strides = [1]} : vector<16xi32> to vector<1xi32>
        %squeeze3A_786 = vector.extract %slice3A_785[0] : i32 from vector<1xi32>
        %and3A_787 = arith.andi %squeeze3A_786, %scan3A_10 : i32
        %and3A_788 = arith.andi %squeeze3A_786, %scan3A_11 : i32
        %eq3A_789 = vector.broadcast %and3A_788 : i32 to vector<16xi32>
        %eq3A_790 = arith.cmpi eq, %iota3A, %eq3A_789 : vector<16xi32>
        %jit3A_791 = arith.constant 1.000000e+00 : f32
        %jit3A_792 = arith.constant 0.000000e+00 : f32
        %broadcast_in_dim3A_793 = vector.broadcast %jit3A_791 : f32 to vector<16xf32>
        %broadcast_in_dim3A_794 = vector.broadcast %jit3A_792 : f32 to vector<16xf32>
        %select_n3A_795 = arith.select %eq3A_790, %broadcast_in_dim3A_793, %broadcast_in_dim3A_794 : vector<16xi1>, vector<16xf32>
        %get3A_796 = arith.index_cast %and3A_787 : i32 to index
        %get3A_797 = tpu.vector_load %arg6[%get3A_796] {strides = array<i32>} : memref<4096xf32, #tpu.memory_space<vmem>>, vector<16xf32>,
        %get3A_798 = vector.shape_cast %get3A_797 : vector<16xf32> to vector<16xf32>
        %add3A_799 = arith.addf %get3A_798, %select_n3A_795 : vector<16xf32>
        %swap3A_800 = arith.index_cast %and3A_787 : i32 to index
        %swap3A_801 = tpu.vector_load %arg6[%swap3A_800] {strides = array<i32>} : memref<4096xf32, #tpu.memory_space<vmem>>, vector<16xf32>,
        %swap3A_802 = vector.shape_cast %swap3A_801 : vector<16xf32> to vector<16xf32>
        %swap3A_803 = vector.shape_cast %add3A_799 : vector<16xf32> to vector<16xf32>
        tpu.vector_store %arg6[%swap3A_800], %swap3A_803 {strides = array<i32>} : memref<4096xf32, #tpu.memory_space<vmem>>, vector<16xf32>,
        %slice3A_804 = vector.extract_strided_slice %get3A_647 {offsets = [8], sizes = [1], strides = [1]} : vector<16xi32> to vector<1xi32>
        %squeeze3A_805 = vector.extract %slice3A_804[0] : i32 from vector<1xi32>
        %and3A_806 = arith.andi %squeeze3A_805, %scan3A_10 : i32
        %and3A_807 = arith.andi %squeeze3A_805, %scan3A_11 : i32
        %eq3A_808 = vector.broadcast %and3A_807 : i32 to vector<16xi32>
        %eq3A_809 = arith.cmpi eq, %iota3A, %eq3A_808 : vector<16xi32>
        %jit3A_810 = arith.constant 1.000000e+00 : f32
        %jit3A_811 = arith.constant 0.000000e+00 : f32
        %broadcast_in_dim3A_812 = vector.broadcast %jit3A_810 : f32 to vector<16xf32>
        %broadcast_in_dim3A_813 = vector.broadcast %jit3A_811 : f32 to vector<16xf32>
        %select_n3A_814 = arith.select %eq3A_809, %broadcast_in_dim3A_812, %broadcast_in_dim3A_813 : vector<16xi1>, vector<16xf32>
        %get3A_815 = arith.index_cast %and3A_806 : i32 to index
        %get3A_816 = tpu.vector_load %arg6[%get3A_815] {strides = array<i32>} : memref<4096xf32, #tpu.memory_space<vmem>>, vector<16xf32>,
        %get3A_817 = vector.shape_cast %get3A_816 : vector<16xf32> to vector<16xf32>
        %add3A_818 = arith.addf %get3A_817, %select_n3A_814 : vector<16xf32>
        %swap3A_819 = arith.index_cast %and3A_806 : i32 to index
        %swap3A_820 = tpu.vector_load %arg6[%swap3A_819] {strides = array<i32>} : memref<4096xf32, #tpu.memory_space<vmem>>, vector<16xf32>,
        %swap3A_821 = vector.shape_cast %swap3A_820 : vector<16xf32> to vector<16xf32>
        %swap3A_822 = vector.shape_cast %add3A_818 : vector<16xf32> to vector<16xf32>
        tpu.vector_store %arg6[%swap3A_819], %swap3A_822 {strides = array<i32>} : memref<4096xf32, #tpu.memory_space<vmem>>, vector<16xf32>,
        %slice3A_823 = vector.extract_strided_slice %get3A_647 {offsets = [9], sizes = [1], strides = [1]} : vector<16xi32> to vector<1xi32>
        %squeeze3A_824 = vector.extract %slice3A_823[0] : i32 from vector<1xi32>
        %and3A_825 = arith.andi %squeeze3A_824, %scan3A_10 : i32
        %and3A_826 = arith.andi %squeeze3A_824, %scan3A_11 : i32
        %eq3A_827 = vector.broadcast %and3A_826 : i32 to vector<16xi32>
        %eq3A_828 = arith.cmpi eq, %iota3A, %eq3A_827 : vector<16xi32>
        %jit3A_829 = arith.constant 1.000000e+00 : f32
        %jit3A_830 = arith.constant 0.000000e+00 : f32
        %broadcast_in_dim3A_831 = vector.broadcast %jit3A_829 : f32 to vector<16xf32>
        %broadcast_in_dim3A_832 = vector.broadcast %jit3A_830 : f32 to vector<16xf32>
        %select_n3A_833 = arith.select %eq3A_828, %broadcast_in_dim3A_831, %broadcast_in_dim3A_832 : vector<16xi1>, vector<16xf32>
        %get3A_834 = arith.index_cast %and3A_825 : i32 to index
        %get3A_835 = tpu.vector_load %arg6[%get3A_834] {strides = array<i32>} : memref<4096xf32, #tpu.memory_space<vmem>>, vector<16xf32>,
        %get3A_836 = vector.shape_cast %get3A_835 : vector<16xf32> to vector<16xf32>
        %add3A_837 = arith.addf %get3A_836, %select_n3A_833 : vector<16xf32>
        %swap3A_838 = arith.index_cast %and3A_825 : i32 to index
        %swap3A_839 = tpu.vector_load %arg6[%swap3A_838] {strides = array<i32>} : memref<4096xf32, #tpu.memory_space<vmem>>, vector<16xf32>,
        %swap3A_840 = vector.shape_cast %swap3A_839 : vector<16xf32> to vector<16xf32>
        %swap3A_841 = vector.shape_cast %add3A_837 : vector<16xf32> to vector<16xf32>
        tpu.vector_store %arg6[%swap3A_838], %swap3A_841 {strides = array<i32>} : memref<4096xf32, #tpu.memory_space<vmem>>, vector<16xf32>,
        %slice3A_842 = vector.extract_strided_slice %get3A_647 {offsets = [10], sizes = [1], strides = [1]} : vector<16xi32> to vector<1xi32>
        %squeeze3A_843 = vector.extract %slice3A_842[0] : i32 from vector<1xi32>
        %and3A_844 = arith.andi %squeeze3A_843, %scan3A_10 : i32
        %and3A_845 = arith.andi %squeeze3A_843, %scan3A_11 : i32
        %eq3A_846 = vector.broadcast %and3A_845 : i32 to vector<16xi32>
        %eq3A_847 = arith.cmpi eq, %iota3A, %eq3A_846 : vector<16xi32>
        %jit3A_848 = arith.constant 1.000000e+00 : f32
        %jit3A_849 = arith.constant 0.000000e+00 : f32
        %broadcast_in_dim3A_850 = vector.broadcast %jit3A_848 : f32 to vector<16xf32>
        %broadcast_in_dim3A_851 = vector.broadcast %jit3A_849 : f32 to vector<16xf32>
        %select_n3A_852 = arith.select %eq3A_847, %broadcast_in_dim3A_850, %broadcast_in_dim3A_851 : vector<16xi1>, vector<16xf32>
        %get3A_853 = arith.index_cast %and3A_844 : i32 to index
        %get3A_854 = tpu.vector_load %arg6[%get3A_853] {strides = array<i32>} : memref<4096xf32, #tpu.memory_space<vmem>>, vector<16xf32>,
        %get3A_855 = vector.shape_cast %get3A_854 : vector<16xf32> to vector<16xf32>
        %add3A_856 = arith.addf %get3A_855, %select_n3A_852 : vector<16xf32>
        %swap3A_857 = arith.index_cast %and3A_844 : i32 to index
        %swap3A_858 = tpu.vector_load %arg6[%swap3A_857] {strides = array<i32>} : memref<4096xf32, #tpu.memory_space<vmem>>, vector<16xf32>,
        %swap3A_859 = vector.shape_cast %swap3A_858 : vector<16xf32> to vector<16xf32>
        %swap3A_860 = vector.shape_cast %add3A_856 : vector<16xf32> to vector<16xf32>
        tpu.vector_store %arg6[%swap3A_857], %swap3A_860 {strides = array<i32>} : memref<4096xf32, #tpu.memory_space<vmem>>, vector<16xf32>,
        %slice3A_861 = vector.extract_strided_slice %get3A_647 {offsets = [11], sizes = [1], strides = [1]} : vector<16xi32> to vector<1xi32>
        %squeeze3A_862 = vector.extract %slice3A_861[0] : i32 from vector<1xi32>
        %and3A_863 = arith.andi %squeeze3A_862, %scan3A_10 : i32
        %and3A_864 = arith.andi %squeeze3A_862, %scan3A_11 : i32
        %eq3A_865 = vector.broadcast %and3A_864 : i32 to vector<16xi32>
        %eq3A_866 = arith.cmpi eq, %iota3A, %eq3A_865 : vector<16xi32>
        %jit3A_867 = arith.constant 1.000000e+00 : f32
        %jit3A_868 = arith.constant 0.000000e+00 : f32
        %broadcast_in_dim3A_869 = vector.broadcast %jit3A_867 : f32 to vector<16xf32>
        %broadcast_in_dim3A_870 = vector.broadcast %jit3A_868 : f32 to vector<16xf32>
        %select_n3A_871 = arith.select %eq3A_866, %broadcast_in_dim3A_869, %broadcast_in_dim3A_870 : vector<16xi1>, vector<16xf32>
        %get3A_872 = arith.index_cast %and3A_863 : i32 to index
        %get3A_873 = tpu.vector_load %arg6[%get3A_872] {strides = array<i32>} : memref<4096xf32, #tpu.memory_space<vmem>>, vector<16xf32>,
        %get3A_874 = vector.shape_cast %get3A_873 : vector<16xf32> to vector<16xf32>
        %add3A_875 = arith.addf %get3A_874, %select_n3A_871 : vector<16xf32>
        %swap3A_876 = arith.index_cast %and3A_863 : i32 to index
        %swap3A_877 = tpu.vector_load %arg6[%swap3A_876] {strides = array<i32>} : memref<4096xf32, #tpu.memory_space<vmem>>, vector<16xf32>,
        %swap3A_878 = vector.shape_cast %swap3A_877 : vector<16xf32> to vector<16xf32>
        %swap3A_879 = vector.shape_cast %add3A_875 : vector<16xf32> to vector<16xf32>
        tpu.vector_store %arg6[%swap3A_876], %swap3A_879 {strides = array<i32>} : memref<4096xf32, #tpu.memory_space<vmem>>, vector<16xf32>,
        %slice3A_880 = vector.extract_strided_slice %get3A_647 {offsets = [12], sizes = [1], strides = [1]} : vector<16xi32> to vector<1xi32>
        %squeeze3A_881 = vector.extract %slice3A_880[0] : i32 from vector<1xi32>
        %and3A_882 = arith.andi %squeeze3A_881, %scan3A_10 : i32
        %and3A_883 = arith.andi %squeeze3A_881, %scan3A_11 : i32
        %eq3A_884 = vector.broadcast %and3A_883 : i32 to vector<16xi32>
        %eq3A_885 = arith.cmpi eq, %iota3A, %eq3A_884 : vector<16xi32>
        %jit3A_886 = arith.constant 1.000000e+00 : f32
        %jit3A_887 = arith.constant 0.000000e+00 : f32
        %broadcast_in_dim3A_888 = vector.broadcast %jit3A_886 : f32 to vector<16xf32>
        %broadcast_in_dim3A_889 = vector.broadcast %jit3A_887 : f32 to vector<16xf32>
        %select_n3A_890 = arith.select %eq3A_885, %broadcast_in_dim3A_888, %broadcast_in_dim3A_889 : vector<16xi1>, vector<16xf32>
        %get3A_891 = arith.index_cast %and3A_882 : i32 to index
        %get3A_892 = tpu.vector_load %arg6[%get3A_891] {strides = array<i32>} : memref<4096xf32, #tpu.memory_space<vmem>>, vector<16xf32>,
        %get3A_893 = vector.shape_cast %get3A_892 : vector<16xf32> to vector<16xf32>
        %add3A_894 = arith.addf %get3A_893, %select_n3A_890 : vector<16xf32>
        %swap3A_895 = arith.index_cast %and3A_882 : i32 to index
        %swap3A_896 = tpu.vector_load %arg6[%swap3A_895] {strides = array<i32>} : memref<4096xf32, #tpu.memory_space<vmem>>, vector<16xf32>,
        %swap3A_897 = vector.shape_cast %swap3A_896 : vector<16xf32> to vector<16xf32>
        %swap3A_898 = vector.shape_cast %add3A_894 : vector<16xf32> to vector<16xf32>
        tpu.vector_store %arg6[%swap3A_895], %swap3A_898 {strides = array<i32>} : memref<4096xf32, #tpu.memory_space<vmem>>, vector<16xf32>,
        %slice3A_899 = vector.extract_strided_slice %get3A_647 {offsets = [13], sizes = [1], strides = [1]} : vector<16xi32> to vector<1xi32>
        %squeeze3A_900 = vector.extract %slice3A_899[0] : i32 from vector<1xi32>
        %and3A_901 = arith.andi %squeeze3A_900, %scan3A_10 : i32
        %and3A_902 = arith.andi %squeeze3A_900, %scan3A_11 : i32
        %eq3A_903 = vector.broadcast %and3A_902 : i32 to vector<16xi32>
        %eq3A_904 = arith.cmpi eq, %iota3A, %eq3A_903 : vector<16xi32>
        %jit3A_905 = arith.constant 1.000000e+00 : f32
        %jit3A_906 = arith.constant 0.000000e+00 : f32
        %broadcast_in_dim3A_907 = vector.broadcast %jit3A_905 : f32 to vector<16xf32>
        %broadcast_in_dim3A_908 = vector.broadcast %jit3A_906 : f32 to vector<16xf32>
        %select_n3A_909 = arith.select %eq3A_904, %broadcast_in_dim3A_907, %broadcast_in_dim3A_908 : vector<16xi1>, vector<16xf32>
        %get3A_910 = arith.index_cast %and3A_901 : i32 to index
        %get3A_911 = tpu.vector_load %arg6[%get3A_910] {strides = array<i32>} : memref<4096xf32, #tpu.memory_space<vmem>>, vector<16xf32>,
        %get3A_912 = vector.shape_cast %get3A_911 : vector<16xf32> to vector<16xf32>
        %add3A_913 = arith.addf %get3A_912, %select_n3A_909 : vector<16xf32>
        %swap3A_914 = arith.index_cast %and3A_901 : i32 to index
        %swap3A_915 = tpu.vector_load %arg6[%swap3A_914] {strides = array<i32>} : memref<4096xf32, #tpu.memory_space<vmem>>, vector<16xf32>,
        %swap3A_916 = vector.shape_cast %swap3A_915 : vector<16xf32> to vector<16xf32>
        %swap3A_917 = vector.shape_cast %add3A_913 : vector<16xf32> to vector<16xf32>
        tpu.vector_store %arg6[%swap3A_914], %swap3A_917 {strides = array<i32>} : memref<4096xf32, #tpu.memory_space<vmem>>, vector<16xf32>,
        %slice3A_918 = vector.extract_strided_slice %get3A_647 {offsets = [14], sizes = [1], strides = [1]} : vector<16xi32> to vector<1xi32>
        %squeeze3A_919 = vector.extract %slice3A_918[0] : i32 from vector<1xi32>
        %and3A_920 = arith.andi %squeeze3A_919, %scan3A_10 : i32
        %and3A_921 = arith.andi %squeeze3A_919, %scan3A_11 : i32
        %eq3A_922 = vector.broadcast %and3A_921 : i32 to vector<16xi32>
        %eq3A_923 = arith.cmpi eq, %iota3A, %eq3A_922 : vector<16xi32>
        %jit3A_924 = arith.constant 1.000000e+00 : f32
        %jit3A_925 = arith.constant 0.000000e+00 : f32
        %broadcast_in_dim3A_926 = vector.broadcast %jit3A_924 : f32 to vector<16xf32>
        %broadcast_in_dim3A_927 = vector.broadcast %jit3A_925 : f32 to vector<16xf32>
        %select_n3A_928 = arith.select %eq3A_923, %broadcast_in_dim3A_926, %broadcast_in_dim3A_927 : vector<16xi1>, vector<16xf32>
        %get3A_929 = arith.index_cast %and3A_920 : i32 to index
        %get3A_930 = tpu.vector_load %arg6[%get3A_929] {strides = array<i32>} : memref<4096xf32, #tpu.memory_space<vmem>>, vector<16xf32>,
        %get3A_931 = vector.shape_cast %get3A_930 : vector<16xf32> to vector<16xf32>
        %add3A_932 = arith.addf %get3A_931, %select_n3A_928 : vector<16xf32>
        %swap3A_933 = arith.index_cast %and3A_920 : i32 to index
        %swap3A_934 = tpu.vector_load %arg6[%swap3A_933] {strides = array<i32>} : memref<4096xf32, #tpu.memory_space<vmem>>, vector<16xf32>,
        %swap3A_935 = vector.shape_cast %swap3A_934 : vector<16xf32> to vector<16xf32>
        %swap3A_936 = vector.shape_cast %add3A_932 : vector<16xf32> to vector<16xf32>
        tpu.vector_store %arg6[%swap3A_933], %swap3A_936 {strides = array<i32>} : memref<4096xf32, #tpu.memory_space<vmem>>, vector<16xf32>,
        %slice3A_937 = vector.extract_strided_slice %get3A_647 {offsets = [15], sizes = [1], strides = [1]} : vector<16xi32> to vector<1xi32>
        %squeeze3A_938 = vector.extract %slice3A_937[0] : i32 from vector<1xi32>
        %and3A_939 = arith.andi %squeeze3A_938, %scan3A_10 : i32
        %and3A_940 = arith.andi %squeeze3A_938, %scan3A_11 : i32
        %eq3A_941 = vector.broadcast %and3A_940 : i32 to vector<16xi32>
        %eq3A_942 = arith.cmpi eq, %iota3A, %eq3A_941 : vector<16xi32>
        %jit3A_943 = arith.constant 1.000000e+00 : f32
        %jit3A_944 = arith.constant 0.000000e+00 : f32
        %broadcast_in_dim3A_945 = vector.broadcast %jit3A_943 : f32 to vector<16xf32>
        %broadcast_in_dim3A_946 = vector.broadcast %jit3A_944 : f32 to vector<16xf32>
        %select_n3A_947 = arith.select %eq3A_942, %broadcast_in_dim3A_945, %broadcast_in_dim3A_946 : vector<16xi1>, vector<16xf32>
        %get3A_948 = arith.index_cast %and3A_939 : i32 to index
        %get3A_949 = tpu.vector_load %arg6[%get3A_948] {strides = array<i32>} : memref<4096xf32, #tpu.memory_space<vmem>>, vector<16xf32>,
        %get3A_950 = vector.shape_cast %get3A_949 : vector<16xf32> to vector<16xf32>
        %add3A_951 = arith.addf %get3A_950, %select_n3A_947 : vector<16xf32>
        %swap3A_952 = arith.index_cast %and3A_939 : i32 to index
        %swap3A_953 = tpu.vector_load %arg6[%swap3A_952] {strides = array<i32>} : memref<4096xf32, #tpu.memory_space<vmem>>, vector<16xf32>,
        %swap3A_954 = vector.shape_cast %swap3A_953 : vector<16xf32> to vector<16xf32>
        %swap3A_955 = vector.shape_cast %add3A_951 : vector<16xf32> to vector<16xf32>
        tpu.vector_store %arg6[%swap3A_952], %swap3A_955 {strides = array<i32>} : memref<4096xf32, #tpu.memory_space<vmem>>, vector<16xf32>,
        %slice3A_956 = vector.extract_strided_slice %get3A_651 {offsets = [0], sizes = [1], strides = [1]} : vector<16xi32> to vector<1xi32>
        %squeeze3A_957 = vector.extract %slice3A_956[0] : i32 from vector<1xi32>
        %and3A_958 = arith.andi %squeeze3A_957, %scan3A_10 : i32
        %and3A_959 = arith.andi %squeeze3A_957, %scan3A_11 : i32
        %eq3A_960 = vector.broadcast %and3A_959 : i32 to vector<16xi32>
        %eq3A_961 = arith.cmpi eq, %iota3A, %eq3A_960 : vector<16xi32>
        %jit3A_962 = arith.constant 1.000000e+00 : f32
        %jit3A_963 = arith.constant 0.000000e+00 : f32
        %broadcast_in_dim3A_964 = vector.broadcast %jit3A_962 : f32 to vector<16xf32>
        %broadcast_in_dim3A_965 = vector.broadcast %jit3A_963 : f32 to vector<16xf32>
        %select_n3A_966 = arith.select %eq3A_961, %broadcast_in_dim3A_964, %broadcast_in_dim3A_965 : vector<16xi1>, vector<16xf32>
        %get3A_967 = arith.index_cast %and3A_958 : i32 to index
        %get3A_968 = tpu.vector_load %arg6[%get3A_967] {strides = array<i32>} : memref<4096xf32, #tpu.memory_space<vmem>>, vector<16xf32>,
        %get3A_969 = vector.shape_cast %get3A_968 : vector<16xf32> to vector<16xf32>
        %add3A_970 = arith.addf %get3A_969, %select_n3A_966 : vector<16xf32>
        %swap3A_971 = arith.index_cast %and3A_958 : i32 to index
        %swap3A_972 = tpu.vector_load %arg6[%swap3A_971] {strides = array<i32>} : memref<4096xf32, #tpu.memory_space<vmem>>, vector<16xf32>,
        %swap3A_973 = vector.shape_cast %swap3A_972 : vector<16xf32> to vector<16xf32>
        %swap3A_974 = vector.shape_cast %add3A_970 : vector<16xf32> to vector<16xf32>
        tpu.vector_store %arg6[%swap3A_971], %swap3A_974 {strides = array<i32>} : memref<4096xf32, #tpu.memory_space<vmem>>, vector<16xf32>,
        %slice3A_975 = vector.extract_strided_slice %get3A_651 {offsets = [1], sizes = [1], strides = [1]} : vector<16xi32> to vector<1xi32>
        %squeeze3A_976 = vector.extract %slice3A_975[0] : i32 from vector<1xi32>
        %and3A_977 = arith.andi %squeeze3A_976, %scan3A_10 : i32
        %and3A_978 = arith.andi %squeeze3A_976, %scan3A_11 : i32
        %eq3A_979 = vector.broadcast %and3A_978 : i32 to vector<16xi32>
        %eq3A_980 = arith.cmpi eq, %iota3A, %eq3A_979 : vector<16xi32>
        %jit3A_981 = arith.constant 1.000000e+00 : f32
        %jit3A_982 = arith.constant 0.000000e+00 : f32
        %broadcast_in_dim3A_983 = vector.broadcast %jit3A_981 : f32 to vector<16xf32>
        %broadcast_in_dim3A_984 = vector.broadcast %jit3A_982 : f32 to vector<16xf32>
        %select_n3A_985 = arith.select %eq3A_980, %broadcast_in_dim3A_983, %broadcast_in_dim3A_984 : vector<16xi1>, vector<16xf32>
        %get3A_986 = arith.index_cast %and3A_977 : i32 to index
        %get3A_987 = tpu.vector_load %arg6[%get3A_986] {strides = array<i32>} : memref<4096xf32, #tpu.memory_space<vmem>>, vector<16xf32>,
        %get3A_988 = vector.shape_cast %get3A_987 : vector<16xf32> to vector<16xf32>
        %add3A_989 = arith.addf %get3A_988, %select_n3A_985 : vector<16xf32>
        %swap3A_990 = arith.index_cast %and3A_977 : i32 to index
        %swap3A_991 = tpu.vector_load %arg6[%swap3A_990] {strides = array<i32>} : memref<4096xf32, #tpu.memory_space<vmem>>, vector<16xf32>,
        %swap3A_992 = vector.shape_cast %swap3A_991 : vector<16xf32> to vector<16xf32>
        %swap3A_993 = vector.shape_cast %add3A_989 : vector<16xf32> to vector<16xf32>
        tpu.vector_store %arg6[%swap3A_990], %swap3A_993 {strides = array<i32>} : memref<4096xf32, #tpu.memory_space<vmem>>, vector<16xf32>,
        %slice3A_994 = vector.extract_strided_slice %get3A_651 {offsets = [2], sizes = [1], strides = [1]} : vector<16xi32> to vector<1xi32>
        %squeeze3A_995 = vector.extract %slice3A_994[0] : i32 from vector<1xi32>
        %and3A_996 = arith.andi %squeeze3A_995, %scan3A_10 : i32
        %and3A_997 = arith.andi %squeeze3A_995, %scan3A_11 : i32
        %eq3A_998 = vector.broadcast %and3A_997 : i32 to vector<16xi32>
        %eq3A_999 = arith.cmpi eq, %iota3A, %eq3A_998 : vector<16xi32>
        %jit3A_1000 = arith.constant 1.000000e+00 : f32
        %jit3A_1001 = arith.constant 0.000000e+00 : f32
        %broadcast_in_dim3A_1002 = vector.broadcast %jit3A_1000 : f32 to vector<16xf32>
        %broadcast_in_dim3A_1003 = vector.broadcast %jit3A_1001 : f32 to vector<16xf32>
        %select_n3A_1004 = arith.select %eq3A_999, %broadcast_in_dim3A_1002, %broadcast_in_dim3A_1003 : vector<16xi1>, vector<16xf32>
        %get3A_1005 = arith.index_cast %and3A_996 : i32 to index
        %get3A_1006 = tpu.vector_load %arg6[%get3A_1005] {strides = array<i32>} : memref<4096xf32, #tpu.memory_space<vmem>>, vector<16xf32>,
        %get3A_1007 = vector.shape_cast %get3A_1006 : vector<16xf32> to vector<16xf32>
        %add3A_1008 = arith.addf %get3A_1007, %select_n3A_1004 : vector<16xf32>
        %swap3A_1009 = arith.index_cast %and3A_996 : i32 to index
        %swap3A_1010 = tpu.vector_load %arg6[%swap3A_1009] {strides = array<i32>} : memref<4096xf32, #tpu.memory_space<vmem>>, vector<16xf32>,
        %swap3A_1011 = vector.shape_cast %swap3A_1010 : vector<16xf32> to vector<16xf32>
        %swap3A_1012 = vector.shape_cast %add3A_1008 : vector<16xf32> to vector<16xf32>
        tpu.vector_store %arg6[%swap3A_1009], %swap3A_1012 {strides = array<i32>} : memref<4096xf32, #tpu.memory_space<vmem>>, vector<16xf32>,
        %slice3A_1013 = vector.extract_strided_slice %get3A_651 {offsets = [3], sizes = [1], strides = [1]} : vector<16xi32> to vector<1xi32>
        %squeeze3A_1014 = vector.extract %slice3A_1013[0] : i32 from vector<1xi32>
        %and3A_1015 = arith.andi %squeeze3A_1014, %scan3A_10 : i32
        %and3A_1016 = arith.andi %squeeze3A_1014, %scan3A_11 : i32
        %eq3A_1017 = vector.broadcast %and3A_1016 : i32 to vector<16xi32>
        %eq3A_1018 = arith.cmpi eq, %iota3A, %eq3A_1017 : vector<16xi32>
        %jit3A_1019 = arith.constant 1.000000e+00 : f32
        %jit3A_1020 = arith.constant 0.000000e+00 : f32
        %broadcast_in_dim3A_1021 = vector.broadcast %jit3A_1019 : f32 to vector<16xf32>
        %broadcast_in_dim3A_1022 = vector.broadcast %jit3A_1020 : f32 to vector<16xf32>
        %select_n3A_1023 = arith.select %eq3A_1018, %broadcast_in_dim3A_1021, %broadcast_in_dim3A_1022 : vector<16xi1>, vector<16xf32>
        %get3A_1024 = arith.index_cast %and3A_1015 : i32 to index
        %get3A_1025 = tpu.vector_load %arg6[%get3A_1024] {strides = array<i32>} : memref<4096xf32, #tpu.memory_space<vmem>>, vector<16xf32>,
        %get3A_1026 = vector.shape_cast %get3A_1025 : vector<16xf32> to vector<16xf32>
        %add3A_1027 = arith.addf %get3A_1026, %select_n3A_1023 : vector<16xf32>
        %swap3A_1028 = arith.index_cast %and3A_1015 : i32 to index
        %swap3A_1029 = tpu.vector_load %arg6[%swap3A_1028] {strides = array<i32>} : memref<4096xf32, #tpu.memory_space<vmem>>, vector<16xf32>,
        %swap3A_1030 = vector.shape_cast %swap3A_1029 : vector<16xf32> to vector<16xf32>
        %swap3A_1031 = vector.shape_cast %add3A_1027 : vector<16xf32> to vector<16xf32>
        tpu.vector_store %arg6[%swap3A_1028], %swap3A_1031 {strides = array<i32>} : memref<4096xf32, #tpu.memory_space<vmem>>, vector<16xf32>,
        %slice3A_1032 = vector.extract_strided_slice %get3A_651 {offsets = [4], sizes = [1], strides = [1]} : vector<16xi32> to vector<1xi32>
        %squeeze3A_1033 = vector.extract %slice3A_1032[0] : i32 from vector<1xi32>
        %and3A_1034 = arith.andi %squeeze3A_1033, %scan3A_10 : i32
        %and3A_1035 = arith.andi %squeeze3A_1033, %scan3A_11 : i32
        %eq3A_1036 = vector.broadcast %and3A_1035 : i32 to vector<16xi32>
        %eq3A_1037 = arith.cmpi eq, %iota3A, %eq3A_1036 : vector<16xi32>
        %jit3A_1038 = arith.constant 1.000000e+00 : f32
        %jit3A_1039 = arith.constant 0.000000e+00 : f32
        %broadcast_in_dim3A_1040 = vector.broadcast %jit3A_1038 : f32 to vector<16xf32>
        %broadcast_in_dim3A_1041 = vector.broadcast %jit3A_1039 : f32 to vector<16xf32>
        %select_n3A_1042 = arith.select %eq3A_1037, %broadcast_in_dim3A_1040, %broadcast_in_dim3A_1041 : vector<16xi1>, vector<16xf32>
        %get3A_1043 = arith.index_cast %and3A_1034 : i32 to index
        %get3A_1044 = tpu.vector_load %arg6[%get3A_1043] {strides = array<i32>} : memref<4096xf32, #tpu.memory_space<vmem>>, vector<16xf32>,
        %get3A_1045 = vector.shape_cast %get3A_1044 : vector<16xf32> to vector<16xf32>
        %add3A_1046 = arith.addf %get3A_1045, %select_n3A_1042 : vector<16xf32>
        %swap3A_1047 = arith.index_cast %and3A_1034 : i32 to index
        %swap3A_1048 = tpu.vector_load %arg6[%swap3A_1047] {strides = array<i32>} : memref<4096xf32, #tpu.memory_space<vmem>>, vector<16xf32>,
        %swap3A_1049 = vector.shape_cast %swap3A_1048 : vector<16xf32> to vector<16xf32>
        %swap3A_1050 = vector.shape_cast %add3A_1046 : vector<16xf32> to vector<16xf32>
        tpu.vector_store %arg6[%swap3A_1047], %swap3A_1050 {strides = array<i32>} : memref<4096xf32, #tpu.memory_space<vmem>>, vector<16xf32>,
        %slice3A_1051 = vector.extract_strided_slice %get3A_651 {offsets = [5], sizes = [1], strides = [1]} : vector<16xi32> to vector<1xi32>
        %squeeze3A_1052 = vector.extract %slice3A_1051[0] : i32 from vector<1xi32>
        %and3A_1053 = arith.andi %squeeze3A_1052, %scan3A_10 : i32
        %and3A_1054 = arith.andi %squeeze3A_1052, %scan3A_11 : i32
        %eq3A_1055 = vector.broadcast %and3A_1054 : i32 to vector<16xi32>
        %eq3A_1056 = arith.cmpi eq, %iota3A, %eq3A_1055 : vector<16xi32>
        %jit3A_1057 = arith.constant 1.000000e+00 : f32
        %jit3A_1058 = arith.constant 0.000000e+00 : f32
        %broadcast_in_dim3A_1059 = vector.broadcast %jit3A_1057 : f32 to vector<16xf32>
        %broadcast_in_dim3A_1060 = vector.broadcast %jit3A_1058 : f32 to vector<16xf32>
        %select_n3A_1061 = arith.select %eq3A_1056, %broadcast_in_dim3A_1059, %broadcast_in_dim3A_1060 : vector<16xi1>, vector<16xf32>
        %get3A_1062 = arith.index_cast %and3A_1053 : i32 to index
        %get3A_1063 = tpu.vector_load %arg6[%get3A_1062] {strides = array<i32>} : memref<4096xf32, #tpu.memory_space<vmem>>, vector<16xf32>,
        %get3A_1064 = vector.shape_cast %get3A_1063 : vector<16xf32> to vector<16xf32>
        %add3A_1065 = arith.addf %get3A_1064, %select_n3A_1061 : vector<16xf32>
        %swap3A_1066 = arith.index_cast %and3A_1053 : i32 to index
        %swap3A_1067 = tpu.vector_load %arg6[%swap3A_1066] {strides = array<i32>} : memref<4096xf32, #tpu.memory_space<vmem>>, vector<16xf32>,
        %swap3A_1068 = vector.shape_cast %swap3A_1067 : vector<16xf32> to vector<16xf32>
        %swap3A_1069 = vector.shape_cast %add3A_1065 : vector<16xf32> to vector<16xf32>
        tpu.vector_store %arg6[%swap3A_1066], %swap3A_1069 {strides = array<i32>} : memref<4096xf32, #tpu.memory_space<vmem>>, vector<16xf32>,
        %slice3A_1070 = vector.extract_strided_slice %get3A_651 {offsets = [6], sizes = [1], strides = [1]} : vector<16xi32> to vector<1xi32>
        %squeeze3A_1071 = vector.extract %slice3A_1070[0] : i32 from vector<1xi32>
        %and3A_1072 = arith.andi %squeeze3A_1071, %scan3A_10 : i32
        %and3A_1073 = arith.andi %squeeze3A_1071, %scan3A_11 : i32
        %eq3A_1074 = vector.broadcast %and3A_1073 : i32 to vector<16xi32>
        %eq3A_1075 = arith.cmpi eq, %iota3A, %eq3A_1074 : vector<16xi32>
        %jit3A_1076 = arith.constant 1.000000e+00 : f32
        %jit3A_1077 = arith.constant 0.000000e+00 : f32
        %broadcast_in_dim3A_1078 = vector.broadcast %jit3A_1076 : f32 to vector<16xf32>
        %broadcast_in_dim3A_1079 = vector.broadcast %jit3A_1077 : f32 to vector<16xf32>
        %select_n3A_1080 = arith.select %eq3A_1075, %broadcast_in_dim3A_1078, %broadcast_in_dim3A_1079 : vector<16xi1>, vector<16xf32>
        %get3A_1081 = arith.index_cast %and3A_1072 : i32 to index
        %get3A_1082 = tpu.vector_load %arg6[%get3A_1081] {strides = array<i32>} : memref<4096xf32, #tpu.memory_space<vmem>>, vector<16xf32>,
        %get3A_1083 = vector.shape_cast %get3A_1082 : vector<16xf32> to vector<16xf32>
        %add3A_1084 = arith.addf %get3A_1083, %select_n3A_1080 : vector<16xf32>
        %swap3A_1085 = arith.index_cast %and3A_1072 : i32 to index
        %swap3A_1086 = tpu.vector_load %arg6[%swap3A_1085] {strides = array<i32>} : memref<4096xf32, #tpu.memory_space<vmem>>, vector<16xf32>,
        %swap3A_1087 = vector.shape_cast %swap3A_1086 : vector<16xf32> to vector<16xf32>
        %swap3A_1088 = vector.shape_cast %add3A_1084 : vector<16xf32> to vector<16xf32>
        tpu.vector_store %arg6[%swap3A_1085], %swap3A_1088 {strides = array<i32>} : memref<4096xf32, #tpu.memory_space<vmem>>, vector<16xf32>,
        %slice3A_1089 = vector.extract_strided_slice %get3A_651 {offsets = [7], sizes = [1], strides = [1]} : vector<16xi32> to vector<1xi32>
        %squeeze3A_1090 = vector.extract %slice3A_1089[0] : i32 from vector<1xi32>
        %and3A_1091 = arith.andi %squeeze3A_1090, %scan3A_10 : i32
        %and3A_1092 = arith.andi %squeeze3A_1090, %scan3A_11 : i32
        %eq3A_1093 = vector.broadcast %and3A_1092 : i32 to vector<16xi32>
        %eq3A_1094 = arith.cmpi eq, %iota3A, %eq3A_1093 : vector<16xi32>
        %jit3A_1095 = arith.constant 1.000000e+00 : f32
        %jit3A_1096 = arith.constant 0.000000e+00 : f32
        %broadcast_in_dim3A_1097 = vector.broadcast %jit3A_1095 : f32 to vector<16xf32>
        %broadcast_in_dim3A_1098 = vector.broadcast %jit3A_1096 : f32 to vector<16xf32>
        %select_n3A_1099 = arith.select %eq3A_1094, %broadcast_in_dim3A_1097, %broadcast_in_dim3A_1098 : vector<16xi1>, vector<16xf32>
        %get3A_1100 = arith.index_cast %and3A_1091 : i32 to index
        %get3A_1101 = tpu.vector_load %arg6[%get3A_1100] {strides = array<i32>} : memref<4096xf32, #tpu.memory_space<vmem>>, vector<16xf32>,
        %get3A_1102 = vector.shape_cast %get3A_1101 : vector<16xf32> to vector<16xf32>
        %add3A_1103 = arith.addf %get3A_1102, %select_n3A_1099 : vector<16xf32>
        %swap3A_1104 = arith.index_cast %and3A_1091 : i32 to index
        %swap3A_1105 = tpu.vector_load %arg6[%swap3A_1104] {strides = array<i32>} : memref<4096xf32, #tpu.memory_space<vmem>>, vector<16xf32>,
        %swap3A_1106 = vector.shape_cast %swap3A_1105 : vector<16xf32> to vector<16xf32>
        %swap3A_1107 = vector.shape_cast %add3A_1103 : vector<16xf32> to vector<16xf32>
        tpu.vector_store %arg6[%swap3A_1104], %swap3A_1107 {strides = array<i32>} : memref<4096xf32, #tpu.memory_space<vmem>>, vector<16xf32>,
        %slice3A_1108 = vector.extract_strided_slice %get3A_651 {offsets = [8], sizes = [1], strides = [1]} : vector<16xi32> to vector<1xi32>
        %squeeze3A_1109 = vector.extract %slice3A_1108[0] : i32 from vector<1xi32>
        %and3A_1110 = arith.andi %squeeze3A_1109, %scan3A_10 : i32
        %and3A_1111 = arith.andi %squeeze3A_1109, %scan3A_11 : i32
        %eq3A_1112 = vector.broadcast %and3A_1111 : i32 to vector<16xi32>
        %eq3A_1113 = arith.cmpi eq, %iota3A, %eq3A_1112 : vector<16xi32>
        %jit3A_1114 = arith.constant 1.000000e+00 : f32
        %jit3A_1115 = arith.constant 0.000000e+00 : f32
        %broadcast_in_dim3A_1116 = vector.broadcast %jit3A_1114 : f32 to vector<16xf32>
        %broadcast_in_dim3A_1117 = vector.broadcast %jit3A_1115 : f32 to vector<16xf32>
        %select_n3A_1118 = arith.select %eq3A_1113, %broadcast_in_dim3A_1116, %broadcast_in_dim3A_1117 : vector<16xi1>, vector<16xf32>
        %get3A_1119 = arith.index_cast %and3A_1110 : i32 to index
        %get3A_1120 = tpu.vector_load %arg6[%get3A_1119] {strides = array<i32>} : memref<4096xf32, #tpu.memory_space<vmem>>, vector<16xf32>,
        %get3A_1121 = vector.shape_cast %get3A_1120 : vector<16xf32> to vector<16xf32>
        %add3A_1122 = arith.addf %get3A_1121, %select_n3A_1118 : vector<16xf32>
        %swap3A_1123 = arith.index_cast %and3A_1110 : i32 to index
        %swap3A_1124 = tpu.vector_load %arg6[%swap3A_1123] {strides = array<i32>} : memref<4096xf32, #tpu.memory_space<vmem>>, vector<16xf32>,
        %swap3A_1125 = vector.shape_cast %swap3A_1124 : vector<16xf32> to vector<16xf32>
        %swap3A_1126 = vector.shape_cast %add3A_1122 : vector<16xf32> to vector<16xf32>
        tpu.vector_store %arg6[%swap3A_1123], %swap3A_1126 {strides = array<i32>} : memref<4096xf32, #tpu.memory_space<vmem>>, vector<16xf32>,
        %slice3A_1127 = vector.extract_strided_slice %get3A_651 {offsets = [9], sizes = [1], strides = [1]} : vector<16xi32> to vector<1xi32>
        %squeeze3A_1128 = vector.extract %slice3A_1127[0] : i32 from vector<1xi32>
        %and3A_1129 = arith.andi %squeeze3A_1128, %scan3A_10 : i32
        %and3A_1130 = arith.andi %squeeze3A_1128, %scan3A_11 : i32
        %eq3A_1131 = vector.broadcast %and3A_1130 : i32 to vector<16xi32>
        %eq3A_1132 = arith.cmpi eq, %iota3A, %eq3A_1131 : vector<16xi32>
        %jit3A_1133 = arith.constant 1.000000e+00 : f32
        %jit3A_1134 = arith.constant 0.000000e+00 : f32
        %broadcast_in_dim3A_1135 = vector.broadcast %jit3A_1133 : f32 to vector<16xf32>
        %broadcast_in_dim3A_1136 = vector.broadcast %jit3A_1134 : f32 to vector<16xf32>
        %select_n3A_1137 = arith.select %eq3A_1132, %broadcast_in_dim3A_1135, %broadcast_in_dim3A_1136 : vector<16xi1>, vector<16xf32>
        %get3A_1138 = arith.index_cast %and3A_1129 : i32 to index
        %get3A_1139 = tpu.vector_load %arg6[%get3A_1138] {strides = array<i32>} : memref<4096xf32, #tpu.memory_space<vmem>>, vector<16xf32>,
        %get3A_1140 = vector.shape_cast %get3A_1139 : vector<16xf32> to vector<16xf32>
        %add3A_1141 = arith.addf %get3A_1140, %select_n3A_1137 : vector<16xf32>
        %swap3A_1142 = arith.index_cast %and3A_1129 : i32 to index
        %swap3A_1143 = tpu.vector_load %arg6[%swap3A_1142] {strides = array<i32>} : memref<4096xf32, #tpu.memory_space<vmem>>, vector<16xf32>,
        %swap3A_1144 = vector.shape_cast %swap3A_1143 : vector<16xf32> to vector<16xf32>
        %swap3A_1145 = vector.shape_cast %add3A_1141 : vector<16xf32> to vector<16xf32>
        tpu.vector_store %arg6[%swap3A_1142], %swap3A_1145 {strides = array<i32>} : memref<4096xf32, #tpu.memory_space<vmem>>, vector<16xf32>,
        %slice3A_1146 = vector.extract_strided_slice %get3A_651 {offsets = [10], sizes = [1], strides = [1]} : vector<16xi32> to vector<1xi32>
        %squeeze3A_1147 = vector.extract %slice3A_1146[0] : i32 from vector<1xi32>
        %and3A_1148 = arith.andi %squeeze3A_1147, %scan3A_10 : i32
        %and3A_1149 = arith.andi %squeeze3A_1147, %scan3A_11 : i32
        %eq3A_1150 = vector.broadcast %and3A_1149 : i32 to vector<16xi32>
        %eq3A_1151 = arith.cmpi eq, %iota3A, %eq3A_1150 : vector<16xi32>
        %jit3A_1152 = arith.constant 1.000000e+00 : f32
        %jit3A_1153 = arith.constant 0.000000e+00 : f32
        %broadcast_in_dim3A_1154 = vector.broadcast %jit3A_1152 : f32 to vector<16xf32>
        %broadcast_in_dim3A_1155 = vector.broadcast %jit3A_1153 : f32 to vector<16xf32>
        %select_n3A_1156 = arith.select %eq3A_1151, %broadcast_in_dim3A_1154, %broadcast_in_dim3A_1155 : vector<16xi1>, vector<16xf32>
        %get3A_1157 = arith.index_cast %and3A_1148 : i32 to index
        %get3A_1158 = tpu.vector_load %arg6[%get3A_1157] {strides = array<i32>} : memref<4096xf32, #tpu.memory_space<vmem>>, vector<16xf32>,
        %get3A_1159 = vector.shape_cast %get3A_1158 : vector<16xf32> to vector<16xf32>
        %add3A_1160 = arith.addf %get3A_1159, %select_n3A_1156 : vector<16xf32>
        %swap3A_1161 = arith.index_cast %and3A_1148 : i32 to index
        %swap3A_1162 = tpu.vector_load %arg6[%swap3A_1161] {strides = array<i32>} : memref<4096xf32, #tpu.memory_space<vmem>>, vector<16xf32>,
        %swap3A_1163 = vector.shape_cast %swap3A_1162 : vector<16xf32> to vector<16xf32>
        %swap3A_1164 = vector.shape_cast %add3A_1160 : vector<16xf32> to vector<16xf32>
        tpu.vector_store %arg6[%swap3A_1161], %swap3A_1164 {strides = array<i32>} : memref<4096xf32, #tpu.memory_space<vmem>>, vector<16xf32>,
        %slice3A_1165 = vector.extract_strided_slice %get3A_651 {offsets = [11], sizes = [1], strides = [1]} : vector<16xi32> to vector<1xi32>
        %squeeze3A_1166 = vector.extract %slice3A_1165[0] : i32 from vector<1xi32>
        %and3A_1167 = arith.andi %squeeze3A_1166, %scan3A_10 : i32
        %and3A_1168 = arith.andi %squeeze3A_1166, %scan3A_11 : i32
        %eq3A_1169 = vector.broadcast %and3A_1168 : i32 to vector<16xi32>
        %eq3A_1170 = arith.cmpi eq, %iota3A, %eq3A_1169 : vector<16xi32>
        %jit3A_1171 = arith.constant 1.000000e+00 : f32
        %jit3A_1172 = arith.constant 0.000000e+00 : f32
        %broadcast_in_dim3A_1173 = vector.broadcast %jit3A_1171 : f32 to vector<16xf32>
        %broadcast_in_dim3A_1174 = vector.broadcast %jit3A_1172 : f32 to vector<16xf32>
        %select_n3A_1175 = arith.select %eq3A_1170, %broadcast_in_dim3A_1173, %broadcast_in_dim3A_1174 : vector<16xi1>, vector<16xf32>
        %get3A_1176 = arith.index_cast %and3A_1167 : i32 to index
        %get3A_1177 = tpu.vector_load %arg6[%get3A_1176] {strides = array<i32>} : memref<4096xf32, #tpu.memory_space<vmem>>, vector<16xf32>,
        %get3A_1178 = vector.shape_cast %get3A_1177 : vector<16xf32> to vector<16xf32>
        %add3A_1179 = arith.addf %get3A_1178, %select_n3A_1175 : vector<16xf32>
        %swap3A_1180 = arith.index_cast %and3A_1167 : i32 to index
        %swap3A_1181 = tpu.vector_load %arg6[%swap3A_1180] {strides = array<i32>} : memref<4096xf32, #tpu.memory_space<vmem>>, vector<16xf32>,
        %swap3A_1182 = vector.shape_cast %swap3A_1181 : vector<16xf32> to vector<16xf32>
        %swap3A_1183 = vector.shape_cast %add3A_1179 : vector<16xf32> to vector<16xf32>
        tpu.vector_store %arg6[%swap3A_1180], %swap3A_1183 {strides = array<i32>} : memref<4096xf32, #tpu.memory_space<vmem>>, vector<16xf32>,
        %slice3A_1184 = vector.extract_strided_slice %get3A_651 {offsets = [12], sizes = [1], strides = [1]} : vector<16xi32> to vector<1xi32>
        %squeeze3A_1185 = vector.extract %slice3A_1184[0] : i32 from vector<1xi32>
        %and3A_1186 = arith.andi %squeeze3A_1185, %scan3A_10 : i32
        %and3A_1187 = arith.andi %squeeze3A_1185, %scan3A_11 : i32
        %eq3A_1188 = vector.broadcast %and3A_1187 : i32 to vector<16xi32>
        %eq3A_1189 = arith.cmpi eq, %iota3A, %eq3A_1188 : vector<16xi32>
        %jit3A_1190 = arith.constant 1.000000e+00 : f32
        %jit3A_1191 = arith.constant 0.000000e+00 : f32
        %broadcast_in_dim3A_1192 = vector.broadcast %jit3A_1190 : f32 to vector<16xf32>
        %broadcast_in_dim3A_1193 = vector.broadcast %jit3A_1191 : f32 to vector<16xf32>
        %select_n3A_1194 = arith.select %eq3A_1189, %broadcast_in_dim3A_1192, %broadcast_in_dim3A_1193 : vector<16xi1>, vector<16xf32>
        %get3A_1195 = arith.index_cast %and3A_1186 : i32 to index
        %get3A_1196 = tpu.vector_load %arg6[%get3A_1195] {strides = array<i32>} : memref<4096xf32, #tpu.memory_space<vmem>>, vector<16xf32>,
        %get3A_1197 = vector.shape_cast %get3A_1196 : vector<16xf32> to vector<16xf32>
        %add3A_1198 = arith.addf %get3A_1197, %select_n3A_1194 : vector<16xf32>
        %swap3A_1199 = arith.index_cast %and3A_1186 : i32 to index
        %swap3A_1200 = tpu.vector_load %arg6[%swap3A_1199] {strides = array<i32>} : memref<4096xf32, #tpu.memory_space<vmem>>, vector<16xf32>,
        %swap3A_1201 = vector.shape_cast %swap3A_1200 : vector<16xf32> to vector<16xf32>
        %swap3A_1202 = vector.shape_cast %add3A_1198 : vector<16xf32> to vector<16xf32>
        tpu.vector_store %arg6[%swap3A_1199], %swap3A_1202 {strides = array<i32>} : memref<4096xf32, #tpu.memory_space<vmem>>, vector<16xf32>,
        %slice3A_1203 = vector.extract_strided_slice %get3A_651 {offsets = [13], sizes = [1], strides = [1]} : vector<16xi32> to vector<1xi32>
        %squeeze3A_1204 = vector.extract %slice3A_1203[0] : i32 from vector<1xi32>
        %and3A_1205 = arith.andi %squeeze3A_1204, %scan3A_10 : i32
        %and3A_1206 = arith.andi %squeeze3A_1204, %scan3A_11 : i32
        %eq3A_1207 = vector.broadcast %and3A_1206 : i32 to vector<16xi32>
        %eq3A_1208 = arith.cmpi eq, %iota3A, %eq3A_1207 : vector<16xi32>
        %jit3A_1209 = arith.constant 1.000000e+00 : f32
        %jit3A_1210 = arith.constant 0.000000e+00 : f32
        %broadcast_in_dim3A_1211 = vector.broadcast %jit3A_1209 : f32 to vector<16xf32>
        %broadcast_in_dim3A_1212 = vector.broadcast %jit3A_1210 : f32 to vector<16xf32>
        %select_n3A_1213 = arith.select %eq3A_1208, %broadcast_in_dim3A_1211, %broadcast_in_dim3A_1212 : vector<16xi1>, vector<16xf32>
        %get3A_1214 = arith.index_cast %and3A_1205 : i32 to index
        %get3A_1215 = tpu.vector_load %arg6[%get3A_1214] {strides = array<i32>} : memref<4096xf32, #tpu.memory_space<vmem>>, vector<16xf32>,
        %get3A_1216 = vector.shape_cast %get3A_1215 : vector<16xf32> to vector<16xf32>
        %add3A_1217 = arith.addf %get3A_1216, %select_n3A_1213 : vector<16xf32>
        %swap3A_1218 = arith.index_cast %and3A_1205 : i32 to index
        %swap3A_1219 = tpu.vector_load %arg6[%swap3A_1218] {strides = array<i32>} : memref<4096xf32, #tpu.memory_space<vmem>>, vector<16xf32>,
        %swap3A_1220 = vector.shape_cast %swap3A_1219 : vector<16xf32> to vector<16xf32>
        %swap3A_1221 = vector.shape_cast %add3A_1217 : vector<16xf32> to vector<16xf32>
        tpu.vector_store %arg6[%swap3A_1218], %swap3A_1221 {strides = array<i32>} : memref<4096xf32, #tpu.memory_space<vmem>>, vector<16xf32>,
        %slice3A_1222 = vector.extract_strided_slice %get3A_651 {offsets = [14], sizes = [1], strides = [1]} : vector<16xi32> to vector<1xi32>
        %squeeze3A_1223 = vector.extract %slice3A_1222[0] : i32 from vector<1xi32>
        %and3A_1224 = arith.andi %squeeze3A_1223, %scan3A_10 : i32
        %and3A_1225 = arith.andi %squeeze3A_1223, %scan3A_11 : i32
        %eq3A_1226 = vector.broadcast %and3A_1225 : i32 to vector<16xi32>
        %eq3A_1227 = arith.cmpi eq, %iota3A, %eq3A_1226 : vector<16xi32>
        %jit3A_1228 = arith.constant 1.000000e+00 : f32
        %jit3A_1229 = arith.constant 0.000000e+00 : f32
        %broadcast_in_dim3A_1230 = vector.broadcast %jit3A_1228 : f32 to vector<16xf32>
        %broadcast_in_dim3A_1231 = vector.broadcast %jit3A_1229 : f32 to vector<16xf32>
        %select_n3A_1232 = arith.select %eq3A_1227, %broadcast_in_dim3A_1230, %broadcast_in_dim3A_1231 : vector<16xi1>, vector<16xf32>
        %get3A_1233 = arith.index_cast %and3A_1224 : i32 to index
        %get3A_1234 = tpu.vector_load %arg6[%get3A_1233] {strides = array<i32>} : memref<4096xf32, #tpu.memory_space<vmem>>, vector<16xf32>,
        %get3A_1235 = vector.shape_cast %get3A_1234 : vector<16xf32> to vector<16xf32>
        %add3A_1236 = arith.addf %get3A_1235, %select_n3A_1232 : vector<16xf32>
        %swap3A_1237 = arith.index_cast %and3A_1224 : i32 to index
        %swap3A_1238 = tpu.vector_load %arg6[%swap3A_1237] {strides = array<i32>} : memref<4096xf32, #tpu.memory_space<vmem>>, vector<16xf32>,
        %swap3A_1239 = vector.shape_cast %swap3A_1238 : vector<16xf32> to vector<16xf32>
        %swap3A_1240 = vector.shape_cast %add3A_1236 : vector<16xf32> to vector<16xf32>
        tpu.vector_store %arg6[%swap3A_1237], %swap3A_1240 {strides = array<i32>} : memref<4096xf32, #tpu.memory_space<vmem>>, vector<16xf32>,
        %slice3A_1241 = vector.extract_strided_slice %get3A_651 {offsets = [15], sizes = [1], strides = [1]} : vector<16xi32> to vector<1xi32>
        %squeeze3A_1242 = vector.extract %slice3A_1241[0] : i32 from vector<1xi32>
        %and3A_1243 = arith.andi %squeeze3A_1242, %scan3A_10 : i32
        %and3A_1244 = arith.andi %squeeze3A_1242, %scan3A_11 : i32
        %eq3A_1245 = vector.broadcast %and3A_1244 : i32 to vector<16xi32>
        %eq3A_1246 = arith.cmpi eq, %iota3A, %eq3A_1245 : vector<16xi32>
        %jit3A_1247 = arith.constant 1.000000e+00 : f32
        %jit3A_1248 = arith.constant 0.000000e+00 : f32
        %broadcast_in_dim3A_1249 = vector.broadcast %jit3A_1247 : f32 to vector<16xf32>
        %broadcast_in_dim3A_1250 = vector.broadcast %jit3A_1248 : f32 to vector<16xf32>
        %select_n3A_1251 = arith.select %eq3A_1246, %broadcast_in_dim3A_1249, %broadcast_in_dim3A_1250 : vector<16xi1>, vector<16xf32>
        %get3A_1252 = arith.index_cast %and3A_1243 : i32 to index
        %get3A_1253 = tpu.vector_load %arg6[%get3A_1252] {strides = array<i32>} : memref<4096xf32, #tpu.memory_space<vmem>>, vector<16xf32>,
        %get3A_1254 = vector.shape_cast %get3A_1253 : vector<16xf32> to vector<16xf32>
        %add3A_1255 = arith.addf %get3A_1254, %select_n3A_1251 : vector<16xf32>
        %swap3A_1256 = arith.index_cast %and3A_1243 : i32 to index
        %swap3A_1257 = tpu.vector_load %arg6[%swap3A_1256] {strides = array<i32>} : memref<4096xf32, #tpu.memory_space<vmem>>, vector<16xf32>,
        %swap3A_1258 = vector.shape_cast %swap3A_1257 : vector<16xf32> to vector<16xf32>
        %swap3A_1259 = vector.shape_cast %add3A_1255 : vector<16xf32> to vector<16xf32>
        tpu.vector_store %arg6[%swap3A_1256], %swap3A_1259 {strides = array<i32>} : memref<4096xf32, #tpu.memory_space<vmem>>, vector<16xf32>,
        %add3A_1260 = arith.addi %mul3A_2, %add3A_29 : i32
        %dma_start3A_1261 = arith.constant 0 : i32
        %dma_start3A_1262 = tpu.memref_slice %arg3[%add3A_1260, %dma_start3A_1261] : memref<4096x4096xf32, #tpu.memory_space<hbm>> -> memref<1x4096xf32, #tpu.memory_space<hbm>>
        %dma_start3A_1263 = tpu.memref_squeeze %dma_start3A_1262 : memref<1x4096xf32, #tpu.memory_space<hbm>> -> memref<4096xf32, #tpu.memory_space<hbm>>
        %dma_start3A_1264 = arith.constant 0 : i32
        %dma_start3A_1265 = tpu.memref_slice %arg3[%add3A_1260, %dma_start3A_1264] : memref<4096x4096xf32, #tpu.memory_space<hbm>> -> memref<1x4096xf32, #tpu.memory_space<hbm>>
        %dma_start3A_1266 = tpu.memref_squeeze %dma_start3A_1265 : memref<1x4096xf32, #tpu.memory_space<hbm>> -> memref<4096xf32, #tpu.memory_space<hbm>>
        tpu.enqueue_dma source(%arg6 : memref<4096xf32, #tpu.memory_space<vmem>>) target(%dma_start3A_1266 : memref<4096xf32, #tpu.memory_space<hbm>>) target_semaphore(%arg8 : memref<!tpu.dma_semaphore, #tpu.memory_space<semaphore_mem>>)
      } else {
      }
    }
    %scan3A_16 = arith.constant 65 : i32
    return
  }
}

module attributes {stable_mosaic.version = 14 : i64} {
  func.func @_mm_partial_body(%arg0: i32, %arg1: i32, %arg2: memref<512x512xf32, #tpu.memory_space<vmem>>, %arg3: memref<4096x256xbf16, #tpu.memory_space<vmem>>, %arg4: memref<512x256xf32, #tpu.memory_space<vmem>>, %arg5: memref<512x8xf32, #tpu.memory_space<vmem>>, %arg6: memref<512x256xf32, #tpu.memory_space<vmem>>, %arg7: memref<512x1xf32, #tpu.memory_space<vmem>>) attributes {dimension_semantics = [#tpu.dimension_semantics<parallel>, #tpu.dimension_semantics<arbitrary>], iteration_bounds = array<i64: 8, 8>, scalar_prefetch = 0 : i64, scratch_operands = 2 : i64, tpu.core_type = #tpu.core_type<tc>, window_params = [{transform_indices = @transform_0, window_bounds = array<i64: 512, 512>}, {pipeline_mode = #tpu.pipeline_mode<synchronous>, transform_indices = @transform_1, window_bounds = array<i64: 4096, 256>}, {transform_indices = @transform_2, window_bounds = array<i64: 512, 256>}, {transform_indices = @transform_3, window_bounds = array<i64: 512, 8>}]} {
    %eq3A = arith.constant 0 : i32
    %eq3A_0 = arith.cmpi eq, %arg1, %eq3A : i32
    %convert_element_type3A = arith.extui %eq3A_0 : i1 to i32
    %cond3A = arith.constant 0 : i32
    %cond3A_1 = arith.cmpi ne, %convert_element_type3A, %cond3A : i32
    scf.if %cond3A_1 {
      %broadcast_in_dim3A_28 = arith.constant 0.000000e+00 : f32
      %broadcast_in_dim3A_29 = vector.broadcast %broadcast_in_dim3A_28 : f32 to vector<512x256xf32>
      %swap3A_30 = arith.constant 0 : index
      %swap3A_31 = arith.constant 0 : index
      %swap3A_32 = vector.load %arg6[%swap3A_30, %swap3A_31] : memref<512x256xf32, #tpu.memory_space<vmem>>, vector<512x256xf32>
      tpu.vector_store %arg6[%swap3A_30, %swap3A_31], %broadcast_in_dim3A_29 {strides = array<i32>} : memref<512x256xf32, #tpu.memory_space<vmem>>, vector<512x256xf32>,
      %broadcast_in_dim3A_33 = arith.constant 0.000000e+00 : f32
      %broadcast_in_dim3A_34 = vector.broadcast %broadcast_in_dim3A_33 : f32 to vector<512x1xf32>
      %swap3A_35 = arith.constant 0 : index
      %swap3A_36 = arith.constant 0 : index
      %swap3A_37 = vector.load %arg7[%swap3A_35, %swap3A_36] : memref<512x1xf32, #tpu.memory_space<vmem>>, vector<512x1xf32>
      tpu.vector_store %arg7[%swap3A_35, %swap3A_36], %broadcast_in_dim3A_34 {strides = array<i32>} : memref<512x1xf32, #tpu.memory_space<vmem>>, vector<512x1xf32>,
    } else {
    }
    %get3A = arith.constant 0 : index
    %get3A_2 = arith.constant 0 : index
    %get3A_3 = vector.load %arg2[%get3A, %get3A_2] : memref<512x512xf32, #tpu.memory_space<vmem>>, vector<512x512xf32>
    %mul3A = arith.constant 512 : i32
    %mul3A_4 = arith.muli %arg1, %mul3A : i32
    %get3A_5 = arith.index_cast %mul3A_4 : i32 to index
    %get3A_6 = arith.constant 0 : index
    %get3A_7 = vector.load %arg3[%get3A_5, %get3A_6] : memref<4096x256xbf16, #tpu.memory_space<vmem>>, vector<512x256xbf16>
    %get3A_8 = arith.constant 0 : index
    %get3A_9 = arith.constant 0 : index
    %get3A_10 = vector.load %arg6[%get3A_8, %get3A_9] : memref<512x256xf32, #tpu.memory_space<vmem>>, vector<512x256xf32>
    %convert_element_type3A_11 = arith.truncf %get3A_3 : vector<512x512xf32> to vector<512x512xbf16>
    %dot_general3A = arith.constant dense<0.000000e+00> : vector<512x256xf32>
    %dot_general3A_12 = tpu.matmul %convert_element_type3A_11, %get3A_7, %dot_general3A {dimension_numbers = #tpu.dot_dimension_numbers<[0], [0], [1], [1], [0, 1, 1, 1], [], []>, transpose_lhs_hint = false} : vector<512x512xbf16>, vector<512x256xbf16>, vector<512x256xf32> -> vector<512x256xf32>
    %add3A = arith.addf %get3A_10, %dot_general3A_12 : vector<512x256xf32>
    %swap3A = arith.constant 0 : index
    %swap3A_13 = arith.constant 0 : index
    %swap3A_14 = vector.load %arg6[%swap3A, %swap3A_13] : memref<512x256xf32, #tpu.memory_space<vmem>>, vector<512x256xf32>
    tpu.vector_store %arg6[%swap3A, %swap3A_13], %add3A {strides = array<i32>} : memref<512x256xf32, #tpu.memory_space<vmem>>, vector<512x256xf32>,
    %get3A_15 = arith.constant 0 : index
    %get3A_16 = arith.constant 0 : index
    %get3A_17 = vector.load %arg7[%get3A_15, %get3A_16] : memref<512x1xf32, #tpu.memory_space<vmem>>, vector<512x1xf32>
    %reduce_sum3A = arith.constant dense<0.000000e+00> : vector<512xf32>
    %reduce_sum3A_18 = vector.multi_reduction <add>, %get3A_3, %reduce_sum3A [0] : vector<512x512xf32> to vector<512xf32>
    %broadcast_in_dim3A = vector.shape_cast %reduce_sum3A_18 : vector<512xf32> to vector<512x1xf32>
    %add3A_19 = arith.addf %get3A_17, %broadcast_in_dim3A : vector<512x1xf32>
    %swap3A_20 = arith.constant 0 : index
    %swap3A_21 = arith.constant 0 : index
    %swap3A_22 = vector.load %arg7[%swap3A_20, %swap3A_21] : memref<512x1xf32, #tpu.memory_space<vmem>>, vector<512x1xf32>
    tpu.vector_store %arg7[%swap3A_20, %swap3A_21], %add3A_19 {strides = array<i32>} : memref<512x1xf32, #tpu.memory_space<vmem>>, vector<512x1xf32>,
    %eq3A_23 = arith.constant 7 : i32
    %eq3A_24 = arith.cmpi eq, %arg1, %eq3A_23 : i32
    %convert_element_type3A_25 = arith.extui %eq3A_24 : i1 to i32
    %cond3A_26 = arith.constant 0 : i32
    %cond3A_27 = arith.cmpi ne, %convert_element_type3A_25, %cond3A_26 : i32
    scf.if %cond3A_27 {
      %get3A_28 = arith.constant 0 : index
      %get3A_29 = arith.constant 0 : index
      %get3A_30 = vector.load %arg6[%get3A_28, %get3A_29] : memref<512x256xf32, #tpu.memory_space<vmem>>, vector<512x256xf32>
      %swap3A_31 = arith.constant 0 : index
      %swap3A_32 = arith.constant 0 : index
      %swap3A_33 = vector.load %arg4[%swap3A_31, %swap3A_32] : memref<512x256xf32, #tpu.memory_space<vmem>>, vector<512x256xf32>
      tpu.vector_store %arg4[%swap3A_31, %swap3A_32], %get3A_30 {strides = array<i32>} : memref<512x256xf32, #tpu.memory_space<vmem>>, vector<512x256xf32>,
      %get3A_34 = arith.constant 0 : index
      %get3A_35 = arith.constant 0 : index
      %get3A_36 = vector.load %arg7[%get3A_34, %get3A_35] : memref<512x1xf32, #tpu.memory_space<vmem>>, vector<512x1xf32>
      %broadcast_in_dim3A_37 = vector.shape_cast %get3A_36 : vector<512x1xf32> to vector<512x1xf32>
      %broadcast_in_dim3A_38 = vector.broadcast %broadcast_in_dim3A_37 : vector<512x1xf32> to vector<512x8xf32>
      %swap3A_39 = arith.constant 0 : index
      %swap3A_40 = arith.constant 0 : index
      %swap3A_41 = vector.load %arg5[%swap3A_39, %swap3A_40] : memref<512x8xf32, #tpu.memory_space<vmem>>, vector<512x8xf32>
      tpu.vector_store %arg5[%swap3A_39, %swap3A_40], %broadcast_in_dim3A_38 {strides = array<i32>} : memref<512x8xf32, #tpu.memory_space<vmem>>, vector<512x8xf32>,
    } else {
    }
    return
  }
  func.func @transform_0(%arg0: i32, %arg1: i32) -> (i32, i32) {
    %c0_i32 = arith.constant 0 : i32
    return %arg1, %arg0 : i32, i32
  }
  func.func @transform_1(%arg0: i32, %arg1: i32) -> (i32, i32) {
    %c0_i32 = arith.constant 0 : i32
    %c0_i32_0 = arith.constant 0 : i32
    %c0_i32_1 = arith.constant 0 : i32
    return %c0_i32, %c0_i32_0 : i32, i32
  }
  func.func @transform_2(%arg0: i32, %arg1: i32) -> (i32, i32) {
    %c0_i32 = arith.constant 0 : i32
    %c0_i32_0 = arith.constant 0 : i32
    return %arg0, %c0_i32 : i32, i32
  }
  func.func @transform_3(%arg0: i32, %arg1: i32) -> (i32, i32) {
    %c0_i32 = arith.constant 0 : i32
    %c0_i32_0 = arith.constant 0 : i32
    return %arg0, %c0_i32 : i32, i32
  }
}

module attributes {stable_mosaic.version = 14 : i64} {
  func.func @_mm_finish_body(%arg0: i32, %arg1: i32, %arg2: memref<512x512xf32, #tpu.memory_space<vmem>>, %arg3: memref<4096x256xbf16, #tpu.memory_space<vmem>>, %arg4: memref<512x256xf32, #tpu.memory_space<vmem>>, %arg5: memref<512x8xf32, #tpu.memory_space<vmem>>, %arg6: memref<512x256xf32, #tpu.memory_space<vmem>>, %arg7: memref<512x256xf32, #tpu.memory_space<vmem>>, %arg8: memref<512x1xf32, #tpu.memory_space<vmem>>) attributes {dimension_semantics = [#tpu.dimension_semantics<parallel>, #tpu.dimension_semantics<arbitrary>], iteration_bounds = array<i64: 8, 8>, scalar_prefetch = 0 : i64, scratch_operands = 2 : i64, tpu.core_type = #tpu.core_type<tc>, window_params = [{transform_indices = @transform_0, window_bounds = array<i64: 512, 512>}, {pipeline_mode = #tpu.pipeline_mode<synchronous>, transform_indices = @transform_1, window_bounds = array<i64: 4096, 256>}, {transform_indices = @transform_2, window_bounds = array<i64: 512, 256>}, {transform_indices = @transform_3, window_bounds = array<i64: 512, 8>}, {transform_indices = @transform_4, window_bounds = array<i64: 512, 256>}]} {
    %eq3A = arith.constant 0 : i32
    %eq3A_0 = arith.cmpi eq, %arg1, %eq3A : i32
    %convert_element_type3A = arith.extui %eq3A_0 : i1 to i32
    %cond3A = arith.constant 0 : i32
    %cond3A_1 = arith.cmpi ne, %convert_element_type3A, %cond3A : i32
    scf.if %cond3A_1 {
      %get3A_28 = arith.constant 0 : index
      %get3A_29 = arith.constant 0 : index
      %get3A_30 = vector.load %arg4[%get3A_28, %get3A_29] : memref<512x256xf32, #tpu.memory_space<vmem>>, vector<512x256xf32>
      %swap3A_31 = arith.constant 0 : index
      %swap3A_32 = arith.constant 0 : index
      %swap3A_33 = vector.load %arg7[%swap3A_31, %swap3A_32] : memref<512x256xf32, #tpu.memory_space<vmem>>, vector<512x256xf32>
      tpu.vector_store %arg7[%swap3A_31, %swap3A_32], %get3A_30 {strides = array<i32>} : memref<512x256xf32, #tpu.memory_space<vmem>>, vector<512x256xf32>,
      %get3A_34 = arith.constant 0 : index
      %get3A_35 = arith.constant 0 : index
      %get3A_36 = vector.load %arg5[%get3A_34, %get3A_35] : memref<512x8xf32, #tpu.memory_space<vmem>>, vector<512x1xf32>
      %swap3A_37 = arith.constant 0 : index
      %swap3A_38 = arith.constant 0 : index
      %swap3A_39 = vector.load %arg8[%swap3A_37, %swap3A_38] : memref<512x1xf32, #tpu.memory_space<vmem>>, vector<512x1xf32>
      tpu.vector_store %arg8[%swap3A_37, %swap3A_38], %get3A_36 {strides = array<i32>} : memref<512x1xf32, #tpu.memory_space<vmem>>, vector<512x1xf32>,
    } else {
    }
    %get3A = arith.constant 0 : index
    %get3A_2 = arith.constant 0 : index
    %get3A_3 = vector.load %arg2[%get3A, %get3A_2] : memref<512x512xf32, #tpu.memory_space<vmem>>, vector<512x512xf32>
    %mul3A = arith.constant 512 : i32
    %mul3A_4 = arith.muli %arg1, %mul3A : i32
    %get3A_5 = arith.index_cast %mul3A_4 : i32 to index
    %get3A_6 = arith.constant 0 : index
    %get3A_7 = vector.load %arg3[%get3A_5, %get3A_6] : memref<4096x256xbf16, #tpu.memory_space<vmem>>, vector<512x256xbf16>
    %get3A_8 = arith.constant 0 : index
    %get3A_9 = arith.constant 0 : index
    %get3A_10 = vector.load %arg7[%get3A_8, %get3A_9] : memref<512x256xf32, #tpu.memory_space<vmem>>, vector<512x256xf32>
    %convert_element_type3A_11 = arith.truncf %get3A_3 : vector<512x512xf32> to vector<512x512xbf16>
    %dot_general3A = arith.constant dense<0.000000e+00> : vector<512x256xf32>
    %dot_general3A_12 = tpu.matmul %convert_element_type3A_11, %get3A_7, %dot_general3A {dimension_numbers = #tpu.dot_dimension_numbers<[0], [0], [1], [1], [0, 1, 1, 1], [], []>, transpose_lhs_hint = false} : vector<512x512xbf16>, vector<512x256xbf16>, vector<512x256xf32> -> vector<512x256xf32>
    %add3A = arith.addf %get3A_10, %dot_general3A_12 : vector<512x256xf32>
    %swap3A = arith.constant 0 : index
    %swap3A_13 = arith.constant 0 : index
    %swap3A_14 = vector.load %arg7[%swap3A, %swap3A_13] : memref<512x256xf32, #tpu.memory_space<vmem>>, vector<512x256xf32>
    tpu.vector_store %arg7[%swap3A, %swap3A_13], %add3A {strides = array<i32>} : memref<512x256xf32, #tpu.memory_space<vmem>>, vector<512x256xf32>,
    %get3A_15 = arith.constant 0 : index
    %get3A_16 = arith.constant 0 : index
    %get3A_17 = vector.load %arg8[%get3A_15, %get3A_16] : memref<512x1xf32, #tpu.memory_space<vmem>>, vector<512x1xf32>
    %reduce_sum3A = arith.constant dense<0.000000e+00> : vector<512xf32>
    %reduce_sum3A_18 = vector.multi_reduction <add>, %get3A_3, %reduce_sum3A [0] : vector<512x512xf32> to vector<512xf32>
    %broadcast_in_dim3A = vector.shape_cast %reduce_sum3A_18 : vector<512xf32> to vector<512x1xf32>
    %add3A_19 = arith.addf %get3A_17, %broadcast_in_dim3A : vector<512x1xf32>
    %swap3A_20 = arith.constant 0 : index
    %swap3A_21 = arith.constant 0 : index
    %swap3A_22 = vector.load %arg8[%swap3A_20, %swap3A_21] : memref<512x1xf32, #tpu.memory_space<vmem>>, vector<512x1xf32>
    tpu.vector_store %arg8[%swap3A_20, %swap3A_21], %add3A_19 {strides = array<i32>} : memref<512x1xf32, #tpu.memory_space<vmem>>, vector<512x1xf32>,
    %eq3A_23 = arith.constant 7 : i32
    %eq3A_24 = arith.cmpi eq, %arg1, %eq3A_23 : i32
    %convert_element_type3A_25 = arith.extui %eq3A_24 : i1 to i32
    %cond3A_26 = arith.constant 0 : i32
    %cond3A_27 = arith.cmpi ne, %convert_element_type3A_25, %cond3A_26 : i32
    scf.if %cond3A_27 {
      %get3A_28 = arith.constant 0 : index
      %get3A_29 = arith.constant 0 : index
      %get3A_30 = vector.load %arg7[%get3A_28, %get3A_29] : memref<512x256xf32, #tpu.memory_space<vmem>>, vector<512x256xf32>
      %get3A_31 = arith.constant 0 : index
      %get3A_32 = arith.constant 0 : index
      %get3A_33 = vector.load %arg8[%get3A_31, %get3A_32] : memref<512x1xf32, #tpu.memory_space<vmem>>, vector<512x1xf32>
      %max3A = arith.constant 1.000000e+00 : f32
      %max3A_34 = vector.broadcast %max3A : f32 to vector<512x1xf32>
      %max3A_35 = arith.maximumf %get3A_33, %max3A_34 : vector<512x1xf32>
      %div3A = vector.broadcast %max3A_35 : vector<512x1xf32> to vector<512x256xf32>
      %div3A_36 = arith.divf %get3A_30, %div3A : vector<512x256xf32>
      %swap3A_37 = arith.constant 0 : index
      %swap3A_38 = arith.constant 0 : index
      %swap3A_39 = vector.load %arg6[%swap3A_37, %swap3A_38] : memref<512x256xf32, #tpu.memory_space<vmem>>, vector<512x256xf32>
      tpu.vector_store %arg6[%swap3A_37, %swap3A_38], %div3A_36 {strides = array<i32>} : memref<512x256xf32, #tpu.memory_space<vmem>>, vector<512x256xf32>,
    } else {
    }
    return
  }
  func.func @transform_0(%arg0: i32, %arg1: i32) -> (i32, i32) {
    %c0_i32 = arith.constant 0 : i32
    return %arg1, %arg0 : i32, i32
  }
  func.func @transform_1(%arg0: i32, %arg1: i32) -> (i32, i32) {
    %c0_i32 = arith.constant 0 : i32
    %c0_i32_0 = arith.constant 0 : i32
    %c0_i32_1 = arith.constant 0 : i32
    return %c0_i32, %c0_i32_0 : i32, i32
  }
  func.func @transform_2(%arg0: i32, %arg1: i32) -> (i32, i32) {
    %c0_i32 = arith.constant 0 : i32
    %c0_i32_0 = arith.constant 0 : i32
    return %arg0, %c0_i32 : i32, i32
  }
  func.func @transform_3(%arg0: i32, %arg1: i32) -> (i32, i32) {
    %c0_i32 = arith.constant 0 : i32
    %c0_i32_0 = arith.constant 0 : i32
    return %arg0, %c0_i32 : i32, i32
  }
  func.func @transform_4(%arg0: i32, %arg1: i32) -> (i32, i32) {
    %c0_i32 = arith.constant 0 : i32
    %c0_i32_0 = arith.constant 0 : i32
    return %arg0, %c0_i32 : i32, i32
  }
}

</mosaic_0001>

<sc_bundles>
// kernel: kernel.6.cloned.1.call-start
scs
__scs_entry_jumppad:
0x0: {  	(pc) =	sbr.rel $0x88, $3  }
0x1: {  	(tag) =	ssettag $0x0;
	lr =	simm.s32 $0x1  }
0x2: {  	[smem:$0x3F9F] =	sst lr;
	_ =	strace $0xD0000000  }
0x3: {  	_ = 	snop  }
0x4: {  	_ = 	snop  }
0x5: {  	_ = 	snop  }
0x6: {  	_ = 	snop  }
0x7: {  	_ = 	snop  }
__scs_overlays_trampoline_lowered:
0x8: {  	[smem:$0x3FAE] =	sst s0  }
0x9: {  	[smem:$0x3FAF] =	sst s1  }
0xa: {  	[smem:$0x3FB0] =	sst s2  }
0xb: {  	[smem:$0x3FB1] =	sst s3  }
0xc: {  	[smem:$0x3FB2] =	sst s4  }
0xd: {  	[smem:$0x3FB3] =	sst s5  }
0xe: {  	[smem:$0x3FB4] =	sst s6  }
0xf: {  	[smem:$0x3FB5] =	sst s7  }
0x10: {  	[smem:$0x3FB6] =	sst s8  }
0x11: {  	[smem:$0x3FB7] =	sst s9;
	s0 =	simm.s32 @!p0 $0x0  }
0x12: {  	s1 =	sld [smem:$0x3F9D];
	s0 =	simm.s32 @p0 $0x1  }
0x13: {  	[smem:$0x3FB8] =	sst s0;
	s0 =	simm.s32 @!p1 $0x0  }
0x14: {  	s2 =	sld [smem:$0x3F9C];
	s0 =	simm.s32 @p1 $0x1  }
0x15: {  	[smem:$0x3FB9] =	sst s0;
	s0 =	simm.s32 @!p2 $0x0  }
0x16: {  	s3 =	sld [smem:$0x3FDB];
	s0 =	simm.s32 @p2 $0x1  }
0x17: {  	s4 =	simm.s32 $0x1BF5;
	[smem:$0x3FBB] =	sst s0  }
0x18: {  	s0 =	sld [smem:$0x3F9E];
	_ =	swait.ge [sflag:s4], $0x0  }
0x19: {  	s7 =	sld [smem:$0x3F9F]  }
0x1a: {  	s8 =	sadd.s32 $0xFFFFE003, lr  }
0x1b: {  	s9 =	sadd.s32 $0xFFFFFEF7, lr;
	s5 =	simm.s32 $0xFFFFFFFF;
	p2 =	slt.u32 s8, $0xFFFFF086  }
0x1c: {  	p1 =	slt.u32 s9, $0xF7A;
	s5 =	simm.s32 @!p2 $0x0  }
0x1d: {  	s5 =	simm.s32 @p1 $0x1;
	p0 =	seq.s32 s7, s2  }
0x1e: {  	s7 =	smul.u32 @!p0 $0xF7A, s2;
	p2 =	seq.s32 @!p0 s5, $0x0  }
0x1f: {  	s9 =	smul.u32 $0xF7A, s1;
	s8 =	simm.s32 @!p0 $0x1BF5;
	p2 =	por !p2, p0  }
0x20: {  	[sflag:s8] =	ssyncset.s32 @!p0 $0xFFFFF086;
	s6 =	sadd.s32 @!p0 s3, s7;
	s7 =	simm.s32 @!p0 $0x108  }
0x21: {  	s3 =	sadd.s32 s3, s9;
	s6 =	sadd.s32 @!p0 $0x88, s6;
	s7 =	simm.s32 @p2 $0x1082  }
0x22: {  	[simem:s7], [sflag:s8] =	dma.local @!p0 [hbm:s6], $0xF7A  }
0x23: {  	s9 =	sor.u32 $0xD0000000, s2;
	s6 =	simm.s32 $0x108;
	_ =	swait.ge @!p0 [sflag:s8], $0x0  }
0x24: {  	s3 =	sadd.s32 $0x88, s3;
	s6 =	simm.s32 @!p1 $0x1082;
	[sflag:s4] =	ssyncset.s32 $0xFFFFF086  }
0x25: {  	[simem:s6], [sflag:s4] =	dma.local [hbm:s3], $0xF7A  }
0x26: {  	[smem:$0x3F9F] =	sst s1;
	(tag) =	ssettag s2;
	_ =	strace s9  }
0x27: {  	s1 =	sld [smem:$0x3FAF]  }
0x28: {  	s2 =	sld [smem:$0x3FB0]  }
0x29: {  	s4 =	sld [smem:$0x3FB2]  }
0x2a: {  	p0 =	seq.s32 s5, $0x0;
	s5 =	sld [smem:$0x3FB3]  }
0x2b: {  	s6 =	sld [smem:$0x3FB4]  }
0x2c: {  	s7 =	sld [smem:$0x3FB5]  }
0x2d: {  	s3 =	simm.s32 $0x108;
	s8 =	sld [smem:$0x3FB6]  }
0x2e: {  	s3 =	simm.s32 @!p0 $0x1082;
	s9 =	sld [smem:$0x3FB7]  }
0x2f: {  	lr =	sadd.s32 s0, s3;
	s0 =	sld [smem:$0x3FAE]  }
0x30: {  	s3 =	sld [smem:$0x3FB1]  }
0x31: {  	[smem:$0x3FBA] =	sst s10  }
0x32: {  	s10 =	sld [smem:$0x3FB8];
	_ =	sdelay $0x3  }
0x33: {  	p0 =	seq.s32 s10, $0x1;
	s10 =	sld [smem:$0x3FBA];
	_ =	sdelay $0x3  }
0x34: {  	[smem:$0x3FBA] =	sst s10  }
0x35: {  	s10 =	sld [smem:$0x3FB9];
	_ =	sdelay $0x3  }
0x36: {  	p1 =	seq.s32 s10, $0x1;
	s10 =	sld [smem:$0x3FBA];
	_ =	sdelay $0x3  }
0x37: {  	[smem:$0x3FBA] =	sst s10  }
0x38: {  	s10 =	sld [smem:$0x3FBB]  }
0x39: {  	_ = 	snop;
	(pc) =	sbr.ind lr, $3  }
0x3a: {  	_ = 	snop  }
0x3b: {  	_ = 	snop  }
0x3c: {  	p2 =	seq.s32 s10, $0x1;
	s10 =	sld [smem:$0x3FBA]  }
0x3d: {  	_ =	shalt  }
0x3e: {  	_ =	shalt  }
0x3f: {  	_ =	shalt  }
0x40: {  	_ =	shalt  }
0x41: {  	_ =	shalt  }
0x42: {  	_ =	shalt  }
0x43: {  	_ =	shalt  }
0x44: {  	_ =	shalt  }
0x45: {  	_ =	shalt  }
0x46: {  	_ =	shalt  }
0x47: {  	_ =	shalt  }
0x48: {  	_ =	shalt  }
0x49: {  	_ =	shalt  }
0x4a: {  	_ =	shalt  }
0x4b: {  	_ =	shalt  }
0x4c: {  	_ =	shalt  }
0x4d: {  	_ =	shalt  }
0x4e: {  	_ =	shalt  }
0x4f: {  	_ =	shalt  }
0x50: {  	_ =	shalt  }
0x51: {  	_ =	shalt  }
0x52: {  	_ =	shalt  }
0x53: {  	_ =	shalt  }
0x54: {  	_ =	shalt  }
0x55: {  	_ =	shalt  }
0x56: {  	_ =	shalt  }
0x57: {  	_ =	shalt  }
0x58: {  	_ =	shalt  }
0x59: {  	_ =	shalt  }
0x5a: {  	_ =	shalt  }
0x5b: {  	_ =	shalt  }
0x5c: {  	_ =	shalt  }
0x5d: {  	_ =	shalt  }
0x5e: {  	_ =	shalt  }
0x5f: {  	_ =	shalt  }
0x60: {  	_ =	shalt  }
0x61: {  	_ =	shalt  }
0x62: {  	_ =	shalt  }
0x63: {  	_ =	shalt  }
0x64: {  	_ =	shalt  }
0x65: {  	_ =	shalt  }
0x66: {  	_ =	shalt  }
0x67: {  	_ =	shalt  }
0x68: {  	_ =	shalt  }
0x69: {  	_ =	shalt  }
0x6a: {  	_ =	shalt  }
0x6b: {  	_ =	shalt  }
0x6c: {  	_ =	shalt  }
0x6d: {  	_ =	shalt  }
0x6e: {  	_ =	shalt  }
0x6f: {  	_ =	shalt  }
0x70: {  	_ =	shalt  }
0x71: {  	_ =	shalt  }
0x72: {  	_ =	shalt  }
0x73: {  	_ =	shalt  }
0x74: {  	_ =	shalt  }
0x75: {  	_ =	shalt  }
0x76: {  	_ =	shalt  }
0x77: {  	_ =	shalt  }
0x78: {  	_ =	shalt  }
0x79: {  	_ =	shalt  }
0x7a: {  	_ =	shalt  }
0x7b: {  	_ =	shalt  }
0x7c: {  	_ =	shalt  }
0x7d: {  	_ =	shalt  }
0x7e: {  	_ =	shalt  }
0x7f: {  	_ =	shalt  }
0x80: {  	_ =	shalt  }
0x81: {  	_ =	shalt  }
0x82: {  	_ =	shalt  }
0x83: {  	_ =	shalt  }
0x84: {  	_ =	shalt  }
0x85: {  	_ =	shalt  }
0x86: {  	_ =	shalt  }
0x87: {  	_ =	shalt  }
.Lfunc_end0:
.L_simem_size_0:
called_computation_lowered:
.L_overlay_start_0:
0x88: {  	s2 =	sld [smem:$0x3FD9]  }
0x89: {  	s3 =	sld [smem:$0x3FFE];
	_ =	sdelay $0x1  }
0x8a: {  	s1 =	srdreg.scid  }
0x8b: {  	s0 =	sand.u32 $0x1, s1  }
0x8c: {  	s16 =	sshll.u32 s0, $0xA;
	s2 =	sadd.s32 s3, s2  }
0x8d: {  	s2 =	sadd.s32 s2, s16  }
0x8e: {  	[smem:$0x3FC6] =	sst s2  }
0x8f: {  	_ = 	snop  }
0x90: {  	(tm) =	ssettm $0x1  }
0x91: {  	s17 =	sld [smem:$0x3FFB];
	_ =	sdelay $0x3  }
0x92: {  	_ =	strace s17  }
0x93: {  	s2 =	sld [smem:$0x3FFC];
	_ =	sdelay $0x3  }
0x94: {  	_ =	strace s2  }
0x95: {  	s2 =	sld [smem:$0x3FFD];
	_ =	sdelay $0x3  }
0x96: {  	_ =	strace s2  }
0x97: {  	_ =	strace $0x8FFFFFFF  }
0x98: {  	s18 =	sld [smem:$0x3FDB];
	_ =	sdelay $0x1  }
0x99: {  	s19 =	simm.s32 $_scs_section_size  }
0x9a: {  	s4 =	simm.s32 $_size__tile_overlayer_lowered;
	s5 =	simm.s32 $_tile_overlayer_lowered  }
0x9b: {  	s22 =	simm.s32 $0x1BFF;
	s21 =	sshll.u32 s5, $0x1;
	s2 =	sadd.s32 s19, s18  }
0x9c: {  	s6 =	simm.s32 $0x0;
	s20 =	sshll.u32 s4, $0x1;
	s4 =	sadd.s32 s21, s2  }
0x9d: {  	[timem:s6], [sflag:s22] =	dma.local [hbm:s4], s20  }
0x9e: {  	_ =	swait.ge [sflag:s22], s20  }
0x9f: {  	s3 =	ssub.s32 $0x0, s20;
	[sflag:s22] =	ssyncset.done $0x0  }
0xa0: {  	[sflag:s22] =	ssyncadd.s32 s3;
	_ =	sdelay $0x1  }
0xa1: {  	s23 =	simm.s32 $0x1B8B  }
0xa2: {  	_ =	swait.ge [sflag:s23], $0x1  }
0xa3: {  	[sflag:s23] =	ssyncset.done $0x0  }
0xa4: {  	s25 =	simm.s32 $0x1B8E;
	s24 =	sld [smem:$0x3FFE];
	[sflag:s23] =	ssyncadd.s32 $0xFFFFFFFF  }
0xa5: {  	s26 =	simm.s32 $execute0_lowered;
	[smem:$0x3FD2] =	sst s25  }
0xa6: {  	s4 =	sshll.u32 s26, $0x1;
	_ =	strace $0x80000046;
	[dreg:$0x1] =	wrdreg $0xFFFFFFFF  }
0xa7: {  	s28 =	simm.s32 $_size_execute0_lowered;
	s2 =	sadd.s32 s2, s4;
	[dreg:$0x0] =	wrdreg $0x0  }
0xa8: {  	s4 =	sshll.u32 s28, $0x1;
	[dreg:$0x2] =	wrdreg s2  }
0xa9: {  	[dreg:$0x3] =	wrdreg s4  }
0xaa: {  	[dreg:$0x4] =	wrdreg $0xC0  }
0xab: {  	_ =	task [dreg:s6], $0x5FFFF  }
0xac: {  	[dreg:$0x1] =	wrdreg $0xFFFFFFFF  }
0xad: {  	[dreg:$0x0] =	wrdreg $0x60  }
0xae: {  	[dreg:$0x2] =	wrdreg s24  }
0xaf: {  	[dreg:$0x3] =	wrdreg $0x9  }
0xb0: {  	_ =	task.clear_ibuf [dreg:s6], $0x4FFFF;
	_ =	strace $0x90000046  }
0xb1: {  	s29 =	simm.s32 $0x9;
	_ =	strace $0x80000048  }
0xb2: {  	_ =	swait.ge [sflag:s29], $0x1  }
0xb3: {  	[sflag:s29] =	ssyncadd.s32 $0xFFFFFFFF  }
0xb4: {  	_ =	strace $0x90000048  }
0xb5: {  	_ =	sfence  }
0xb6: {  	s30 =	sld [smem:$0x0];
	_ =	sdelay $0x2  }
0xb7: {  	s31 =	sshll.u32 s1, $0xD;
	s1 =	sshrl.u32 s1, $0x2  }
0xb8: {  	s3 =	sand.u32 $0x4000, s31;
	s1 =	sadd.s32 s1, s30  }
0xb9: {  	s0 =	sor.u32 s3, s0;
	s1 =	sshll.u32 s1, $0x11  }
0xba: {  	s0 =	sor.u32 s1, s0  }
0xbb: {  	s0 =	sadd.s32 $0x8F2B, s0  }
0xbc: {  	[sflag:s0] =	ssyncadd.remote.s32 $0x1  }
0xbd: {  	_ =	sfence.sel $0xFFFF  }
0xbe: {  	[dreg:$0x0] =	wrdreg $0xFFFFFFFF;
	(pc) =	sbr.abs _section_cstart, $3  }
0xbf: {  	[dreg:$0x1] =	wrdreg $0xFFFFFFFF  }
0xc0: {  	_ =	task.clear_ibuf [dreg:s6], $0x2FFFF;
	_ =	strace $0x9FFFFFFF  }
0xc1: {  	(tm) =	ssettm $0x7FFFFFFF  }
tec
execute0_lowered:
.L_overlay_start_1:
0x0: {  	(tag) =	ssettag $0x1  }
0x1: {  	s3 =	rddreg [dreg:$0x0]  }
0x2: {  	s0 =	rddreg [dreg:$0x1];
	s4 =	srdreg.scid;
	s2 =	simm.s32 $0x0  }
0x3: {  	s1 =	stileid.u32;
	s9 =	simm.s32 $0x400;
	s10 =	simm.s32 $0x4000  }
0x4: {  	s11 =	simm.s32 $0x5000;
	s12 =	simm.s32 $0x0;
	s4 =	sand.u32 $0x1, s4  }
0x5: {  	[smem:$0x7FF] =	sst s2;
	s5 =	sshll.u32 s1, $0xB;
	s8 =	sshll.u32 s1, $0x10  }
.Ltmp0:
0x6: {  	s6 =	sshll.u32 s4, $0xF;
	_ =	strace $0x80000047;
	(pc) =	sbr.rel .LBB2_1-.Ltmp0, $4  }
0x7: {  	s30 =	ssub.s32 $0x2, s4;
	s31 =	sshll.u32 s4, $0x14;
	s5 =	sor.u32 s5, s6  }
0x8: {  	s7 =	sshrl.u32 s30, $0x1;
	s5 =	sadd.s32 s5, s3;
	s3 =	sadd.s32 $0x11400, s3  }
0x9: {  	s6 =	ssub.s32 s30, s7;
	s7 =	simm.s32 $0x3;
	s4 =	sadd.s32 $0x1400, s5  }
0xa: {  	v0 =	vimm.f32 $0.0e+00;
	v1 =	vlaneseq.u32;
	s5 =	smax.u32 s6, $0x1;
	s6 =	sor.u32 s8, s31;
	s8 =	simm.s32 $0x80  }
.LBB2_6:
0xb: {  	s12 =	sadd.s32 $0x1, s12  }
0xc: {  	p0 =	sne.s32 s12, s5  }
.Ltmp1:
0xd: {  	_ = 	snop;
	(pc) =	sbr.rel @!p0 .LBB2_7-.Ltmp1, $1  }
0xe: {  	_ =	sdelay $0x3  }
.LBB2_1:
0xf: {  	[tilespmem:s2], [sflag:$0x3] =	stream.linear.gather [hbm4b:s4+s2], $0x4000, $0x38;
	[tilespmem:$0x6000] =	vst v63  }
0x10: {  	_ =	swait.ge [sflag:s7], $0x4000  }
0x11: {  	[sflag:s7] =	ssyncset.done $0x0  }
0x12: {  	s13 =	simm.s32 $0x0;
	[sflag:s7] =	ssyncadd.s32 $0xFFFFC000  }
.LBB2_2:
0x13: {  	p0 =	sne.s32 s13, $0x3FC0  }
.Ltmp2:
0x14: {  	_ = 	snop;
	(pc) =	sbr.rel @p0 .LBB2_2-.Ltmp2, $4  }
0x15: {  	_ = 	snop  }
0x16: {  	s14 =	sshra.s32 s13, $0x2  }
0x17: {  	[tilespmem:s14+$0x4000] =	vst v0  }
0x18: {  	s13 =	sadd.s32 $0x40, s13;
	[tilespmem:s14+$0x5000] =	vst v0  }
0x19: {  	s13 =	simm.s32 $0x0;
	s14 =	simm.s32 $0x10;
	s15 =	simm.s32 $0x0  }
.LBB2_4:
0x1a: {  	p0 =	seq.s32 s15, $0x0  }
0x1b: {  	s16 =	simm.s32 @!p0 $0x1  }
0x1c: {  	_ =	swait.ge @!p0 [sflag:s16], $0x1000  }
0x1d: {  	[sflag:s16] =	ssyncset.done @!p0 $0x0  }
0x1e: {  	[sflag:s16] =	ssyncadd.s32 @!p0 $0xFFFFF000;
	s16 =	sshra.s32 @!p0 s13, $0x2  }
0x1f: {  	v2 =	vld @!p0 [tilespmem:s16+$0xFFFFFF00];
	_ =	sdelay $0x4  }
0x20: {  	(v2sf) =	vpush @!p0 v2, $0x0  }
0x21: {  	(v2sf) =	vpush @!p0 v2, $0x1  }
0x22: {  	(v2sf) =	vpush @!p0 v2, $0x2  }
0x23: {  	(v2sf) =	vpush @!p0 v2, $0x3  }
0x24: {  	(v2sf) =	vpush @!p0 v2, $0x4  }
0x25: {  	(v2sf) =	vpush @!p0 v2, $0x5  }
0x26: {  	(v2sf) =	vpush @!p0 v2, $0x6  }
0x27: {  	(v2sf) =	vpush @!p0 v2, $0x7  }
0x28: {  	(v2sf) =	vpush @!p0 v2, $0x8  }
0x29: {  	(v2sf) =	vpush @!p0 v2, $0x9  }
0x2a: {  	(v2sf) =	vpush @!p0 v2, $0xA  }
0x2b: {  	v3 =	vld @!p0 [tilespmem:s16+$0xFFFFFF10];
	(v2sf) =	vpush @!p0 v2, $0xB  }
0x2c: {  	(v2sf) =	vpush @!p0 v2, $0xC  }
0x2d: {  	(v2sf) =	vpush @!p0 v2, $0xD  }
0x2e: {  	(v2sf) =	vpush @!p0 v2, $0xE  }
0x2f: {  	s17 =	spop @!p0 (v2sf);
	(v2sf) =	vpush @!p0 v2, $0xF  }
0x30: {  	v2 =	vimm.f32 @!p0 $0.0e+00;
	s17 =	sand.u32 @!p0 $0xFFFFFFF0, s17;
	s18 =	spop @!p0 (v2sf);
	(v2sf) =	vpush @!p0 v3, $0x0  }
0x31: {  	[tilespmem:s17+$0x4000] =	vst @!p0 v2;
	s17 =	sand.u32 @!p0 $0xFFFFFFF0, s18;
	s18 =	spop @!p0 (v2sf);
	(v2sf) =	vpush @!p0 v3, $0x1  }
0x32: {  	[tilespmem:s17+$0x4000] =	vst @!p0 v2;
	s17 =	sand.u32 @!p0 $0xFFFFFFF0, s18;
	s18 =	spop @!p0 (v2sf);
	(v2sf) =	vpush @!p0 v3, $0x2  }
0x33: {  	[tilespmem:s17+$0x4000] =	vst @!p0 v2;
	s17 =	sand.u32 @!p0 $0xFFFFFFF0, s18;
	s18 =	spop @!p0 (v2sf);
	(v2sf) =	vpush @!p0 v3, $0x3  }
0x34: {  	[tilespmem:s17+$0x4000] =	vst @!p0 v2;
	s17 =	sand.u32 @!p0 $0xFFFFFFF0, s18;
	s18 =	spop @!p0 (v2sf);
	(v2sf) =	vpush @!p0 v3, $0x4  }
0x35: {  	[tilespmem:s17+$0x4000] =	vst @!p0 v2;
	s17 =	sand.u32 @!p0 $0xFFFFFFF0, s18;
	s18 =	spop @!p0 (v2sf);
	(v2sf) =	vpush @!p0 v3, $0x5  }
0x36: {  	[tilespmem:s17+$0x4000] =	vst @!p0 v2;
	s17 =	sand.u32 @!p0 $0xFFFFFFF0, s18;
	s18 =	spop @!p0 (v2sf);
	(v2sf) =	vpush @!p0 v3, $0x6  }
0x37: {  	[tilespmem:s17+$0x4000] =	vst @!p0 v2;
	s17 =	sand.u32 @!p0 $0xFFFFFFF0, s18;
	s18 =	spop @!p0 (v2sf);
	(v2sf) =	vpush @!p0 v3, $0x7  }
0x38: {  	[tilespmem:s17+$0x4000] =	vst @!p0 v2;
	s17 =	sand.u32 @!p0 $0xFFFFFFF0, s18;
	s18 =	spop @!p0 (v2sf);
	(v2sf) =	vpush @!p0 v3, $0x8  }
0x39: {  	[tilespmem:s17+$0x4000] =	vst @!p0 v2;
	s17 =	sand.u32 @!p0 $0xFFFFFFF0, s18;
	s18 =	spop @!p0 (v2sf);
	(v2sf) =	vpush @!p0 v3, $0x9  }
0x3a: {  	[tilespmem:s17+$0x4000] =	vst @!p0 v2;
	s17 =	sand.u32 @!p0 $0xFFFFFFF0, s18;
	s18 =	spop @!p0 (v2sf);
	(v2sf) =	vpush @!p0 v3, $0xA  }
0x3b: {  	[tilespmem:s17+$0x4000] =	vst @!p0 v2;
	s17 =	sand.u32 @!p0 $0xFFFFFFF0, s18;
	s18 =	spop @!p0 (v2sf);
	(v2sf) =	vpush @!p0 v3, $0xB  }
0x3c: {  	[tilespmem:s17+$0x4000] =	vst @!p0 v2;
	s17 =	sand.u32 @!p0 $0xFFFFFFF0, s18;
	s18 =	spop @!p0 (v2sf);
	(v2sf) =	vpush @!p0 v3, $0xC  }
0x3d: {  	[tilespmem:s17+$0x4000] =	vst @!p0 v2;
	s17 =	sand.u32 @!p0 $0xFFFFFFF0, s18;
	s18 =	spop @!p0 (v2sf);
	(v2sf) =	vpush @!p0 v3, $0xD  }
0x3e: {  	[tilespmem:s17+$0x4000] =	vst @!p0 v2;
	s17 =	sand.u32 @!p0 $0xFFFFFFF0, s18;
	s18 =	spop @!p0 (v2sf);
	(v2sf) =	vpush @!p0 v3, $0xE  }
0x3f: {  	[tilespmem:s17+$0x4000] =	vst @!p0 v2;
	s17 =	sand.u32 @!p0 $0xFFFFFFF0, s18;
	s18 =	spop @!p0 (v2sf);
	(v2sf) =	vpush @!p0 v3, $0xF  }
0x40: {  	[tilespmem:s17+$0x4000] =	vst @!p0 v2;
	s17 =	sand.u32 @!p0 $0xFFFFFFF0, s18;
	s18 =	spop @!p0 (v2sf)  }
0x41: {  	[tilespmem:s17+$0x4000] =	vst @!p0 v2;
	s17 =	sand.u32 @!p0 $0xFFFFFFF0, s18;
	s18 =	spop @!p0 (v2sf)  }
0x42: {  	[tilespmem:s17+$0x4000] =	vst @!p0 v2;
	s17 =	sand.u32 @!p0 $0xFFFFFFF0, s18;
	s18 =	spop @!p0 (v2sf)  }
0x43: {  	[tilespmem:s17+$0x4000] =	vst @!p0 v2;
	s17 =	sand.u32 @!p0 $0xFFFFFFF0, s18;
	s18 =	spop @!p0 (v2sf)  }
0x44: {  	[tilespmem:s17+$0x4000] =	vst @!p0 v2;
	s17 =	sand.u32 @!p0 $0xFFFFFFF0, s18;
	s18 =	spop @!p0 (v2sf)  }
0x45: {  	[tilespmem:s17+$0x4000] =	vst @!p0 v2;
	s17 =	sand.u32 @!p0 $0xFFFFFFF0, s18;
	s18 =	spop @!p0 (v2sf)  }
0x46: {  	[tilespmem:s17+$0x4000] =	vst @!p0 v2;
	s17 =	sand.u32 @!p0 $0xFFFFFFF0, s18;
	s18 =	spop @!p0 (v2sf)  }
0x47: {  	[tilespmem:s17+$0x4000] =	vst @!p0 v2;
	s17 =	sand.u32 @!p0 $0xFFFFFFF0, s18;
	s18 =	spop @!p0 (v2sf)  }
0x48: {  	[tilespmem:s17+$0x4000] =	vst @!p0 v2;
	s17 =	sand.u32 @!p0 $0xFFFFFFF0, s18;
	s18 =	spop @!p0 (v2sf)  }
0x49: {  	[tilespmem:s17+$0x4000] =	vst @!p0 v2;
	s17 =	sand.u32 @!p0 $0xFFFFFFF0, s18;
	s18 =	spop @!p0 (v2sf)  }
0x4a: {  	[tilespmem:s17+$0x4000] =	vst @!p0 v2;
	s17 =	sand.u32 @!p0 $0xFFFFFFF0, s18;
	s18 =	spop @!p0 (v2sf)  }
0x4b: {  	[tilespmem:s17+$0x4000] =	vst @!p0 v2;
	s17 =	sand.u32 @!p0 $0xFFFFFFF0, s18;
	s18 =	spop @!p0 (v2sf)  }
0x4c: {  	[tilespmem:s17+$0x4000] =	vst @!p0 v2;
	s17 =	sand.u32 @!p0 $0xFFFFFFF0, s18;
	s18 =	spop @!p0 (v2sf)  }
0x4d: {  	[tilespmem:s17+$0x4000] =	vst @!p0 v2;
	s17 =	sand.u32 @!p0 $0xFFFFFFF0, s18;
	s18 =	spop @!p0 (v2sf)  }
0x4e: {  	[tilespmem:s17+$0x4000] =	vst @!p0 v2;
	s17 =	sand.u32 @!p0 $0xFFFFFFF0, s18;
	s18 =	spop @!p0 (v2sf)  }
0x4f: {  	[tilespmem:s17+$0x4000] =	vst @!p0 v2;
	s17 =	sand.u32 @!p0 $0xFFFFFFF0, s18  }
0x50: {  	[tilespmem:s17+$0x4000] =	vst @!p0 v2;
	s17 =	simm.s32 @!p0 $0x2  }
0x51: {  	_ =	swait.ge @!p0 [sflag:s17], $0x1000  }
0x52: {  	[sflag:s17] =	ssyncset.done @!p0 $0x0  }
0x53: {  	[sflag:s17] =	ssyncadd.s32 @!p0 $0xFFFFF000  }
0x54: {  	v3 =	vld @!p0 [tilespmem:s16+$0xFFFFFF80];
	_ =	sdelay $0x4  }
0x55: {  	(v2sf) =	vpush @!p0 v3, $0x0  }
0x56: {  	(v2sf) =	vpush @!p0 v3, $0x1  }
0x57: {  	(v2sf) =	vpush @!p0 v3, $0x2  }
0x58: {  	(v2sf) =	vpush @!p0 v3, $0x3  }
0x59: {  	(v2sf) =	vpush @!p0 v3, $0x4  }
0x5a: {  	(v2sf) =	vpush @!p0 v3, $0x5  }
0x5b: {  	(v2sf) =	vpush @!p0 v3, $0x6  }
0x5c: {  	(v2sf) =	vpush @!p0 v3, $0x7  }
0x5d: {  	(v2sf) =	vpush @!p0 v3, $0x8  }
0x5e: {  	(v2sf) =	vpush @!p0 v3, $0x9  }
0x5f: {  	(v2sf) =	vpush @!p0 v3, $0xA  }
0x60: {  	v4 =	vld @!p0 [tilespmem:s16+$0xFFFFFF90];
	(v2sf) =	vpush @!p0 v3, $0xB  }
0x61: {  	(v2sf) =	vpush @!p0 v3, $0xC  }
0x62: {  	(v2sf) =	vpush @!p0 v3, $0xD  }
0x63: {  	(v2sf) =	vpush @!p0 v3, $0xE  }
0x64: {  	s16 =	spop @!p0 (v2sf);
	(v2sf) =	vpush @!p0 v3, $0xF  }
0x65: {  	s16 =	sand.u32 @!p0 $0xFFFFFFF0, s16;
	s17 =	spop @!p0 (v2sf);
	(v2sf) =	vpush @!p0 v4, $0x0  }
0x66: {  	[tilespmem:s16+$0x5000] =	vst @!p0 v2;
	s16 =	sand.u32 @!p0 $0xFFFFFFF0, s17;
	s17 =	spop @!p0 (v2sf);
	(v2sf) =	vpush @!p0 v4, $0x1  }
0x67: {  	[tilespmem:s16+$0x5000] =	vst @!p0 v2;
	s16 =	sand.u32 @!p0 $0xFFFFFFF0, s17;
	s17 =	spop @!p0 (v2sf);
	(v2sf) =	vpush @!p0 v4, $0x2  }
0x68: {  	[tilespmem:s16+$0x5000] =	vst @!p0 v2;
	s16 =	sand.u32 @!p0 $0xFFFFFFF0, s17;
	s17 =	spop @!p0 (v2sf);
	(v2sf) =	vpush @!p0 v4, $0x3  }
0x69: {  	[tilespmem:s16+$0x5000] =	vst @!p0 v2;
	s16 =	sand.u32 @!p0 $0xFFFFFFF0, s17;
	s17 =	spop @!p0 (v2sf);
	(v2sf) =	vpush @!p0 v4, $0x4  }
0x6a: {  	[tilespmem:s16+$0x5000] =	vst @!p0 v2;
	s16 =	sand.u32 @!p0 $0xFFFFFFF0, s17;
	s17 =	spop @!p0 (v2sf);
	(v2sf) =	vpush @!p0 v4, $0x5  }
0x6b: {  	[tilespmem:s16+$0x5000] =	vst @!p0 v2;
	s16 =	sand.u32 @!p0 $0xFFFFFFF0, s17;
	s17 =	spop @!p0 (v2sf);
	(v2sf) =	vpush @!p0 v4, $0x6  }
0x6c: {  	[tilespmem:s16+$0x5000] =	vst @!p0 v2;
	s16 =	sand.u32 @!p0 $0xFFFFFFF0, s17;
	s17 =	spop @!p0 (v2sf);
	(v2sf) =	vpush @!p0 v4, $0x7  }
0x6d: {  	[tilespmem:s16+$0x5000] =	vst @!p0 v2;
	s16 =	sand.u32 @!p0 $0xFFFFFFF0, s17;
	s17 =	spop @!p0 (v2sf);
	(v2sf) =	vpush @!p0 v4, $0x8  }
0x6e: {  	[tilespmem:s16+$0x5000] =	vst @!p0 v2;
	s16 =	sand.u32 @!p0 $0xFFFFFFF0, s17;
	s17 =	spop @!p0 (v2sf);
	(v2sf) =	vpush @!p0 v4, $0x9  }
0x6f: {  	[tilespmem:s16+$0x5000] =	vst @!p0 v2;
	s16 =	sand.u32 @!p0 $0xFFFFFFF0, s17;
	s17 =	spop @!p0 (v2sf);
	(v2sf) =	vpush @!p0 v4, $0xA  }
0x70: {  	[tilespmem:s16+$0x5000] =	vst @!p0 v2;
	s16 =	sand.u32 @!p0 $0xFFFFFFF0, s17;
	s17 =	spop @!p0 (v2sf);
	(v2sf) =	vpush @!p0 v4, $0xB  }
0x71: {  	[tilespmem:s16+$0x5000] =	vst @!p0 v2;
	s16 =	sand.u32 @!p0 $0xFFFFFFF0, s17;
	s17 =	spop @!p0 (v2sf);
	(v2sf) =	vpush @!p0 v4, $0xC  }
0x72: {  	[tilespmem:s16+$0x5000] =	vst @!p0 v2;
	s16 =	sand.u32 @!p0 $0xFFFFFFF0, s17;
	s17 =	spop @!p0 (v2sf);
	(v2sf) =	vpush @!p0 v4, $0xD  }
0x73: {  	[tilespmem:s16+$0x5000] =	vst @!p0 v2;
	s16 =	sand.u32 @!p0 $0xFFFFFFF0, s17;
	s17 =	spop @!p0 (v2sf);
	(v2sf) =	vpush @!p0 v4, $0xE  }
0x74: {  	[tilespmem:s16+$0x5000] =	vst @!p0 v2;
	s16 =	sand.u32 @!p0 $0xFFFFFFF0, s17;
	s17 =	spop @!p0 (v2sf);
	(v2sf) =	vpush @!p0 v4, $0xF  }
0x75: {  	[tilespmem:s16+$0x5000] =	vst @!p0 v2;
	s16 =	spop @!p0 (v2sf);
	s17 =	sand.u32 @!p0 $0xFFFFFFF0, s17  }
0x76: {  	[tilespmem:s17+$0x5000] =	vst @!p0 v2;
	s17 =	spop @!p0 (v2sf);
	s16 =	sand.u32 @!p0 $0xFFFFFFF0, s16  }
0x77: {  	[tilespmem:s16+$0x5000] =	vst @!p0 v2;
	s16 =	spop @!p0 (v2sf);
	s17 =	sand.u32 @!p0 $0xFFFFFFF0, s17  }
0x78: {  	[tilespmem:s17+$0x5000] =	vst @!p0 v2;
	s17 =	spop @!p0 (v2sf);
	s16 =	sand.u32 @!p0 $0xFFFFFFF0, s16  }
0x79: {  	[tilespmem:s16+$0x5000] =	vst @!p0 v2;
	s16 =	spop @!p0 (v2sf);
	s17 =	sand.u32 @!p0 $0xFFFFFFF0, s17  }
0x7a: {  	[tilespmem:s17+$0x5000] =	vst @!p0 v2;
	s17 =	spop @!p0 (v2sf);
	s16 =	sand.u32 @!p0 $0xFFFFFFF0, s16  }
0x7b: {  	[tilespmem:s16+$0x5000] =	vst @!p0 v2;
	s16 =	spop @!p0 (v2sf);
	s17 =	sand.u32 @!p0 $0xFFFFFFF0, s17  }
0x7c: {  	[tilespmem:s17+$0x5000] =	vst @!p0 v2;
	s17 =	spop @!p0 (v2sf);
	s16 =	sand.u32 @!p0 $0xFFFFFFF0, s16  }
0x7d: {  	[tilespmem:s16+$0x5000] =	vst @!p0 v2;
	s16 =	spop @!p0 (v2sf);
	s17 =	sand.u32 @!p0 $0xFFFFFFF0, s17  }
0x7e: {  	[tilespmem:s17+$0x5000] =	vst @!p0 v2;
	s17 =	spop @!p0 (v2sf);
	s16 =	sand.u32 @!p0 $0xFFFFFFF0, s16  }
0x7f: {  	p1 =	seq.s32 @!p0 s15, $0x40;
	[tilespmem:s16+$0x5000] =	vst @!p0 v2;
	s16 =	spop @!p0 (v2sf);
	s17 =	sand.u32 @!p0 $0xFFFFFFF0, s17  }
0x80: {  	p1 =	por p0, !p1;
	[tilespmem:s17+$0x5000] =	vst @!p0 v2;
	s17 =	spop @!p0 (v2sf);
	s16 =	sand.u32 @!p0 $0xFFFFFFF0, s16  }
.Ltmp3:
0x81: {  	[tilespmem:s16+$0x5000] =	vst @!p0 v2;
	s16 =	spop @!p0 (v2sf);
	s17 =	sand.u32 @!p0 $0xFFFFFFF0, s17;
	(pc) =	sbr.rel @!p1 .LBB2_6-.Ltmp3, $4  }
0x82: {  	[tilespmem:s17+$0x5000] =	vst @!p0 v2;
	s17 =	spop @!p0 (v2sf);
	s16 =	sand.u32 @!p0 $0xFFFFFFF0, s16  }
0x83: {  	[tilespmem:s16+$0x5000] =	vst @!p0 v2;
	s16 =	sand.u32 @!p0 $0xFFFFFFF0, s17;
	s17 =	spop @!p0 (v2sf)  }
0x84: {  	[tilespmem:s16+$0x5000] =	vst @!p0 v2;
	s16 =	sand.u32 @!p0 $0xFFFFFFF0, s17  }
0x85: {  	[tilespmem:s16+$0x5000] =	vst @!p0 v2  }
0x86: {  	s16 =	smov.u32 s13  }
0x87: {  	s16 =	simm.s32 @p0 $0x0  }
0x88: {  	s16 =	sshra.s32 s16, $0x2  }
0x89: {  	v3 =	vld [tilespmem:s16+$0x0];
	_ =	sdelay $0x4  }
0x8a: {  	(v2sf) =	vpush v3, $0x0;
	_ =	sdelay $0x7  }
0x8b: {  	(v2sf) =	vpush v3, $0x1;
	_ =	sdelay $0x6  }
0x8c: {  	s17 =	spop (v2sf)  }
0x8d: {  	(v2sf) =	vpush v3, $0x2;
	s18 =	sand.u32 $0xFFFFFFF0, s17  }
0x8e: {  	v2 =	vld [tilespmem:s18+$0x4000]  }
0x8f: {  	s17 =	sand.u32 $0xF, s17  }
0x90: {  	v4 =	vmov s17  }
0x91: {  	vm0 =	veq.s32 v4, v1  }
0x92: {  	v4 =	vsel vm0, $0x3F800000, v0  }
0x93: {  	v4 =	vadd.f32 v4, v2  }
0x94: {  	s24 =	spop (v2sf)  }
0x95: {  	(v2sf) =	vpush v3, $0x3;
	s25 =	sand.u32 $0xFFFFFFF0, s24;
	v2 =	vld [tilespmem:s16+$0x10];
	[tilespmem:s18+$0x4000] =	vst v4  }
0x96: {  	v4 =	vld [tilespmem:s25+$0x4000]  }
0x97: {  	s16 =	sand.u32 $0xF, s24  }
0x98: {  	v5 =	vmov s16  }
0x99: {  	vm13 =	veq.s32 v5, v1  }
0x9a: {  	v5 =	vsel vm13, $0x3F800000, v0  }
0x9b: {  	v4 =	vadd.f32 v5, v4  }
0x9c: {  	s26 =	spop (v2sf)  }
0x9d: {  	(v2sf) =	vpush v3, $0x4;
	s28 =	sand.u32 $0xFFFFFFF0, s26;
	[tilespmem:s25+$0x4000] =	vst v4  }
0x9e: {  	v4 =	vld [tilespmem:s28+$0x4000]  }
0x9f: {  	s16 =	sand.u32 $0xF, s26  }
0xa0: {  	v8 =	vmov s16  }
0xa1: {  	vm14 =	veq.s32 v8, v1  }
0xa2: {  	v5 =	vsel vm14, $0x3F800000, v0  }
0xa3: {  	v4 =	vadd.f32 v5, v4  }
0xa4: {  	s29 =	spop (v2sf)  }
0xa5: {  	(v2sf) =	vpush v3, $0x5;
	s30 =	sand.u32 $0xFFFFFFF0, s29;
	[tilespmem:s28+$0x4000] =	vst v4  }
0xa6: {  	v4 =	vld [tilespmem:s30+$0x4000]  }
0xa7: {  	s16 =	sand.u32 $0xF, s29  }
0xa8: {  	v9 =	vmov s16  }
0xa9: {  	vm15 =	veq.s32 v9, v1  }
0xaa: {  	v5 =	vsel vm15, $0x3F800000, v0  }
0xab: {  	v4 =	vadd.f32 v4, v5  }
0xac: {  	s31 =	spop (v2sf)  }
0xad: {  	(v2sf) =	vpush v3, $0x6;
	s18 =	sand.u32 $0xFFFFFFF0, s31;
	[tilespmem:s30+$0x4000] =	vst v4  }
0xae: {  	v4 =	vld [tilespmem:s18+$0x4000]  }
0xaf: {  	s16 =	sand.u32 $0xF, s31  }
0xb0: {  	v10 =	vmov s16  }
0xb1: {  	vm4 =	veq.s32 v10, v1  }
0xb2: {  	v5 =	vsel vm4, $0x3F800000, v0  }
0xb3: {  	v4 =	vadd.f32 v4, v5  }
0xb4: {  	s19 =	spop (v2sf)  }
0xb5: {  	(v2sf) =	vpush v3, $0x7;
	s20 =	sand.u32 $0xFFFFFFF0, s19;
	[tilespmem:s18+$0x4000] =	vst v4  }
0xb6: {  	v4 =	vld [tilespmem:s20+$0x4000]  }
0xb7: {  	s16 =	sand.u32 $0xF, s19  }
0xb8: {  	v11 =	vmov s16  }
0xb9: {  	vm5 =	veq.s32 v11, v1  }
0xba: {  	v5 =	vsel vm5, $0x3F800000, v0  }
0xbb: {  	v4 =	vadd.f32 v4, v5  }
0xbc: {  	s21 =	spop (v2sf)  }
0xbd: {  	(v2sf) =	vpush v3, $0x8;
	s22 =	sand.u32 $0xFFFFFFF0, s21;
	[tilespmem:s20+$0x4000] =	vst v4  }
0xbe: {  	v4 =	vld [tilespmem:s22+$0x4000]  }
0xbf: {  	s16 =	sand.u32 $0xF, s21  }
0xc0: {  	v12 =	vmov s16  }
0xc1: {  	vm6 =	veq.s32 v12, v1  }
0xc2: {  	v5 =	vsel vm6, $0x3F800000, v0  }
0xc3: {  	v4 =	vadd.f32 v4, v5  }
0xc4: {  	s23 =	spop (v2sf)  }
0xc5: {  	(v2sf) =	vpush v3, $0x9;
	s24 =	sand.u32 $0xFFFFFFF0, s23;
	[tilespmem:s22+$0x4000] =	vst v4  }
0xc6: {  	v4 =	vld [tilespmem:s24+$0x4000]  }
0xc7: {  	s16 =	sand.u32 $0xF, s23  }
0xc8: {  	v13 =	vmov s16  }
0xc9: {  	vm7 =	veq.s32 v13, v1  }
0xca: {  	v5 =	vsel vm7, $0x3F800000, v0  }
0xcb: {  	v4 =	vadd.f32 v4, v5  }
0xcc: {  	s25 =	spop (v2sf)  }
0xcd: {  	(v2sf) =	vpush v3, $0xA;
	s26 =	sand.u32 $0xFFFFFFF0, s25;
	[tilespmem:s24+$0x4000] =	vst v4  }
0xce: {  	v4 =	vld [tilespmem:s26+$0x4000]  }
0xcf: {  	s16 =	sand.u32 $0xF, s25  }
0xd0: {  	v14 =	vmov s16  }
0xd1: {  	vm8 =	veq.s32 v14, v1  }
0xd2: {  	v5 =	vsel vm8, $0x3F800000, v0  }
0xd3: {  	v4 =	vadd.f32 v4, v5  }
0xd4: {  	s28 =	spop (v2sf)  }
0xd5: {  	(v2sf) =	vpush v3, $0xB;
	s29 =	sand.u32 $0xFFFFFFF0, s28;
	[tilespmem:s26+$0x4000] =	vst v4  }
0xd6: {  	v4 =	vld [tilespmem:s29+$0x4000]  }
0xd7: {  	s16 =	sand.u32 $0xF, s28  }
0xd8: {  	v15 =	vmov s16  }
0xd9: {  	vm9 =	veq.s32 v15, v1  }
0xda: {  	v5 =	vsel vm9, $0x3F800000, v0  }
0xdb: {  	v4 =	vadd.f32 v4, v5  }
0xdc: {  	s30 =	spop (v2sf)  }
0xdd: {  	(v2sf) =	vpush v3, $0xC;
	s31 =	sand.u32 $0xFFFFFFF0, s30;
	[tilespmem:s29+$0x4000] =	vst v4  }
0xde: {  	v4 =	vld [tilespmem:s31+$0x4000]  }
0xdf: {  	s16 =	sand.u32 $0xF, s30  }
0xe0: {  	v16 =	vmov s16  }
0xe1: {  	vm10 =	veq.s32 v16, v1  }
0xe2: {  	v5 =	vsel vm10, $0x3F800000, v0  }
0xe3: {  	v4 =	vadd.f32 v4, v5  }
0xe4: {  	s18 =	spop (v2sf)  }
0xe5: {  	(v2sf) =	vpush v3, $0xD;
	s19 =	sand.u32 $0xFFFFFFF0, s18;
	[tilespmem:s31+$0x4000] =	vst v4  }
0xe6: {  	v4 =	vld [tilespmem:s19+$0x4000]  }
0xe7: {  	s16 =	sand.u32 $0xF, s18  }
0xe8: {  	v17 =	vmov s16  }
0xe9: {  	vm11 =	veq.s32 v17, v1  }
0xea: {  	v5 =	vsel vm11, $0x3F800000, v0  }
0xeb: {  	v4 =	vadd.f32 v4, v5  }
0xec: {  	s20 =	spop (v2sf)  }
0xed: {  	(v2sf) =	vpush v3, $0xE;
	s21 =	sand.u32 $0xFFFFFFF0, s20;
	[tilespmem:s19+$0x4000] =	vst v4  }
0xee: {  	v4 =	vld [tilespmem:s21+$0x4000]  }
0xef: {  	s16 =	sand.u32 $0xF, s20  }
0xf0: {  	v18 =	vmov s16  }
0xf1: {  	vm12 =	veq.s32 v18, v1  }
0xf2: {  	v5 =	vsel vm12, $0x3F800000, v0  }
0xf3: {  	v4 =	vadd.f32 v4, v5  }
0xf4: {  	s22 =	spop (v2sf)  }
0xf5: {  	(v2sf) =	vpush v3, $0xF;
	s23 =	sand.u32 $0xFFFFFFF0, s22;
	[tilespmem:s21+$0x4000] =	vst v4  }
0xf6: {  	v3 =	vld [tilespmem:s23+$0x4000]  }
0xf7: {  	s16 =	sand.u32 $0xF, s22  }
0xf8: {  	v19 =	vmov s16  }
0xf9: {  	vm13 =	veq.s32 v19, v1  }
0xfa: {  	v4 =	vsel vm13, $0x3F800000, v0  }
0xfb: {  	v3 =	vadd.f32 v3, v4  }
0xfc: {  	s24 =	spop (v2sf)  }
0xfd: {  	(v2sf) =	vpush v2, $0x0;
	s25 =	sand.u32 $0xFFFFFFF0, s24;
	[tilespmem:s23+$0x4000] =	vst v3  }
0xfe: {  	v3 =	vld [tilespmem:s25+$0x4000]  }
0xff: {  	s16 =	sand.u32 $0xF, s24  }
0x100: {  	v20 =	vmov s16  }
0x101: {  	vm14 =	veq.s32 v20, v1  }
0x102: {  	v4 =	vsel vm14, $0x3F800000, v0  }
0x103: {  	v3 =	vadd.f32 v3, v4  }
0x104: {  	s26 =	spop (v2sf)  }
0x105: {  	(v2sf) =	vpush v2, $0x1;
	s28 =	sand.u32 $0xFFFFFFF0, s26;
	[tilespmem:s25+$0x4000] =	vst v3  }
0x106: {  	v3 =	vld [tilespmem:s28+$0x4000]  }
0x107: {  	s16 =	sand.u32 $0xF, s26  }
0x108: {  	v21 =	vmov s16  }
0x109: {  	vm15 =	veq.s32 v21, v1  }
0x10a: {  	v4 =	vsel vm15, $0x3F800000, v0  }
0x10b: {  	v3 =	vadd.f32 v3, v4  }
0x10c: {  	s29 =	spop (v2sf)  }
0x10d: {  	(v2sf) =	vpush v2, $0x2;
	s30 =	sand.u32 $0xFFFFFFF0, s29;
	[tilespmem:s28+$0x4000] =	vst v3  }
0x10e: {  	v3 =	vld [tilespmem:s30+$0x4000]  }
0x10f: {  	s16 =	sand.u32 $0xF, s29  }
0x110: {  	v22 =	vmov s16  }
0x111: {  	vm4 =	veq.s32 v22, v1  }
0x112: {  	v4 =	vsel vm4, $0x3F800000, v0  }
0x113: {  	v3 =	vadd.f32 v3, v4  }
0x114: {  	s31 =	spop (v2sf)  }
0x115: {  	(v2sf) =	vpush v2, $0x3;
	s18 =	sand.u32 $0xFFFFFFF0, s31;
	[tilespmem:s30+$0x4000] =	vst v3  }
0x116: {  	v3 =	vld [tilespmem:s18+$0x4000]  }
0x117: {  	s16 =	sand.u32 $0xF, s31  }
0x118: {  	v23 =	vmov s16  }
0x119: {  	vm5 =	veq.s32 v23, v1  }
0x11a: {  	v4 =	vsel vm5, $0x3F800000, v0  }
0x11b: {  	v3 =	vadd.f32 v3, v4  }
0x11c: {  	s19 =	spop (v2sf)  }
0x11d: {  	(v2sf) =	vpush v2, $0x4;
	s20 =	sand.u32 $0xFFFFFFF0, s19;
	[tilespmem:s18+$0x4000] =	vst v3  }
0x11e: {  	v3 =	vld [tilespmem:s20+$0x4000]  }
0x11f: {  	s16 =	sand.u32 $0xF, s19  }
0x120: {  	v24 =	vmov s16  }
0x121: {  	vm6 =	veq.s32 v24, v1  }
0x122: {  	v4 =	vsel vm6, $0x3F800000, v0  }
0x123: {  	v3 =	vadd.f32 v3, v4  }
0x124: {  	s21 =	spop (v2sf)  }
0x125: {  	(v2sf) =	vpush v2, $0x5;
	s22 =	sand.u32 $0xFFFFFFF0, s21;
	[tilespmem:s20+$0x4000] =	vst v3  }
0x126: {  	v3 =	vld [tilespmem:s22+$0x4000]  }
0x127: {  	s16 =	sand.u32 $0xF, s21  }
0x128: {  	v25 =	vmov s16  }
0x129: {  	vm7 =	veq.s32 v25, v1  }
0x12a: {  	v4 =	vsel vm7, $0x3F800000, v0  }
0x12b: {  	v3 =	vadd.f32 v3, v4  }
0x12c: {  	s23 =	spop (v2sf)  }
0x12d: {  	(v2sf) =	vpush v2, $0x6;
	s24 =	sand.u32 $0xFFFFFFF0, s23;
	[tilespmem:s22+$0x4000] =	vst v3  }
0x12e: {  	v3 =	vld [tilespmem:s24+$0x4000]  }
0x12f: {  	s16 =	sand.u32 $0xF, s23  }
0x130: {  	v26 =	vmov s16  }
0x131: {  	vm8 =	veq.s32 v26, v1  }
0x132: {  	v4 =	vsel vm8, $0x3F800000, v0  }
0x133: {  	v3 =	vadd.f32 v3, v4  }
0x134: {  	s25 =	spop (v2sf)  }
0x135: {  	(v2sf) =	vpush v2, $0x7;
	s26 =	sand.u32 $0xFFFFFFF0, s25;
	[tilespmem:s24+$0x4000] =	vst v3  }
0x136: {  	v3 =	vld [tilespmem:s26+$0x4000]  }
0x137: {  	s16 =	sand.u32 $0xF, s25  }
0x138: {  	v27 =	vmov s16  }
0x139: {  	vm9 =	veq.s32 v27, v1  }
0x13a: {  	v4 =	vsel vm9, $0x3F800000, v0  }
0x13b: {  	v3 =	vadd.f32 v3, v4  }
0x13c: {  	s28 =	spop (v2sf)  }
0x13d: {  	(v2sf) =	vpush v2, $0x8;
	s29 =	sand.u32 $0xFFFFFFF0, s28;
	[tilespmem:s26+$0x4000] =	vst v3  }
0x13e: {  	v3 =	vld [tilespmem:s29+$0x4000]  }
0x13f: {  	s16 =	sand.u32 $0xF, s28  }
0x140: {  	v28 =	vmov s16  }
0x141: {  	vm10 =	veq.s32 v28, v1  }
0x142: {  	v4 =	vsel vm10, $0x3F800000, v0  }
0x143: {  	v3 =	vadd.f32 v3, v4  }
0x144: {  	s30 =	spop (v2sf)  }
0x145: {  	(v2sf) =	vpush v2, $0x9;
	s31 =	sand.u32 $0xFFFFFFF0, s30;
	[tilespmem:s29+$0x4000] =	vst v3  }
0x146: {  	v3 =	vld [tilespmem:s31+$0x4000]  }
0x147: {  	s16 =	sand.u32 $0xF, s30  }
0x148: {  	v29 =	vmov s16  }
0x149: {  	vm11 =	veq.s32 v29, v1  }
0x14a: {  	v4 =	vsel vm11, $0x3F800000, v0  }
0x14b: {  	v3 =	vadd.f32 v3, v4  }
0x14c: {  	s18 =	spop (v2sf)  }
0x14d: {  	(v2sf) =	vpush v2, $0xA;
	s19 =	sand.u32 $0xFFFFFFF0, s18;
	[tilespmem:s31+$0x4000] =	vst v3  }
0x14e: {  	v3 =	vld [tilespmem:s19+$0x4000]  }
0x14f: {  	s16 =	sand.u32 $0xF, s18  }
0x150: {  	v30 =	vmov s16  }
0x151: {  	vm12 =	veq.s32 v30, v1  }
0x152: {  	v4 =	vsel vm12, $0x3F800000, v0  }
0x153: {  	v3 =	vadd.f32 v3, v4  }
0x154: {  	s20 =	spop (v2sf)  }
0x155: {  	(v2sf) =	vpush v2, $0xB;
	s21 =	sand.u32 $0xFFFFFFF0, s20;
	[tilespmem:s19+$0x4000] =	vst v3  }
0x156: {  	v3 =	vld [tilespmem:s21+$0x4000]  }
0x157: {  	s16 =	sand.u32 $0xF, s20  }
0x158: {  	v31 =	vmov s16  }
0x159: {  	vm13 =	veq.s32 v31, v1  }
0x15a: {  	v4 =	vsel vm13, $0x3F800000, v0  }
0x15b: {  	v3 =	vadd.f32 v3, v4  }
0x15c: {  	s22 =	spop (v2sf)  }
0x15d: {  	(v2sf) =	vpush v2, $0xC;
	s23 =	sand.u32 $0xFFFFFFF0, s22;
	[tilespmem:s21+$0x4000] =	vst v3  }
0x15e: {  	v3 =	vld [tilespmem:s23+$0x4000]  }
0x15f: {  	s16 =	sand.u32 $0xF, s22  }
0x160: {  	v32 =	vmov s16  }
0x161: {  	vm14 =	veq.s32 v32, v1  }
0x162: {  	v4 =	vsel vm14, $0x3F800000, v0  }
0x163: {  	v3 =	vadd.f32 v3, v4  }
0x164: {  	s24 =	spop (v2sf)  }
0x165: {  	(v2sf) =	vpush v2, $0xD;
	s25 =	sand.u32 $0xFFFFFFF0, s24;
	[tilespmem:s23+$0x4000] =	vst v3  }
0x166: {  	v3 =	vld [tilespmem:s25+$0x4000]  }
0x167: {  	s16 =	sand.u32 $0xF, s24  }
0x168: {  	v33 =	vmov s16  }
0x169: {  	vm15 =	veq.s32 v33, v1  }
0x16a: {  	v4 =	vsel vm15, $0x3F800000, v0  }
0x16b: {  	v3 =	vadd.f32 v3, v4  }
0x16c: {  	s26 =	spop (v2sf)  }
0x16d: {  	(v2sf) =	vpush v2, $0xE;
	s28 =	sand.u32 $0xFFFFFFF0, s26;
	[tilespmem:s25+$0x4000] =	vst v3  }
0x16e: {  	v3 =	vld [tilespmem:s28+$0x4000]  }
0x16f: {  	s16 =	sand.u32 $0xF, s26  }
0x170: {  	v34 =	vmov s16  }
0x171: {  	vm4 =	veq.s32 v34, v1  }
0x172: {  	v4 =	vsel vm4, $0x3F800000, v0  }
0x173: {  	v3 =	vadd.f32 v3, v4  }
0x174: {  	s29 =	spop (v2sf)  }
0x175: {  	(v2sf) =	vpush v2, $0xF;
	s30 =	sand.u32 $0xFFFFFFF0, s29;
	[tilespmem:s28+$0x4000] =	vst v3  }
0x176: {  	v2 =	vld [tilespmem:s30+$0x4000]  }
0x177: {  	s16 =	sand.u32 $0xF, s29  }
0x178: {  	v3 =	vmov s16  }
0x179: {  	vm5 =	veq.s32 v3, v1  }
0x17a: {  	v3 =	vsel vm5, $0x3F800000, v0  }
0x17b: {  	v2 =	vadd.f32 v2, v3  }
0x17c: {  	s31 =	spop (v2sf)  }
0x17d: {  	s18 =	sand.u32 $0xFFFFFFF0, s31;
	[tilespmem:s30+$0x4000] =	vst v2  }
0x17e: {  	v2 =	vld [tilespmem:s18+$0x4000]  }
0x17f: {  	s16 =	sand.u32 $0xF, s31  }
0x180: {  	v3 =	vmov s16  }
0x181: {  	vm6 =	veq.s32 v3, v1  }
0x182: {  	v3 =	vsel vm6, $0x3F800000, v0  }
0x183: {  	v2 =	vadd.f32 v2, v3  }
0x184: {  	s19 =	spop (v2sf)  }
0x185: {  	s20 =	sand.u32 $0xFFFFFFF0, s19;
	[tilespmem:s18+$0x4000] =	vst v2  }
0x186: {  	v2 =	vld [tilespmem:s20+$0x4000]  }
0x187: {  	s16 =	sand.u32 $0xF, s19  }
0x188: {  	v3 =	vmov s16  }
0x189: {  	vm7 =	veq.s32 v3, v1  }
0x18a: {  	s21 =	sadd.s32 $0xFFFFFFF0, s14;
	v3 =	vsel vm7, $0x3F800000, v0  }
0x18b: {  	s22 =	sadd.s32 s13, s6;
	s19 =	sand.u32 $0x60, s21;
	v2 =	vadd.f32 v2, v3  }
0x18c: {  	s23 =	sadd.s32 s3, s19;
	s16 =	sand.u32 $0x3FF000, s22  }
0x18d: {  	s25 =	sshra.s32 s13, $0x2;
	s24 =	sadd.s32 s16, s23;
	[tilespmem:s20+$0x4000] =	vst v2  }
0x18e: {  	[hbm4b:s24+s8] =	stream.strided.scatter [tilespmem:s10], [sflag:$0x1], $0x1000, s9, s8, $0x38;
	[tilespmem:$0x6000] =	vst v63  }
0x18f: {  	v3 =	vld [tilespmem:s25+$0x80];
	_ =	sdelay $0x4  }
0x190: {  	(v2sf) =	vpush v3, $0x0;
	_ =	sdelay $0x7  }
0x191: {  	(v2sf) =	vpush v3, $0x1;
	_ =	sdelay $0x6  }
0x192: {  	s26 =	spop (v2sf)  }
0x193: {  	(v2sf) =	vpush v3, $0x2;
	s28 =	sand.u32 $0xFFFFFFF0, s26  }
0x194: {  	v2 =	vld [tilespmem:s28+$0x5000]  }
0x195: {  	s18 =	sand.u32 $0xF, s26  }
0x196: {  	v35 =	vmov s18  }
0x197: {  	vm8 =	veq.s32 v35, v1  }
0x198: {  	v4 =	vsel vm8, $0x3F800000, v0  }
0x199: {  	v4 =	vadd.f32 v4, v2  }
0x19a: {  	s29 =	spop (v2sf)  }
0x19b: {  	(v2sf) =	vpush v3, $0x3;
	s30 =	sand.u32 $0xFFFFFFF0, s29;
	v2 =	vld [tilespmem:s25+$0x90];
	[tilespmem:s28+$0x5000] =	vst v4  }
0x19c: {  	v4 =	vld [tilespmem:s30+$0x5000]  }
0x19d: {  	s17 =	sand.u32 $0xF, s29  }
0x19e: {  	v36 =	vmov s17  }
0x19f: {  	vm9 =	veq.s32 v36, v1  }
0x1a0: {  	v5 =	vsel vm9, $0x3F800000, v0  }
0x1a1: {  	v4 =	vadd.f32 v5, v4  }
0x1a2: {  	s31 =	spop (v2sf)  }
0x1a3: {  	(v2sf) =	vpush v3, $0x4;
	s19 =	sand.u32 $0xFFFFFFF0, s31;
	[tilespmem:s30+$0x5000] =	vst v4  }
0x1a4: {  	v4 =	vld [tilespmem:s19+$0x5000]  }
0x1a5: {  	s17 =	sand.u32 $0xF, s31  }
0x1a6: {  	v37 =	vmov s17  }
0x1a7: {  	vm10 =	veq.s32 v37, v1  }
0x1a8: {  	v5 =	vsel vm10, $0x3F800000, v0  }
0x1a9: {  	v4 =	vadd.f32 v5, v4  }
0x1aa: {  	s20 =	spop (v2sf)  }
0x1ab: {  	(v2sf) =	vpush v3, $0x5;
	s21 =	sand.u32 $0xFFFFFFF0, s20;
	[tilespmem:s19+$0x5000] =	vst v4  }
0x1ac: {  	v4 =	vld [tilespmem:s21+$0x5000]  }
0x1ad: {  	s17 =	sand.u32 $0xF, s20  }
0x1ae: {  	v38 =	vmov s17  }
0x1af: {  	vm11 =	veq.s32 v38, v1  }
0x1b0: {  	v5 =	vsel vm11, $0x3F800000, v0  }
0x1b1: {  	v4 =	vadd.f32 v4, v5  }
0x1b2: {  	s22 =	spop (v2sf)  }
0x1b3: {  	(v2sf) =	vpush v3, $0x6;
	s23 =	sand.u32 $0xFFFFFFF0, s22;
	[tilespmem:s21+$0x5000] =	vst v4  }
0x1b4: {  	v4 =	vld [tilespmem:s23+$0x5000]  }
0x1b5: {  	s17 =	sand.u32 $0xF, s22  }
0x1b6: {  	v39 =	vmov s17  }
0x1b7: {  	vm12 =	veq.s32 v39, v1  }
0x1b8: {  	v5 =	vsel vm12, $0x3F800000, v0  }
0x1b9: {  	v4 =	vadd.f32 v4, v5  }
0x1ba: {  	s24 =	spop (v2sf)  }
0x1bb: {  	(v2sf) =	vpush v3, $0x7;
	s25 =	sand.u32 $0xFFFFFFF0, s24;
	[tilespmem:s23+$0x5000] =	vst v4  }
0x1bc: {  	v4 =	vld [tilespmem:s25+$0x5000]  }
0x1bd: {  	s17 =	sand.u32 $0xF, s24  }
0x1be: {  	v40 =	vmov s17  }
0x1bf: {  	vm13 =	veq.s32 v40, v1  }
0x1c0: {  	v5 =	vsel vm13, $0x3F800000, v0  }
0x1c1: {  	v4 =	vadd.f32 v4, v5  }
0x1c2: {  	s26 =	spop (v2sf)  }
0x1c3: {  	(v2sf) =	vpush v3, $0x8;
	s28 =	sand.u32 $0xFFFFFFF0, s26;
	[tilespmem:s25+$0x5000] =	vst v4  }
0x1c4: {  	v4 =	vld [tilespmem:s28+$0x5000]  }
0x1c5: {  	s17 =	sand.u32 $0xF, s26  }
0x1c6: {  	v41 =	vmov s17  }
0x1c7: {  	vm14 =	veq.s32 v41, v1  }
0x1c8: {  	v5 =	vsel vm14, $0x3F800000, v0  }
0x1c9: {  	v4 =	vadd.f32 v4, v5  }
0x1ca: {  	s29 =	spop (v2sf)  }
0x1cb: {  	(v2sf) =	vpush v3, $0x9;
	s30 =	sand.u32 $0xFFFFFFF0, s29;
	[tilespmem:s28+$0x5000] =	vst v4  }
0x1cc: {  	v4 =	vld [tilespmem:s30+$0x5000]  }
0x1cd: {  	s17 =	sand.u32 $0xF, s29  }
0x1ce: {  	v42 =	vmov s17  }
0x1cf: {  	vm15 =	veq.s32 v42, v1  }
0x1d0: {  	v5 =	vsel vm15, $0x3F800000, v0  }
0x1d1: {  	v4 =	vadd.f32 v4, v5  }
0x1d2: {  	s31 =	spop (v2sf)  }
0x1d3: {  	(v2sf) =	vpush v3, $0xA;
	s19 =	sand.u32 $0xFFFFFFF0, s31;
	[tilespmem:s30+$0x5000] =	vst v4  }
0x1d4: {  	v4 =	vld [tilespmem:s19+$0x5000]  }
0x1d5: {  	s17 =	sand.u32 $0xF, s31  }
0x1d6: {  	v43 =	vmov s17  }
0x1d7: {  	vm4 =	veq.s32 v43, v1  }
0x1d8: {  	v5 =	vsel vm4, $0x3F800000, v0  }
0x1d9: {  	v4 =	vadd.f32 v4, v5  }
0x1da: {  	s20 =	spop (v2sf)  }
0x1db: {  	(v2sf) =	vpush v3, $0xB;
	s21 =	sand.u32 $0xFFFFFFF0, s20;
	[tilespmem:s19+$0x5000] =	vst v4  }
0x1dc: {  	v4 =	vld [tilespmem:s21+$0x5000]  }
0x1dd: {  	s17 =	sand.u32 $0xF, s20  }
0x1de: {  	v44 =	vmov s17  }
0x1df: {  	vm5 =	veq.s32 v44, v1  }
0x1e0: {  	v5 =	vsel vm5, $0x3F800000, v0  }
0x1e1: {  	v4 =	vadd.f32 v4, v5  }
0x1e2: {  	s22 =	spop (v2sf)  }
0x1e3: {  	(v2sf) =	vpush v3, $0xC;
	s23 =	sand.u32 $0xFFFFFFF0, s22;
	[tilespmem:s21+$0x5000] =	vst v4  }
0x1e4: {  	v4 =	vld [tilespmem:s23+$0x5000]  }
0x1e5: {  	s17 =	sand.u32 $0xF, s22  }
0x1e6: {  	v45 =	vmov s17  }
0x1e7: {  	vm6 =	veq.s32 v45, v1  }
0x1e8: {  	v5 =	vsel vm6, $0x3F800000, v0  }
0x1e9: {  	v4 =	vadd.f32 v4, v5  }
0x1ea: {  	s24 =	spop (v2sf)  }
0x1eb: {  	(v2sf) =	vpush v3, $0xD;
	s25 =	sand.u32 $0xFFFFFFF0, s24;
	[tilespmem:s23+$0x5000] =	vst v4  }
0x1ec: {  	v4 =	vld [tilespmem:s25+$0x5000]  }
0x1ed: {  	s17 =	sand.u32 $0xF, s24  }
0x1ee: {  	v46 =	vmov s17  }
0x1ef: {  	vm7 =	veq.s32 v46, v1  }
0x1f0: {  	v5 =	vsel vm7, $0x3F800000, v0  }
0x1f1: {  	v4 =	vadd.f32 v4, v5  }
0x1f2: {  	s26 =	spop (v2sf)  }
0x1f3: {  	(v2sf) =	vpush v3, $0xE;
	s28 =	sand.u32 $0xFFFFFFF0, s26;
	[tilespmem:s25+$0x5000] =	vst v4  }
0x1f4: {  	v4 =	vld [tilespmem:s28+$0x5000]  }
0x1f5: {  	s17 =	sand.u32 $0xF, s26  }
0x1f6: {  	v47 =	vmov s17  }
0x1f7: {  	vm8 =	veq.s32 v47, v1  }
0x1f8: {  	v5 =	vsel vm8, $0x3F800000, v0  }
0x1f9: {  	v4 =	vadd.f32 v4, v5  }
0x1fa: {  	s29 =	spop (v2sf)  }
0x1fb: {  	(v2sf) =	vpush v3, $0xF;
	s30 =	sand.u32 $0xFFFFFFF0, s29;
	[tilespmem:s28+$0x5000] =	vst v4  }
0x1fc: {  	v3 =	vld [tilespmem:s30+$0x5000]  }
0x1fd: {  	s17 =	sand.u32 $0xF, s29  }
0x1fe: {  	v48 =	vmov s17  }
0x1ff: {  	vm9 =	veq.s32 v48, v1  }
0x200: {  	v4 =	vsel vm9, $0x3F800000, v0  }
0x201: {  	v3 =	vadd.f32 v3, v4  }
0x202: {  	s31 =	spop (v2sf)  }
0x203: {  	(v2sf) =	vpush v2, $0x0;
	s19 =	sand.u32 $0xFFFFFFF0, s31;
	[tilespmem:s30+$0x5000] =	vst v3  }
0x204: {  	v3 =	vld [tilespmem:s19+$0x5000]  }
0x205: {  	s17 =	sand.u32 $0xF, s31  }
0x206: {  	v49 =	vmov s17  }
0x207: {  	vm10 =	veq.s32 v49, v1  }
0x208: {  	v4 =	vsel vm10, $0x3F800000, v0  }
0x209: {  	v3 =	vadd.f32 v3, v4  }
0x20a: {  	s20 =	spop (v2sf)  }
0x20b: {  	(v2sf) =	vpush v2, $0x1;
	s21 =	sand.u32 $0xFFFFFFF0, s20;
	[tilespmem:s19+$0x5000] =	vst v3  }
0x20c: {  	v3 =	vld [tilespmem:s21+$0x5000]  }
0x20d: {  	s17 =	sand.u32 $0xF, s20  }
0x20e: {  	v50 =	vmov s17  }
0x20f: {  	vm11 =	veq.s32 v50, v1  }
0x210: {  	v4 =	vsel vm11, $0x3F800000, v0  }
0x211: {  	v3 =	vadd.f32 v3, v4  }
0x212: {  	s22 =	spop (v2sf)  }
0x213: {  	(v2sf) =	vpush v2, $0x2;
	s23 =	sand.u32 $0xFFFFFFF0, s22;
	[tilespmem:s21+$0x5000] =	vst v3  }
0x214: {  	v3 =	vld [tilespmem:s23+$0x5000]  }
0x215: {  	s17 =	sand.u32 $0xF, s22  }
0x216: {  	v51 =	vmov s17  }
0x217: {  	vm12 =	veq.s32 v51, v1  }
0x218: {  	v4 =	vsel vm12, $0x3F800000, v0  }
0x219: {  	v3 =	vadd.f32 v3, v4  }
0x21a: {  	s24 =	spop (v2sf)  }
0x21b: {  	(v2sf) =	vpush v2, $0x3;
	s25 =	sand.u32 $0xFFFFFFF0, s24;
	[tilespmem:s23+$0x5000] =	vst v3  }
0x21c: {  	v3 =	vld [tilespmem:s25+$0x5000]  }
0x21d: {  	s17 =	sand.u32 $0xF, s24  }
0x21e: {  	v52 =	vmov s17  }
0x21f: {  	vm13 =	veq.s32 v52, v1  }
0x220: {  	v4 =	vsel vm13, $0x3F800000, v0  }
0x221: {  	v3 =	vadd.f32 v3, v4  }
0x222: {  	s26 =	spop (v2sf)  }
0x223: {  	(v2sf) =	vpush v2, $0x4;
	s28 =	sand.u32 $0xFFFFFFF0, s26;
	[tilespmem:s25+$0x5000] =	vst v3  }
0x224: {  	v3 =	vld [tilespmem:s28+$0x5000]  }
0x225: {  	s17 =	sand.u32 $0xF, s26  }
0x226: {  	v53 =	vmov s17  }
0x227: {  	vm14 =	veq.s32 v53, v1  }
0x228: {  	v4 =	vsel vm14, $0x3F800000, v0  }
0x229: {  	v3 =	vadd.f32 v3, v4  }
0x22a: {  	s29 =	spop (v2sf)  }
0x22b: {  	(v2sf) =	vpush v2, $0x5;
	s30 =	sand.u32 $0xFFFFFFF0, s29;
	[tilespmem:s28+$0x5000] =	vst v3  }
0x22c: {  	v3 =	vld [tilespmem:s30+$0x5000]  }
0x22d: {  	s17 =	sand.u32 $0xF, s29  }
0x22e: {  	v54 =	vmov s17  }
0x22f: {  	vm15 =	veq.s32 v54, v1  }
0x230: {  	v4 =	vsel vm15, $0x3F800000, v0  }
0x231: {  	v3 =	vadd.f32 v3, v4  }
0x232: {  	s31 =	spop (v2sf)  }
0x233: {  	(v2sf) =	vpush v2, $0x6;
	s19 =	sand.u32 $0xFFFFFFF0, s31;
	[tilespmem:s30+$0x5000] =	vst v3  }
0x234: {  	v3 =	vld [tilespmem:s19+$0x5000]  }
0x235: {  	s17 =	sand.u32 $0xF, s31  }
0x236: {  	v55 =	vmov s17  }
0x237: {  	vm4 =	veq.s32 v55, v1  }
0x238: {  	v4 =	vsel vm4, $0x3F800000, v0  }
0x239: {  	v3 =	vadd.f32 v3, v4  }
0x23a: {  	s20 =	spop (v2sf)  }
0x23b: {  	(v2sf) =	vpush v2, $0x7;
	s21 =	sand.u32 $0xFFFFFFF0, s20;
	[tilespmem:s19+$0x5000] =	vst v3  }
0x23c: {  	v3 =	vld [tilespmem:s21+$0x5000]  }
0x23d: {  	s17 =	sand.u32 $0xF, s20  }
0x23e: {  	v56 =	vmov s17  }
0x23f: {  	vm5 =	veq.s32 v56, v1  }
0x240: {  	v4 =	vsel vm5, $0x3F800000, v0  }
0x241: {  	v3 =	vadd.f32 v3, v4  }
0x242: {  	s22 =	spop (v2sf)  }
0x243: {  	(v2sf) =	vpush v2, $0x8;
	s23 =	sand.u32 $0xFFFFFFF0, s22;
	[tilespmem:s21+$0x5000] =	vst v3  }
0x244: {  	v3 =	vld [tilespmem:s23+$0x5000]  }
0x245: {  	s17 =	sand.u32 $0xF, s22  }
0x246: {  	v57 =	vmov s17  }
0x247: {  	vm6 =	veq.s32 v57, v1  }
0x248: {  	v4 =	vsel vm6, $0x3F800000, v0  }
0x249: {  	v3 =	vadd.f32 v3, v4  }
0x24a: {  	s24 =	spop (v2sf)  }
0x24b: {  	(v2sf) =	vpush v2, $0x9;
	s25 =	sand.u32 $0xFFFFFFF0, s24;
	[tilespmem:s23+$0x5000] =	vst v3  }
0x24c: {  	v3 =	vld [tilespmem:s25+$0x5000]  }
0x24d: {  	s17 =	sand.u32 $0xF, s24  }
0x24e: {  	v58 =	vmov s17  }
0x24f: {  	vm7 =	veq.s32 v58, v1  }
0x250: {  	v4 =	vsel vm7, $0x3F800000, v0  }
0x251: {  	v3 =	vadd.f32 v3, v4  }
0x252: {  	s26 =	spop (v2sf)  }
0x253: {  	(v2sf) =	vpush v2, $0xA;
	s28 =	sand.u32 $0xFFFFFFF0, s26;
	[tilespmem:s25+$0x5000] =	vst v3  }
0x254: {  	v3 =	vld [tilespmem:s28+$0x5000]  }
0x255: {  	s17 =	sand.u32 $0xF, s26  }
0x256: {  	v59 =	vmov s17  }
0x257: {  	vm8 =	veq.s32 v59, v1  }
0x258: {  	v4 =	vsel vm8, $0x3F800000, v0  }
0x259: {  	v3 =	vadd.f32 v3, v4  }
0x25a: {  	s29 =	spop (v2sf)  }
0x25b: {  	(v2sf) =	vpush v2, $0xB;
	s30 =	sand.u32 $0xFFFFFFF0, s29;
	[tilespmem:s28+$0x5000] =	vst v3  }
0x25c: {  	v3 =	vld [tilespmem:s30+$0x5000]  }
0x25d: {  	s17 =	sand.u32 $0xF, s29  }
0x25e: {  	v60 =	vmov s17  }
0x25f: {  	vm9 =	veq.s32 v60, v1  }
0x260: {  	v4 =	vsel vm9, $0x3F800000, v0  }
0x261: {  	v3 =	vadd.f32 v3, v4  }
0x262: {  	s31 =	spop (v2sf)  }
0x263: {  	(v2sf) =	vpush v2, $0xC;
	s19 =	sand.u32 $0xFFFFFFF0, s31;
	[tilespmem:s30+$0x5000] =	vst v3  }
0x264: {  	v3 =	vld [tilespmem:s19+$0x5000]  }
0x265: {  	s17 =	sand.u32 $0xF, s31  }
0x266: {  	v61 =	vmov s17  }
0x267: {  	vm10 =	veq.s32 v61, v1  }
0x268: {  	v4 =	vsel vm10, $0x3F800000, v0  }
0x269: {  	v3 =	vadd.f32 v3, v4  }
0x26a: {  	s20 =	spop (v2sf)  }
0x26b: {  	(v2sf) =	vpush v2, $0xD;
	s21 =	sand.u32 $0xFFFFFFF0, s20;
	[tilespmem:s19+$0x5000] =	vst v3  }
0x26c: {  	v3 =	vld [tilespmem:s21+$0x5000]  }
0x26d: {  	s17 =	sand.u32 $0xF, s20  }
0x26e: {  	v62 =	vmov s17  }
0x26f: {  	vm11 =	veq.s32 v62, v1  }
0x270: {  	v4 =	vsel vm11, $0x3F800000, v0  }
0x271: {  	v3 =	vadd.f32 v3, v4  }
0x272: {  	s22 =	spop (v2sf)  }
0x273: {  	(v2sf) =	vpush v2, $0xE;
	s23 =	sand.u32 $0xFFFFFFF0, s22;
	[tilespmem:s21+$0x5000] =	vst v3  }
0x274: {  	v3 =	vld [tilespmem:s23+$0x5000]  }
0x275: {  	s17 =	sand.u32 $0xF, s22  }
0x276: {  	v63 =	vmov s17  }
0x277: {  	vm12 =	veq.s32 v63, v1  }
0x278: {  	v4 =	vsel vm12, $0x3F800000, v0  }
0x279: {  	v3 =	vadd.f32 v3, v4  }
0x27a: {  	s24 =	spop (v2sf)  }
0x27b: {  	(v2sf) =	vpush v2, $0xF;
	s25 =	sand.u32 $0xFFFFFFF0, s24;
	[tilespmem:s23+$0x5000] =	vst v3  }
0x27c: {  	v2 =	vld [tilespmem:s25+$0x5000]  }
0x27d: {  	s17 =	sand.u32 $0xF, s24  }
0x27e: {  	v3 =	vmov s17  }
0x27f: {  	vm13 =	veq.s32 v3, v1  }
0x280: {  	v3 =	vsel vm13, $0x3F800000, v0  }
0x281: {  	v2 =	vadd.f32 v2, v3  }
0x282: {  	s26 =	spop (v2sf)  }
0x283: {  	s28 =	sand.u32 $0xFFFFFFF0, s26;
	[tilespmem:s25+$0x5000] =	vst v2  }
0x284: {  	v2 =	vld [tilespmem:s28+$0x5000]  }
0x285: {  	s17 =	sand.u32 $0xF, s26  }
0x286: {  	v3 =	vmov s17  }
0x287: {  	vm14 =	veq.s32 v3, v1  }
0x288: {  	v3 =	vsel vm14, $0x3F800000, v0  }
0x289: {  	v2 =	vadd.f32 v2, v3  }
0x28a: {  	s29 =	spop (v2sf)  }
0x28b: {  	s30 =	sand.u32 $0xFFFFFFF0, s29;
	[tilespmem:s28+$0x5000] =	vst v2  }
0x28c: {  	v2 =	vld [tilespmem:s30+$0x5000]  }
0x28d: {  	s17 =	sand.u32 $0xF, s29  }
0x28e: {  	v3 =	vmov s17  }
0x28f: {  	vm15 =	veq.s32 v3, v1  }
.Ltmp4:
0x290: {  	v3 =	vsel vm15, $0x3F800000, v0;
	(pc) =	sbr.rel .LBB2_4-.Ltmp4, $4  }
0x291: {  	s31 =	sand.u32 $0x70, s14;
	v2 =	vadd.f32 v2, v3  }
0x292: {  	s15 =	sadd.s32 $0x1, s15;
	s17 =	sadd.s32 s3, s31  }
0x293: {  	s13 =	sadd.s32 $0x400, s13;
	s14 =	sadd.s32 $0x20, s14;
	s16 =	sadd.s32 s16, s17;
	[tilespmem:s30+$0x5000] =	vst v2  }
0x294: {  	[hbm4b:s16+s8] =	stream.strided.scatter [tilespmem:s11], [sflag:$0x2], $0x1000, s9, s8, $0x38;
	[tilespmem:$0x6000] =	vst v63  }
.LBB2_7:
0x295: {  	_ =	sfence.sel $0x180000  }
0x296: {  	[bflag:$0x0] =	sbarrier.arrive $0xFFFF  }
0x297: {  	p0 =	sne.s32 s1, $0x0;
	_ =	strace $0x90000047  }
0x298: {  	s0 =	sadd.s32 @!p0 $0x100000, s0;
	[bflag:$0x2] =	sbarrier.arrive $0xFFFF  }
0x299: {  	[sflag:s0] =	ssyncadd.tile.s32 @!p0 $0x1;
	_ =	shalt  }
.Lfunc_end2:
_tile_overlayer_lowered:
.L_overlay_start_2:
0x29a: {  	(tag) =	ssettag $0x2  }
0x29b: {  	s0 =	rddreg [dreg:$0x0];
	s2 =	stileid.u32  }
0x29c: {  	s1 =	rddreg [dreg:$0x1];
	p0 =	sne.s32 s2, $0x0  }
0x29d: {  	s3 =	rddreg [dreg:$0x2];
	[bflag:$0x3] =	sbarrier.arrive $0xFFFF;
	s2 =	simm.s32 @!p0 $0x1C03  }
0x29e: {  	[timem:s3], [sflag:s2] =	dma.local @!p0 [hbm:s0], s1  }
0x29f: {  	s0 =	simm.s32 @!p0 $0x3  }
0x2a0: {  	_ =	swait.ge @!p0 [sflag:s0], s1  }
0x2a1: {  	s1 =	ssub.s32 @!p0 $0x0, s1;
	[sflag:s0] =	ssyncset.done @!p0 $0x0  }
0x2a2: {  	[sflag:s0] =	ssyncadd.s32 @!p0 s1  }
0x2a3: {  	[bflag:$0x3] =	sbarrier.arrive $0xFFFF  }
0x2a4: {  	_ =	shalt  }

// kernel: kernel.9.cloned.1.call-start
scs
__scs_entry_jumppad:
0x0: {  	(pc) =	sbr.rel $0x88, $3  }
0x1: {  	(tag) =	ssettag $0x0;
	lr =	simm.s32 $0x1  }
0x2: {  	[smem:$0x3F9F] =	sst lr;
	_ =	strace $0xD0000000  }
0x3: {  	_ = 	snop  }
0x4: {  	_ = 	snop  }
0x5: {  	_ = 	snop  }
0x6: {  	_ = 	snop  }
0x7: {  	_ = 	snop  }
__scs_overlays_trampoline_lowered:
0x8: {  	[smem:$0x3FAE] =	sst s0  }
0x9: {  	[smem:$0x3FAF] =	sst s1  }
0xa: {  	[smem:$0x3FB0] =	sst s2  }
0xb: {  	[smem:$0x3FB1] =	sst s3  }
0xc: {  	[smem:$0x3FB2] =	sst s4  }
0xd: {  	[smem:$0x3FB3] =	sst s5  }
0xe: {  	[smem:$0x3FB4] =	sst s6  }
0xf: {  	[smem:$0x3FB5] =	sst s7  }
0x10: {  	[smem:$0x3FB6] =	sst s8  }
0x11: {  	[smem:$0x3FB7] =	sst s9;
	s0 =	simm.s32 @!p0 $0x0  }
0x12: {  	s1 =	sld [smem:$0x3F9D];
	s0 =	simm.s32 @p0 $0x1  }
0x13: {  	[smem:$0x3FB8] =	sst s0;
	s0 =	simm.s32 @!p1 $0x0  }
0x14: {  	s2 =	sld [smem:$0x3F9C];
	s0 =	simm.s32 @p1 $0x1  }
0x15: {  	[smem:$0x3FB9] =	sst s0;
	s0 =	simm.s32 @!p2 $0x0  }
0x16: {  	s3 =	sld [smem:$0x3FDB];
	s0 =	simm.s32 @p2 $0x1  }
0x17: {  	s4 =	simm.s32 $0x1BF5;
	[smem:$0x3FBB] =	sst s0  }
0x18: {  	s0 =	sld [smem:$0x3F9E];
	_ =	swait.ge [sflag:s4], $0x0  }
0x19: {  	s7 =	sld [smem:$0x3F9F]  }
0x1a: {  	s8 =	sadd.s32 $0xFFFFE003, lr  }
0x1b: {  	s9 =	sadd.s32 $0xFFFFFEF7, lr;
	s5 =	simm.s32 $0xFFFFFFFF;
	p2 =	slt.u32 s8, $0xFFFFF086  }
0x1c: {  	p1 =	slt.u32 s9, $0xF7A;
	s5 =	simm.s32 @!p2 $0x0  }
0x1d: {  	s5 =	simm.s32 @p1 $0x1;
	p0 =	seq.s32 s7, s2  }
0x1e: {  	s7 =	smul.u32 @!p0 $0xF7A, s2;
	p2 =	seq.s32 @!p0 s5, $0x0  }
0x1f: {  	s9 =	smul.u32 $0xF7A, s1;
	s8 =	simm.s32 @!p0 $0x1BF5;
	p2 =	por !p2, p0  }
0x20: {  	[sflag:s8] =	ssyncset.s32 @!p0 $0xFFFFF086;
	s6 =	sadd.s32 @!p0 s3, s7;
	s7 =	simm.s32 @!p0 $0x108  }
0x21: {  	s3 =	sadd.s32 s3, s9;
	s6 =	sadd.s32 @!p0 $0x88, s6;
	s7 =	simm.s32 @p2 $0x1082  }
0x22: {  	[simem:s7], [sflag:s8] =	dma.local @!p0 [hbm:s6], $0xF7A  }
0x23: {  	s9 =	sor.u32 $0xD0000000, s2;
	s6 =	simm.s32 $0x108;
	_ =	swait.ge @!p0 [sflag:s8], $0x0  }
0x24: {  	s3 =	sadd.s32 $0x88, s3;
	s6 =	simm.s32 @!p1 $0x1082;
	[sflag:s4] =	ssyncset.s32 $0xFFFFF086  }
0x25: {  	[simem:s6], [sflag:s4] =	dma.local [hbm:s3], $0xF7A  }
0x26: {  	[smem:$0x3F9F] =	sst s1;
	(tag) =	ssettag s2;
	_ =	strace s9  }
0x27: {  	s1 =	sld [smem:$0x3FAF]  }
0x28: {  	s2 =	sld [smem:$0x3FB0]  }
0x29: {  	s4 =	sld [smem:$0x3FB2]  }
0x2a: {  	p0 =	seq.s32 s5, $0x0;
	s5 =	sld [smem:$0x3FB3]  }
0x2b: {  	s6 =	sld [smem:$0x3FB4]  }
0x2c: {  	s7 =	sld [smem:$0x3FB5]  }
0x2d: {  	s3 =	simm.s32 $0x108;
	s8 =	sld [smem:$0x3FB6]  }
0x2e: {  	s3 =	simm.s32 @!p0 $0x1082;
	s9 =	sld [smem:$0x3FB7]  }
0x2f: {  	lr =	sadd.s32 s0, s3;
	s0 =	sld [smem:$0x3FAE]  }
0x30: {  	s3 =	sld [smem:$0x3FB1]  }
0x31: {  	[smem:$0x3FBA] =	sst s10  }
0x32: {  	s10 =	sld [smem:$0x3FB8];
	_ =	sdelay $0x3  }
0x33: {  	p0 =	seq.s32 s10, $0x1;
	s10 =	sld [smem:$0x3FBA];
	_ =	sdelay $0x3  }
0x34: {  	[smem:$0x3FBA] =	sst s10  }
0x35: {  	s10 =	sld [smem:$0x3FB9];
	_ =	sdelay $0x3  }
0x36: {  	p1 =	seq.s32 s10, $0x1;
	s10 =	sld [smem:$0x3FBA];
	_ =	sdelay $0x3  }
0x37: {  	[smem:$0x3FBA] =	sst s10  }
0x38: {  	s10 =	sld [smem:$0x3FBB]  }
0x39: {  	_ = 	snop;
	(pc) =	sbr.ind lr, $3  }
0x3a: {  	_ = 	snop  }
0x3b: {  	_ = 	snop  }
0x3c: {  	p2 =	seq.s32 s10, $0x1;
	s10 =	sld [smem:$0x3FBA]  }
0x3d: {  	_ =	shalt  }
0x3e: {  	_ =	shalt  }
0x3f: {  	_ =	shalt  }
0x40: {  	_ =	shalt  }
0x41: {  	_ =	shalt  }
0x42: {  	_ =	shalt  }
0x43: {  	_ =	shalt  }
0x44: {  	_ =	shalt  }
0x45: {  	_ =	shalt  }
0x46: {  	_ =	shalt  }
0x47: {  	_ =	shalt  }
0x48: {  	_ =	shalt  }
0x49: {  	_ =	shalt  }
0x4a: {  	_ =	shalt  }
0x4b: {  	_ =	shalt  }
0x4c: {  	_ =	shalt  }
0x4d: {  	_ =	shalt  }
0x4e: {  	_ =	shalt  }
0x4f: {  	_ =	shalt  }
0x50: {  	_ =	shalt  }
0x51: {  	_ =	shalt  }
0x52: {  	_ =	shalt  }
0x53: {  	_ =	shalt  }
0x54: {  	_ =	shalt  }
0x55: {  	_ =	shalt  }
0x56: {  	_ =	shalt  }
0x57: {  	_ =	shalt  }
0x58: {  	_ =	shalt  }
0x59: {  	_ =	shalt  }
0x5a: {  	_ =	shalt  }
0x5b: {  	_ =	shalt  }
0x5c: {  	_ =	shalt  }
0x5d: {  	_ =	shalt  }
0x5e: {  	_ =	shalt  }
0x5f: {  	_ =	shalt  }
0x60: {  	_ =	shalt  }
0x61: {  	_ =	shalt  }
0x62: {  	_ =	shalt  }
0x63: {  	_ =	shalt  }
0x64: {  	_ =	shalt  }
0x65: {  	_ =	shalt  }
0x66: {  	_ =	shalt  }
0x67: {  	_ =	shalt  }
0x68: {  	_ =	shalt  }
0x69: {  	_ =	shalt  }
0x6a: {  	_ =	shalt  }
0x6b: {  	_ =	shalt  }
0x6c: {  	_ =	shalt  }
0x6d: {  	_ =	shalt  }
0x6e: {  	_ =	shalt  }
0x6f: {  	_ =	shalt  }
0x70: {  	_ =	shalt  }
0x71: {  	_ =	shalt  }
0x72: {  	_ =	shalt  }
0x73: {  	_ =	shalt  }
0x74: {  	_ =	shalt  }
0x75: {  	_ =	shalt  }
0x76: {  	_ =	shalt  }
0x77: {  	_ =	shalt  }
0x78: {  	_ =	shalt  }
0x79: {  	_ =	shalt  }
0x7a: {  	_ =	shalt  }
0x7b: {  	_ =	shalt  }
0x7c: {  	_ =	shalt  }
0x7d: {  	_ =	shalt  }
0x7e: {  	_ =	shalt  }
0x7f: {  	_ =	shalt  }
0x80: {  	_ =	shalt  }
0x81: {  	_ =	shalt  }
0x82: {  	_ =	shalt  }
0x83: {  	_ =	shalt  }
0x84: {  	_ =	shalt  }
0x85: {  	_ =	shalt  }
0x86: {  	_ =	shalt  }
0x87: {  	_ =	shalt  }
.Lfunc_end0:
.L_simem_size_0:
called_computation.1_lowered:
.L_overlay_start_0:
0x88: {  	s2 =	sld [smem:$0x3FD9]  }
0x89: {  	s3 =	sld [smem:$0x3FFE];
	_ =	sdelay $0x1  }
0x8a: {  	s1 =	srdreg.scid  }
0x8b: {  	s0 =	sand.u32 $0x1, s1  }
0x8c: {  	s17 =	sshll.u32 s0, $0xA;
	s2 =	sadd.s32 s3, s2  }
0x8d: {  	s2 =	sadd.s32 s2, s17  }
0x8e: {  	[smem:$0x3FC6] =	sst s2  }
0x8f: {  	_ = 	snop  }
0x90: {  	s18 =	sld [smem:$0x3FD0];
	(tm) =	ssettm $0x1  }
0x91: {  	s19 =	sld [smem:$0x3FFB];
	_ =	sdelay $0x3  }
0x92: {  	_ =	strace s19  }
0x93: {  	s2 =	sld [smem:$0x3FFC];
	_ =	sdelay $0x3  }
0x94: {  	_ =	strace s2  }
0x95: {  	s2 =	sld [smem:$0x3FFD];
	_ =	sdelay $0x3  }
0x96: {  	_ =	strace s2  }
0x97: {  	_ =	strace $0x8FFFFFFF  }
0x98: {  	s20 =	sld [smem:$0x3FDB];
	_ =	sdelay $0x1  }
0x99: {  	s4 =	simm.s32 $_scs_section_size  }
0x9a: {  	s5 =	simm.s32 $_size__tile_overlayer_lowered;
	s6 =	simm.s32 $_tile_overlayer_lowered  }
0x9b: {  	s7 =	simm.s32 $0x1BFF;
	s21 =	sshll.u32 s6, $0x1;
	s4 =	sadd.s32 s4, s20  }
0x9c: {  	s22 =	simm.s32 $0x0;
	s5 =	sshll.u32 s5, $0x1;
	s6 =	sadd.s32 s21, s4  }
0x9d: {  	[timem:s22], [sflag:s7] =	dma.local [hbm:s6], s5  }
0x9e: {  	_ =	swait.ge [sflag:s7], s5  }
0x9f: {  	s5 =	ssub.s32 $0x0, s5;
	[sflag:s7] =	ssyncset.done $0x0  }
0xa0: {  	[sflag:s7] =	ssyncadd.s32 s5;
	_ =	sdelay $0x1  }
0xa1: {  	s23 =	simm.s32 $0x1B8B  }
0xa2: {  	_ =	swait.ge [sflag:s23], $0x1  }
0xa3: {  	[sflag:s23] =	ssyncset.done $0x0  }
0xa4: {  	[sflag:s23] =	ssyncadd.s32 $0xFFFFFFFF  }
0xa5: {  	s5 =	sld [smem:$0x0]  }
0xa6: {  	s6 =	sand.u32 $0xFFFFFFFE, s1  }
0xa7: {  	p0 =	sne.s32 s1, s6  }
0xa8: {  	s6 =	sshll.u32 @p0 s6, $0xE  }
0xa9: {  	s6 =	sadd.s32 @p0 $0x11B8D, s6;
	s7 =	sshll.u32 @p0 s5, $0x11  }
0xaa: {  	s6 =	sor.u32 @p0 s7, s6  }
0xab: {  	[sflag:s6] =	ssyncadd.remote.s32 @p0 $0x1;
	_ =	sdelay $0x1  }
0xac: {  	s6 =	simm.s32 @p0 $0x1B8D  }
0xad: {  	_ =	swait.eq @p0 [sflag:s6], $0x1  }
0xae: {  	[sflag:s6] =	ssyncadd.s32 @p0 $0xFFFFFFFF  }
0xaf: {  	s7 =	sshll.u32 @!p0 s1, $0xE  }
0xb0: {  	s7 =	sor.u32 @!p0 $0x4000, s7;
	s6 =	simm.s32 @!p0 $0x1B8D  }
0xb1: {  	s5 =	sshll.u32 @!p0 s5, $0x11;
	s7 =	sadd.s32 @!p0 $0x11B8D, s7;
	_ =	swait.eq @!p0 [sflag:s6], $0x1  }
0xb2: {  	s5 =	sor.u32 @!p0 s5, s7;
	[sflag:s6] =	ssyncadd.s32 @!p0 $0xFFFFFFFF  }
0xb3: {  	s25 =	simm.s32 $0x1B8E;
	s24 =	sld [smem:$0x3FFE];
	[sflag:s5] =	ssyncadd.remote.s32 @!p0 $0x1  }
0xb4: {  	s26 =	simm.s32 $execute0_lowered;
	[smem:$0x3FD2] =	sst s25  }
0xb5: {  	s6 =	sshll.u32 s26, $0x1;
	_ =	strace $0x80000049;
	[dreg:$0x1] =	wrdreg $0xFFFFFFFF  }
0xb6: {  	s28 =	simm.s32 $_size_execute0_lowered;
	s4 =	sadd.s32 s4, s6;
	[dreg:$0x0] =	wrdreg $0x0  }
0xb7: {  	s6 =	sshll.u32 s28, $0x1;
	[dreg:$0x2] =	wrdreg s4  }
0xb8: {  	[dreg:$0x3] =	wrdreg s6  }
0xb9: {  	[dreg:$0x4] =	wrdreg $0xC0  }
0xba: {  	_ =	task [dreg:s22], $0x5FFFF  }
0xbb: {  	[dreg:$0x1] =	wrdreg $0xFFFFFFFF  }
0xbc: {  	[dreg:$0x0] =	wrdreg $0x60  }
0xbd: {  	[dreg:$0x2] =	wrdreg s18  }
0xbe: {  	[dreg:$0x3] =	wrdreg s24  }
0xbf: {  	[dreg:$0x4] =	wrdreg $0xA  }
0xc0: {  	_ =	task.clear_ibuf [dreg:s22], $0x5FFFF;
	_ =	strace $0x90000049  }
0xc1: {  	s29 =	simm.s32 $0xA;
	_ =	strace $0x8000004B  }
0xc2: {  	_ =	swait.ge [sflag:s29], $0x1  }
0xc3: {  	[sflag:s29] =	ssyncadd.s32 $0xFFFFFFFF  }
0xc4: {  	_ =	strace $0x9000004B  }
0xc5: {  	_ =	sfence  }
0xc6: {  	s30 =	sld [smem:$0x0];
	_ =	sdelay $0x2  }
0xc7: {  	s31 =	sshll.u32 s1, $0xD;
	s1 =	sshrl.u32 s1, $0x2  }
0xc8: {  	s4 =	sand.u32 $0x4000, s31;
	s1 =	sadd.s32 s1, s30  }
0xc9: {  	s0 =	sor.u32 s4, s0;
	s1 =	sshll.u32 s1, $0x11  }
0xca: {  	s0 =	sor.u32 s1, s0  }
0xcb: {  	s0 =	sadd.s32 $0x8F2B, s0  }
0xcc: {  	[sflag:s0] =	ssyncadd.remote.s32 $0x1  }
0xcd: {  	_ =	sfence.sel $0xFFFF  }
0xce: {  	[dreg:$0x0] =	wrdreg $0xFFFFFFFF;
	(pc) =	sbr.abs _section_cstart, $3  }
0xcf: {  	[dreg:$0x1] =	wrdreg $0xFFFFFFFF  }
0xd0: {  	_ =	task.clear_ibuf [dreg:s22], $0x2FFFF;
	_ =	strace $0x9FFFFFFF  }
0xd1: {  	(tm) =	ssettm $0x7FFFFFFF  }
tec
execute0_lowered:
.L_overlay_start_1:
0x0: {  	(tag) =	ssettag $0x1  }
0x1: {  	s4 =	rddreg [dreg:$0x0]  }
0x2: {  	s2 =	rddreg [dreg:$0x1]  }
0x3: {  	s0 =	rddreg [dreg:$0x2];
	s1 =	simm.s32 $0x0  }
0x4: {  	s3 =	srdreg.scid;
	s10 =	simm.s32 $0x4000;
	s11 =	simm.s32 $0x5000  }
0x5: {  	s12 =	simm.s32 $0x0;
	[smem:$0x7FF] =	sst s1;
	s5 =	sand.u32 $0x1, s3  }
0x6: {  	s3 =	sadd.s32 $0x211400, s2;
	s2 =	stileid.u32;
	_ =	strace $0x8000004A  }
.Ltmp0:
0x7: {  	s6 =	ssub.s32 $0x2, s5;
	s30 =	sshll.u32 s2, $0xB;
	(pc) =	sbr.rel .LBB2_1-.Ltmp0, $4  }
0x8: {  	s8 =	sshll.u32 s5, $0xF;
	s31 =	sshll.u32 s5, $0x14;
	s7 =	sshrl.u32 s6, $0x1  }
0x9: {  	s9 =	sshll.u32 s2, $0x10;
	s6 =	ssub.s32 s6, s7;
	s7 =	sor.u32 s30, s8  }
0xa: {  	s8 =	simm.s32 $0x80;
	s4 =	sadd.s32 s4, s7;
	s5 =	smax.u32 s6, $0x1  }
0xb: {  	v0 =	vimm.f32 $0.0e+00;
	v1 =	vlaneseq.u32;
	s6 =	sor.u32 s9, s31;
	s7 =	simm.s32 $0x3;
	s9 =	simm.s32 $0x400  }
.LBB2_6:
0xc: {  	s12 =	sadd.s32 $0x1, s12  }
0xd: {  	p0 =	sne.s32 s12, s5  }
.Ltmp1:
0xe: {  	_ = 	snop;
	(pc) =	sbr.rel @!p0 .LBB2_7-.Ltmp1, $1  }
0xf: {  	_ =	sdelay $0x3  }
.LBB2_1:
0x10: {  	[tilespmem:s1], [sflag:$0x3] =	stream.linear.gather [hbm4b:s4+s1], $0x4000, $0x38;
	[tilespmem:$0x6000] =	vst v63  }
0x11: {  	_ =	swait.ge [sflag:s7], $0x4000  }
0x12: {  	[sflag:s7] =	ssyncset.done $0x0  }
0x13: {  	s13 =	simm.s32 $0x0;
	[sflag:s7] =	ssyncadd.s32 $0xFFFFC000  }
.LBB2_2:
0x14: {  	p0 =	sne.s32 s13, $0x3FC0  }
.Ltmp2:
0x15: {  	_ = 	snop;
	(pc) =	sbr.rel @p0 .LBB2_2-.Ltmp2, $4  }
0x16: {  	_ = 	snop  }
0x17: {  	s14 =	sshra.s32 s13, $0x2  }
0x18: {  	[tilespmem:s14+$0x4000] =	vst v0  }
0x19: {  	s13 =	sadd.s32 $0x40, s13;
	[tilespmem:s14+$0x5000] =	vst v0  }
0x1a: {  	s13 =	simm.s32 $0x0;
	s14 =	simm.s32 $0x10;
	s15 =	simm.s32 $0x0  }
.LBB2_4:
0x1b: {  	p0 =	seq.s32 s15, $0x0  }
0x1c: {  	s16 =	simm.s32 @!p0 $0x1  }
0x1d: {  	_ =	swait.ge @!p0 [sflag:s16], $0x1000  }
0x1e: {  	[sflag:s16] =	ssyncset.done @!p0 $0x0  }
0x1f: {  	[sflag:s16] =	ssyncadd.s32 @!p0 $0xFFFFF000;
	s16 =	sshra.s32 @!p0 s13, $0x2  }
0x20: {  	v2 =	vld @!p0 [tilespmem:s16+$0xFFFFFF00];
	_ =	sdelay $0x4  }
0x21: {  	(v2sf) =	vpush @!p0 v2, $0x0  }
0x22: {  	(v2sf) =	vpush @!p0 v2, $0x1  }
0x23: {  	(v2sf) =	vpush @!p0 v2, $0x2  }
0x24: {  	(v2sf) =	vpush @!p0 v2, $0x3  }
0x25: {  	(v2sf) =	vpush @!p0 v2, $0x4  }
0x26: {  	(v2sf) =	vpush @!p0 v2, $0x5  }
0x27: {  	(v2sf) =	vpush @!p0 v2, $0x6  }
0x28: {  	(v2sf) =	vpush @!p0 v2, $0x7  }
0x29: {  	(v2sf) =	vpush @!p0 v2, $0x8  }
0x2a: {  	(v2sf) =	vpush @!p0 v2, $0x9  }
0x2b: {  	(v2sf) =	vpush @!p0 v2, $0xA  }
0x2c: {  	v3 =	vld @!p0 [tilespmem:s16+$0xFFFFFF10];
	(v2sf) =	vpush @!p0 v2, $0xB  }
0x2d: {  	(v2sf) =	vpush @!p0 v2, $0xC  }
0x2e: {  	(v2sf) =	vpush @!p0 v2, $0xD  }
0x2f: {  	(v2sf) =	vpush @!p0 v2, $0xE  }
0x30: {  	s17 =	spop @!p0 (v2sf);
	(v2sf) =	vpush @!p0 v2, $0xF  }
0x31: {  	v2 =	vimm.f32 @!p0 $0.0e+00;
	s17 =	sand.u32 @!p0 $0xFFFFFFF0, s17;
	s18 =	spop @!p0 (v2sf);
	(v2sf) =	vpush @!p0 v3, $0x0  }
0x32: {  	[tilespmem:s17+$0x4000] =	vst @!p0 v2;
	s17 =	sand.u32 @!p0 $0xFFFFFFF0, s18;
	s18 =	spop @!p0 (v2sf);
	(v2sf) =	vpush @!p0 v3, $0x1  }
0x33: {  	[tilespmem:s17+$0x4000] =	vst @!p0 v2;
	s17 =	sand.u32 @!p0 $0xFFFFFFF0, s18;
	s18 =	spop @!p0 (v2sf);
	(v2sf) =	vpush @!p0 v3, $0x2  }
0x34: {  	[tilespmem:s17+$0x4000] =	vst @!p0 v2;
	s17 =	sand.u32 @!p0 $0xFFFFFFF0, s18;
	s18 =	spop @!p0 (v2sf);
	(v2sf) =	vpush @!p0 v3, $0x3  }
0x35: {  	[tilespmem:s17+$0x4000] =	vst @!p0 v2;
	s17 =	sand.u32 @!p0 $0xFFFFFFF0, s18;
	s18 =	spop @!p0 (v2sf);
	(v2sf) =	vpush @!p0 v3, $0x4  }
0x36: {  	[tilespmem:s17+$0x4000] =	vst @!p0 v2;
	s17 =	sand.u32 @!p0 $0xFFFFFFF0, s18;
	s18 =	spop @!p0 (v2sf);
	(v2sf) =	vpush @!p0 v3, $0x5  }
0x37: {  	[tilespmem:s17+$0x4000] =	vst @!p0 v2;
	s17 =	sand.u32 @!p0 $0xFFFFFFF0, s18;
	s18 =	spop @!p0 (v2sf);
	(v2sf) =	vpush @!p0 v3, $0x6  }
0x38: {  	[tilespmem:s17+$0x4000] =	vst @!p0 v2;
	s17 =	sand.u32 @!p0 $0xFFFFFFF0, s18;
	s18 =	spop @!p0 (v2sf);
	(v2sf) =	vpush @!p0 v3, $0x7  }
0x39: {  	[tilespmem:s17+$0x4000] =	vst @!p0 v2;
	s17 =	sand.u32 @!p0 $0xFFFFFFF0, s18;
	s18 =	spop @!p0 (v2sf);
	(v2sf) =	vpush @!p0 v3, $0x8  }
0x3a: {  	[tilespmem:s17+$0x4000] =	vst @!p0 v2;
	s17 =	sand.u32 @!p0 $0xFFFFFFF0, s18;
	s18 =	spop @!p0 (v2sf);
	(v2sf) =	vpush @!p0 v3, $0x9  }
0x3b: {  	[tilespmem:s17+$0x4000] =	vst @!p0 v2;
	s17 =	sand.u32 @!p0 $0xFFFFFFF0, s18;
	s18 =	spop @!p0 (v2sf);
	(v2sf) =	vpush @!p0 v3, $0xA  }
0x3c: {  	[tilespmem:s17+$0x4000] =	vst @!p0 v2;
	s17 =	sand.u32 @!p0 $0xFFFFFFF0, s18;
	s18 =	spop @!p0 (v2sf);
	(v2sf) =	vpush @!p0 v3, $0xB  }
0x3d: {  	[tilespmem:s17+$0x4000] =	vst @!p0 v2;
	s17 =	sand.u32 @!p0 $0xFFFFFFF0, s18;
	s18 =	spop @!p0 (v2sf);
	(v2sf) =	vpush @!p0 v3, $0xC  }
0x3e: {  	[tilespmem:s17+$0x4000] =	vst @!p0 v2;
	s17 =	sand.u32 @!p0 $0xFFFFFFF0, s18;
	s18 =	spop @!p0 (v2sf);
	(v2sf) =	vpush @!p0 v3, $0xD  }
0x3f: {  	[tilespmem:s17+$0x4000] =	vst @!p0 v2;
	s17 =	sand.u32 @!p0 $0xFFFFFFF0, s18;
	s18 =	spop @!p0 (v2sf);
	(v2sf) =	vpush @!p0 v3, $0xE  }
0x40: {  	[tilespmem:s17+$0x4000] =	vst @!p0 v2;
	s17 =	sand.u32 @!p0 $0xFFFFFFF0, s18;
	s18 =	spop @!p0 (v2sf);
	(v2sf) =	vpush @!p0 v3, $0xF  }
0x41: {  	[tilespmem:s17+$0x4000] =	vst @!p0 v2;
	s17 =	sand.u32 @!p0 $0xFFFFFFF0, s18;
	s18 =	spop @!p0 (v2sf)  }
0x42: {  	[tilespmem:s17+$0x4000] =	vst @!p0 v2;
	s17 =	sand.u32 @!p0 $0xFFFFFFF0, s18;
	s18 =	spop @!p0 (v2sf)  }
0x43: {  	[tilespmem:s17+$0x4000] =	vst @!p0 v2;
	s17 =	sand.u32 @!p0 $0xFFFFFFF0, s18;
	s18 =	spop @!p0 (v2sf)  }
0x44: {  	[tilespmem:s17+$0x4000] =	vst @!p0 v2;
	s17 =	sand.u32 @!p0 $0xFFFFFFF0, s18;
	s18 =	spop @!p0 (v2sf)  }
0x45: {  	[tilespmem:s17+$0x4000] =	vst @!p0 v2;
	s17 =	sand.u32 @!p0 $0xFFFFFFF0, s18;
	s18 =	spop @!p0 (v2sf)  }
0x46: {  	[tilespmem:s17+$0x4000] =	vst @!p0 v2;
	s17 =	sand.u32 @!p0 $0xFFFFFFF0, s18;
	s18 =	spop @!p0 (v2sf)  }
0x47: {  	[tilespmem:s17+$0x4000] =	vst @!p0 v2;
	s17 =	sand.u32 @!p0 $0xFFFFFFF0, s18;
	s18 =	spop @!p0 (v2sf)  }
0x48: {  	[tilespmem:s17+$0x4000] =	vst @!p0 v2;
	s17 =	sand.u32 @!p0 $0xFFFFFFF0, s18;
	s18 =	spop @!p0 (v2sf)  }
0x49: {  	[tilespmem:s17+$0x4000] =	vst @!p0 v2;
	s17 =	sand.u32 @!p0 $0xFFFFFFF0, s18;
	s18 =	spop @!p0 (v2sf)  }
0x4a: {  	[tilespmem:s17+$0x4000] =	vst @!p0 v2;
	s17 =	sand.u32 @!p0 $0xFFFFFFF0, s18;
	s18 =	spop @!p0 (v2sf)  }
0x4b: {  	[tilespmem:s17+$0x4000] =	vst @!p0 v2;
	s17 =	sand.u32 @!p0 $0xFFFFFFF0, s18;
	s18 =	spop @!p0 (v2sf)  }
0x4c: {  	[tilespmem:s17+$0x4000] =	vst @!p0 v2;
	s17 =	sand.u32 @!p0 $0xFFFFFFF0, s18;
	s18 =	spop @!p0 (v2sf)  }
0x4d: {  	[tilespmem:s17+$0x4000] =	vst @!p0 v2;
	s17 =	sand.u32 @!p0 $0xFFFFFFF0, s18;
	s18 =	spop @!p0 (v2sf)  }
0x4e: {  	[tilespmem:s17+$0x4000] =	vst @!p0 v2;
	s17 =	sand.u32 @!p0 $0xFFFFFFF0, s18;
	s18 =	spop @!p0 (v2sf)  }
0x4f: {  	[tilespmem:s17+$0x4000] =	vst @!p0 v2;
	s17 =	sand.u32 @!p0 $0xFFFFFFF0, s18;
	s18 =	spop @!p0 (v2sf)  }
0x50: {  	[tilespmem:s17+$0x4000] =	vst @!p0 v2;
	s17 =	sand.u32 @!p0 $0xFFFFFFF0, s18  }
0x51: {  	[tilespmem:s17+$0x4000] =	vst @!p0 v2;
	s17 =	simm.s32 @!p0 $0x2  }
0x52: {  	_ =	swait.ge @!p0 [sflag:s17], $0x1000  }
0x53: {  	[sflag:s17] =	ssyncset.done @!p0 $0x0  }
0x54: {  	[sflag:s17] =	ssyncadd.s32 @!p0 $0xFFFFF000  }
0x55: {  	v3 =	vld @!p0 [tilespmem:s16+$0xFFFFFF80];
	_ =	sdelay $0x4  }
0x56: {  	(v2sf) =	vpush @!p0 v3, $0x0  }
0x57: {  	(v2sf) =	vpush @!p0 v3, $0x1  }
0x58: {  	(v2sf) =	vpush @!p0 v3, $0x2  }
0x59: {  	(v2sf) =	vpush @!p0 v3, $0x3  }
0x5a: {  	(v2sf) =	vpush @!p0 v3, $0x4  }
0x5b: {  	(v2sf) =	vpush @!p0 v3, $0x5  }
0x5c: {  	(v2sf) =	vpush @!p0 v3, $0x6  }
0x5d: {  	(v2sf) =	vpush @!p0 v3, $0x7  }
0x5e: {  	(v2sf) =	vpush @!p0 v3, $0x8  }
0x5f: {  	(v2sf) =	vpush @!p0 v3, $0x9  }
0x60: {  	(v2sf) =	vpush @!p0 v3, $0xA  }
0x61: {  	v4 =	vld @!p0 [tilespmem:s16+$0xFFFFFF90];
	(v2sf) =	vpush @!p0 v3, $0xB  }
0x62: {  	(v2sf) =	vpush @!p0 v3, $0xC  }
0x63: {  	(v2sf) =	vpush @!p0 v3, $0xD  }
0x64: {  	(v2sf) =	vpush @!p0 v3, $0xE  }
0x65: {  	s16 =	spop @!p0 (v2sf);
	(v2sf) =	vpush @!p0 v3, $0xF  }
0x66: {  	s16 =	sand.u32 @!p0 $0xFFFFFFF0, s16;
	s17 =	spop @!p0 (v2sf);
	(v2sf) =	vpush @!p0 v4, $0x0  }
0x67: {  	[tilespmem:s16+$0x5000] =	vst @!p0 v2;
	s16 =	sand.u32 @!p0 $0xFFFFFFF0, s17;
	s17 =	spop @!p0 (v2sf);
	(v2sf) =	vpush @!p0 v4, $0x1  }
0x68: {  	[tilespmem:s16+$0x5000] =	vst @!p0 v2;
	s16 =	sand.u32 @!p0 $0xFFFFFFF0, s17;
	s17 =	spop @!p0 (v2sf);
	(v2sf) =	vpush @!p0 v4, $0x2  }
0x69: {  	[tilespmem:s16+$0x5000] =	vst @!p0 v2;
	s16 =	sand.u32 @!p0 $0xFFFFFFF0, s17;
	s17 =	spop @!p0 (v2sf);
	(v2sf) =	vpush @!p0 v4, $0x3  }
0x6a: {  	[tilespmem:s16+$0x5000] =	vst @!p0 v2;
	s16 =	sand.u32 @!p0 $0xFFFFFFF0, s17;
	s17 =	spop @!p0 (v2sf);
	(v2sf) =	vpush @!p0 v4, $0x4  }
0x6b: {  	[tilespmem:s16+$0x5000] =	vst @!p0 v2;
	s16 =	sand.u32 @!p0 $0xFFFFFFF0, s17;
	s17 =	spop @!p0 (v2sf);
	(v2sf) =	vpush @!p0 v4, $0x5  }
0x6c: {  	[tilespmem:s16+$0x5000] =	vst @!p0 v2;
	s16 =	sand.u32 @!p0 $0xFFFFFFF0, s17;
	s17 =	spop @!p0 (v2sf);
	(v2sf) =	vpush @!p0 v4, $0x6  }
0x6d: {  	[tilespmem:s16+$0x5000] =	vst @!p0 v2;
	s16 =	sand.u32 @!p0 $0xFFFFFFF0, s17;
	s17 =	spop @!p0 (v2sf);
	(v2sf) =	vpush @!p0 v4, $0x7  }
0x6e: {  	[tilespmem:s16+$0x5000] =	vst @!p0 v2;
	s16 =	sand.u32 @!p0 $0xFFFFFFF0, s17;
	s17 =	spop @!p0 (v2sf);
	(v2sf) =	vpush @!p0 v4, $0x8  }
0x6f: {  	[tilespmem:s16+$0x5000] =	vst @!p0 v2;
	s16 =	sand.u32 @!p0 $0xFFFFFFF0, s17;
	s17 =	spop @!p0 (v2sf);
	(v2sf) =	vpush @!p0 v4, $0x9  }
0x70: {  	[tilespmem:s16+$0x5000] =	vst @!p0 v2;
	s16 =	sand.u32 @!p0 $0xFFFFFFF0, s17;
	s17 =	spop @!p0 (v2sf);
	(v2sf) =	vpush @!p0 v4, $0xA  }
0x71: {  	[tilespmem:s16+$0x5000] =	vst @!p0 v2;
	s16 =	sand.u32 @!p0 $0xFFFFFFF0, s17;
	s17 =	spop @!p0 (v2sf);
	(v2sf) =	vpush @!p0 v4, $0xB  }
0x72: {  	[tilespmem:s16+$0x5000] =	vst @!p0 v2;
	s16 =	sand.u32 @!p0 $0xFFFFFFF0, s17;
	s17 =	spop @!p0 (v2sf);
	(v2sf) =	vpush @!p0 v4, $0xC  }
0x73: {  	[tilespmem:s16+$0x5000] =	vst @!p0 v2;
	s16 =	sand.u32 @!p0 $0xFFFFFFF0, s17;
	s17 =	spop @!p0 (v2sf);
	(v2sf) =	vpush @!p0 v4, $0xD  }
0x74: {  	[tilespmem:s16+$0x5000] =	vst @!p0 v2;
	s16 =	sand.u32 @!p0 $0xFFFFFFF0, s17;
	s17 =	spop @!p0 (v2sf);
	(v2sf) =	vpush @!p0 v4, $0xE  }
0x75: {  	[tilespmem:s16+$0x5000] =	vst @!p0 v2;
	s16 =	sand.u32 @!p0 $0xFFFFFFF0, s17;
	s17 =	spop @!p0 (v2sf);
	(v2sf) =	vpush @!p0 v4, $0xF  }
0x76: {  	[tilespmem:s16+$0x5000] =	vst @!p0 v2;
	s16 =	spop @!p0 (v2sf);
	s17 =	sand.u32 @!p0 $0xFFFFFFF0, s17  }
0x77: {  	[tilespmem:s17+$0x5000] =	vst @!p0 v2;
	s17 =	spop @!p0 (v2sf);
	s16 =	sand.u32 @!p0 $0xFFFFFFF0, s16  }
0x78: {  	[tilespmem:s16+$0x5000] =	vst @!p0 v2;
	s16 =	spop @!p0 (v2sf);
	s17 =	sand.u32 @!p0 $0xFFFFFFF0, s17  }
0x79: {  	[tilespmem:s17+$0x5000] =	vst @!p0 v2;
	s17 =	spop @!p0 (v2sf);
	s16 =	sand.u32 @!p0 $0xFFFFFFF0, s16  }
0x7a: {  	[tilespmem:s16+$0x5000] =	vst @!p0 v2;
	s16 =	spop @!p0 (v2sf);
	s17 =	sand.u32 @!p0 $0xFFFFFFF0, s17  }
0x7b: {  	[tilespmem:s17+$0x5000] =	vst @!p0 v2;
	s17 =	spop @!p0 (v2sf);
	s16 =	sand.u32 @!p0 $0xFFFFFFF0, s16  }
0x7c: {  	[tilespmem:s16+$0x5000] =	vst @!p0 v2;
	s16 =	spop @!p0 (v2sf);
	s17 =	sand.u32 @!p0 $0xFFFFFFF0, s17  }
0x7d: {  	[tilespmem:s17+$0x5000] =	vst @!p0 v2;
	s17 =	spop @!p0 (v2sf);
	s16 =	sand.u32 @!p0 $0xFFFFFFF0, s16  }
0x7e: {  	[tilespmem:s16+$0x5000] =	vst @!p0 v2;
	s16 =	spop @!p0 (v2sf);
	s17 =	sand.u32 @!p0 $0xFFFFFFF0, s17  }
0x7f: {  	[tilespmem:s17+$0x5000] =	vst @!p0 v2;
	s17 =	spop @!p0 (v2sf);
	s16 =	sand.u32 @!p0 $0xFFFFFFF0, s16  }
0x80: {  	p1 =	seq.s32 @!p0 s15, $0x40;
	[tilespmem:s16+$0x5000] =	vst @!p0 v2;
	s16 =	spop @!p0 (v2sf);
	s17 =	sand.u32 @!p0 $0xFFFFFFF0, s17  }
0x81: {  	p1 =	por p0, !p1;
	[tilespmem:s17+$0x5000] =	vst @!p0 v2;
	s17 =	spop @!p0 (v2sf);
	s16 =	sand.u32 @!p0 $0xFFFFFFF0, s16  }
.Ltmp3:
0x82: {  	[tilespmem:s16+$0x5000] =	vst @!p0 v2;
	s16 =	spop @!p0 (v2sf);
	s17 =	sand.u32 @!p0 $0xFFFFFFF0, s17;
	(pc) =	sbr.rel @!p1 .LBB2_6-.Ltmp3, $4  }
0x83: {  	[tilespmem:s17+$0x5000] =	vst @!p0 v2;
	s17 =	spop @!p0 (v2sf);
	s16 =	sand.u32 @!p0 $0xFFFFFFF0, s16  }
0x84: {  	[tilespmem:s16+$0x5000] =	vst @!p0 v2;
	s16 =	sand.u32 @!p0 $0xFFFFFFF0, s17;
	s17 =	spop @!p0 (v2sf)  }
0x85: {  	[tilespmem:s16+$0x5000] =	vst @!p0 v2;
	s16 =	sand.u32 @!p0 $0xFFFFFFF0, s17  }
0x86: {  	[tilespmem:s16+$0x5000] =	vst @!p0 v2  }
0x87: {  	s16 =	smov.u32 s13  }
0x88: {  	s16 =	simm.s32 @p0 $0x0  }
0x89: {  	s16 =	sshra.s32 s16, $0x2  }
0x8a: {  	v3 =	vld [tilespmem:s16+$0x0];
	_ =	sdelay $0x4  }
0x8b: {  	(v2sf) =	vpush v3, $0x0;
	_ =	sdelay $0x7  }
0x8c: {  	(v2sf) =	vpush v3, $0x1;
	_ =	sdelay $0x6  }
0x8d: {  	s17 =	spop (v2sf)  }
0x8e: {  	(v2sf) =	vpush v3, $0x2;
	s18 =	sand.u32 $0xFFFFFFF0, s17  }
0x8f: {  	v2 =	vld [tilespmem:s18+$0x4000]  }
0x90: {  	s17 =	sand.u32 $0xF, s17  }
0x91: {  	v4 =	vmov s17  }
0x92: {  	vm0 =	veq.s32 v4, v1  }
0x93: {  	v4 =	vsel vm0, $0x3F800000, v0  }
0x94: {  	v4 =	vadd.f32 v4, v2  }
0x95: {  	s24 =	spop (v2sf)  }
0x96: {  	(v2sf) =	vpush v3, $0x3;
	s25 =	sand.u32 $0xFFFFFFF0, s24;
	v2 =	vld [tilespmem:s16+$0x10];
	[tilespmem:s18+$0x4000] =	vst v4  }
0x97: {  	v4 =	vld [tilespmem:s25+$0x4000]  }
0x98: {  	s16 =	sand.u32 $0xF, s24  }
0x99: {  	v5 =	vmov s16  }
0x9a: {  	vm13 =	veq.s32 v5, v1  }
0x9b: {  	v5 =	vsel vm13, $0x3F800000, v0  }
0x9c: {  	v4 =	vadd.f32 v5, v4  }
0x9d: {  	s26 =	spop (v2sf)  }
0x9e: {  	(v2sf) =	vpush v3, $0x4;
	s28 =	sand.u32 $0xFFFFFFF0, s26;
	[tilespmem:s25+$0x4000] =	vst v4  }
0x9f: {  	v4 =	vld [tilespmem:s28+$0x4000]  }
0xa0: {  	s16 =	sand.u32 $0xF, s26  }
0xa1: {  	v8 =	vmov s16  }
0xa2: {  	vm14 =	veq.s32 v8, v1  }
0xa3: {  	v5 =	vsel vm14, $0x3F800000, v0  }
0xa4: {  	v4 =	vadd.f32 v5, v4  }
0xa5: {  	s29 =	spop (v2sf)  }
0xa6: {  	(v2sf) =	vpush v3, $0x5;
	s30 =	sand.u32 $0xFFFFFFF0, s29;
	[tilespmem:s28+$0x4000] =	vst v4  }
0xa7: {  	v4 =	vld [tilespmem:s30+$0x4000]  }
0xa8: {  	s16 =	sand.u32 $0xF, s29  }
0xa9: {  	v9 =	vmov s16  }
0xaa: {  	vm15 =	veq.s32 v9, v1  }
0xab: {  	v5 =	vsel vm15, $0x3F800000, v0  }
0xac: {  	v4 =	vadd.f32 v4, v5  }
0xad: {  	s31 =	spop (v2sf)  }
0xae: {  	(v2sf) =	vpush v3, $0x6;
	s18 =	sand.u32 $0xFFFFFFF0, s31;
	[tilespmem:s30+$0x4000] =	vst v4  }
0xaf: {  	v4 =	vld [tilespmem:s18+$0x4000]  }
0xb0: {  	s16 =	sand.u32 $0xF, s31  }
0xb1: {  	v10 =	vmov s16  }
0xb2: {  	vm4 =	veq.s32 v10, v1  }
0xb3: {  	v5 =	vsel vm4, $0x3F800000, v0  }
0xb4: {  	v4 =	vadd.f32 v4, v5  }
0xb5: {  	s19 =	spop (v2sf)  }
0xb6: {  	(v2sf) =	vpush v3, $0x7;
	s20 =	sand.u32 $0xFFFFFFF0, s19;
	[tilespmem:s18+$0x4000] =	vst v4  }
0xb7: {  	v4 =	vld [tilespmem:s20+$0x4000]  }
0xb8: {  	s16 =	sand.u32 $0xF, s19  }
0xb9: {  	v11 =	vmov s16  }
0xba: {  	vm5 =	veq.s32 v11, v1  }
0xbb: {  	v5 =	vsel vm5, $0x3F800000, v0  }
0xbc: {  	v4 =	vadd.f32 v4, v5  }
0xbd: {  	s21 =	spop (v2sf)  }
0xbe: {  	(v2sf) =	vpush v3, $0x8;
	s22 =	sand.u32 $0xFFFFFFF0, s21;
	[tilespmem:s20+$0x4000] =	vst v4  }
0xbf: {  	v4 =	vld [tilespmem:s22+$0x4000]  }
0xc0: {  	s16 =	sand.u32 $0xF, s21  }
0xc1: {  	v12 =	vmov s16  }
0xc2: {  	vm6 =	veq.s32 v12, v1  }
0xc3: {  	v5 =	vsel vm6, $0x3F800000, v0  }
0xc4: {  	v4 =	vadd.f32 v4, v5  }
0xc5: {  	s23 =	spop (v2sf)  }
0xc6: {  	(v2sf) =	vpush v3, $0x9;
	s24 =	sand.u32 $0xFFFFFFF0, s23;
	[tilespmem:s22+$0x4000] =	vst v4  }
0xc7: {  	v4 =	vld [tilespmem:s24+$0x4000]  }
0xc8: {  	s16 =	sand.u32 $0xF, s23  }
0xc9: {  	v13 =	vmov s16  }
0xca: {  	vm7 =	veq.s32 v13, v1  }
0xcb: {  	v5 =	vsel vm7, $0x3F800000, v0  }
0xcc: {  	v4 =	vadd.f32 v4, v5  }
0xcd: {  	s25 =	spop (v2sf)  }
0xce: {  	(v2sf) =	vpush v3, $0xA;
	s26 =	sand.u32 $0xFFFFFFF0, s25;
	[tilespmem:s24+$0x4000] =	vst v4  }
0xcf: {  	v4 =	vld [tilespmem:s26+$0x4000]  }
0xd0: {  	s16 =	sand.u32 $0xF, s25  }
0xd1: {  	v14 =	vmov s16  }
0xd2: {  	vm8 =	veq.s32 v14, v1  }
0xd3: {  	v5 =	vsel vm8, $0x3F800000, v0  }
0xd4: {  	v4 =	vadd.f32 v4, v5  }
0xd5: {  	s28 =	spop (v2sf)  }
0xd6: {  	(v2sf) =	vpush v3, $0xB;
	s29 =	sand.u32 $0xFFFFFFF0, s28;
	[tilespmem:s26+$0x4000] =	vst v4  }
0xd7: {  	v4 =	vld [tilespmem:s29+$0x4000]  }
0xd8: {  	s16 =	sand.u32 $0xF, s28  }
0xd9: {  	v15 =	vmov s16  }
0xda: {  	vm9 =	veq.s32 v15, v1  }
0xdb: {  	v5 =	vsel vm9, $0x3F800000, v0  }
0xdc: {  	v4 =	vadd.f32 v4, v5  }
0xdd: {  	s30 =	spop (v2sf)  }
0xde: {  	(v2sf) =	vpush v3, $0xC;
	s31 =	sand.u32 $0xFFFFFFF0, s30;
	[tilespmem:s29+$0x4000] =	vst v4  }
0xdf: {  	v4 =	vld [tilespmem:s31+$0x4000]  }
0xe0: {  	s16 =	sand.u32 $0xF, s30  }
0xe1: {  	v16 =	vmov s16  }
0xe2: {  	vm10 =	veq.s32 v16, v1  }
0xe3: {  	v5 =	vsel vm10, $0x3F800000, v0  }
0xe4: {  	v4 =	vadd.f32 v4, v5  }
0xe5: {  	s18 =	spop (v2sf)  }
0xe6: {  	(v2sf) =	vpush v3, $0xD;
	s19 =	sand.u32 $0xFFFFFFF0, s18;
	[tilespmem:s31+$0x4000] =	vst v4  }
0xe7: {  	v4 =	vld [tilespmem:s19+$0x4000]  }
0xe8: {  	s16 =	sand.u32 $0xF, s18  }
0xe9: {  	v17 =	vmov s16  }
0xea: {  	vm11 =	veq.s32 v17, v1  }
0xeb: {  	v5 =	vsel vm11, $0x3F800000, v0  }
0xec: {  	v4 =	vadd.f32 v4, v5  }
0xed: {  	s20 =	spop (v2sf)  }
0xee: {  	(v2sf) =	vpush v3, $0xE;
	s21 =	sand.u32 $0xFFFFFFF0, s20;
	[tilespmem:s19+$0x4000] =	vst v4  }
0xef: {  	v4 =	vld [tilespmem:s21+$0x4000]  }
0xf0: {  	s16 =	sand.u32 $0xF, s20  }
0xf1: {  	v18 =	vmov s16  }
0xf2: {  	vm12 =	veq.s32 v18, v1  }
0xf3: {  	v5 =	vsel vm12, $0x3F800000, v0  }
0xf4: {  	v4 =	vadd.f32 v4, v5  }
0xf5: {  	s22 =	spop (v2sf)  }
0xf6: {  	(v2sf) =	vpush v3, $0xF;
	s23 =	sand.u32 $0xFFFFFFF0, s22;
	[tilespmem:s21+$0x4000] =	vst v4  }
0xf7: {  	v3 =	vld [tilespmem:s23+$0x4000]  }
0xf8: {  	s16 =	sand.u32 $0xF, s22  }
0xf9: {  	v19 =	vmov s16  }
0xfa: {  	vm13 =	veq.s32 v19, v1  }
0xfb: {  	v4 =	vsel vm13, $0x3F800000, v0  }
0xfc: {  	v3 =	vadd.f32 v3, v4  }
0xfd: {  	s24 =	spop (v2sf)  }
0xfe: {  	(v2sf) =	vpush v2, $0x0;
	s25 =	sand.u32 $0xFFFFFFF0, s24;
	[tilespmem:s23+$0x4000] =	vst v3  }
0xff: {  	v3 =	vld [tilespmem:s25+$0x4000]  }
0x100: {  	s16 =	sand.u32 $0xF, s24  }
0x101: {  	v20 =	vmov s16  }
0x102: {  	vm14 =	veq.s32 v20, v1  }
0x103: {  	v4 =	vsel vm14, $0x3F800000, v0  }
0x104: {  	v3 =	vadd.f32 v3, v4  }
0x105: {  	s26 =	spop (v2sf)  }
0x106: {  	(v2sf) =	vpush v2, $0x1;
	s28 =	sand.u32 $0xFFFFFFF0, s26;
	[tilespmem:s25+$0x4000] =	vst v3  }
0x107: {  	v3 =	vld [tilespmem:s28+$0x4000]  }
0x108: {  	s16 =	sand.u32 $0xF, s26  }
0x109: {  	v21 =	vmov s16  }
0x10a: {  	vm15 =	veq.s32 v21, v1  }
0x10b: {  	v4 =	vsel vm15, $0x3F800000, v0  }
0x10c: {  	v3 =	vadd.f32 v3, v4  }
0x10d: {  	s29 =	spop (v2sf)  }
0x10e: {  	(v2sf) =	vpush v2, $0x2;
	s30 =	sand.u32 $0xFFFFFFF0, s29;
	[tilespmem:s28+$0x4000] =	vst v3  }
0x10f: {  	v3 =	vld [tilespmem:s30+$0x4000]  }
0x110: {  	s16 =	sand.u32 $0xF, s29  }
0x111: {  	v22 =	vmov s16  }
0x112: {  	vm4 =	veq.s32 v22, v1  }
0x113: {  	v4 =	vsel vm4, $0x3F800000, v0  }
0x114: {  	v3 =	vadd.f32 v3, v4  }
0x115: {  	s31 =	spop (v2sf)  }
0x116: {  	(v2sf) =	vpush v2, $0x3;
	s18 =	sand.u32 $0xFFFFFFF0, s31;
	[tilespmem:s30+$0x4000] =	vst v3  }
0x117: {  	v3 =	vld [tilespmem:s18+$0x4000]  }
0x118: {  	s16 =	sand.u32 $0xF, s31  }
0x119: {  	v23 =	vmov s16  }
0x11a: {  	vm5 =	veq.s32 v23, v1  }
0x11b: {  	v4 =	vsel vm5, $0x3F800000, v0  }
0x11c: {  	v3 =	vadd.f32 v3, v4  }
0x11d: {  	s19 =	spop (v2sf)  }
0x11e: {  	(v2sf) =	vpush v2, $0x4;
	s20 =	sand.u32 $0xFFFFFFF0, s19;
	[tilespmem:s18+$0x4000] =	vst v3  }
0x11f: {  	v3 =	vld [tilespmem:s20+$0x4000]  }
0x120: {  	s16 =	sand.u32 $0xF, s19  }
0x121: {  	v24 =	vmov s16  }
0x122: {  	vm6 =	veq.s32 v24, v1  }
0x123: {  	v4 =	vsel vm6, $0x3F800000, v0  }
0x124: {  	v3 =	vadd.f32 v3, v4  }
0x125: {  	s21 =	spop (v2sf)  }
0x126: {  	(v2sf) =	vpush v2, $0x5;
	s22 =	sand.u32 $0xFFFFFFF0, s21;
	[tilespmem:s20+$0x4000] =	vst v3  }
0x127: {  	v3 =	vld [tilespmem:s22+$0x4000]  }
0x128: {  	s16 =	sand.u32 $0xF, s21  }
0x129: {  	v25 =	vmov s16  }
0x12a: {  	vm7 =	veq.s32 v25, v1  }
0x12b: {  	v4 =	vsel vm7, $0x3F800000, v0  }
0x12c: {  	v3 =	vadd.f32 v3, v4  }
0x12d: {  	s23 =	spop (v2sf)  }
0x12e: {  	(v2sf) =	vpush v2, $0x6;
	s24 =	sand.u32 $0xFFFFFFF0, s23;
	[tilespmem:s22+$0x4000] =	vst v3  }
0x12f: {  	v3 =	vld [tilespmem:s24+$0x4000]  }
0x130: {  	s16 =	sand.u32 $0xF, s23  }
0x131: {  	v26 =	vmov s16  }
0x132: {  	vm8 =	veq.s32 v26, v1  }
0x133: {  	v4 =	vsel vm8, $0x3F800000, v0  }
0x134: {  	v3 =	vadd.f32 v3, v4  }
0x135: {  	s25 =	spop (v2sf)  }
0x136: {  	(v2sf) =	vpush v2, $0x7;
	s26 =	sand.u32 $0xFFFFFFF0, s25;
	[tilespmem:s24+$0x4000] =	vst v3  }
0x137: {  	v3 =	vld [tilespmem:s26+$0x4000]  }
0x138: {  	s16 =	sand.u32 $0xF, s25  }
0x139: {  	v27 =	vmov s16  }
0x13a: {  	vm9 =	veq.s32 v27, v1  }
0x13b: {  	v4 =	vsel vm9, $0x3F800000, v0  }
0x13c: {  	v3 =	vadd.f32 v3, v4  }
0x13d: {  	s28 =	spop (v2sf)  }
0x13e: {  	(v2sf) =	vpush v2, $0x8;
	s29 =	sand.u32 $0xFFFFFFF0, s28;
	[tilespmem:s26+$0x4000] =	vst v3  }
0x13f: {  	v3 =	vld [tilespmem:s29+$0x4000]  }
0x140: {  	s16 =	sand.u32 $0xF, s28  }
0x141: {  	v28 =	vmov s16  }
0x142: {  	vm10 =	veq.s32 v28, v1  }
0x143: {  	v4 =	vsel vm10, $0x3F800000, v0  }
0x144: {  	v3 =	vadd.f32 v3, v4  }
0x145: {  	s30 =	spop (v2sf)  }
0x146: {  	(v2sf) =	vpush v2, $0x9;
	s31 =	sand.u32 $0xFFFFFFF0, s30;
	[tilespmem:s29+$0x4000] =	vst v3  }
0x147: {  	v3 =	vld [tilespmem:s31+$0x4000]  }
0x148: {  	s16 =	sand.u32 $0xF, s30  }
0x149: {  	v29 =	vmov s16  }
0x14a: {  	vm11 =	veq.s32 v29, v1  }
0x14b: {  	v4 =	vsel vm11, $0x3F800000, v0  }
0x14c: {  	v3 =	vadd.f32 v3, v4  }
0x14d: {  	s18 =	spop (v2sf)  }
0x14e: {  	(v2sf) =	vpush v2, $0xA;
	s19 =	sand.u32 $0xFFFFFFF0, s18;
	[tilespmem:s31+$0x4000] =	vst v3  }
0x14f: {  	v3 =	vld [tilespmem:s19+$0x4000]  }
0x150: {  	s16 =	sand.u32 $0xF, s18  }
0x151: {  	v30 =	vmov s16  }
0x152: {  	vm12 =	veq.s32 v30, v1  }
0x153: {  	v4 =	vsel vm12, $0x3F800000, v0  }
0x154: {  	v3 =	vadd.f32 v3, v4  }
0x155: {  	s20 =	spop (v2sf)  }
0x156: {  	(v2sf) =	vpush v2, $0xB;
	s21 =	sand.u32 $0xFFFFFFF0, s20;
	[tilespmem:s19+$0x4000] =	vst v3  }
0x157: {  	v3 =	vld [tilespmem:s21+$0x4000]  }
0x158: {  	s16 =	sand.u32 $0xF, s20  }
0x159: {  	v31 =	vmov s16  }
0x15a: {  	vm13 =	veq.s32 v31, v1  }
0x15b: {  	v4 =	vsel vm13, $0x3F800000, v0  }
0x15c: {  	v3 =	vadd.f32 v3, v4  }
0x15d: {  	s22 =	spop (v2sf)  }
0x15e: {  	(v2sf) =	vpush v2, $0xC;
	s23 =	sand.u32 $0xFFFFFFF0, s22;
	[tilespmem:s21+$0x4000] =	vst v3  }
0x15f: {  	v3 =	vld [tilespmem:s23+$0x4000]  }
0x160: {  	s16 =	sand.u32 $0xF, s22  }
0x161: {  	v32 =	vmov s16  }
0x162: {  	vm14 =	veq.s32 v32, v1  }
0x163: {  	v4 =	vsel vm14, $0x3F800000, v0  }
0x164: {  	v3 =	vadd.f32 v3, v4  }
0x165: {  	s24 =	spop (v2sf)  }
0x166: {  	(v2sf) =	vpush v2, $0xD;
	s25 =	sand.u32 $0xFFFFFFF0, s24;
	[tilespmem:s23+$0x4000] =	vst v3  }
0x167: {  	v3 =	vld [tilespmem:s25+$0x4000]  }
0x168: {  	s16 =	sand.u32 $0xF, s24  }
0x169: {  	v33 =	vmov s16  }
0x16a: {  	vm15 =	veq.s32 v33, v1  }
0x16b: {  	v4 =	vsel vm15, $0x3F800000, v0  }
0x16c: {  	v3 =	vadd.f32 v3, v4  }
0x16d: {  	s26 =	spop (v2sf)  }
0x16e: {  	(v2sf) =	vpush v2, $0xE;
	s28 =	sand.u32 $0xFFFFFFF0, s26;
	[tilespmem:s25+$0x4000] =	vst v3  }
0x16f: {  	v3 =	vld [tilespmem:s28+$0x4000]  }
0x170: {  	s16 =	sand.u32 $0xF, s26  }
0x171: {  	v34 =	vmov s16  }
0x172: {  	vm4 =	veq.s32 v34, v1  }
0x173: {  	v4 =	vsel vm4, $0x3F800000, v0  }
0x174: {  	v3 =	vadd.f32 v3, v4  }
0x175: {  	s29 =	spop (v2sf)  }
0x176: {  	(v2sf) =	vpush v2, $0xF;
	s30 =	sand.u32 $0xFFFFFFF0, s29;
	[tilespmem:s28+$0x4000] =	vst v3  }
0x177: {  	v2 =	vld [tilespmem:s30+$0x4000]  }
0x178: {  	s16 =	sand.u32 $0xF, s29  }
0x179: {  	v3 =	vmov s16  }
0x17a: {  	vm5 =	veq.s32 v3, v1  }
0x17b: {  	v3 =	vsel vm5, $0x3F800000, v0  }
0x17c: {  	v2 =	vadd.f32 v2, v3  }
0x17d: {  	s31 =	spop (v2sf)  }
0x17e: {  	s18 =	sand.u32 $0xFFFFFFF0, s31;
	[tilespmem:s30+$0x4000] =	vst v2  }
0x17f: {  	v2 =	vld [tilespmem:s18+$0x4000]  }
0x180: {  	s16 =	sand.u32 $0xF, s31  }
0x181: {  	v3 =	vmov s16  }
0x182: {  	vm6 =	veq.s32 v3, v1  }
0x183: {  	v3 =	vsel vm6, $0x3F800000, v0  }
0x184: {  	v2 =	vadd.f32 v2, v3  }
0x185: {  	s19 =	spop (v2sf)  }
0x186: {  	s20 =	sand.u32 $0xFFFFFFF0, s19;
	[tilespmem:s18+$0x4000] =	vst v2  }
0x187: {  	v2 =	vld [tilespmem:s20+$0x4000]  }
0x188: {  	s16 =	sand.u32 $0xF, s19  }
0x189: {  	v3 =	vmov s16  }
0x18a: {  	vm7 =	veq.s32 v3, v1  }
0x18b: {  	s21 =	sadd.s32 $0xFFFFFFF0, s14;
	v3 =	vsel vm7, $0x3F800000, v0  }
0x18c: {  	s22 =	sadd.s32 s13, s6;
	s19 =	sand.u32 $0x60, s21;
	v2 =	vadd.f32 v2, v3  }
0x18d: {  	s23 =	sadd.s32 s3, s19;
	s16 =	sand.u32 $0x3FF000, s22  }
0x18e: {  	s25 =	sshra.s32 s13, $0x2;
	s24 =	sadd.s32 s16, s23;
	[tilespmem:s20+$0x4000] =	vst v2  }
0x18f: {  	[hbm4b:s24+s8] =	stream.strided.scatter [tilespmem:s10], [sflag:$0x1], $0x1000, s9, s8, $0x38;
	[tilespmem:$0x6000] =	vst v63  }
0x190: {  	v3 =	vld [tilespmem:s25+$0x80];
	_ =	sdelay $0x4  }
0x191: {  	(v2sf) =	vpush v3, $0x0;
	_ =	sdelay $0x7  }
0x192: {  	(v2sf) =	vpush v3, $0x1;
	_ =	sdelay $0x6  }
0x193: {  	s26 =	spop (v2sf)  }
0x194: {  	(v2sf) =	vpush v3, $0x2;
	s28 =	sand.u32 $0xFFFFFFF0, s26  }
0x195: {  	v2 =	vld [tilespmem:s28+$0x5000]  }
0x196: {  	s18 =	sand.u32 $0xF, s26  }
0x197: {  	v35 =	vmov s18  }
0x198: {  	vm8 =	veq.s32 v35, v1  }
0x199: {  	v4 =	vsel vm8, $0x3F800000, v0  }
0x19a: {  	v4 =	vadd.f32 v4, v2  }
0x19b: {  	s29 =	spop (v2sf)  }
0x19c: {  	(v2sf) =	vpush v3, $0x3;
	s30 =	sand.u32 $0xFFFFFFF0, s29;
	v2 =	vld [tilespmem:s25+$0x90];
	[tilespmem:s28+$0x5000] =	vst v4  }
0x19d: {  	v4 =	vld [tilespmem:s30+$0x5000]  }
0x19e: {  	s17 =	sand.u32 $0xF, s29  }
0x19f: {  	v36 =	vmov s17  }
0x1a0: {  	vm9 =	veq.s32 v36, v1  }
0x1a1: {  	v5 =	vsel vm9, $0x3F800000, v0  }
0x1a2: {  	v4 =	vadd.f32 v5, v4  }
0x1a3: {  	s31 =	spop (v2sf)  }
0x1a4: {  	(v2sf) =	vpush v3, $0x4;
	s19 =	sand.u32 $0xFFFFFFF0, s31;
	[tilespmem:s30+$0x5000] =	vst v4  }
0x1a5: {  	v4 =	vld [tilespmem:s19+$0x5000]  }
0x1a6: {  	s17 =	sand.u32 $0xF, s31  }
0x1a7: {  	v37 =	vmov s17  }
0x1a8: {  	vm10 =	veq.s32 v37, v1  }
0x1a9: {  	v5 =	vsel vm10, $0x3F800000, v0  }
0x1aa: {  	v4 =	vadd.f32 v5, v4  }
0x1ab: {  	s20 =	spop (v2sf)  }
0x1ac: {  	(v2sf) =	vpush v3, $0x5;
	s21 =	sand.u32 $0xFFFFFFF0, s20;
	[tilespmem:s19+$0x5000] =	vst v4  }
0x1ad: {  	v4 =	vld [tilespmem:s21+$0x5000]  }
0x1ae: {  	s17 =	sand.u32 $0xF, s20  }
0x1af: {  	v38 =	vmov s17  }
0x1b0: {  	vm11 =	veq.s32 v38, v1  }
0x1b1: {  	v5 =	vsel vm11, $0x3F800000, v0  }
0x1b2: {  	v4 =	vadd.f32 v4, v5  }
0x1b3: {  	s22 =	spop (v2sf)  }
0x1b4: {  	(v2sf) =	vpush v3, $0x6;
	s23 =	sand.u32 $0xFFFFFFF0, s22;
	[tilespmem:s21+$0x5000] =	vst v4  }
0x1b5: {  	v4 =	vld [tilespmem:s23+$0x5000]  }
0x1b6: {  	s17 =	sand.u32 $0xF, s22  }
0x1b7: {  	v39 =	vmov s17  }
0x1b8: {  	vm12 =	veq.s32 v39, v1  }
0x1b9: {  	v5 =	vsel vm12, $0x3F800000, v0  }
0x1ba: {  	v4 =	vadd.f32 v4, v5  }
0x1bb: {  	s24 =	spop (v2sf)  }
0x1bc: {  	(v2sf) =	vpush v3, $0x7;
	s25 =	sand.u32 $0xFFFFFFF0, s24;
	[tilespmem:s23+$0x5000] =	vst v4  }
0x1bd: {  	v4 =	vld [tilespmem:s25+$0x5000]  }
0x1be: {  	s17 =	sand.u32 $0xF, s24  }
0x1bf: {  	v40 =	vmov s17  }
0x1c0: {  	vm13 =	veq.s32 v40, v1  }
0x1c1: {  	v5 =	vsel vm13, $0x3F800000, v0  }
0x1c2: {  	v4 =	vadd.f32 v4, v5  }
0x1c3: {  	s26 =	spop (v2sf)  }
0x1c4: {  	(v2sf) =	vpush v3, $0x8;
	s28 =	sand.u32 $0xFFFFFFF0, s26;
	[tilespmem:s25+$0x5000] =	vst v4  }
0x1c5: {  	v4 =	vld [tilespmem:s28+$0x5000]  }
0x1c6: {  	s17 =	sand.u32 $0xF, s26  }
0x1c7: {  	v41 =	vmov s17  }
0x1c8: {  	vm14 =	veq.s32 v41, v1  }
0x1c9: {  	v5 =	vsel vm14, $0x3F800000, v0  }
0x1ca: {  	v4 =	vadd.f32 v4, v5  }
0x1cb: {  	s29 =	spop (v2sf)  }
0x1cc: {  	(v2sf) =	vpush v3, $0x9;
	s30 =	sand.u32 $0xFFFFFFF0, s29;
	[tilespmem:s28+$0x5000] =	vst v4  }
0x1cd: {  	v4 =	vld [tilespmem:s30+$0x5000]  }
0x1ce: {  	s17 =	sand.u32 $0xF, s29  }
0x1cf: {  	v42 =	vmov s17  }
0x1d0: {  	vm15 =	veq.s32 v42, v1  }
0x1d1: {  	v5 =	vsel vm15, $0x3F800000, v0  }
0x1d2: {  	v4 =	vadd.f32 v4, v5  }
0x1d3: {  	s31 =	spop (v2sf)  }
0x1d4: {  	(v2sf) =	vpush v3, $0xA;
	s19 =	sand.u32 $0xFFFFFFF0, s31;
	[tilespmem:s30+$0x5000] =	vst v4  }
0x1d5: {  	v4 =	vld [tilespmem:s19+$0x5000]  }
0x1d6: {  	s17 =	sand.u32 $0xF, s31  }
0x1d7: {  	v43 =	vmov s17  }
0x1d8: {  	vm4 =	veq.s32 v43, v1  }
0x1d9: {  	v5 =	vsel vm4, $0x3F800000, v0  }
0x1da: {  	v4 =	vadd.f32 v4, v5  }
0x1db: {  	s20 =	spop (v2sf)  }
0x1dc: {  	(v2sf) =	vpush v3, $0xB;
	s21 =	sand.u32 $0xFFFFFFF0, s20;
	[tilespmem:s19+$0x5000] =	vst v4  }
0x1dd: {  	v4 =	vld [tilespmem:s21+$0x5000]  }
0x1de: {  	s17 =	sand.u32 $0xF, s20  }
0x1df: {  	v44 =	vmov s17  }
0x1e0: {  	vm5 =	veq.s32 v44, v1  }
0x1e1: {  	v5 =	vsel vm5, $0x3F800000, v0  }
0x1e2: {  	v4 =	vadd.f32 v4, v5  }
0x1e3: {  	s22 =	spop (v2sf)  }
0x1e4: {  	(v2sf) =	vpush v3, $0xC;
	s23 =	sand.u32 $0xFFFFFFF0, s22;
	[tilespmem:s21+$0x5000] =	vst v4  }
0x1e5: {  	v4 =	vld [tilespmem:s23+$0x5000]  }
0x1e6: {  	s17 =	sand.u32 $0xF, s22  }
0x1e7: {  	v45 =	vmov s17  }
0x1e8: {  	vm6 =	veq.s32 v45, v1  }
0x1e9: {  	v5 =	vsel vm6, $0x3F800000, v0  }
0x1ea: {  	v4 =	vadd.f32 v4, v5  }
0x1eb: {  	s24 =	spop (v2sf)  }
0x1ec: {  	(v2sf) =	vpush v3, $0xD;
	s25 =	sand.u32 $0xFFFFFFF0, s24;
	[tilespmem:s23+$0x5000] =	vst v4  }
0x1ed: {  	v4 =	vld [tilespmem:s25+$0x5000]  }
0x1ee: {  	s17 =	sand.u32 $0xF, s24  }
0x1ef: {  	v46 =	vmov s17  }
0x1f0: {  	vm7 =	veq.s32 v46, v1  }
0x1f1: {  	v5 =	vsel vm7, $0x3F800000, v0  }
0x1f2: {  	v4 =	vadd.f32 v4, v5  }
0x1f3: {  	s26 =	spop (v2sf)  }
0x1f4: {  	(v2sf) =	vpush v3, $0xE;
	s28 =	sand.u32 $0xFFFFFFF0, s26;
	[tilespmem:s25+$0x5000] =	vst v4  }
0x1f5: {  	v4 =	vld [tilespmem:s28+$0x5000]  }
0x1f6: {  	s17 =	sand.u32 $0xF, s26  }
0x1f7: {  	v47 =	vmov s17  }
0x1f8: {  	vm8 =	veq.s32 v47, v1  }
0x1f9: {  	v5 =	vsel vm8, $0x3F800000, v0  }
0x1fa: {  	v4 =	vadd.f32 v4, v5  }
0x1fb: {  	s29 =	spop (v2sf)  }
0x1fc: {  	(v2sf) =	vpush v3, $0xF;
	s30 =	sand.u32 $0xFFFFFFF0, s29;
	[tilespmem:s28+$0x5000] =	vst v4  }
0x1fd: {  	v3 =	vld [tilespmem:s30+$0x5000]  }
0x1fe: {  	s17 =	sand.u32 $0xF, s29  }
0x1ff: {  	v48 =	vmov s17  }
0x200: {  	vm9 =	veq.s32 v48, v1  }
0x201: {  	v4 =	vsel vm9, $0x3F800000, v0  }
0x202: {  	v3 =	vadd.f32 v3, v4  }
0x203: {  	s31 =	spop (v2sf)  }
0x204: {  	(v2sf) =	vpush v2, $0x0;
	s19 =	sand.u32 $0xFFFFFFF0, s31;
	[tilespmem:s30+$0x5000] =	vst v3  }
0x205: {  	v3 =	vld [tilespmem:s19+$0x5000]  }
0x206: {  	s17 =	sand.u32 $0xF, s31  }
0x207: {  	v49 =	vmov s17  }
0x208: {  	vm10 =	veq.s32 v49, v1  }
0x209: {  	v4 =	vsel vm10, $0x3F800000, v0  }
0x20a: {  	v3 =	vadd.f32 v3, v4  }
0x20b: {  	s20 =	spop (v2sf)  }
0x20c: {  	(v2sf) =	vpush v2, $0x1;
	s21 =	sand.u32 $0xFFFFFFF0, s20;
	[tilespmem:s19+$0x5000] =	vst v3  }
0x20d: {  	v3 =	vld [tilespmem:s21+$0x5000]  }
0x20e: {  	s17 =	sand.u32 $0xF, s20  }
0x20f: {  	v50 =	vmov s17  }
0x210: {  	vm11 =	veq.s32 v50, v1  }
0x211: {  	v4 =	vsel vm11, $0x3F800000, v0  }
0x212: {  	v3 =	vadd.f32 v3, v4  }
0x213: {  	s22 =	spop (v2sf)  }
0x214: {  	(v2sf) =	vpush v2, $0x2;
	s23 =	sand.u32 $0xFFFFFFF0, s22;
	[tilespmem:s21+$0x5000] =	vst v3  }
0x215: {  	v3 =	vld [tilespmem:s23+$0x5000]  }
0x216: {  	s17 =	sand.u32 $0xF, s22  }
0x217: {  	v51 =	vmov s17  }
0x218: {  	vm12 =	veq.s32 v51, v1  }
0x219: {  	v4 =	vsel vm12, $0x3F800000, v0  }
0x21a: {  	v3 =	vadd.f32 v3, v4  }
0x21b: {  	s24 =	spop (v2sf)  }
0x21c: {  	(v2sf) =	vpush v2, $0x3;
	s25 =	sand.u32 $0xFFFFFFF0, s24;
	[tilespmem:s23+$0x5000] =	vst v3  }
0x21d: {  	v3 =	vld [tilespmem:s25+$0x5000]  }
0x21e: {  	s17 =	sand.u32 $0xF, s24  }
0x21f: {  	v52 =	vmov s17  }
0x220: {  	vm13 =	veq.s32 v52, v1  }
0x221: {  	v4 =	vsel vm13, $0x3F800000, v0  }
0x222: {  	v3 =	vadd.f32 v3, v4  }
0x223: {  	s26 =	spop (v2sf)  }
0x224: {  	(v2sf) =	vpush v2, $0x4;
	s28 =	sand.u32 $0xFFFFFFF0, s26;
	[tilespmem:s25+$0x5000] =	vst v3  }
0x225: {  	v3 =	vld [tilespmem:s28+$0x5000]  }
0x226: {  	s17 =	sand.u32 $0xF, s26  }
0x227: {  	v53 =	vmov s17  }
0x228: {  	vm14 =	veq.s32 v53, v1  }
0x229: {  	v4 =	vsel vm14, $0x3F800000, v0  }
0x22a: {  	v3 =	vadd.f32 v3, v4  }
0x22b: {  	s29 =	spop (v2sf)  }
0x22c: {  	(v2sf) =	vpush v2, $0x5;
	s30 =	sand.u32 $0xFFFFFFF0, s29;
	[tilespmem:s28+$0x5000] =	vst v3  }
0x22d: {  	v3 =	vld [tilespmem:s30+$0x5000]  }
0x22e: {  	s17 =	sand.u32 $0xF, s29  }
0x22f: {  	v54 =	vmov s17  }
0x230: {  	vm15 =	veq.s32 v54, v1  }
0x231: {  	v4 =	vsel vm15, $0x3F800000, v0  }
0x232: {  	v3 =	vadd.f32 v3, v4  }
0x233: {  	s31 =	spop (v2sf)  }
0x234: {  	(v2sf) =	vpush v2, $0x6;
	s19 =	sand.u32 $0xFFFFFFF0, s31;
	[tilespmem:s30+$0x5000] =	vst v3  }
0x235: {  	v3 =	vld [tilespmem:s19+$0x5000]  }
0x236: {  	s17 =	sand.u32 $0xF, s31  }
0x237: {  	v55 =	vmov s17  }
0x238: {  	vm4 =	veq.s32 v55, v1  }
0x239: {  	v4 =	vsel vm4, $0x3F800000, v0  }
0x23a: {  	v3 =	vadd.f32 v3, v4  }
0x23b: {  	s20 =	spop (v2sf)  }
0x23c: {  	(v2sf) =	vpush v2, $0x7;
	s21 =	sand.u32 $0xFFFFFFF0, s20;
	[tilespmem:s19+$0x5000] =	vst v3  }
0x23d: {  	v3 =	vld [tilespmem:s21+$0x5000]  }
0x23e: {  	s17 =	sand.u32 $0xF, s20  }
0x23f: {  	v56 =	vmov s17  }
0x240: {  	vm5 =	veq.s32 v56, v1  }
0x241: {  	v4 =	vsel vm5, $0x3F800000, v0  }
0x242: {  	v3 =	vadd.f32 v3, v4  }
0x243: {  	s22 =	spop (v2sf)  }
0x244: {  	(v2sf) =	vpush v2, $0x8;
	s23 =	sand.u32 $0xFFFFFFF0, s22;
	[tilespmem:s21+$0x5000] =	vst v3  }
0x245: {  	v3 =	vld [tilespmem:s23+$0x5000]  }
0x246: {  	s17 =	sand.u32 $0xF, s22  }
0x247: {  	v57 =	vmov s17  }
0x248: {  	vm6 =	veq.s32 v57, v1  }
0x249: {  	v4 =	vsel vm6, $0x3F800000, v0  }
0x24a: {  	v3 =	vadd.f32 v3, v4  }
0x24b: {  	s24 =	spop (v2sf)  }
0x24c: {  	(v2sf) =	vpush v2, $0x9;
	s25 =	sand.u32 $0xFFFFFFF0, s24;
	[tilespmem:s23+$0x5000] =	vst v3  }
0x24d: {  	v3 =	vld [tilespmem:s25+$0x5000]  }
0x24e: {  	s17 =	sand.u32 $0xF, s24  }
0x24f: {  	v58 =	vmov s17  }
0x250: {  	vm7 =	veq.s32 v58, v1  }
0x251: {  	v4 =	vsel vm7, $0x3F800000, v0  }
0x252: {  	v3 =	vadd.f32 v3, v4  }
0x253: {  	s26 =	spop (v2sf)  }
0x254: {  	(v2sf) =	vpush v2, $0xA;
	s28 =	sand.u32 $0xFFFFFFF0, s26;
	[tilespmem:s25+$0x5000] =	vst v3  }
0x255: {  	v3 =	vld [tilespmem:s28+$0x5000]  }
0x256: {  	s17 =	sand.u32 $0xF, s26  }
0x257: {  	v59 =	vmov s17  }
0x258: {  	vm8 =	veq.s32 v59, v1  }
0x259: {  	v4 =	vsel vm8, $0x3F800000, v0  }
0x25a: {  	v3 =	vadd.f32 v3, v4  }
0x25b: {  	s29 =	spop (v2sf)  }
0x25c: {  	(v2sf) =	vpush v2, $0xB;
	s30 =	sand.u32 $0xFFFFFFF0, s29;
	[tilespmem:s28+$0x5000] =	vst v3  }
0x25d: {  	v3 =	vld [tilespmem:s30+$0x5000]  }
0x25e: {  	s17 =	sand.u32 $0xF, s29  }
0x25f: {  	v60 =	vmov s17  }
0x260: {  	vm9 =	veq.s32 v60, v1  }
0x261: {  	v4 =	vsel vm9, $0x3F800000, v0  }
0x262: {  	v3 =	vadd.f32 v3, v4  }
0x263: {  	s31 =	spop (v2sf)  }
0x264: {  	(v2sf) =	vpush v2, $0xC;
	s19 =	sand.u32 $0xFFFFFFF0, s31;
	[tilespmem:s30+$0x5000] =	vst v3  }
0x265: {  	v3 =	vld [tilespmem:s19+$0x5000]  }
0x266: {  	s17 =	sand.u32 $0xF, s31  }
0x267: {  	v61 =	vmov s17  }
0x268: {  	vm10 =	veq.s32 v61, v1  }
0x269: {  	v4 =	vsel vm10, $0x3F800000, v0  }
0x26a: {  	v3 =	vadd.f32 v3, v4  }
0x26b: {  	s20 =	spop (v2sf)  }
0x26c: {  	(v2sf) =	vpush v2, $0xD;
	s21 =	sand.u32 $0xFFFFFFF0, s20;
	[tilespmem:s19+$0x5000] =	vst v3  }
0x26d: {  	v3 =	vld [tilespmem:s21+$0x5000]  }
0x26e: {  	s17 =	sand.u32 $0xF, s20  }
0x26f: {  	v62 =	vmov s17  }
0x270: {  	vm11 =	veq.s32 v62, v1  }
0x271: {  	v4 =	vsel vm11, $0x3F800000, v0  }
0x272: {  	v3 =	vadd.f32 v3, v4  }
0x273: {  	s22 =	spop (v2sf)  }
0x274: {  	(v2sf) =	vpush v2, $0xE;
	s23 =	sand.u32 $0xFFFFFFF0, s22;
	[tilespmem:s21+$0x5000] =	vst v3  }
0x275: {  	v3 =	vld [tilespmem:s23+$0x5000]  }
0x276: {  	s17 =	sand.u32 $0xF, s22  }
0x277: {  	v63 =	vmov s17  }
0x278: {  	vm12 =	veq.s32 v63, v1  }
0x279: {  	v4 =	vsel vm12, $0x3F800000, v0  }
0x27a: {  	v3 =	vadd.f32 v3, v4  }
0x27b: {  	s24 =	spop (v2sf)  }
0x27c: {  	(v2sf) =	vpush v2, $0xF;
	s25 =	sand.u32 $0xFFFFFFF0, s24;
	[tilespmem:s23+$0x5000] =	vst v3  }
0x27d: {  	v2 =	vld [tilespmem:s25+$0x5000]  }
0x27e: {  	s17 =	sand.u32 $0xF, s24  }
0x27f: {  	v3 =	vmov s17  }
0x280: {  	vm13 =	veq.s32 v3, v1  }
0x281: {  	v3 =	vsel vm13, $0x3F800000, v0  }
0x282: {  	v2 =	vadd.f32 v2, v3  }
0x283: {  	s26 =	spop (v2sf)  }
0x284: {  	s28 =	sand.u32 $0xFFFFFFF0, s26;
	[tilespmem:s25+$0x5000] =	vst v2  }
0x285: {  	v2 =	vld [tilespmem:s28+$0x5000]  }
0x286: {  	s17 =	sand.u32 $0xF, s26  }
0x287: {  	v3 =	vmov s17  }
0x288: {  	vm14 =	veq.s32 v3, v1  }
0x289: {  	v3 =	vsel vm14, $0x3F800000, v0  }
0x28a: {  	v2 =	vadd.f32 v2, v3  }
0x28b: {  	s29 =	spop (v2sf)  }
0x28c: {  	s30 =	sand.u32 $0xFFFFFFF0, s29;
	[tilespmem:s28+$0x5000] =	vst v2  }
0x28d: {  	v2 =	vld [tilespmem:s30+$0x5000]  }
0x28e: {  	s17 =	sand.u32 $0xF, s29  }
0x28f: {  	v3 =	vmov s17  }
0x290: {  	vm15 =	veq.s32 v3, v1  }
.Ltmp4:
0x291: {  	v3 =	vsel vm15, $0x3F800000, v0;
	(pc) =	sbr.rel .LBB2_4-.Ltmp4, $4  }
0x292: {  	s31 =	sand.u32 $0x70, s14;
	v2 =	vadd.f32 v2, v3  }
0x293: {  	s15 =	sadd.s32 $0x1, s15;
	s17 =	sadd.s32 s3, s31  }
0x294: {  	s13 =	sadd.s32 $0x400, s13;
	s14 =	sadd.s32 $0x20, s14;
	s16 =	sadd.s32 s16, s17;
	[tilespmem:s30+$0x5000] =	vst v2  }
0x295: {  	[hbm4b:s16+s8] =	stream.strided.scatter [tilespmem:s11], [sflag:$0x2], $0x1000, s9, s8, $0x38;
	[tilespmem:$0x6000] =	vst v63  }
.LBB2_7:
0x296: {  	_ =	sfence.sel $0x180000  }
0x297: {  	[bflag:$0x0] =	sbarrier.arrive $0xFFFF  }
0x298: {  	p0 =	sne.s32 s2, $0x0;
	_ =	strace $0x9000004A  }
0x299: {  	s0 =	sadd.s32 @!p0 $0x100000, s0;
	[bflag:$0x2] =	sbarrier.arrive $0xFFFF  }
0x29a: {  	[sflag:s0] =	ssyncadd.tile.s32 @!p0 $0x1;
	_ =	shalt  }
.Lfunc_end2:
_tile_overlayer_lowered:
.L_overlay_start_2:
0x29b: {  	(tag) =	ssettag $0x2  }
0x29c: {  	s0 =	rddreg [dreg:$0x0];
	s2 =	stileid.u32  }
0x29d: {  	s1 =	rddreg [dreg:$0x1];
	p0 =	sne.s32 s2, $0x0  }
0x29e: {  	s3 =	rddreg [dreg:$0x2];
	[bflag:$0x3] =	sbarrier.arrive $0xFFFF;
	s2 =	simm.s32 @!p0 $0x1C03  }
0x29f: {  	[timem:s3], [sflag:s2] =	dma.local @!p0 [hbm:s0], s1  }
0x2a0: {  	s0 =	simm.s32 @!p0 $0x3  }
0x2a1: {  	_ =	swait.ge @!p0 [sflag:s0], s1  }
0x2a2: {  	s1 =	ssub.s32 @!p0 $0x0, s1;
	[sflag:s0] =	ssyncset.done @!p0 $0x0  }
0x2a3: {  	[sflag:s0] =	ssyncadd.s32 @!p0 s1  }
0x2a4: {  	[bflag:$0x3] =	sbarrier.arrive $0xFFFF  }
0x2a5: {  	_ =	shalt  }

</sc_bundles>
